<compile_context>
chip_gen: v7x
topology: tpu7x:2x2x1
jax: 0.10.2.dev20260603
libtpu: 0.0.44.dev20260713+nightly
codegen_flags: <defaults>
</compile_context>

<pallas_src>
import functools
import jax
import jax.numpy as jnp
from jax import lax
from jax.experimental import pallas as pl
from jax.experimental.pallas import tpu as pltpu
from jax.experimental.pallas import tpu_sc as plsc

N = 10000
D = 128
R = 4
B = 2
E = 80000

NSC = 2
NTILE = 16
RELS_PER_SC = R // NSC
EP_TILE = E // NTILE
CHUNK = 72
NCHUNK = 70
EP_PAD = NCHUNK * CHUNK
NPAD = 10240
STRIPE = NPAD // NTILE
XSTRIPE = N // NTILE
H = D // 2
NBUF = 7
NGROUP = NCHUNK // NBUF


def _sc_body(xh_hbm, src_hbm, dst_hbm, zrow_hbm, zcnt_hbm, ones_hbm,
             sums_hbm, cnt_hbm,
             src_v, dst_v, bufs, ones_v,
             xs_sh, accum_sh, cnt_sh, gsem, ssem, csem):
  c = lax.axis_index("c")
  s = lax.axis_index("s")
  pltpu.sync_copy(ones_hbm, ones_v)
  for p in range(2):
    pltpu.sync_copy(xh_hbm.at[pl.ds(s * XSTRIPE, XSTRIPE), pl.ds(p * H, H)],
                    xs_sh.at[pl.ds(s * XSTRIPE, XSTRIPE)])
    for k in range(RELS_PER_SC):
      rel = c * RELS_PER_SC + k
      pltpu.sync_copy(zrow_hbm, accum_sh.at[pl.ds(s * STRIPE, STRIPE)])
      if p == 0:
        pltpu.sync_copy(zcnt_hbm, cnt_sh.at[pl.ds(s * STRIPE, STRIPE)])
      pltpu.sync_copy(src_hbm.at[rel, s], src_v)
      pltpu.sync_copy(dst_hbm.at[rel, s], dst_v)
      plsc.subcore_barrier()

      for b in range(NBUF):
        pltpu.async_copy(xs_sh.at[src_v.at[b]], bufs.at[b], gsem.at[b])

      def body(g, carry):
        base = g * NBUF
        for b in range(NBUF):
          ch = base + b
          pltpu.make_async_copy(xs_sh.at[src_v.at[ch]], bufs.at[b],
                                gsem.at[b]).wait()
          pltpu.async_copy(bufs.at[b], accum_sh.at[dst_v.at[ch]],
                           ssem.at[b], add=True)
          if p == 0:
            pltpu.async_copy(ones_v, cnt_sh.at[dst_v.at[ch]],
                             csem.at[b], add=True)
        for b in range(NBUF):
          ch = base + b

          @pl.when(g < NGROUP - 1)
          def _():
            pltpu.make_async_copy(bufs.at[b], accum_sh.at[dst_v.at[ch]],
                                  ssem.at[b]).wait()
            if p == 0:
              pltpu.make_async_copy(ones_v, cnt_sh.at[dst_v.at[ch]],
                                    csem.at[b]).wait()
            pltpu.async_copy(xs_sh.at[src_v.at[ch + NBUF]], bufs.at[b],
                             gsem.at[b])
        return carry

      lax.fori_loop(0, NGROUP, body, 0)
      last = (NGROUP - 1) * NBUF
      for b in range(NBUF):
        pltpu.make_async_copy(bufs.at[b], accum_sh.at[dst_v.at[last + b]],
                              ssem.at[b]).wait()
        if p == 0:
          pltpu.make_async_copy(ones_v, cnt_sh.at[dst_v.at[last + b]],
                                csem.at[b]).wait()
      plsc.subcore_barrier()
      pltpu.sync_copy(accum_sh.at[pl.ds(s * STRIPE, STRIPE)],
                      sums_hbm.at[p, rel, pl.ds(s * STRIPE, STRIPE)])
      if p == 0:
        pltpu.sync_copy(cnt_sh.at[pl.ds(s * STRIPE, STRIPE)],
                        cnt_hbm.at[rel, pl.ds(s * STRIPE, STRIPE)])


@functools.cache
def _sc_aggregate_fn():
  return pl.kernel(
      _sc_body,
      out_type=(
          jax.ShapeDtypeStruct((2, R, NPAD, H), jnp.float32),
          jax.ShapeDtypeStruct((R, NPAD), jnp.float32),
      ),
      mesh=plsc.VectorSubcoreMesh(core_axis_name="c", subcore_axis_name="s",
                                  num_cores=NSC, num_subcores=NTILE),
      compiler_params=pltpu.CompilerParams(use_tc_tiling_on_sc=False),
      scratch_types=[
          pltpu.VMEM((NCHUNK, CHUNK), jnp.int32),
          pltpu.VMEM((NCHUNK, CHUNK), jnp.int32),
          pltpu.VMEM((NBUF, CHUNK, H), jnp.float32),
          pltpu.VMEM((CHUNK,), jnp.float32),
          pltpu.VMEM_SHARED((N, H), jnp.float32),
          pltpu.VMEM_SHARED((NPAD, H), jnp.float32),
          pltpu.VMEM_SHARED((NPAD,), jnp.float32),
          pltpu.SemaphoreType.DMA((NBUF,)),
          pltpu.SemaphoreType.DMA((NBUF,)),
          pltpu.SemaphoreType.DMA((NBUF,)),
      ],
  )


BLK = 1280


def _tc_body(sums_ref, cnt_ref, w_ref, wcomp_ref, bias_ref, out_ref):
  acc = jnp.zeros((BLK, D), jnp.float32)
  w0 = w_ref[0]
  w1 = w_ref[1]
  for r in range(R):
    wr = wcomp_ref[r, 0] * w0 + wcomp_ref[r, 1] * w1
    cnt = jnp.maximum(cnt_ref[r], 1.0)[:, None]
    mean = jnp.concatenate([sums_ref[0, r], sums_ref[1, r]], axis=1) / cnt
    acc = acc + jnp.dot(mean, wr, preferred_element_type=jnp.float32)
  out_ref[...] = acc + bias_ref[0]


def _tc_combine(sums, cnt, weight, w_comp, h_bias):
  return pl.pallas_call(
      _tc_body,
      grid=(pl.cdiv(N, BLK),),
      in_specs=[
          pl.BlockSpec((2, R, BLK, H), lambda i: (0, 0, i, 0)),
          pl.BlockSpec((R, BLK), lambda i: (0, i)),
          pl.BlockSpec((B, D, D), lambda i: (0, 0, 0)),
          pl.BlockSpec(memory_space=pltpu.SMEM),
          pl.BlockSpec((1, D), lambda i: (0, 0)),
      ],
      out_specs=pl.BlockSpec((BLK, D), lambda i: (i, 0)),
      out_shape=jax.ShapeDtypeStruct((N, D), jnp.float32),
  )(sums, cnt, weight, w_comp, h_bias.reshape(1, D))


@jax.jit
def kernel(x, edge_index, weight, w_comp, h_bias):
  src = edge_index[:, 0, :].reshape(R, NTILE, EP_TILE)
  dst = edge_index[:, 1, :].reshape(R, NTILE, EP_TILE)
  pad = EP_PAD - EP_TILE
  src = jnp.pad(src, ((0, 0), (0, 0), (0, pad))).reshape(R, NTILE, NCHUNK, CHUNK)
  dst = jnp.pad(dst, ((0, 0), (0, 0), (0, pad)), constant_values=N)
  dst = dst.reshape(R, NTILE, NCHUNK, CHUNK)
  zrow = jnp.zeros((STRIPE, H), jnp.float32)
  zcnt = jnp.zeros((STRIPE,), jnp.float32)
  ones = jnp.ones((CHUNK,), jnp.float32)

  sums, cnt = _sc_aggregate_fn()(x, src, dst, zrow, zcnt, ones)
  return _tc_combine(sums, cnt, weight, w_comp, h_bias)

# --- scband reference (transcript-rebuilt; emitter-appended) ---
"""Pipeline reference for scband-rel-graph-conv-hetero-86406152061455 (READ-ONLY COPY).

The authoritative reference and input builder live on the scoring server;
editing this copy changes nothing except your own understanding.
"""

import jax, jax.numpy as jnp
import numpy as np

N = 10000
IN = 128
OUT = 128
NUM_RELS = 4
NUM_BASES = 2
E = 80000


def setup_inputs(seed: int = 0) -> dict:
    key = jax.random.key(seed)
    k1, k2, k3, k4 = jax.random.split(key, 4)
    x = jax.random.normal(k1, (N, IN), dtype=jnp.float32)
    edge_index = jax.random.randint(k2, (NUM_RELS, 2, E), 0, N, dtype=jnp.int32)
    # basis regularizer params: weight [num_bases, in, out], w_comp [num_rels, num_bases]
    gain = float(np.sqrt(2.0))  # relu gain, xavier-like scale
    w_scale = gain * float(np.sqrt(6.0 / (IN + OUT)))
    weight = jax.random.uniform(k3, (NUM_BASES, IN, OUT), dtype=jnp.float32, minval=-w_scale, maxval=w_scale)
    c_scale = gain * float(np.sqrt(6.0 / (NUM_RELS + NUM_BASES)))
    w_comp = jax.random.uniform(k4, (NUM_RELS, NUM_BASES), dtype=jnp.float32, minval=-c_scale, maxval=c_scale)
    h_bias = jnp.zeros((OUT,), dtype=jnp.float32)
    return {"x": x, "edge_index": edge_index, "weight": weight, "w_comp": w_comp, "h_bias": h_bias}


def reference(x, edge_index, weight, w_comp, h_bias):
    # basis_weight(): compose per-relation weights from bases
    W = jnp.matmul(w_comp, weight.reshape(NUM_BASES, IN * OUT)).reshape(NUM_RELS, IN, OUT)
    h = jnp.zeros((N, OUT), dtype=x.dtype)
    for r in range(NUM_RELS):
        src = edge_index[r, 0]
        dst = edge_index[r, 1]
        # copy_u(h_r, m) with h_r = x @ W_r, then mean over incoming edges per dst node
        hr = jnp.matmul(x, W[r])
        m = jnp.take(hr, src, axis=0)
        summed = jax.ops.segment_sum(m, dst, num_segments=N)
        cnt = jax.ops.segment_sum(jnp.ones((E,), dtype=x.dtype), dst, num_segments=N)
        mean = summed / jnp.clip(cnt, 1.0)[:, None]
        # multi_update_all(..., 'sum'): sum across relations
        h = h + mean
    # _apply: no self_loop, bias, no activation, dropout p=0.0 (identity)
    h = h + h_bias
    return h

if __name__ == "__main__":
    import jax
    _d = setup_inputs()
    print(jax.jit(kernel)(*tuple(_d.values())))

</pallas_src>

<mosaic_0001>
#map = affine_map<(d0, d1) -> (0, 0)>
#map1 = affine_map<(d0, d1) -> (0, 0, 0, 0)>
#map2 = affine_map<(d0, d1) -> (0)>
module attributes {stable_mosaic.version = 14 : i64} {
  func.func @_sc_body(%arg0: i32, %arg1: i32, %arg2: memref<10000x128xf32, #tpu.memory_space<hbm>>, %arg3: memref<4x16x70x72xi32, #tpu.memory_space<hbm>>, %arg4: memref<4x16x70x72xi32, #tpu.memory_space<hbm>>, %arg5: memref<640x64xf32, #tpu.memory_space<hbm>>, %arg6: memref<640xf32, #tpu.memory_space<hbm>>, %arg7: memref<72xf32, #tpu.memory_space<hbm>>, %arg8: memref<2x4x10240x64xf32, #tpu.memory_space<hbm>>, %arg9: memref<4x10240xf32, #tpu.memory_space<hbm>>, %arg10: memref<70x72xi32, #tpu.memory_space<vmem>>, %arg11: memref<70x72xi32, #tpu.memory_space<vmem>>, %arg12: memref<7x72x64xf32, #tpu.memory_space<vmem>>, %arg13: memref<72xf32, #tpu.memory_space<vmem>>, %arg14: memref<10000x64xf32, #tpu.memory_space<vmem_shared>>, %arg15: memref<10240x64xf32, #tpu.memory_space<vmem_shared>>, %arg16: memref<10240xf32, #tpu.memory_space<vmem_shared>>, %arg17: memref<7x!tpu.dma_semaphore, #tpu.memory_space<semaphore_mem>>, %arg18: memref<7x!tpu.dma_semaphore, #tpu.memory_space<semaphore_mem>>, %arg19: memref<7x!tpu.dma_semaphore, #tpu.memory_space<semaphore_mem>>) attributes {dimension_semantics = [#tpu.dimension_semantics<core_parallel>, #tpu.dimension_semantics<subcore_parallel>], iteration_bounds = array<i64: 2, 16>, scalar_prefetch = 0 : i64, scratch_operands = 10 : i64, tpu.core_type = #tpu.core_type<sc_vector_subcore>, window_params = [{transform_indices = #map}, {transform_indices = #map1}, {transform_indices = #map1}, {transform_indices = #map}, {transform_indices = #map2}, {transform_indices = #map2}, {transform_indices = #map1}, {transform_indices = #map}]} {
    "tpu.region"() ({
      %run_scoped3A_1055 = tpu.sem_alloc : memref<!tpu.dma_semaphore, #tpu.memory_space<semaphore_mem>>
      tpu.enqueue_dma source(%arg7 : memref<72xf32, #tpu.memory_space<hbm>>) target(%arg13 : memref<72xf32, #tpu.memory_space<vmem>>) target_semaphore(%run_scoped3A_1055 : memref<!tpu.dma_semaphore, #tpu.memory_space<semaphore_mem>>)
      tpu.wait_dma2 semaphore(%run_scoped3A_1055 : memref<!tpu.dma_semaphore, #tpu.memory_space<semaphore_mem>>) src(%arg7 : memref<72xf32, #tpu.memory_space<hbm>>) dst(%arg13 : memref<72xf32, #tpu.memory_space<vmem>>)
      tpu.yield
    }) : () -> ()
    %mul3A = arith.constant 625 : i32
    %mul3A_0 = arith.muli %arg1, %mul3A : i32
    %mul3A_1 = arith.constant 625 : i32
    %mul3A_2 = arith.muli %arg1, %mul3A_1 : i32
    "tpu.region"() ({
      %run_scoped3A_1055 = tpu.sem_alloc : memref<!tpu.dma_semaphore, #tpu.memory_space<semaphore_mem>>
      %dma_start3A_1056 = arith.constant 0 : i32
      %dma_start3A_1057 = tpu.memref_slice %arg14[%mul3A_2, %dma_start3A_1056] : memref<10000x64xf32, #tpu.memory_space<vmem_shared>> -> memref<625x64xf32, #tpu.memory_space<vmem_shared>>
      %dma_start3A_1058 = arith.constant 0 : i32
      %dma_start3A_1059 = tpu.memref_slice %arg2[%mul3A_0, %dma_start3A_1058] : memref<10000x128xf32, #tpu.memory_space<hbm>> -> memref<625x64xf32, #tpu.memory_space<hbm>>
      tpu.enqueue_dma source(%dma_start3A_1059 : memref<625x64xf32, #tpu.memory_space<hbm>>) target(%dma_start3A_1057 : memref<625x64xf32, #tpu.memory_space<vmem_shared>>) target_semaphore(%run_scoped3A_1055 : memref<!tpu.dma_semaphore, #tpu.memory_space<semaphore_mem>>)
      %dma_wait3A_1060 = arith.constant 0 : i32
      %dma_wait3A_1061 = tpu.memref_slice %arg14[%mul3A_2, %dma_wait3A_1060] : memref<10000x64xf32, #tpu.memory_space<vmem_shared>> -> memref<625x64xf32, #tpu.memory_space<vmem_shared>>
      %dma_wait3A_1062 = arith.constant 0 : i32
      %dma_wait3A_1063 = tpu.memref_slice %arg2[%mul3A_0, %dma_wait3A_1062] : memref<10000x128xf32, #tpu.memory_space<hbm>> -> memref<625x64xf32, #tpu.memory_space<hbm>>
      tpu.wait_dma2 semaphore(%run_scoped3A_1055 : memref<!tpu.dma_semaphore, #tpu.memory_space<semaphore_mem>>) src(%dma_wait3A_1063 : memref<625x64xf32, #tpu.memory_space<hbm>>) dst(%dma_wait3A_1061 : memref<625x64xf32, #tpu.memory_space<vmem_shared>>)
      tpu.yield
    }) : () -> ()
    %mul3A_3 = arith.constant 2 : i32
    %mul3A_4 = arith.muli %arg0, %mul3A_3 : i32
    %add3A = arith.constant 0 : i32
    %add3A_5 = arith.addi %mul3A_4, %add3A : i32
    %mul3A_6 = arith.constant 640 : i32
    %mul3A_7 = arith.muli %arg1, %mul3A_6 : i32
    "tpu.region"() ({
      %run_scoped3A_1055 = tpu.sem_alloc : memref<!tpu.dma_semaphore, #tpu.memory_space<semaphore_mem>>
      %dma_start3A_1056 = arith.constant 0 : i32
      %dma_start3A_1057 = tpu.memref_slice %arg15[%mul3A_7, %dma_start3A_1056] : memref<10240x64xf32, #tpu.memory_space<vmem_shared>> -> memref<640x64xf32, #tpu.memory_space<vmem_shared>>
      tpu.enqueue_dma source(%arg5 : memref<640x64xf32, #tpu.memory_space<hbm>>) target(%dma_start3A_1057 : memref<640x64xf32, #tpu.memory_space<vmem_shared>>) target_semaphore(%run_scoped3A_1055 : memref<!tpu.dma_semaphore, #tpu.memory_space<semaphore_mem>>)
      %dma_wait3A_1058 = arith.constant 0 : i32
      %dma_wait3A_1059 = tpu.memref_slice %arg15[%mul3A_7, %dma_wait3A_1058] : memref<10240x64xf32, #tpu.memory_space<vmem_shared>> -> memref<640x64xf32, #tpu.memory_space<vmem_shared>>
      tpu.wait_dma2 semaphore(%run_scoped3A_1055 : memref<!tpu.dma_semaphore, #tpu.memory_space<semaphore_mem>>) src(%arg5 : memref<640x64xf32, #tpu.memory_space<hbm>>) dst(%dma_wait3A_1059 : memref<640x64xf32, #tpu.memory_space<vmem_shared>>)
      tpu.yield
    }) : () -> ()
    %mul3A_8 = arith.constant 640 : i32
    %mul3A_9 = arith.muli %arg1, %mul3A_8 : i32
    "tpu.region"() ({
      %run_scoped3A_1055 = tpu.sem_alloc : memref<!tpu.dma_semaphore, #tpu.memory_space<semaphore_mem>>
      %dma_start3A_1056 = tpu.memref_slice %arg16[%mul3A_9] : memref<10240xf32, #tpu.memory_space<vmem_shared>> -> memref<640xf32, #tpu.memory_space<vmem_shared>>
      tpu.enqueue_dma source(%arg6 : memref<640xf32, #tpu.memory_space<hbm>>) target(%dma_start3A_1056 : memref<640xf32, #tpu.memory_space<vmem_shared>>) target_semaphore(%run_scoped3A_1055 : memref<!tpu.dma_semaphore, #tpu.memory_space<semaphore_mem>>)
      %dma_wait3A_1057 = tpu.memref_slice %arg16[%mul3A_9] : memref<10240xf32, #tpu.memory_space<vmem_shared>> -> memref<640xf32, #tpu.memory_space<vmem_shared>>
      tpu.wait_dma2 semaphore(%run_scoped3A_1055 : memref<!tpu.dma_semaphore, #tpu.memory_space<semaphore_mem>>) src(%arg6 : memref<640xf32, #tpu.memory_space<hbm>>) dst(%dma_wait3A_1057 : memref<640xf32, #tpu.memory_space<vmem_shared>>)
      tpu.yield
    }) : () -> ()
    "tpu.region"() ({
      %run_scoped3A_1055 = tpu.sem_alloc : memref<!tpu.dma_semaphore, #tpu.memory_space<semaphore_mem>>
      %dma_start3A_1056 = arith.constant 0 : i32
      %dma_start3A_1057 = arith.constant 0 : i32
      %dma_start3A_1058 = tpu.memref_slice %arg3[%add3A_5, %arg1, %dma_start3A_1056, %dma_start3A_1057] : memref<4x16x70x72xi32, #tpu.memory_space<hbm>> -> memref<1x1x70x72xi32, #tpu.memory_space<hbm>>
      %dma_start3A_1059 = tpu.memref_squeeze %dma_start3A_1058 : memref<1x1x70x72xi32, #tpu.memory_space<hbm>> -> memref<70x72xi32, #tpu.memory_space<hbm>>
      %dma_start3A_1060 = arith.constant 0 : i32
      %dma_start3A_1061 = arith.constant 0 : i32
      %dma_start3A_1062 = tpu.memref_slice %arg3[%add3A_5, %arg1, %dma_start3A_1060, %dma_start3A_1061] : memref<4x16x70x72xi32, #tpu.memory_space<hbm>> -> memref<1x1x70x72xi32, #tpu.memory_space<hbm>>
      %dma_start3A_1063 = tpu.memref_squeeze %dma_start3A_1062 : memref<1x1x70x72xi32, #tpu.memory_space<hbm>> -> memref<70x72xi32, #tpu.memory_space<hbm>>
      tpu.enqueue_dma source(%dma_start3A_1063 : memref<70x72xi32, #tpu.memory_space<hbm>>) target(%arg10 : memref<70x72xi32, #tpu.memory_space<vmem>>) target_semaphore(%run_scoped3A_1055 : memref<!tpu.dma_semaphore, #tpu.memory_space<semaphore_mem>>)
      %dma_wait3A_1064 = arith.constant 0 : i32
      %dma_wait3A_1065 = arith.constant 0 : i32
      %dma_wait3A_1066 = tpu.memref_slice %arg3[%add3A_5, %arg1, %dma_wait3A_1064, %dma_wait3A_1065] : memref<4x16x70x72xi32, #tpu.memory_space<hbm>> -> memref<1x1x70x72xi32, #tpu.memory_space<hbm>>
      %dma_wait3A_1067 = tpu.memref_squeeze %dma_wait3A_1066 : memref<1x1x70x72xi32, #tpu.memory_space<hbm>> -> memref<70x72xi32, #tpu.memory_space<hbm>>
      %dma_wait3A_1068 = arith.constant 0 : i32
      %dma_wait3A_1069 = arith.constant 0 : i32
      %dma_wait3A_1070 = tpu.memref_slice %arg3[%add3A_5, %arg1, %dma_wait3A_1068, %dma_wait3A_1069] : memref<4x16x70x72xi32, #tpu.memory_space<hbm>> -> memref<1x1x70x72xi32, #tpu.memory_space<hbm>>
      %dma_wait3A_1071 = tpu.memref_squeeze %dma_wait3A_1070 : memref<1x1x70x72xi32, #tpu.memory_space<hbm>> -> memref<70x72xi32, #tpu.memory_space<hbm>>
      tpu.wait_dma2 semaphore(%run_scoped3A_1055 : memref<!tpu.dma_semaphore, #tpu.memory_space<semaphore_mem>>) src(%dma_wait3A_1071 : memref<70x72xi32, #tpu.memory_space<hbm>>) dst(%arg10 : memref<70x72xi32, #tpu.memory_space<vmem>>)
      tpu.yield
    }) : () -> ()
    "tpu.region"() ({
      %run_scoped3A_1055 = tpu.sem_alloc : memref<!tpu.dma_semaphore, #tpu.memory_space<semaphore_mem>>
      %dma_start3A_1056 = arith.constant 0 : i32
      %dma_start3A_1057 = arith.constant 0 : i32
      %dma_start3A_1058 = tpu.memref_slice %arg4[%add3A_5, %arg1, %dma_start3A_1056, %dma_start3A_1057] : memref<4x16x70x72xi32, #tpu.memory_space<hbm>> -> memref<1x1x70x72xi32, #tpu.memory_space<hbm>>
      %dma_start3A_1059 = tpu.memref_squeeze %dma_start3A_1058 : memref<1x1x70x72xi32, #tpu.memory_space<hbm>> -> memref<70x72xi32, #tpu.memory_space<hbm>>
      %dma_start3A_1060 = arith.constant 0 : i32
      %dma_start3A_1061 = arith.constant 0 : i32
      %dma_start3A_1062 = tpu.memref_slice %arg4[%add3A_5, %arg1, %dma_start3A_1060, %dma_start3A_1061] : memref<4x16x70x72xi32, #tpu.memory_space<hbm>> -> memref<1x1x70x72xi32, #tpu.memory_space<hbm>>
      %dma_start3A_1063 = tpu.memref_squeeze %dma_start3A_1062 : memref<1x1x70x72xi32, #tpu.memory_space<hbm>> -> memref<70x72xi32, #tpu.memory_space<hbm>>
      tpu.enqueue_dma source(%dma_start3A_1063 : memref<70x72xi32, #tpu.memory_space<hbm>>) target(%arg11 : memref<70x72xi32, #tpu.memory_space<vmem>>) target_semaphore(%run_scoped3A_1055 : memref<!tpu.dma_semaphore, #tpu.memory_space<semaphore_mem>>)
      %dma_wait3A_1064 = arith.constant 0 : i32
      %dma_wait3A_1065 = arith.constant 0 : i32
      %dma_wait3A_1066 = tpu.memref_slice %arg4[%add3A_5, %arg1, %dma_wait3A_1064, %dma_wait3A_1065] : memref<4x16x70x72xi32, #tpu.memory_space<hbm>> -> memref<1x1x70x72xi32, #tpu.memory_space<hbm>>
      %dma_wait3A_1067 = tpu.memref_squeeze %dma_wait3A_1066 : memref<1x1x70x72xi32, #tpu.memory_space<hbm>> -> memref<70x72xi32, #tpu.memory_space<hbm>>
      %dma_wait3A_1068 = arith.constant 0 : i32
      %dma_wait3A_1069 = arith.constant 0 : i32
      %dma_wait3A_1070 = tpu.memref_slice %arg4[%add3A_5, %arg1, %dma_wait3A_1068, %dma_wait3A_1069] : memref<4x16x70x72xi32, #tpu.memory_space<hbm>> -> memref<1x1x70x72xi32, #tpu.memory_space<hbm>>
      %dma_wait3A_1071 = tpu.memref_squeeze %dma_wait3A_1070 : memref<1x1x70x72xi32, #tpu.memory_space<hbm>> -> memref<70x72xi32, #tpu.memory_space<hbm>>
      tpu.wait_dma2 semaphore(%run_scoped3A_1055 : memref<!tpu.dma_semaphore, #tpu.memory_space<semaphore_mem>>) src(%dma_wait3A_1071 : memref<70x72xi32, #tpu.memory_space<hbm>>) dst(%arg11 : memref<70x72xi32, #tpu.memory_space<vmem>>)
      tpu.yield
    }) : () -> ()
    %barrier3A = arith.constant 0 : index
    tpu.barrier barrier_id(%barrier3A)
    %dma_start3A = arith.constant 0 : i32
    %dma_start3A_10 = arith.constant 0 : i32
    %dma_start3A_11 = arith.constant 0 : i32
    %dma_start3A_12 = arith.constant 0 : i32
    %dma_start3A_13 = arith.constant 0 : i32
    %dma_start3A_14 = tpu.memref_slice %arg12[%dma_start3A_10, %dma_start3A_12, %dma_start3A_13] : memref<7x72x64xf32, #tpu.memory_space<vmem>> -> memref<1x72x64xf32, #tpu.memory_space<vmem>>
    %dma_start3A_15 = tpu.memref_squeeze %dma_start3A_14 : memref<1x72x64xf32, #tpu.memory_space<vmem>> -> memref<72x64xf32, #tpu.memory_space<vmem>>
    %dma_start3A_16 = arith.constant 0 : i32
    %dma_start3A_17 = tpu.memref_slice %arg10[%dma_start3A, %dma_start3A_16] : memref<70x72xi32, #tpu.memory_space<vmem>> -> memref<1x72xi32, #tpu.memory_space<vmem>>
    %dma_start3A_18 = tpu.memref_squeeze %dma_start3A_17 : memref<1x72xi32, #tpu.memory_space<vmem>> -> memref<72xi32, #tpu.memory_space<vmem>>
    %dma_start3A_19 = arith.constant 0 : i32
    %dma_start3A_20 = arith.constant 0 : i32
    %dma_start3A_21 = tpu.memref_slice %arg14[%dma_start3A_19, %dma_start3A_20] : memref<10000x64xf32, #tpu.memory_space<vmem_shared>> -> memref<10000x64xf32, #tpu.memory_space<vmem_shared>>
    %dma_start3A_22 = tpu.memref_slice %arg17[%dma_start3A_11] : memref<7x!tpu.dma_semaphore, #tpu.memory_space<semaphore_mem>> -> memref<1x!tpu.dma_semaphore, #tpu.memory_space<semaphore_mem>>
    %dma_start3A_23 = tpu.memref_squeeze %dma_start3A_22 : memref<1x!tpu.dma_semaphore, #tpu.memory_space<semaphore_mem>> -> memref<!tpu.dma_semaphore, #tpu.memory_space<semaphore_mem>>
    tpu.enqueue_indirect_dma source(%dma_start3A_21 : memref<10000x64xf32, #tpu.memory_space<vmem_shared>>) target(%dma_start3A_15 : memref<72x64xf32, #tpu.memory_space<vmem>>) offsets(%dma_start3A_18 : memref<72xi32, #tpu.memory_space<vmem>>) semaphore(%dma_start3A_23 : memref<!tpu.dma_semaphore, #tpu.memory_space<semaphore_mem>>)
    %dma_start3A_24 = arith.constant 1 : i32
    %dma_start3A_25 = arith.constant 1 : i32
    %dma_start3A_26 = arith.constant 1 : i32
    %dma_start3A_27 = arith.constant 0 : i32
    %dma_start3A_28 = arith.constant 0 : i32
    %dma_start3A_29 = tpu.memref_slice %arg12[%dma_start3A_25, %dma_start3A_27, %dma_start3A_28] : memref<7x72x64xf32, #tpu.memory_space<vmem>> -> memref<1x72x64xf32, #tpu.memory_space<vmem>>
    %dma_start3A_30 = tpu.memref_squeeze %dma_start3A_29 : memref<1x72x64xf32, #tpu.memory_space<vmem>> -> memref<72x64xf32, #tpu.memory_space<vmem>>
    %dma_start3A_31 = arith.constant 0 : i32
    %dma_start3A_32 = tpu.memref_slice %arg10[%dma_start3A_24, %dma_start3A_31] : memref<70x72xi32, #tpu.memory_space<vmem>> -> memref<1x72xi32, #tpu.memory_space<vmem>>
    %dma_start3A_33 = tpu.memref_squeeze %dma_start3A_32 : memref<1x72xi32, #tpu.memory_space<vmem>> -> memref<72xi32, #tpu.memory_space<vmem>>
    %dma_start3A_34 = arith.constant 0 : i32
    %dma_start3A_35 = arith.constant 0 : i32
    %dma_start3A_36 = tpu.memref_slice %arg14[%dma_start3A_34, %dma_start3A_35] : memref<10000x64xf32, #tpu.memory_space<vmem_shared>> -> memref<10000x64xf32, #tpu.memory_space<vmem_shared>>
    %dma_start3A_37 = tpu.memref_slice %arg17[%dma_start3A_26] : memref<7x!tpu.dma_semaphore, #tpu.memory_space<semaphore_mem>> -> memref<1x!tpu.dma_semaphore, #tpu.memory_space<semaphore_mem>>
    %dma_start3A_38 = tpu.memref_squeeze %dma_start3A_37 : memref<1x!tpu.dma_semaphore, #tpu.memory_space<semaphore_mem>> -> memref<!tpu.dma_semaphore, #tpu.memory_space<semaphore_mem>>
    tpu.enqueue_indirect_dma source(%dma_start3A_36 : memref<10000x64xf32, #tpu.memory_space<vmem_shared>>) target(%dma_start3A_30 : memref<72x64xf32, #tpu.memory_space<vmem>>) offsets(%dma_start3A_33 : memref<72xi32, #tpu.memory_space<vmem>>) semaphore(%dma_start3A_38 : memref<!tpu.dma_semaphore, #tpu.memory_space<semaphore_mem>>)
    %dma_start3A_39 = arith.constant 2 : i32
    %dma_start3A_40 = arith.constant 2 : i32
    %dma_start3A_41 = arith.constant 2 : i32
    %dma_start3A_42 = arith.constant 0 : i32
    %dma_start3A_43 = arith.constant 0 : i32
    %dma_start3A_44 = tpu.memref_slice %arg12[%dma_start3A_40, %dma_start3A_42, %dma_start3A_43] : memref<7x72x64xf32, #tpu.memory_space<vmem>> -> memref<1x72x64xf32, #tpu.memory_space<vmem>>
    %dma_start3A_45 = tpu.memref_squeeze %dma_start3A_44 : memref<1x72x64xf32, #tpu.memory_space<vmem>> -> memref<72x64xf32, #tpu.memory_space<vmem>>
    %dma_start3A_46 = arith.constant 0 : i32
    %dma_start3A_47 = tpu.memref_slice %arg10[%dma_start3A_39, %dma_start3A_46] : memref<70x72xi32, #tpu.memory_space<vmem>> -> memref<1x72xi32, #tpu.memory_space<vmem>>
    %dma_start3A_48 = tpu.memref_squeeze %dma_start3A_47 : memref<1x72xi32, #tpu.memory_space<vmem>> -> memref<72xi32, #tpu.memory_space<vmem>>
    %dma_start3A_49 = arith.constant 0 : i32
    %dma_start3A_50 = arith.constant 0 : i32
    %dma_start3A_51 = tpu.memref_slice %arg14[%dma_start3A_49, %dma_start3A_50] : memref<10000x64xf32, #tpu.memory_space<vmem_shared>> -> memref<10000x64xf32, #tpu.memory_space<vmem_shared>>
    %dma_start3A_52 = tpu.memref_slice %arg17[%dma_start3A_41] : memref<7x!tpu.dma_semaphore, #tpu.memory_space<semaphore_mem>> -> memref<1x!tpu.dma_semaphore, #tpu.memory_space<semaphore_mem>>
    %dma_start3A_53 = tpu.memref_squeeze %dma_start3A_52 : memref<1x!tpu.dma_semaphore, #tpu.memory_space<semaphore_mem>> -> memref<!tpu.dma_semaphore, #tpu.memory_space<semaphore_mem>>
    tpu.enqueue_indirect_dma source(%dma_start3A_51 : memref<10000x64xf32, #tpu.memory_space<vmem_shared>>) target(%dma_start3A_45 : memref<72x64xf32, #tpu.memory_space<vmem>>) offsets(%dma_start3A_48 : memref<72xi32, #tpu.memory_space<vmem>>) semaphore(%dma_start3A_53 : memref<!tpu.dma_semaphore, #tpu.memory_space<semaphore_mem>>)
    %dma_start3A_54 = arith.constant 3 : i32
    %dma_start3A_55 = arith.constant 3 : i32
    %dma_start3A_56 = arith.constant 3 : i32
    %dma_start3A_57 = arith.constant 0 : i32
    %dma_start3A_58 = arith.constant 0 : i32
    %dma_start3A_59 = tpu.memref_slice %arg12[%dma_start3A_55, %dma_start3A_57, %dma_start3A_58] : memref<7x72x64xf32, #tpu.memory_space<vmem>> -> memref<1x72x64xf32, #tpu.memory_space<vmem>>
    %dma_start3A_60 = tpu.memref_squeeze %dma_start3A_59 : memref<1x72x64xf32, #tpu.memory_space<vmem>> -> memref<72x64xf32, #tpu.memory_space<vmem>>
    %dma_start3A_61 = arith.constant 0 : i32
    %dma_start3A_62 = tpu.memref_slice %arg10[%dma_start3A_54, %dma_start3A_61] : memref<70x72xi32, #tpu.memory_space<vmem>> -> memref<1x72xi32, #tpu.memory_space<vmem>>
    %dma_start3A_63 = tpu.memref_squeeze %dma_start3A_62 : memref<1x72xi32, #tpu.memory_space<vmem>> -> memref<72xi32, #tpu.memory_space<vmem>>
    %dma_start3A_64 = arith.constant 0 : i32
    %dma_start3A_65 = arith.constant 0 : i32
    %dma_start3A_66 = tpu.memref_slice %arg14[%dma_start3A_64, %dma_start3A_65] : memref<10000x64xf32, #tpu.memory_space<vmem_shared>> -> memref<10000x64xf32, #tpu.memory_space<vmem_shared>>
    %dma_start3A_67 = tpu.memref_slice %arg17[%dma_start3A_56] : memref<7x!tpu.dma_semaphore, #tpu.memory_space<semaphore_mem>> -> memref<1x!tpu.dma_semaphore, #tpu.memory_space<semaphore_mem>>
    %dma_start3A_68 = tpu.memref_squeeze %dma_start3A_67 : memref<1x!tpu.dma_semaphore, #tpu.memory_space<semaphore_mem>> -> memref<!tpu.dma_semaphore, #tpu.memory_space<semaphore_mem>>
    tpu.enqueue_indirect_dma source(%dma_start3A_66 : memref<10000x64xf32, #tpu.memory_space<vmem_shared>>) target(%dma_start3A_60 : memref<72x64xf32, #tpu.memory_space<vmem>>) offsets(%dma_start3A_63 : memref<72xi32, #tpu.memory_space<vmem>>) semaphore(%dma_start3A_68 : memref<!tpu.dma_semaphore, #tpu.memory_space<semaphore_mem>>)
    %dma_start3A_69 = arith.constant 4 : i32
    %dma_start3A_70 = arith.constant 4 : i32
    %dma_start3A_71 = arith.constant 4 : i32
    %dma_start3A_72 = arith.constant 0 : i32
    %dma_start3A_73 = arith.constant 0 : i32
    %dma_start3A_74 = tpu.memref_slice %arg12[%dma_start3A_70, %dma_start3A_72, %dma_start3A_73] : memref<7x72x64xf32, #tpu.memory_space<vmem>> -> memref<1x72x64xf32, #tpu.memory_space<vmem>>
    %dma_start3A_75 = tpu.memref_squeeze %dma_start3A_74 : memref<1x72x64xf32, #tpu.memory_space<vmem>> -> memref<72x64xf32, #tpu.memory_space<vmem>>
    %dma_start3A_76 = arith.constant 0 : i32
    %dma_start3A_77 = tpu.memref_slice %arg10[%dma_start3A_69, %dma_start3A_76] : memref<70x72xi32, #tpu.memory_space<vmem>> -> memref<1x72xi32, #tpu.memory_space<vmem>>
    %dma_start3A_78 = tpu.memref_squeeze %dma_start3A_77 : memref<1x72xi32, #tpu.memory_space<vmem>> -> memref<72xi32, #tpu.memory_space<vmem>>
    %dma_start3A_79 = arith.constant 0 : i32
    %dma_start3A_80 = arith.constant 0 : i32
    %dma_start3A_81 = tpu.memref_slice %arg14[%dma_start3A_79, %dma_start3A_80] : memref<10000x64xf32, #tpu.memory_space<vmem_shared>> -> memref<10000x64xf32, #tpu.memory_space<vmem_shared>>
    %dma_start3A_82 = tpu.memref_slice %arg17[%dma_start3A_71] : memref<7x!tpu.dma_semaphore, #tpu.memory_space<semaphore_mem>> -> memref<1x!tpu.dma_semaphore, #tpu.memory_space<semaphore_mem>>
    %dma_start3A_83 = tpu.memref_squeeze %dma_start3A_82 : memref<1x!tpu.dma_semaphore, #tpu.memory_space<semaphore_mem>> -> memref<!tpu.dma_semaphore, #tpu.memory_space<semaphore_mem>>
    tpu.enqueue_indirect_dma source(%dma_start3A_81 : memref<10000x64xf32, #tpu.memory_space<vmem_shared>>) target(%dma_start3A_75 : memref<72x64xf32, #tpu.memory_space<vmem>>) offsets(%dma_start3A_78 : memref<72xi32, #tpu.memory_space<vmem>>) semaphore(%dma_start3A_83 : memref<!tpu.dma_semaphore, #tpu.memory_space<semaphore_mem>>)
    %dma_start3A_84 = arith.constant 5 : i32
    %dma_start3A_85 = arith.constant 5 : i32
    %dma_start3A_86 = arith.constant 5 : i32
    %dma_start3A_87 = arith.constant 0 : i32
    %dma_start3A_88 = arith.constant 0 : i32
    %dma_start3A_89 = tpu.memref_slice %arg12[%dma_start3A_85, %dma_start3A_87, %dma_start3A_88] : memref<7x72x64xf32, #tpu.memory_space<vmem>> -> memref<1x72x64xf32, #tpu.memory_space<vmem>>
    %dma_start3A_90 = tpu.memref_squeeze %dma_start3A_89 : memref<1x72x64xf32, #tpu.memory_space<vmem>> -> memref<72x64xf32, #tpu.memory_space<vmem>>
    %dma_start3A_91 = arith.constant 0 : i32
    %dma_start3A_92 = tpu.memref_slice %arg10[%dma_start3A_84, %dma_start3A_91] : memref<70x72xi32, #tpu.memory_space<vmem>> -> memref<1x72xi32, #tpu.memory_space<vmem>>
    %dma_start3A_93 = tpu.memref_squeeze %dma_start3A_92 : memref<1x72xi32, #tpu.memory_space<vmem>> -> memref<72xi32, #tpu.memory_space<vmem>>
    %dma_start3A_94 = arith.constant 0 : i32
    %dma_start3A_95 = arith.constant 0 : i32
    %dma_start3A_96 = tpu.memref_slice %arg14[%dma_start3A_94, %dma_start3A_95] : memref<10000x64xf32, #tpu.memory_space<vmem_shared>> -> memref<10000x64xf32, #tpu.memory_space<vmem_shared>>
    %dma_start3A_97 = tpu.memref_slice %arg17[%dma_start3A_86] : memref<7x!tpu.dma_semaphore, #tpu.memory_space<semaphore_mem>> -> memref<1x!tpu.dma_semaphore, #tpu.memory_space<semaphore_mem>>
    %dma_start3A_98 = tpu.memref_squeeze %dma_start3A_97 : memref<1x!tpu.dma_semaphore, #tpu.memory_space<semaphore_mem>> -> memref<!tpu.dma_semaphore, #tpu.memory_space<semaphore_mem>>
    tpu.enqueue_indirect_dma source(%dma_start3A_96 : memref<10000x64xf32, #tpu.memory_space<vmem_shared>>) target(%dma_start3A_90 : memref<72x64xf32, #tpu.memory_space<vmem>>) offsets(%dma_start3A_93 : memref<72xi32, #tpu.memory_space<vmem>>) semaphore(%dma_start3A_98 : memref<!tpu.dma_semaphore, #tpu.memory_space<semaphore_mem>>)
    %dma_start3A_99 = arith.constant 6 : i32
    %dma_start3A_100 = arith.constant 6 : i32
    %dma_start3A_101 = arith.constant 6 : i32
    %dma_start3A_102 = arith.constant 0 : i32
    %dma_start3A_103 = arith.constant 0 : i32
    %dma_start3A_104 = tpu.memref_slice %arg12[%dma_start3A_100, %dma_start3A_102, %dma_start3A_103] : memref<7x72x64xf32, #tpu.memory_space<vmem>> -> memref<1x72x64xf32, #tpu.memory_space<vmem>>
    %dma_start3A_105 = tpu.memref_squeeze %dma_start3A_104 : memref<1x72x64xf32, #tpu.memory_space<vmem>> -> memref<72x64xf32, #tpu.memory_space<vmem>>
    %dma_start3A_106 = arith.constant 0 : i32
    %dma_start3A_107 = tpu.memref_slice %arg10[%dma_start3A_99, %dma_start3A_106] : memref<70x72xi32, #tpu.memory_space<vmem>> -> memref<1x72xi32, #tpu.memory_space<vmem>>
    %dma_start3A_108 = tpu.memref_squeeze %dma_start3A_107 : memref<1x72xi32, #tpu.memory_space<vmem>> -> memref<72xi32, #tpu.memory_space<vmem>>
    %dma_start3A_109 = arith.constant 0 : i32
    %dma_start3A_110 = arith.constant 0 : i32
    %dma_start3A_111 = tpu.memref_slice %arg14[%dma_start3A_109, %dma_start3A_110] : memref<10000x64xf32, #tpu.memory_space<vmem_shared>> -> memref<10000x64xf32, #tpu.memory_space<vmem_shared>>
    %dma_start3A_112 = tpu.memref_slice %arg17[%dma_start3A_101] : memref<7x!tpu.dma_semaphore, #tpu.memory_space<semaphore_mem>> -> memref<1x!tpu.dma_semaphore, #tpu.memory_space<semaphore_mem>>
    %dma_start3A_113 = tpu.memref_squeeze %dma_start3A_112 : memref<1x!tpu.dma_semaphore, #tpu.memory_space<semaphore_mem>> -> memref<!tpu.dma_semaphore, #tpu.memory_space<semaphore_mem>>
    tpu.enqueue_indirect_dma source(%dma_start3A_111 : memref<10000x64xf32, #tpu.memory_space<vmem_shared>>) target(%dma_start3A_105 : memref<72x64xf32, #tpu.memory_space<vmem>>) offsets(%dma_start3A_108 : memref<72xi32, #tpu.memory_space<vmem>>) semaphore(%dma_start3A_113 : memref<!tpu.dma_semaphore, #tpu.memory_space<semaphore_mem>>)
    %scan3A = arith.constant 0 : i32
    %scan3A_114 = arith.constant 0 : i32
    %scan3A_115 = arith.constant 10 : i32
    %scan3A_116 = arith.addi %scan3A_114, %scan3A_115 : i32
    %scan3A_117 = arith.constant 1 : i32
    scf.for %scan3A_1055 = %scan3A_114 to %scan3A_116 step %scan3A_117  : i32 {
      %mul3A_1056 = arith.constant 7 : i32
      %mul3A_1057 = arith.muli %scan3A_1055, %mul3A_1056 : i32
      %add3A_1058 = arith.constant 0 : i32
      %add3A_1059 = arith.addi %mul3A_1057, %add3A_1058 : i32
      %dma_wait3A_1060 = arith.constant 0 : i32
      %dma_wait3A_1061 = arith.constant 0 : i32
      %dma_wait3A_1062 = arith.constant 0 : i32
      %dma_wait3A_1063 = arith.constant 0 : i32
      %dma_wait3A_1064 = tpu.memref_slice %arg12[%dma_wait3A_1060, %dma_wait3A_1062, %dma_wait3A_1063] : memref<7x72x64xf32, #tpu.memory_space<vmem>> -> memref<1x72x64xf32, #tpu.memory_space<vmem>>
      %dma_wait3A_1065 = tpu.memref_squeeze %dma_wait3A_1064 : memref<1x72x64xf32, #tpu.memory_space<vmem>> -> memref<72x64xf32, #tpu.memory_space<vmem>>
      %dma_wait3A_1066 = arith.constant 0 : i32
      %dma_wait3A_1067 = tpu.memref_slice %arg10[%add3A_1059, %dma_wait3A_1066] : memref<70x72xi32, #tpu.memory_space<vmem>> -> memref<1x72xi32, #tpu.memory_space<vmem>>
      %dma_wait3A_1068 = tpu.memref_squeeze %dma_wait3A_1067 : memref<1x72xi32, #tpu.memory_space<vmem>> -> memref<72xi32, #tpu.memory_space<vmem>>
      %dma_wait3A_1069 = arith.constant 0 : i32
      %dma_wait3A_1070 = arith.constant 0 : i32
      %dma_wait3A_1071 = tpu.memref_slice %arg14[%dma_wait3A_1069, %dma_wait3A_1070] : memref<10000x64xf32, #tpu.memory_space<vmem_shared>> -> memref<10000x64xf32, #tpu.memory_space<vmem_shared>>
      %dma_wait3A_1072 = tpu.memref_slice %arg17[%dma_wait3A_1061] : memref<7x!tpu.dma_semaphore, #tpu.memory_space<semaphore_mem>> -> memref<1x!tpu.dma_semaphore, #tpu.memory_space<semaphore_mem>>
      %dma_wait3A_1073 = tpu.memref_squeeze %dma_wait3A_1072 : memref<1x!tpu.dma_semaphore, #tpu.memory_space<semaphore_mem>> -> memref<!tpu.dma_semaphore, #tpu.memory_space<semaphore_mem>>
      tpu.wait_indirect_dma semaphore(%dma_wait3A_1073 : memref<!tpu.dma_semaphore, #tpu.memory_space<semaphore_mem>>) src(%dma_wait3A_1071 : memref<10000x64xf32, #tpu.memory_space<vmem_shared>>) dst(%dma_wait3A_1065 : memref<72x64xf32, #tpu.memory_space<vmem>>)
      %dma_start3A_1074 = arith.constant 0 : i32
      %dma_start3A_1075 = arith.constant 0 : i32
      %dma_start3A_1076 = arith.constant 0 : i32
      %dma_start3A_1077 = arith.constant 0 : i32
      %dma_start3A_1078 = tpu.memref_slice %arg12[%dma_start3A_1074, %dma_start3A_1076, %dma_start3A_1077] : memref<7x72x64xf32, #tpu.memory_space<vmem>> -> memref<1x72x64xf32, #tpu.memory_space<vmem>>
      %dma_start3A_1079 = tpu.memref_squeeze %dma_start3A_1078 : memref<1x72x64xf32, #tpu.memory_space<vmem>> -> memref<72x64xf32, #tpu.memory_space<vmem>>
      %dma_start3A_1080 = arith.constant 0 : i32
      %dma_start3A_1081 = tpu.memref_slice %arg11[%add3A_1059, %dma_start3A_1080] : memref<70x72xi32, #tpu.memory_space<vmem>> -> memref<1x72xi32, #tpu.memory_space<vmem>>
      %dma_start3A_1082 = tpu.memref_squeeze %dma_start3A_1081 : memref<1x72xi32, #tpu.memory_space<vmem>> -> memref<72xi32, #tpu.memory_space<vmem>>
      %dma_start3A_1083 = arith.constant 0 : i32
      %dma_start3A_1084 = arith.constant 0 : i32
      %dma_start3A_1085 = tpu.memref_slice %arg15[%dma_start3A_1083, %dma_start3A_1084] : memref<10240x64xf32, #tpu.memory_space<vmem_shared>> -> memref<10240x64xf32, #tpu.memory_space<vmem_shared>>
      %dma_start3A_1086 = tpu.memref_slice %arg18[%dma_start3A_1075] : memref<7x!tpu.dma_semaphore, #tpu.memory_space<semaphore_mem>> -> memref<1x!tpu.dma_semaphore, #tpu.memory_space<semaphore_mem>>
      %dma_start3A_1087 = tpu.memref_squeeze %dma_start3A_1086 : memref<1x!tpu.dma_semaphore, #tpu.memory_space<semaphore_mem>> -> memref<!tpu.dma_semaphore, #tpu.memory_space<semaphore_mem>>
      tpu.enqueue_indirect_dma source(%dma_start3A_1079 : memref<72x64xf32, #tpu.memory_space<vmem>>) target(%dma_start3A_1085 : memref<10240x64xf32, #tpu.memory_space<vmem_shared>>) offsets(%dma_start3A_1082 : memref<72xi32, #tpu.memory_space<vmem>>) semaphore(%dma_start3A_1087 : memref<!tpu.dma_semaphore, #tpu.memory_space<semaphore_mem>>) {add = true}
      %dma_start3A_1088 = arith.constant 0 : i32
      %dma_start3A_1089 = arith.constant 0 : i32
      %dma_start3A_1090 = tpu.memref_slice %arg11[%add3A_1059, %dma_start3A_1089] : memref<70x72xi32, #tpu.memory_space<vmem>> -> memref<1x72xi32, #tpu.memory_space<vmem>>
      %dma_start3A_1091 = tpu.memref_squeeze %dma_start3A_1090 : memref<1x72xi32, #tpu.memory_space<vmem>> -> memref<72xi32, #tpu.memory_space<vmem>>
      %dma_start3A_1092 = arith.constant 0 : i32
      %dma_start3A_1093 = tpu.memref_slice %arg16[%dma_start3A_1092] : memref<10240xf32, #tpu.memory_space<vmem_shared>> -> memref<10240xf32, #tpu.memory_space<vmem_shared>>
      %dma_start3A_1094 = tpu.memref_slice %arg19[%dma_start3A_1088] : memref<7x!tpu.dma_semaphore, #tpu.memory_space<semaphore_mem>> -> memref<1x!tpu.dma_semaphore, #tpu.memory_space<semaphore_mem>>
      %dma_start3A_1095 = tpu.memref_squeeze %dma_start3A_1094 : memref<1x!tpu.dma_semaphore, #tpu.memory_space<semaphore_mem>> -> memref<!tpu.dma_semaphore, #tpu.memory_space<semaphore_mem>>
      tpu.enqueue_indirect_dma source(%arg13 : memref<72xf32, #tpu.memory_space<vmem>>) target(%dma_start3A_1093 : memref<10240xf32, #tpu.memory_space<vmem_shared>>) offsets(%dma_start3A_1091 : memref<72xi32, #tpu.memory_space<vmem>>) semaphore(%dma_start3A_1095 : memref<!tpu.dma_semaphore, #tpu.memory_space<semaphore_mem>>) {add = true}
      %add3A_1096 = arith.constant 1 : i32
      %add3A_1097 = arith.addi %mul3A_1057, %add3A_1096 : i32
      %dma_wait3A_1098 = arith.constant 1 : i32
      %dma_wait3A_1099 = arith.constant 1 : i32
      %dma_wait3A_1100 = arith.constant 0 : i32
      %dma_wait3A_1101 = arith.constant 0 : i32
      %dma_wait3A_1102 = tpu.memref_slice %arg12[%dma_wait3A_1098, %dma_wait3A_1100, %dma_wait3A_1101] : memref<7x72x64xf32, #tpu.memory_space<vmem>> -> memref<1x72x64xf32, #tpu.memory_space<vmem>>
      %dma_wait3A_1103 = tpu.memref_squeeze %dma_wait3A_1102 : memref<1x72x64xf32, #tpu.memory_space<vmem>> -> memref<72x64xf32, #tpu.memory_space<vmem>>
      %dma_wait3A_1104 = arith.constant 0 : i32
      %dma_wait3A_1105 = tpu.memref_slice %arg10[%add3A_1097, %dma_wait3A_1104] : memref<70x72xi32, #tpu.memory_space<vmem>> -> memref<1x72xi32, #tpu.memory_space<vmem>>
      %dma_wait3A_1106 = tpu.memref_squeeze %dma_wait3A_1105 : memref<1x72xi32, #tpu.memory_space<vmem>> -> memref<72xi32, #tpu.memory_space<vmem>>
      %dma_wait3A_1107 = arith.constant 0 : i32
      %dma_wait3A_1108 = arith.constant 0 : i32
      %dma_wait3A_1109 = tpu.memref_slice %arg14[%dma_wait3A_1107, %dma_wait3A_1108] : memref<10000x64xf32, #tpu.memory_space<vmem_shared>> -> memref<10000x64xf32, #tpu.memory_space<vmem_shared>>
      %dma_wait3A_1110 = tpu.memref_slice %arg17[%dma_wait3A_1099] : memref<7x!tpu.dma_semaphore, #tpu.memory_space<semaphore_mem>> -> memref<1x!tpu.dma_semaphore, #tpu.memory_space<semaphore_mem>>
      %dma_wait3A_1111 = tpu.memref_squeeze %dma_wait3A_1110 : memref<1x!tpu.dma_semaphore, #tpu.memory_space<semaphore_mem>> -> memref<!tpu.dma_semaphore, #tpu.memory_space<semaphore_mem>>
      tpu.wait_indirect_dma semaphore(%dma_wait3A_1111 : memref<!tpu.dma_semaphore, #tpu.memory_space<semaphore_mem>>) src(%dma_wait3A_1109 : memref<10000x64xf32, #tpu.memory_space<vmem_shared>>) dst(%dma_wait3A_1103 : memref<72x64xf32, #tpu.memory_space<vmem>>)
      %dma_start3A_1112 = arith.constant 1 : i32
      %dma_start3A_1113 = arith.constant 1 : i32
      %dma_start3A_1114 = arith.constant 0 : i32
      %dma_start3A_1115 = arith.constant 0 : i32
      %dma_start3A_1116 = tpu.memref_slice %arg12[%dma_start3A_1112, %dma_start3A_1114, %dma_start3A_1115] : memref<7x72x64xf32, #tpu.memory_space<vmem>> -> memref<1x72x64xf32, #tpu.memory_space<vmem>>
      %dma_start3A_1117 = tpu.memref_squeeze %dma_start3A_1116 : memref<1x72x64xf32, #tpu.memory_space<vmem>> -> memref<72x64xf32, #tpu.memory_space<vmem>>
      %dma_start3A_1118 = arith.constant 0 : i32
      %dma_start3A_1119 = tpu.memref_slice %arg11[%add3A_1097, %dma_start3A_1118] : memref<70x72xi32, #tpu.memory_space<vmem>> -> memref<1x72xi32, #tpu.memory_space<vmem>>
      %dma_start3A_1120 = tpu.memref_squeeze %dma_start3A_1119 : memref<1x72xi32, #tpu.memory_space<vmem>> -> memref<72xi32, #tpu.memory_space<vmem>>
      %dma_start3A_1121 = arith.constant 0 : i32
      %dma_start3A_1122 = arith.constant 0 : i32
      %dma_start3A_1123 = tpu.memref_slice %arg15[%dma_start3A_1121, %dma_start3A_1122] : memref<10240x64xf32, #tpu.memory_space<vmem_shared>> -> memref<10240x64xf32, #tpu.memory_space<vmem_shared>>
      %dma_start3A_1124 = tpu.memref_slice %arg18[%dma_start3A_1113] : memref<7x!tpu.dma_semaphore, #tpu.memory_space<semaphore_mem>> -> memref<1x!tpu.dma_semaphore, #tpu.memory_space<semaphore_mem>>
      %dma_start3A_1125 = tpu.memref_squeeze %dma_start3A_1124 : memref<1x!tpu.dma_semaphore, #tpu.memory_space<semaphore_mem>> -> memref<!tpu.dma_semaphore, #tpu.memory_space<semaphore_mem>>
      tpu.enqueue_indirect_dma source(%dma_start3A_1117 : memref<72x64xf32, #tpu.memory_space<vmem>>) target(%dma_start3A_1123 : memref<10240x64xf32, #tpu.memory_space<vmem_shared>>) offsets(%dma_start3A_1120 : memref<72xi32, #tpu.memory_space<vmem>>) semaphore(%dma_start3A_1125 : memref<!tpu.dma_semaphore, #tpu.memory_space<semaphore_mem>>) {add = true}
      %dma_start3A_1126 = arith.constant 1 : i32
      %dma_start3A_1127 = arith.constant 0 : i32
      %dma_start3A_1128 = tpu.memref_slice %arg11[%add3A_1097, %dma_start3A_1127] : memref<70x72xi32, #tpu.memory_space<vmem>> -> memref<1x72xi32, #tpu.memory_space<vmem>>
      %dma_start3A_1129 = tpu.memref_squeeze %dma_start3A_1128 : memref<1x72xi32, #tpu.memory_space<vmem>> -> memref<72xi32, #tpu.memory_space<vmem>>
      %dma_start3A_1130 = arith.constant 0 : i32
      %dma_start3A_1131 = tpu.memref_slice %arg16[%dma_start3A_1130] : memref<10240xf32, #tpu.memory_space<vmem_shared>> -> memref<10240xf32, #tpu.memory_space<vmem_shared>>
      %dma_start3A_1132 = tpu.memref_slice %arg19[%dma_start3A_1126] : memref<7x!tpu.dma_semaphore, #tpu.memory_space<semaphore_mem>> -> memref<1x!tpu.dma_semaphore, #tpu.memory_space<semaphore_mem>>
      %dma_start3A_1133 = tpu.memref_squeeze %dma_start3A_1132 : memref<1x!tpu.dma_semaphore, #tpu.memory_space<semaphore_mem>> -> memref<!tpu.dma_semaphore, #tpu.memory_space<semaphore_mem>>
      tpu.enqueue_indirect_dma source(%arg13 : memref<72xf32, #tpu.memory_space<vmem>>) target(%dma_start3A_1131 : memref<10240xf32, #tpu.memory_space<vmem_shared>>) offsets(%dma_start3A_1129 : memref<72xi32, #tpu.memory_space<vmem>>) semaphore(%dma_start3A_1133 : memref<!tpu.dma_semaphore, #tpu.memory_space<semaphore_mem>>) {add = true}
      %add3A_1134 = arith.constant 2 : i32
      %add3A_1135 = arith.addi %mul3A_1057, %add3A_1134 : i32
      %dma_wait3A_1136 = arith.constant 2 : i32
      %dma_wait3A_1137 = arith.constant 2 : i32
      %dma_wait3A_1138 = arith.constant 0 : i32
      %dma_wait3A_1139 = arith.constant 0 : i32
      %dma_wait3A_1140 = tpu.memref_slice %arg12[%dma_wait3A_1136, %dma_wait3A_1138, %dma_wait3A_1139] : memref<7x72x64xf32, #tpu.memory_space<vmem>> -> memref<1x72x64xf32, #tpu.memory_space<vmem>>
      %dma_wait3A_1141 = tpu.memref_squeeze %dma_wait3A_1140 : memref<1x72x64xf32, #tpu.memory_space<vmem>> -> memref<72x64xf32, #tpu.memory_space<vmem>>
      %dma_wait3A_1142 = arith.constant 0 : i32
      %dma_wait3A_1143 = tpu.memref_slice %arg10[%add3A_1135, %dma_wait3A_1142] : memref<70x72xi32, #tpu.memory_space<vmem>> -> memref<1x72xi32, #tpu.memory_space<vmem>>
      %dma_wait3A_1144 = tpu.memref_squeeze %dma_wait3A_1143 : memref<1x72xi32, #tpu.memory_space<vmem>> -> memref<72xi32, #tpu.memory_space<vmem>>
      %dma_wait3A_1145 = arith.constant 0 : i32
      %dma_wait3A_1146 = arith.constant 0 : i32
      %dma_wait3A_1147 = tpu.memref_slice %arg14[%dma_wait3A_1145, %dma_wait3A_1146] : memref<10000x64xf32, #tpu.memory_space<vmem_shared>> -> memref<10000x64xf32, #tpu.memory_space<vmem_shared>>
      %dma_wait3A_1148 = tpu.memref_slice %arg17[%dma_wait3A_1137] : memref<7x!tpu.dma_semaphore, #tpu.memory_space<semaphore_mem>> -> memref<1x!tpu.dma_semaphore, #tpu.memory_space<semaphore_mem>>
      %dma_wait3A_1149 = tpu.memref_squeeze %dma_wait3A_1148 : memref<1x!tpu.dma_semaphore, #tpu.memory_space<semaphore_mem>> -> memref<!tpu.dma_semaphore, #tpu.memory_space<semaphore_mem>>
      tpu.wait_indirect_dma semaphore(%dma_wait3A_1149 : memref<!tpu.dma_semaphore, #tpu.memory_space<semaphore_mem>>) src(%dma_wait3A_1147 : memref<10000x64xf32, #tpu.memory_space<vmem_shared>>) dst(%dma_wait3A_1141 : memref<72x64xf32, #tpu.memory_space<vmem>>)
      %dma_start3A_1150 = arith.constant 2 : i32
      %dma_start3A_1151 = arith.constant 2 : i32
      %dma_start3A_1152 = arith.constant 0 : i32
      %dma_start3A_1153 = arith.constant 0 : i32
      %dma_start3A_1154 = tpu.memref_slice %arg12[%dma_start3A_1150, %dma_start3A_1152, %dma_start3A_1153] : memref<7x72x64xf32, #tpu.memory_space<vmem>> -> memref<1x72x64xf32, #tpu.memory_space<vmem>>
      %dma_start3A_1155 = tpu.memref_squeeze %dma_start3A_1154 : memref<1x72x64xf32, #tpu.memory_space<vmem>> -> memref<72x64xf32, #tpu.memory_space<vmem>>
      %dma_start3A_1156 = arith.constant 0 : i32
      %dma_start3A_1157 = tpu.memref_slice %arg11[%add3A_1135, %dma_start3A_1156] : memref<70x72xi32, #tpu.memory_space<vmem>> -> memref<1x72xi32, #tpu.memory_space<vmem>>
      %dma_start3A_1158 = tpu.memref_squeeze %dma_start3A_1157 : memref<1x72xi32, #tpu.memory_space<vmem>> -> memref<72xi32, #tpu.memory_space<vmem>>
      %dma_start3A_1159 = arith.constant 0 : i32
      %dma_start3A_1160 = arith.constant 0 : i32
      %dma_start3A_1161 = tpu.memref_slice %arg15[%dma_start3A_1159, %dma_start3A_1160] : memref<10240x64xf32, #tpu.memory_space<vmem_shared>> -> memref<10240x64xf32, #tpu.memory_space<vmem_shared>>
      %dma_start3A_1162 = tpu.memref_slice %arg18[%dma_start3A_1151] : memref<7x!tpu.dma_semaphore, #tpu.memory_space<semaphore_mem>> -> memref<1x!tpu.dma_semaphore, #tpu.memory_space<semaphore_mem>>
      %dma_start3A_1163 = tpu.memref_squeeze %dma_start3A_1162 : memref<1x!tpu.dma_semaphore, #tpu.memory_space<semaphore_mem>> -> memref<!tpu.dma_semaphore, #tpu.memory_space<semaphore_mem>>
      tpu.enqueue_indirect_dma source(%dma_start3A_1155 : memref<72x64xf32, #tpu.memory_space<vmem>>) target(%dma_start3A_1161 : memref<10240x64xf32, #tpu.memory_space<vmem_shared>>) offsets(%dma_start3A_1158 : memref<72xi32, #tpu.memory_space<vmem>>) semaphore(%dma_start3A_1163 : memref<!tpu.dma_semaphore, #tpu.memory_space<semaphore_mem>>) {add = true}
      %dma_start3A_1164 = arith.constant 2 : i32
      %dma_start3A_1165 = arith.constant 0 : i32
      %dma_start3A_1166 = tpu.memref_slice %arg11[%add3A_1135, %dma_start3A_1165] : memref<70x72xi32, #tpu.memory_space<vmem>> -> memref<1x72xi32, #tpu.memory_space<vmem>>
      %dma_start3A_1167 = tpu.memref_squeeze %dma_start3A_1166 : memref<1x72xi32, #tpu.memory_space<vmem>> -> memref<72xi32, #tpu.memory_space<vmem>>
      %dma_start3A_1168 = arith.constant 0 : i32
      %dma_start3A_1169 = tpu.memref_slice %arg16[%dma_start3A_1168] : memref<10240xf32, #tpu.memory_space<vmem_shared>> -> memref<10240xf32, #tpu.memory_space<vmem_shared>>
      %dma_start3A_1170 = tpu.memref_slice %arg19[%dma_start3A_1164] : memref<7x!tpu.dma_semaphore, #tpu.memory_space<semaphore_mem>> -> memref<1x!tpu.dma_semaphore, #tpu.memory_space<semaphore_mem>>
      %dma_start3A_1171 = tpu.memref_squeeze %dma_start3A_1170 : memref<1x!tpu.dma_semaphore, #tpu.memory_space<semaphore_mem>> -> memref<!tpu.dma_semaphore, #tpu.memory_space<semaphore_mem>>
      tpu.enqueue_indirect_dma source(%arg13 : memref<72xf32, #tpu.memory_space<vmem>>) target(%dma_start3A_1169 : memref<10240xf32, #tpu.memory_space<vmem_shared>>) offsets(%dma_start3A_1167 : memref<72xi32, #tpu.memory_space<vmem>>) semaphore(%dma_start3A_1171 : memref<!tpu.dma_semaphore, #tpu.memory_space<semaphore_mem>>) {add = true}
      %add3A_1172 = arith.constant 3 : i32
      %add3A_1173 = arith.addi %mul3A_1057, %add3A_1172 : i32
      %dma_wait3A_1174 = arith.constant 3 : i32
      %dma_wait3A_1175 = arith.constant 3 : i32
      %dma_wait3A_1176 = arith.constant 0 : i32
      %dma_wait3A_1177 = arith.constant 0 : i32
      %dma_wait3A_1178 = tpu.memref_slice %arg12[%dma_wait3A_1174, %dma_wait3A_1176, %dma_wait3A_1177] : memref<7x72x64xf32, #tpu.memory_space<vmem>> -> memref<1x72x64xf32, #tpu.memory_space<vmem>>
      %dma_wait3A_1179 = tpu.memref_squeeze %dma_wait3A_1178 : memref<1x72x64xf32, #tpu.memory_space<vmem>> -> memref<72x64xf32, #tpu.memory_space<vmem>>
      %dma_wait3A_1180 = arith.constant 0 : i32
      %dma_wait3A_1181 = tpu.memref_slice %arg10[%add3A_1173, %dma_wait3A_1180] : memref<70x72xi32, #tpu.memory_space<vmem>> -> memref<1x72xi32, #tpu.memory_space<vmem>>
      %dma_wait3A_1182 = tpu.memref_squeeze %dma_wait3A_1181 : memref<1x72xi32, #tpu.memory_space<vmem>> -> memref<72xi32, #tpu.memory_space<vmem>>
      %dma_wait3A_1183 = arith.constant 0 : i32
      %dma_wait3A_1184 = arith.constant 0 : i32
      %dma_wait3A_1185 = tpu.memref_slice %arg14[%dma_wait3A_1183, %dma_wait3A_1184] : memref<10000x64xf32, #tpu.memory_space<vmem_shared>> -> memref<10000x64xf32, #tpu.memory_space<vmem_shared>>
      %dma_wait3A_1186 = tpu.memref_slice %arg17[%dma_wait3A_1175] : memref<7x!tpu.dma_semaphore, #tpu.memory_space<semaphore_mem>> -> memref<1x!tpu.dma_semaphore, #tpu.memory_space<semaphore_mem>>
      %dma_wait3A_1187 = tpu.memref_squeeze %dma_wait3A_1186 : memref<1x!tpu.dma_semaphore, #tpu.memory_space<semaphore_mem>> -> memref<!tpu.dma_semaphore, #tpu.memory_space<semaphore_mem>>
      tpu.wait_indirect_dma semaphore(%dma_wait3A_1187 : memref<!tpu.dma_semaphore, #tpu.memory_space<semaphore_mem>>) src(%dma_wait3A_1185 : memref<10000x64xf32, #tpu.memory_space<vmem_shared>>) dst(%dma_wait3A_1179 : memref<72x64xf32, #tpu.memory_space<vmem>>)
      %dma_start3A_1188 = arith.constant 3 : i32
      %dma_start3A_1189 = arith.constant 3 : i32
      %dma_start3A_1190 = arith.constant 0 : i32
      %dma_start3A_1191 = arith.constant 0 : i32
      %dma_start3A_1192 = tpu.memref_slice %arg12[%dma_start3A_1188, %dma_start3A_1190, %dma_start3A_1191] : memref<7x72x64xf32, #tpu.memory_space<vmem>> -> memref<1x72x64xf32, #tpu.memory_space<vmem>>
      %dma_start3A_1193 = tpu.memref_squeeze %dma_start3A_1192 : memref<1x72x64xf32, #tpu.memory_space<vmem>> -> memref<72x64xf32, #tpu.memory_space<vmem>>
      %dma_start3A_1194 = arith.constant 0 : i32
      %dma_start3A_1195 = tpu.memref_slice %arg11[%add3A_1173, %dma_start3A_1194] : memref<70x72xi32, #tpu.memory_space<vmem>> -> memref<1x72xi32, #tpu.memory_space<vmem>>
      %dma_start3A_1196 = tpu.memref_squeeze %dma_start3A_1195 : memref<1x72xi32, #tpu.memory_space<vmem>> -> memref<72xi32, #tpu.memory_space<vmem>>
      %dma_start3A_1197 = arith.constant 0 : i32
      %dma_start3A_1198 = arith.constant 0 : i32
      %dma_start3A_1199 = tpu.memref_slice %arg15[%dma_start3A_1197, %dma_start3A_1198] : memref<10240x64xf32, #tpu.memory_space<vmem_shared>> -> memref<10240x64xf32, #tpu.memory_space<vmem_shared>>
      %dma_start3A_1200 = tpu.memref_slice %arg18[%dma_start3A_1189] : memref<7x!tpu.dma_semaphore, #tpu.memory_space<semaphore_mem>> -> memref<1x!tpu.dma_semaphore, #tpu.memory_space<semaphore_mem>>
      %dma_start3A_1201 = tpu.memref_squeeze %dma_start3A_1200 : memref<1x!tpu.dma_semaphore, #tpu.memory_space<semaphore_mem>> -> memref<!tpu.dma_semaphore, #tpu.memory_space<semaphore_mem>>
      tpu.enqueue_indirect_dma source(%dma_start3A_1193 : memref<72x64xf32, #tpu.memory_space<vmem>>) target(%dma_start3A_1199 : memref<10240x64xf32, #tpu.memory_space<vmem_shared>>) offsets(%dma_start3A_1196 : memref<72xi32, #tpu.memory_space<vmem>>) semaphore(%dma_start3A_1201 : memref<!tpu.dma_semaphore, #tpu.memory_space<semaphore_mem>>) {add = true}
      %dma_start3A_1202 = arith.constant 3 : i32
      %dma_start3A_1203 = arith.constant 0 : i32
      %dma_start3A_1204 = tpu.memref_slice %arg11[%add3A_1173, %dma_start3A_1203] : memref<70x72xi32, #tpu.memory_space<vmem>> -> memref<1x72xi32, #tpu.memory_space<vmem>>
      %dma_start3A_1205 = tpu.memref_squeeze %dma_start3A_1204 : memref<1x72xi32, #tpu.memory_space<vmem>> -> memref<72xi32, #tpu.memory_space<vmem>>
      %dma_start3A_1206 = arith.constant 0 : i32
      %dma_start3A_1207 = tpu.memref_slice %arg16[%dma_start3A_1206] : memref<10240xf32, #tpu.memory_space<vmem_shared>> -> memref<10240xf32, #tpu.memory_space<vmem_shared>>
      %dma_start3A_1208 = tpu.memref_slice %arg19[%dma_start3A_1202] : memref<7x!tpu.dma_semaphore, #tpu.memory_space<semaphore_mem>> -> memref<1x!tpu.dma_semaphore, #tpu.memory_space<semaphore_mem>>
      %dma_start3A_1209 = tpu.memref_squeeze %dma_start3A_1208 : memref<1x!tpu.dma_semaphore, #tpu.memory_space<semaphore_mem>> -> memref<!tpu.dma_semaphore, #tpu.memory_space<semaphore_mem>>
      tpu.enqueue_indirect_dma source(%arg13 : memref<72xf32, #tpu.memory_space<vmem>>) target(%dma_start3A_1207 : memref<10240xf32, #tpu.memory_space<vmem_shared>>) offsets(%dma_start3A_1205 : memref<72xi32, #tpu.memory_space<vmem>>) semaphore(%dma_start3A_1209 : memref<!tpu.dma_semaphore, #tpu.memory_space<semaphore_mem>>) {add = true}
      %add3A_1210 = arith.constant 4 : i32
      %add3A_1211 = arith.addi %mul3A_1057, %add3A_1210 : i32
      %dma_wait3A_1212 = arith.constant 4 : i32
      %dma_wait3A_1213 = arith.constant 4 : i32
      %dma_wait3A_1214 = arith.constant 0 : i32
      %dma_wait3A_1215 = arith.constant 0 : i32
      %dma_wait3A_1216 = tpu.memref_slice %arg12[%dma_wait3A_1212, %dma_wait3A_1214, %dma_wait3A_1215] : memref<7x72x64xf32, #tpu.memory_space<vmem>> -> memref<1x72x64xf32, #tpu.memory_space<vmem>>
      %dma_wait3A_1217 = tpu.memref_squeeze %dma_wait3A_1216 : memref<1x72x64xf32, #tpu.memory_space<vmem>> -> memref<72x64xf32, #tpu.memory_space<vmem>>
      %dma_wait3A_1218 = arith.constant 0 : i32
      %dma_wait3A_1219 = tpu.memref_slice %arg10[%add3A_1211, %dma_wait3A_1218] : memref<70x72xi32, #tpu.memory_space<vmem>> -> memref<1x72xi32, #tpu.memory_space<vmem>>
      %dma_wait3A_1220 = tpu.memref_squeeze %dma_wait3A_1219 : memref<1x72xi32, #tpu.memory_space<vmem>> -> memref<72xi32, #tpu.memory_space<vmem>>
      %dma_wait3A_1221 = arith.constant 0 : i32
      %dma_wait3A_1222 = arith.constant 0 : i32
      %dma_wait3A_1223 = tpu.memref_slice %arg14[%dma_wait3A_1221, %dma_wait3A_1222] : memref<10000x64xf32, #tpu.memory_space<vmem_shared>> -> memref<10000x64xf32, #tpu.memory_space<vmem_shared>>
      %dma_wait3A_1224 = tpu.memref_slice %arg17[%dma_wait3A_1213] : memref<7x!tpu.dma_semaphore, #tpu.memory_space<semaphore_mem>> -> memref<1x!tpu.dma_semaphore, #tpu.memory_space<semaphore_mem>>
      %dma_wait3A_1225 = tpu.memref_squeeze %dma_wait3A_1224 : memref<1x!tpu.dma_semaphore, #tpu.memory_space<semaphore_mem>> -> memref<!tpu.dma_semaphore, #tpu.memory_space<semaphore_mem>>
      tpu.wait_indirect_dma semaphore(%dma_wait3A_1225 : memref<!tpu.dma_semaphore, #tpu.memory_space<semaphore_mem>>) src(%dma_wait3A_1223 : memref<10000x64xf32, #tpu.memory_space<vmem_shared>>) dst(%dma_wait3A_1217 : memref<72x64xf32, #tpu.memory_space<vmem>>)
      %dma_start3A_1226 = arith.constant 4 : i32
      %dma_start3A_1227 = arith.constant 4 : i32
      %dma_start3A_1228 = arith.constant 0 : i32
      %dma_start3A_1229 = arith.constant 0 : i32
      %dma_start3A_1230 = tpu.memref_slice %arg12[%dma_start3A_1226, %dma_start3A_1228, %dma_start3A_1229] : memref<7x72x64xf32, #tpu.memory_space<vmem>> -> memref<1x72x64xf32, #tpu.memory_space<vmem>>
      %dma_start3A_1231 = tpu.memref_squeeze %dma_start3A_1230 : memref<1x72x64xf32, #tpu.memory_space<vmem>> -> memref<72x64xf32, #tpu.memory_space<vmem>>
      %dma_start3A_1232 = arith.constant 0 : i32
      %dma_start3A_1233 = tpu.memref_slice %arg11[%add3A_1211, %dma_start3A_1232] : memref<70x72xi32, #tpu.memory_space<vmem>> -> memref<1x72xi32, #tpu.memory_space<vmem>>
      %dma_start3A_1234 = tpu.memref_squeeze %dma_start3A_1233 : memref<1x72xi32, #tpu.memory_space<vmem>> -> memref<72xi32, #tpu.memory_space<vmem>>
      %dma_start3A_1235 = arith.constant 0 : i32
      %dma_start3A_1236 = arith.constant 0 : i32
      %dma_start3A_1237 = tpu.memref_slice %arg15[%dma_start3A_1235, %dma_start3A_1236] : memref<10240x64xf32, #tpu.memory_space<vmem_shared>> -> memref<10240x64xf32, #tpu.memory_space<vmem_shared>>
      %dma_start3A_1238 = tpu.memref_slice %arg18[%dma_start3A_1227] : memref<7x!tpu.dma_semaphore, #tpu.memory_space<semaphore_mem>> -> memref<1x!tpu.dma_semaphore, #tpu.memory_space<semaphore_mem>>
      %dma_start3A_1239 = tpu.memref_squeeze %dma_start3A_1238 : memref<1x!tpu.dma_semaphore, #tpu.memory_space<semaphore_mem>> -> memref<!tpu.dma_semaphore, #tpu.memory_space<semaphore_mem>>
      tpu.enqueue_indirect_dma source(%dma_start3A_1231 : memref<72x64xf32, #tpu.memory_space<vmem>>) target(%dma_start3A_1237 : memref<10240x64xf32, #tpu.memory_space<vmem_shared>>) offsets(%dma_start3A_1234 : memref<72xi32, #tpu.memory_space<vmem>>) semaphore(%dma_start3A_1239 : memref<!tpu.dma_semaphore, #tpu.memory_space<semaphore_mem>>) {add = true}
      %dma_start3A_1240 = arith.constant 4 : i32
      %dma_start3A_1241 = arith.constant 0 : i32
      %dma_start3A_1242 = tpu.memref_slice %arg11[%add3A_1211, %dma_start3A_1241] : memref<70x72xi32, #tpu.memory_space<vmem>> -> memref<1x72xi32, #tpu.memory_space<vmem>>
      %dma_start3A_1243 = tpu.memref_squeeze %dma_start3A_1242 : memref<1x72xi32, #tpu.memory_space<vmem>> -> memref<72xi32, #tpu.memory_space<vmem>>
      %dma_start3A_1244 = arith.constant 0 : i32
      %dma_start3A_1245 = tpu.memref_slice %arg16[%dma_start3A_1244] : memref<10240xf32, #tpu.memory_space<vmem_shared>> -> memref<10240xf32, #tpu.memory_space<vmem_shared>>
      %dma_start3A_1246 = tpu.memref_slice %arg19[%dma_start3A_1240] : memref<7x!tpu.dma_semaphore, #tpu.memory_space<semaphore_mem>> -> memref<1x!tpu.dma_semaphore, #tpu.memory_space<semaphore_mem>>
      %dma_start3A_1247 = tpu.memref_squeeze %dma_start3A_1246 : memref<1x!tpu.dma_semaphore, #tpu.memory_space<semaphore_mem>> -> memref<!tpu.dma_semaphore, #tpu.memory_space<semaphore_mem>>
      tpu.enqueue_indirect_dma source(%arg13 : memref<72xf32, #tpu.memory_space<vmem>>) target(%dma_start3A_1245 : memref<10240xf32, #tpu.memory_space<vmem_shared>>) offsets(%dma_start3A_1243 : memref<72xi32, #tpu.memory_space<vmem>>) semaphore(%dma_start3A_1247 : memref<!tpu.dma_semaphore, #tpu.memory_space<semaphore_mem>>) {add = true}
      %add3A_1248 = arith.constant 5 : i32
      %add3A_1249 = arith.addi %mul3A_1057, %add3A_1248 : i32
      %dma_wait3A_1250 = arith.constant 5 : i32
      %dma_wait3A_1251 = arith.constant 5 : i32
      %dma_wait3A_1252 = arith.constant 0 : i32
      %dma_wait3A_1253 = arith.constant 0 : i32
      %dma_wait3A_1254 = tpu.memref_slice %arg12[%dma_wait3A_1250, %dma_wait3A_1252, %dma_wait3A_1253] : memref<7x72x64xf32, #tpu.memory_space<vmem>> -> memref<1x72x64xf32, #tpu.memory_space<vmem>>
      %dma_wait3A_1255 = tpu.memref_squeeze %dma_wait3A_1254 : memref<1x72x64xf32, #tpu.memory_space<vmem>> -> memref<72x64xf32, #tpu.memory_space<vmem>>
      %dma_wait3A_1256 = arith.constant 0 : i32
      %dma_wait3A_1257 = tpu.memref_slice %arg10[%add3A_1249, %dma_wait3A_1256] : memref<70x72xi32, #tpu.memory_space<vmem>> -> memref<1x72xi32, #tpu.memory_space<vmem>>
      %dma_wait3A_1258 = tpu.memref_squeeze %dma_wait3A_1257 : memref<1x72xi32, #tpu.memory_space<vmem>> -> memref<72xi32, #tpu.memory_space<vmem>>
      %dma_wait3A_1259 = arith.constant 0 : i32
      %dma_wait3A_1260 = arith.constant 0 : i32
      %dma_wait3A_1261 = tpu.memref_slice %arg14[%dma_wait3A_1259, %dma_wait3A_1260] : memref<10000x64xf32, #tpu.memory_space<vmem_shared>> -> memref<10000x64xf32, #tpu.memory_space<vmem_shared>>
      %dma_wait3A_1262 = tpu.memref_slice %arg17[%dma_wait3A_1251] : memref<7x!tpu.dma_semaphore, #tpu.memory_space<semaphore_mem>> -> memref<1x!tpu.dma_semaphore, #tpu.memory_space<semaphore_mem>>
      %dma_wait3A_1263 = tpu.memref_squeeze %dma_wait3A_1262 : memref<1x!tpu.dma_semaphore, #tpu.memory_space<semaphore_mem>> -> memref<!tpu.dma_semaphore, #tpu.memory_space<semaphore_mem>>
      tpu.wait_indirect_dma semaphore(%dma_wait3A_1263 : memref<!tpu.dma_semaphore, #tpu.memory_space<semaphore_mem>>) src(%dma_wait3A_1261 : memref<10000x64xf32, #tpu.memory_space<vmem_shared>>) dst(%dma_wait3A_1255 : memref<72x64xf32, #tpu.memory_space<vmem>>)
      %dma_start3A_1264 = arith.constant 5 : i32
      %dma_start3A_1265 = arith.constant 5 : i32
      %dma_start3A_1266 = arith.constant 0 : i32
      %dma_start3A_1267 = arith.constant 0 : i32
      %dma_start3A_1268 = tpu.memref_slice %arg12[%dma_start3A_1264, %dma_start3A_1266, %dma_start3A_1267] : memref<7x72x64xf32, #tpu.memory_space<vmem>> -> memref<1x72x64xf32, #tpu.memory_space<vmem>>
      %dma_start3A_1269 = tpu.memref_squeeze %dma_start3A_1268 : memref<1x72x64xf32, #tpu.memory_space<vmem>> -> memref<72x64xf32, #tpu.memory_space<vmem>>
      %dma_start3A_1270 = arith.constant 0 : i32
      %dma_start3A_1271 = tpu.memref_slice %arg11[%add3A_1249, %dma_start3A_1270] : memref<70x72xi32, #tpu.memory_space<vmem>> -> memref<1x72xi32, #tpu.memory_space<vmem>>
      %dma_start3A_1272 = tpu.memref_squeeze %dma_start3A_1271 : memref<1x72xi32, #tpu.memory_space<vmem>> -> memref<72xi32, #tpu.memory_space<vmem>>
      %dma_start3A_1273 = arith.constant 0 : i32
      %dma_start3A_1274 = arith.constant 0 : i32
      %dma_start3A_1275 = tpu.memref_slice %arg15[%dma_start3A_1273, %dma_start3A_1274] : memref<10240x64xf32, #tpu.memory_space<vmem_shared>> -> memref<10240x64xf32, #tpu.memory_space<vmem_shared>>
      %dma_start3A_1276 = tpu.memref_slice %arg18[%dma_start3A_1265] : memref<7x!tpu.dma_semaphore, #tpu.memory_space<semaphore_mem>> -> memref<1x!tpu.dma_semaphore, #tpu.memory_space<semaphore_mem>>
      %dma_start3A_1277 = tpu.memref_squeeze %dma_start3A_1276 : memref<1x!tpu.dma_semaphore, #tpu.memory_space<semaphore_mem>> -> memref<!tpu.dma_semaphore, #tpu.memory_space<semaphore_mem>>
      tpu.enqueue_indirect_dma source(%dma_start3A_1269 : memref<72x64xf32, #tpu.memory_space<vmem>>) target(%dma_start3A_1275 : memref<10240x64xf32, #tpu.memory_space<vmem_shared>>) offsets(%dma_start3A_1272 : memref<72xi32, #tpu.memory_space<vmem>>) semaphore(%dma_start3A_1277 : memref<!tpu.dma_semaphore, #tpu.memory_space<semaphore_mem>>) {add = true}
      %dma_start3A_1278 = arith.constant 5 : i32
      %dma_start3A_1279 = arith.constant 0 : i32
      %dma_start3A_1280 = tpu.memref_slice %arg11[%add3A_1249, %dma_start3A_1279] : memref<70x72xi32, #tpu.memory_space<vmem>> -> memref<1x72xi32, #tpu.memory_space<vmem>>
      %dma_start3A_1281 = tpu.memref_squeeze %dma_start3A_1280 : memref<1x72xi32, #tpu.memory_space<vmem>> -> memref<72xi32, #tpu.memory_space<vmem>>
      %dma_start3A_1282 = arith.constant 0 : i32
      %dma_start3A_1283 = tpu.memref_slice %arg16[%dma_start3A_1282] : memref<10240xf32, #tpu.memory_space<vmem_shared>> -> memref<10240xf32, #tpu.memory_space<vmem_shared>>
      %dma_start3A_1284 = tpu.memref_slice %arg19[%dma_start3A_1278] : memref<7x!tpu.dma_semaphore, #tpu.memory_space<semaphore_mem>> -> memref<1x!tpu.dma_semaphore, #tpu.memory_space<semaphore_mem>>
      %dma_start3A_1285 = tpu.memref_squeeze %dma_start3A_1284 : memref<1x!tpu.dma_semaphore, #tpu.memory_space<semaphore_mem>> -> memref<!tpu.dma_semaphore, #tpu.memory_space<semaphore_mem>>
      tpu.enqueue_indirect_dma source(%arg13 : memref<72xf32, #tpu.memory_space<vmem>>) target(%dma_start3A_1283 : memref<10240xf32, #tpu.memory_space<vmem_shared>>) offsets(%dma_start3A_1281 : memref<72xi32, #tpu.memory_space<vmem>>) semaphore(%dma_start3A_1285 : memref<!tpu.dma_semaphore, #tpu.memory_space<semaphore_mem>>) {add = true}
      %add3A_1286 = arith.constant 6 : i32
      %add3A_1287 = arith.addi %mul3A_1057, %add3A_1286 : i32
      %dma_wait3A_1288 = arith.constant 6 : i32
      %dma_wait3A_1289 = arith.constant 6 : i32
      %dma_wait3A_1290 = arith.constant 0 : i32
      %dma_wait3A_1291 = arith.constant 0 : i32
      %dma_wait3A_1292 = tpu.memref_slice %arg12[%dma_wait3A_1288, %dma_wait3A_1290, %dma_wait3A_1291] : memref<7x72x64xf32, #tpu.memory_space<vmem>> -> memref<1x72x64xf32, #tpu.memory_space<vmem>>
      %dma_wait3A_1293 = tpu.memref_squeeze %dma_wait3A_1292 : memref<1x72x64xf32, #tpu.memory_space<vmem>> -> memref<72x64xf32, #tpu.memory_space<vmem>>
      %dma_wait3A_1294 = arith.constant 0 : i32
      %dma_wait3A_1295 = tpu.memref_slice %arg10[%add3A_1287, %dma_wait3A_1294] : memref<70x72xi32, #tpu.memory_space<vmem>> -> memref<1x72xi32, #tpu.memory_space<vmem>>
      %dma_wait3A_1296 = tpu.memref_squeeze %dma_wait3A_1295 : memref<1x72xi32, #tpu.memory_space<vmem>> -> memref<72xi32, #tpu.memory_space<vmem>>
      %dma_wait3A_1297 = arith.constant 0 : i32
      %dma_wait3A_1298 = arith.constant 0 : i32
      %dma_wait3A_1299 = tpu.memref_slice %arg14[%dma_wait3A_1297, %dma_wait3A_1298] : memref<10000x64xf32, #tpu.memory_space<vmem_shared>> -> memref<10000x64xf32, #tpu.memory_space<vmem_shared>>
      %dma_wait3A_1300 = tpu.memref_slice %arg17[%dma_wait3A_1289] : memref<7x!tpu.dma_semaphore, #tpu.memory_space<semaphore_mem>> -> memref<1x!tpu.dma_semaphore, #tpu.memory_space<semaphore_mem>>
      %dma_wait3A_1301 = tpu.memref_squeeze %dma_wait3A_1300 : memref<1x!tpu.dma_semaphore, #tpu.memory_space<semaphore_mem>> -> memref<!tpu.dma_semaphore, #tpu.memory_space<semaphore_mem>>
      tpu.wait_indirect_dma semaphore(%dma_wait3A_1301 : memref<!tpu.dma_semaphore, #tpu.memory_space<semaphore_mem>>) src(%dma_wait3A_1299 : memref<10000x64xf32, #tpu.memory_space<vmem_shared>>) dst(%dma_wait3A_1293 : memref<72x64xf32, #tpu.memory_space<vmem>>)
      %dma_start3A_1302 = arith.constant 6 : i32
      %dma_start3A_1303 = arith.constant 6 : i32
      %dma_start3A_1304 = arith.constant 0 : i32
      %dma_start3A_1305 = arith.constant 0 : i32
      %dma_start3A_1306 = tpu.memref_slice %arg12[%dma_start3A_1302, %dma_start3A_1304, %dma_start3A_1305] : memref<7x72x64xf32, #tpu.memory_space<vmem>> -> memref<1x72x64xf32, #tpu.memory_space<vmem>>
      %dma_start3A_1307 = tpu.memref_squeeze %dma_start3A_1306 : memref<1x72x64xf32, #tpu.memory_space<vmem>> -> memref<72x64xf32, #tpu.memory_space<vmem>>
      %dma_start3A_1308 = arith.constant 0 : i32
      %dma_start3A_1309 = tpu.memref_slice %arg11[%add3A_1287, %dma_start3A_1308] : memref<70x72xi32, #tpu.memory_space<vmem>> -> memref<1x72xi32, #tpu.memory_space<vmem>>
      %dma_start3A_1310 = tpu.memref_squeeze %dma_start3A_1309 : memref<1x72xi32, #tpu.memory_space<vmem>> -> memref<72xi32, #tpu.memory_space<vmem>>
      %dma_start3A_1311 = arith.constant 0 : i32
      %dma_start3A_1312 = arith.constant 0 : i32
      %dma_start3A_1313 = tpu.memref_slice %arg15[%dma_start3A_1311, %dma_start3A_1312] : memref<10240x64xf32, #tpu.memory_space<vmem_shared>> -> memref<10240x64xf32, #tpu.memory_space<vmem_shared>>
      %dma_start3A_1314 = tpu.memref_slice %arg18[%dma_start3A_1303] : memref<7x!tpu.dma_semaphore, #tpu.memory_space<semaphore_mem>> -> memref<1x!tpu.dma_semaphore, #tpu.memory_space<semaphore_mem>>
      %dma_start3A_1315 = tpu.memref_squeeze %dma_start3A_1314 : memref<1x!tpu.dma_semaphore, #tpu.memory_space<semaphore_mem>> -> memref<!tpu.dma_semaphore, #tpu.memory_space<semaphore_mem>>
      tpu.enqueue_indirect_dma source(%dma_start3A_1307 : memref<72x64xf32, #tpu.memory_space<vmem>>) target(%dma_start3A_1313 : memref<10240x64xf32, #tpu.memory_space<vmem_shared>>) offsets(%dma_start3A_1310 : memref<72xi32, #tpu.memory_space<vmem>>) semaphore(%dma_start3A_1315 : memref<!tpu.dma_semaphore, #tpu.memory_space<semaphore_mem>>) {add = true}
      %dma_start3A_1316 = arith.constant 6 : i32
      %dma_start3A_1317 = arith.constant 0 : i32
      %dma_start3A_1318 = tpu.memref_slice %arg11[%add3A_1287, %dma_start3A_1317] : memref<70x72xi32, #tpu.memory_space<vmem>> -> memref<1x72xi32, #tpu.memory_space<vmem>>
      %dma_start3A_1319 = tpu.memref_squeeze %dma_start3A_1318 : memref<1x72xi32, #tpu.memory_space<vmem>> -> memref<72xi32, #tpu.memory_space<vmem>>
      %dma_start3A_1320 = arith.constant 0 : i32
      %dma_start3A_1321 = tpu.memref_slice %arg16[%dma_start3A_1320] : memref<10240xf32, #tpu.memory_space<vmem_shared>> -> memref<10240xf32, #tpu.memory_space<vmem_shared>>
      %dma_start3A_1322 = tpu.memref_slice %arg19[%dma_start3A_1316] : memref<7x!tpu.dma_semaphore, #tpu.memory_space<semaphore_mem>> -> memref<1x!tpu.dma_semaphore, #tpu.memory_space<semaphore_mem>>
      %dma_start3A_1323 = tpu.memref_squeeze %dma_start3A_1322 : memref<1x!tpu.dma_semaphore, #tpu.memory_space<semaphore_mem>> -> memref<!tpu.dma_semaphore, #tpu.memory_space<semaphore_mem>>
      tpu.enqueue_indirect_dma source(%arg13 : memref<72xf32, #tpu.memory_space<vmem>>) target(%dma_start3A_1321 : memref<10240xf32, #tpu.memory_space<vmem_shared>>) offsets(%dma_start3A_1319 : memref<72xi32, #tpu.memory_space<vmem>>) semaphore(%dma_start3A_1323 : memref<!tpu.dma_semaphore, #tpu.memory_space<semaphore_mem>>) {add = true}
      %add3A_1324 = arith.constant 0 : i32
      %add3A_1325 = arith.addi %mul3A_1057, %add3A_1324 : i32
      %lt3A = arith.constant 9 : i32
      %lt3A_1326 = arith.cmpi slt, %scan3A_1055, %lt3A : i32
      %convert_element_type3A = arith.extui %lt3A_1326 : i1 to i32
      %cond3A = arith.constant 0 : i32
      %cond3A_1327 = arith.cmpi ne, %convert_element_type3A, %cond3A : i32
      scf.if %cond3A_1327 {
        %dma_wait3A_1370 = arith.constant 0 : i32
        %dma_wait3A_1371 = arith.constant 0 : i32
        %dma_wait3A_1372 = arith.constant 0 : i32
        %dma_wait3A_1373 = arith.constant 0 : i32
        %dma_wait3A_1374 = tpu.memref_slice %arg12[%dma_wait3A_1370, %dma_wait3A_1372, %dma_wait3A_1373] : memref<7x72x64xf32, #tpu.memory_space<vmem>> -> memref<1x72x64xf32, #tpu.memory_space<vmem>>
        %dma_wait3A_1375 = tpu.memref_squeeze %dma_wait3A_1374 : memref<1x72x64xf32, #tpu.memory_space<vmem>> -> memref<72x64xf32, #tpu.memory_space<vmem>>
        %dma_wait3A_1376 = arith.constant 0 : i32
        %dma_wait3A_1377 = tpu.memref_slice %arg11[%add3A_1325, %dma_wait3A_1376] : memref<70x72xi32, #tpu.memory_space<vmem>> -> memref<1x72xi32, #tpu.memory_space<vmem>>
        %dma_wait3A_1378 = tpu.memref_squeeze %dma_wait3A_1377 : memref<1x72xi32, #tpu.memory_space<vmem>> -> memref<72xi32, #tpu.memory_space<vmem>>
        %dma_wait3A_1379 = arith.constant 0 : i32
        %dma_wait3A_1380 = arith.constant 0 : i32
        %dma_wait3A_1381 = tpu.memref_slice %arg15[%dma_wait3A_1379, %dma_wait3A_1380] : memref<10240x64xf32, #tpu.memory_space<vmem_shared>> -> memref<10240x64xf32, #tpu.memory_space<vmem_shared>>
        %dma_wait3A_1382 = tpu.memref_slice %arg18[%dma_wait3A_1371] : memref<7x!tpu.dma_semaphore, #tpu.memory_space<semaphore_mem>> -> memref<1x!tpu.dma_semaphore, #tpu.memory_space<semaphore_mem>>
        %dma_wait3A_1383 = tpu.memref_squeeze %dma_wait3A_1382 : memref<1x!tpu.dma_semaphore, #tpu.memory_space<semaphore_mem>> -> memref<!tpu.dma_semaphore, #tpu.memory_space<semaphore_mem>>
        tpu.wait_indirect_dma semaphore(%dma_wait3A_1383 : memref<!tpu.dma_semaphore, #tpu.memory_space<semaphore_mem>>) src(%dma_wait3A_1375 : memref<72x64xf32, #tpu.memory_space<vmem>>) dst(%dma_wait3A_1381 : memref<10240x64xf32, #tpu.memory_space<vmem_shared>>)
        %dma_wait3A_1384 = arith.constant 0 : i32
        %dma_wait3A_1385 = arith.constant 0 : i32
        %dma_wait3A_1386 = tpu.memref_slice %arg11[%add3A_1325, %dma_wait3A_1385] : memref<70x72xi32, #tpu.memory_space<vmem>> -> memref<1x72xi32, #tpu.memory_space<vmem>>
        %dma_wait3A_1387 = tpu.memref_squeeze %dma_wait3A_1386 : memref<1x72xi32, #tpu.memory_space<vmem>> -> memref<72xi32, #tpu.memory_space<vmem>>
        %dma_wait3A_1388 = arith.constant 0 : i32
        %dma_wait3A_1389 = tpu.memref_slice %arg16[%dma_wait3A_1388] : memref<10240xf32, #tpu.memory_space<vmem_shared>> -> memref<10240xf32, #tpu.memory_space<vmem_shared>>
        %dma_wait3A_1390 = tpu.memref_slice %arg19[%dma_wait3A_1384] : memref<7x!tpu.dma_semaphore, #tpu.memory_space<semaphore_mem>> -> memref<1x!tpu.dma_semaphore, #tpu.memory_space<semaphore_mem>>
        %dma_wait3A_1391 = tpu.memref_squeeze %dma_wait3A_1390 : memref<1x!tpu.dma_semaphore, #tpu.memory_space<semaphore_mem>> -> memref<!tpu.dma_semaphore, #tpu.memory_space<semaphore_mem>>
        tpu.wait_indirect_dma semaphore(%dma_wait3A_1391 : memref<!tpu.dma_semaphore, #tpu.memory_space<semaphore_mem>>) src(%arg13 : memref<72xf32, #tpu.memory_space<vmem>>) dst(%dma_wait3A_1389 : memref<10240xf32, #tpu.memory_space<vmem_shared>>)
        %add3A_1392 = arith.constant 7 : i32
        %add3A_1393 = arith.addi %add3A_1325, %add3A_1392 : i32
        %dma_start3A_1394 = arith.constant 0 : i32
        %dma_start3A_1395 = arith.constant 0 : i32
        %dma_start3A_1396 = arith.constant 0 : i32
        %dma_start3A_1397 = arith.constant 0 : i32
        %dma_start3A_1398 = tpu.memref_slice %arg12[%dma_start3A_1394, %dma_start3A_1396, %dma_start3A_1397] : memref<7x72x64xf32, #tpu.memory_space<vmem>> -> memref<1x72x64xf32, #tpu.memory_space<vmem>>
        %dma_start3A_1399 = tpu.memref_squeeze %dma_start3A_1398 : memref<1x72x64xf32, #tpu.memory_space<vmem>> -> memref<72x64xf32, #tpu.memory_space<vmem>>
        %dma_start3A_1400 = arith.constant 0 : i32
        %dma_start3A_1401 = tpu.memref_slice %arg10[%add3A_1393, %dma_start3A_1400] : memref<70x72xi32, #tpu.memory_space<vmem>> -> memref<1x72xi32, #tpu.memory_space<vmem>>
        %dma_start3A_1402 = tpu.memref_squeeze %dma_start3A_1401 : memref<1x72xi32, #tpu.memory_space<vmem>> -> memref<72xi32, #tpu.memory_space<vmem>>
        %dma_start3A_1403 = arith.constant 0 : i32
        %dma_start3A_1404 = arith.constant 0 : i32
        %dma_start3A_1405 = tpu.memref_slice %arg14[%dma_start3A_1403, %dma_start3A_1404] : memref<10000x64xf32, #tpu.memory_space<vmem_shared>> -> memref<10000x64xf32, #tpu.memory_space<vmem_shared>>
        %dma_start3A_1406 = tpu.memref_slice %arg17[%dma_start3A_1395] : memref<7x!tpu.dma_semaphore, #tpu.memory_space<semaphore_mem>> -> memref<1x!tpu.dma_semaphore, #tpu.memory_space<semaphore_mem>>
        %dma_start3A_1407 = tpu.memref_squeeze %dma_start3A_1406 : memref<1x!tpu.dma_semaphore, #tpu.memory_space<semaphore_mem>> -> memref<!tpu.dma_semaphore, #tpu.memory_space<semaphore_mem>>
        tpu.enqueue_indirect_dma source(%dma_start3A_1405 : memref<10000x64xf32, #tpu.memory_space<vmem_shared>>) target(%dma_start3A_1399 : memref<72x64xf32, #tpu.memory_space<vmem>>) offsets(%dma_start3A_1402 : memref<72xi32, #tpu.memory_space<vmem>>) semaphore(%dma_start3A_1407 : memref<!tpu.dma_semaphore, #tpu.memory_space<semaphore_mem>>)
      } else {
      }
      %add3A_1328 = arith.constant 1 : i32
      %add3A_1329 = arith.addi %mul3A_1057, %add3A_1328 : i32
      %lt3A_1330 = arith.constant 9 : i32
      %lt3A_1331 = arith.cmpi slt, %scan3A_1055, %lt3A_1330 : i32
      %convert_element_type3A_1332 = arith.extui %lt3A_1331 : i1 to i32
      %cond3A_1333 = arith.constant 0 : i32
      %cond3A_1334 = arith.cmpi ne, %convert_element_type3A_1332, %cond3A_1333 : i32
      scf.if %cond3A_1334 {
        %dma_wait3A_1370 = arith.constant 1 : i32
        %dma_wait3A_1371 = arith.constant 1 : i32
        %dma_wait3A_1372 = arith.constant 0 : i32
        %dma_wait3A_1373 = arith.constant 0 : i32
        %dma_wait3A_1374 = tpu.memref_slice %arg12[%dma_wait3A_1370, %dma_wait3A_1372, %dma_wait3A_1373] : memref<7x72x64xf32, #tpu.memory_space<vmem>> -> memref<1x72x64xf32, #tpu.memory_space<vmem>>
        %dma_wait3A_1375 = tpu.memref_squeeze %dma_wait3A_1374 : memref<1x72x64xf32, #tpu.memory_space<vmem>> -> memref<72x64xf32, #tpu.memory_space<vmem>>
        %dma_wait3A_1376 = arith.constant 0 : i32
        %dma_wait3A_1377 = tpu.memref_slice %arg11[%add3A_1329, %dma_wait3A_1376] : memref<70x72xi32, #tpu.memory_space<vmem>> -> memref<1x72xi32, #tpu.memory_space<vmem>>
        %dma_wait3A_1378 = tpu.memref_squeeze %dma_wait3A_1377 : memref<1x72xi32, #tpu.memory_space<vmem>> -> memref<72xi32, #tpu.memory_space<vmem>>
        %dma_wait3A_1379 = arith.constant 0 : i32
        %dma_wait3A_1380 = arith.constant 0 : i32
        %dma_wait3A_1381 = tpu.memref_slice %arg15[%dma_wait3A_1379, %dma_wait3A_1380] : memref<10240x64xf32, #tpu.memory_space<vmem_shared>> -> memref<10240x64xf32, #tpu.memory_space<vmem_shared>>
        %dma_wait3A_1382 = tpu.memref_slice %arg18[%dma_wait3A_1371] : memref<7x!tpu.dma_semaphore, #tpu.memory_space<semaphore_mem>> -> memref<1x!tpu.dma_semaphore, #tpu.memory_space<semaphore_mem>>
        %dma_wait3A_1383 = tpu.memref_squeeze %dma_wait3A_1382 : memref<1x!tpu.dma_semaphore, #tpu.memory_space<semaphore_mem>> -> memref<!tpu.dma_semaphore, #tpu.memory_space<semaphore_mem>>
        tpu.wait_indirect_dma semaphore(%dma_wait3A_1383 : memref<!tpu.dma_semaphore, #tpu.memory_space<semaphore_mem>>) src(%dma_wait3A_1375 : memref<72x64xf32, #tpu.memory_space<vmem>>) dst(%dma_wait3A_1381 : memref<10240x64xf32, #tpu.memory_space<vmem_shared>>)
        %dma_wait3A_1384 = arith.constant 1 : i32
        %dma_wait3A_1385 = arith.constant 0 : i32
        %dma_wait3A_1386 = tpu.memref_slice %arg11[%add3A_1329, %dma_wait3A_1385] : memref<70x72xi32, #tpu.memory_space<vmem>> -> memref<1x72xi32, #tpu.memory_space<vmem>>
        %dma_wait3A_1387 = tpu.memref_squeeze %dma_wait3A_1386 : memref<1x72xi32, #tpu.memory_space<vmem>> -> memref<72xi32, #tpu.memory_space<vmem>>
        %dma_wait3A_1388 = arith.constant 0 : i32
        %dma_wait3A_1389 = tpu.memref_slice %arg16[%dma_wait3A_1388] : memref<10240xf32, #tpu.memory_space<vmem_shared>> -> memref<10240xf32, #tpu.memory_space<vmem_shared>>
        %dma_wait3A_1390 = tpu.memref_slice %arg19[%dma_wait3A_1384] : memref<7x!tpu.dma_semaphore, #tpu.memory_space<semaphore_mem>> -> memref<1x!tpu.dma_semaphore, #tpu.memory_space<semaphore_mem>>
        %dma_wait3A_1391 = tpu.memref_squeeze %dma_wait3A_1390 : memref<1x!tpu.dma_semaphore, #tpu.memory_space<semaphore_mem>> -> memref<!tpu.dma_semaphore, #tpu.memory_space<semaphore_mem>>
        tpu.wait_indirect_dma semaphore(%dma_wait3A_1391 : memref<!tpu.dma_semaphore, #tpu.memory_space<semaphore_mem>>) src(%arg13 : memref<72xf32, #tpu.memory_space<vmem>>) dst(%dma_wait3A_1389 : memref<10240xf32, #tpu.memory_space<vmem_shared>>)
        %add3A_1392 = arith.constant 7 : i32
        %add3A_1393 = arith.addi %add3A_1329, %add3A_1392 : i32
        %dma_start3A_1394 = arith.constant 1 : i32
        %dma_start3A_1395 = arith.constant 1 : i32
        %dma_start3A_1396 = arith.constant 0 : i32
        %dma_start3A_1397 = arith.constant 0 : i32
        %dma_start3A_1398 = tpu.memref_slice %arg12[%dma_start3A_1394, %dma_start3A_1396, %dma_start3A_1397] : memref<7x72x64xf32, #tpu.memory_space<vmem>> -> memref<1x72x64xf32, #tpu.memory_space<vmem>>
        %dma_start3A_1399 = tpu.memref_squeeze %dma_start3A_1398 : memref<1x72x64xf32, #tpu.memory_space<vmem>> -> memref<72x64xf32, #tpu.memory_space<vmem>>
        %dma_start3A_1400 = arith.constant 0 : i32
        %dma_start3A_1401 = tpu.memref_slice %arg10[%add3A_1393, %dma_start3A_1400] : memref<70x72xi32, #tpu.memory_space<vmem>> -> memref<1x72xi32, #tpu.memory_space<vmem>>
        %dma_start3A_1402 = tpu.memref_squeeze %dma_start3A_1401 : memref<1x72xi32, #tpu.memory_space<vmem>> -> memref<72xi32, #tpu.memory_space<vmem>>
        %dma_start3A_1403 = arith.constant 0 : i32
        %dma_start3A_1404 = arith.constant 0 : i32
        %dma_start3A_1405 = tpu.memref_slice %arg14[%dma_start3A_1403, %dma_start3A_1404] : memref<10000x64xf32, #tpu.memory_space<vmem_shared>> -> memref<10000x64xf32, #tpu.memory_space<vmem_shared>>
        %dma_start3A_1406 = tpu.memref_slice %arg17[%dma_start3A_1395] : memref<7x!tpu.dma_semaphore, #tpu.memory_space<semaphore_mem>> -> memref<1x!tpu.dma_semaphore, #tpu.memory_space<semaphore_mem>>
        %dma_start3A_1407 = tpu.memref_squeeze %dma_start3A_1406 : memref<1x!tpu.dma_semaphore, #tpu.memory_space<semaphore_mem>> -> memref<!tpu.dma_semaphore, #tpu.memory_space<semaphore_mem>>
        tpu.enqueue_indirect_dma source(%dma_start3A_1405 : memref<10000x64xf32, #tpu.memory_space<vmem_shared>>) target(%dma_start3A_1399 : memref<72x64xf32, #tpu.memory_space<vmem>>) offsets(%dma_start3A_1402 : memref<72xi32, #tpu.memory_space<vmem>>) semaphore(%dma_start3A_1407 : memref<!tpu.dma_semaphore, #tpu.memory_space<semaphore_mem>>)
      } else {
      }
      %add3A_1335 = arith.constant 2 : i32
      %add3A_1336 = arith.addi %mul3A_1057, %add3A_1335 : i32
      %lt3A_1337 = arith.constant 9 : i32
      %lt3A_1338 = arith.cmpi slt, %scan3A_1055, %lt3A_1337 : i32
      %convert_element_type3A_1339 = arith.extui %lt3A_1338 : i1 to i32
      %cond3A_1340 = arith.constant 0 : i32
      %cond3A_1341 = arith.cmpi ne, %convert_element_type3A_1339, %cond3A_1340 : i32
      scf.if %cond3A_1341 {
        %dma_wait3A_1370 = arith.constant 2 : i32
        %dma_wait3A_1371 = arith.constant 2 : i32
        %dma_wait3A_1372 = arith.constant 0 : i32
        %dma_wait3A_1373 = arith.constant 0 : i32
        %dma_wait3A_1374 = tpu.memref_slice %arg12[%dma_wait3A_1370, %dma_wait3A_1372, %dma_wait3A_1373] : memref<7x72x64xf32, #tpu.memory_space<vmem>> -> memref<1x72x64xf32, #tpu.memory_space<vmem>>
        %dma_wait3A_1375 = tpu.memref_squeeze %dma_wait3A_1374 : memref<1x72x64xf32, #tpu.memory_space<vmem>> -> memref<72x64xf32, #tpu.memory_space<vmem>>
        %dma_wait3A_1376 = arith.constant 0 : i32
        %dma_wait3A_1377 = tpu.memref_slice %arg11[%add3A_1336, %dma_wait3A_1376] : memref<70x72xi32, #tpu.memory_space<vmem>> -> memref<1x72xi32, #tpu.memory_space<vmem>>
        %dma_wait3A_1378 = tpu.memref_squeeze %dma_wait3A_1377 : memref<1x72xi32, #tpu.memory_space<vmem>> -> memref<72xi32, #tpu.memory_space<vmem>>
        %dma_wait3A_1379 = arith.constant 0 : i32
        %dma_wait3A_1380 = arith.constant 0 : i32
        %dma_wait3A_1381 = tpu.memref_slice %arg15[%dma_wait3A_1379, %dma_wait3A_1380] : memref<10240x64xf32, #tpu.memory_space<vmem_shared>> -> memref<10240x64xf32, #tpu.memory_space<vmem_shared>>
        %dma_wait3A_1382 = tpu.memref_slice %arg18[%dma_wait3A_1371] : memref<7x!tpu.dma_semaphore, #tpu.memory_space<semaphore_mem>> -> memref<1x!tpu.dma_semaphore, #tpu.memory_space<semaphore_mem>>
        %dma_wait3A_1383 = tpu.memref_squeeze %dma_wait3A_1382 : memref<1x!tpu.dma_semaphore, #tpu.memory_space<semaphore_mem>> -> memref<!tpu.dma_semaphore, #tpu.memory_space<semaphore_mem>>
        tpu.wait_indirect_dma semaphore(%dma_wait3A_1383 : memref<!tpu.dma_semaphore, #tpu.memory_space<semaphore_mem>>) src(%dma_wait3A_1375 : memref<72x64xf32, #tpu.memory_space<vmem>>) dst(%dma_wait3A_1381 : memref<10240x64xf32, #tpu.memory_space<vmem_shared>>)
        %dma_wait3A_1384 = arith.constant 2 : i32
        %dma_wait3A_1385 = arith.constant 0 : i32
        %dma_wait3A_1386 = tpu.memref_slice %arg11[%add3A_1336, %dma_wait3A_1385] : memref<70x72xi32, #tpu.memory_space<vmem>> -> memref<1x72xi32, #tpu.memory_space<vmem>>
        %dma_wait3A_1387 = tpu.memref_squeeze %dma_wait3A_1386 : memref<1x72xi32, #tpu.memory_space<vmem>> -> memref<72xi32, #tpu.memory_space<vmem>>
        %dma_wait3A_1388 = arith.constant 0 : i32
        %dma_wait3A_1389 = tpu.memref_slice %arg16[%dma_wait3A_1388] : memref<10240xf32, #tpu.memory_space<vmem_shared>> -> memref<10240xf32, #tpu.memory_space<vmem_shared>>
        %dma_wait3A_1390 = tpu.memref_slice %arg19[%dma_wait3A_1384] : memref<7x!tpu.dma_semaphore, #tpu.memory_space<semaphore_mem>> -> memref<1x!tpu.dma_semaphore, #tpu.memory_space<semaphore_mem>>
        %dma_wait3A_1391 = tpu.memref_squeeze %dma_wait3A_1390 : memref<1x!tpu.dma_semaphore, #tpu.memory_space<semaphore_mem>> -> memref<!tpu.dma_semaphore, #tpu.memory_space<semaphore_mem>>
        tpu.wait_indirect_dma semaphore(%dma_wait3A_1391 : memref<!tpu.dma_semaphore, #tpu.memory_space<semaphore_mem>>) src(%arg13 : memref<72xf32, #tpu.memory_space<vmem>>) dst(%dma_wait3A_1389 : memref<10240xf32, #tpu.memory_space<vmem_shared>>)
        %add3A_1392 = arith.constant 7 : i32
        %add3A_1393 = arith.addi %add3A_1336, %add3A_1392 : i32
        %dma_start3A_1394 = arith.constant 2 : i32
        %dma_start3A_1395 = arith.constant 2 : i32
        %dma_start3A_1396 = arith.constant 0 : i32
        %dma_start3A_1397 = arith.constant 0 : i32
        %dma_start3A_1398 = tpu.memref_slice %arg12[%dma_start3A_1394, %dma_start3A_1396, %dma_start3A_1397] : memref<7x72x64xf32, #tpu.memory_space<vmem>> -> memref<1x72x64xf32, #tpu.memory_space<vmem>>
        %dma_start3A_1399 = tpu.memref_squeeze %dma_start3A_1398 : memref<1x72x64xf32, #tpu.memory_space<vmem>> -> memref<72x64xf32, #tpu.memory_space<vmem>>
        %dma_start3A_1400 = arith.constant 0 : i32
        %dma_start3A_1401 = tpu.memref_slice %arg10[%add3A_1393, %dma_start3A_1400] : memref<70x72xi32, #tpu.memory_space<vmem>> -> memref<1x72xi32, #tpu.memory_space<vmem>>
        %dma_start3A_1402 = tpu.memref_squeeze %dma_start3A_1401 : memref<1x72xi32, #tpu.memory_space<vmem>> -> memref<72xi32, #tpu.memory_space<vmem>>
        %dma_start3A_1403 = arith.constant 0 : i32
        %dma_start3A_1404 = arith.constant 0 : i32
        %dma_start3A_1405 = tpu.memref_slice %arg14[%dma_start3A_1403, %dma_start3A_1404] : memref<10000x64xf32, #tpu.memory_space<vmem_shared>> -> memref<10000x64xf32, #tpu.memory_space<vmem_shared>>
        %dma_start3A_1406 = tpu.memref_slice %arg17[%dma_start3A_1395] : memref<7x!tpu.dma_semaphore, #tpu.memory_space<semaphore_mem>> -> memref<1x!tpu.dma_semaphore, #tpu.memory_space<semaphore_mem>>
        %dma_start3A_1407 = tpu.memref_squeeze %dma_start3A_1406 : memref<1x!tpu.dma_semaphore, #tpu.memory_space<semaphore_mem>> -> memref<!tpu.dma_semaphore, #tpu.memory_space<semaphore_mem>>
        tpu.enqueue_indirect_dma source(%dma_start3A_1405 : memref<10000x64xf32, #tpu.memory_space<vmem_shared>>) target(%dma_start3A_1399 : memref<72x64xf32, #tpu.memory_space<vmem>>) offsets(%dma_start3A_1402 : memref<72xi32, #tpu.memory_space<vmem>>) semaphore(%dma_start3A_1407 : memref<!tpu.dma_semaphore, #tpu.memory_space<semaphore_mem>>)
      } else {
      }
      %add3A_1342 = arith.constant 3 : i32
      %add3A_1343 = arith.addi %mul3A_1057, %add3A_1342 : i32
      %lt3A_1344 = arith.constant 9 : i32
      %lt3A_1345 = arith.cmpi slt, %scan3A_1055, %lt3A_1344 : i32
      %convert_element_type3A_1346 = arith.extui %lt3A_1345 : i1 to i32
      %cond3A_1347 = arith.constant 0 : i32
      %cond3A_1348 = arith.cmpi ne, %convert_element_type3A_1346, %cond3A_1347 : i32
      scf.if %cond3A_1348 {
        %dma_wait3A_1370 = arith.constant 3 : i32
        %dma_wait3A_1371 = arith.constant 3 : i32
        %dma_wait3A_1372 = arith.constant 0 : i32
        %dma_wait3A_1373 = arith.constant 0 : i32
        %dma_wait3A_1374 = tpu.memref_slice %arg12[%dma_wait3A_1370, %dma_wait3A_1372, %dma_wait3A_1373] : memref<7x72x64xf32, #tpu.memory_space<vmem>> -> memref<1x72x64xf32, #tpu.memory_space<vmem>>
        %dma_wait3A_1375 = tpu.memref_squeeze %dma_wait3A_1374 : memref<1x72x64xf32, #tpu.memory_space<vmem>> -> memref<72x64xf32, #tpu.memory_space<vmem>>
        %dma_wait3A_1376 = arith.constant 0 : i32
        %dma_wait3A_1377 = tpu.memref_slice %arg11[%add3A_1343, %dma_wait3A_1376] : memref<70x72xi32, #tpu.memory_space<vmem>> -> memref<1x72xi32, #tpu.memory_space<vmem>>
        %dma_wait3A_1378 = tpu.memref_squeeze %dma_wait3A_1377 : memref<1x72xi32, #tpu.memory_space<vmem>> -> memref<72xi32, #tpu.memory_space<vmem>>
        %dma_wait3A_1379 = arith.constant 0 : i32
        %dma_wait3A_1380 = arith.constant 0 : i32
        %dma_wait3A_1381 = tpu.memref_slice %arg15[%dma_wait3A_1379, %dma_wait3A_1380] : memref<10240x64xf32, #tpu.memory_space<vmem_shared>> -> memref<10240x64xf32, #tpu.memory_space<vmem_shared>>
        %dma_wait3A_1382 = tpu.memref_slice %arg18[%dma_wait3A_1371] : memref<7x!tpu.dma_semaphore, #tpu.memory_space<semaphore_mem>> -> memref<1x!tpu.dma_semaphore, #tpu.memory_space<semaphore_mem>>
        %dma_wait3A_1383 = tpu.memref_squeeze %dma_wait3A_1382 : memref<1x!tpu.dma_semaphore, #tpu.memory_space<semaphore_mem>> -> memref<!tpu.dma_semaphore, #tpu.memory_space<semaphore_mem>>
        tpu.wait_indirect_dma semaphore(%dma_wait3A_1383 : memref<!tpu.dma_semaphore, #tpu.memory_space<semaphore_mem>>) src(%dma_wait3A_1375 : memref<72x64xf32, #tpu.memory_space<vmem>>) dst(%dma_wait3A_1381 : memref<10240x64xf32, #tpu.memory_space<vmem_shared>>)
        %dma_wait3A_1384 = arith.constant 3 : i32
        %dma_wait3A_1385 = arith.constant 0 : i32
        %dma_wait3A_1386 = tpu.memref_slice %arg11[%add3A_1343, %dma_wait3A_1385] : memref<70x72xi32, #tpu.memory_space<vmem>> -> memref<1x72xi32, #tpu.memory_space<vmem>>
        %dma_wait3A_1387 = tpu.memref_squeeze %dma_wait3A_1386 : memref<1x72xi32, #tpu.memory_space<vmem>> -> memref<72xi32, #tpu.memory_space<vmem>>
        %dma_wait3A_1388 = arith.constant 0 : i32
        %dma_wait3A_1389 = tpu.memref_slice %arg16[%dma_wait3A_1388] : memref<10240xf32, #tpu.memory_space<vmem_shared>> -> memref<10240xf32, #tpu.memory_space<vmem_shared>>
        %dma_wait3A_1390 = tpu.memref_slice %arg19[%dma_wait3A_1384] : memref<7x!tpu.dma_semaphore, #tpu.memory_space<semaphore_mem>> -> memref<1x!tpu.dma_semaphore, #tpu.memory_space<semaphore_mem>>
        %dma_wait3A_1391 = tpu.memref_squeeze %dma_wait3A_1390 : memref<1x!tpu.dma_semaphore, #tpu.memory_space<semaphore_mem>> -> memref<!tpu.dma_semaphore, #tpu.memory_space<semaphore_mem>>
        tpu.wait_indirect_dma semaphore(%dma_wait3A_1391 : memref<!tpu.dma_semaphore, #tpu.memory_space<semaphore_mem>>) src(%arg13 : memref<72xf32, #tpu.memory_space<vmem>>) dst(%dma_wait3A_1389 : memref<10240xf32, #tpu.memory_space<vmem_shared>>)
        %add3A_1392 = arith.constant 7 : i32
        %add3A_1393 = arith.addi %add3A_1343, %add3A_1392 : i32
        %dma_start3A_1394 = arith.constant 3 : i32
        %dma_start3A_1395 = arith.constant 3 : i32
        %dma_start3A_1396 = arith.constant 0 : i32
        %dma_start3A_1397 = arith.constant 0 : i32
        %dma_start3A_1398 = tpu.memref_slice %arg12[%dma_start3A_1394, %dma_start3A_1396, %dma_start3A_1397] : memref<7x72x64xf32, #tpu.memory_space<vmem>> -> memref<1x72x64xf32, #tpu.memory_space<vmem>>
        %dma_start3A_1399 = tpu.memref_squeeze %dma_start3A_1398 : memref<1x72x64xf32, #tpu.memory_space<vmem>> -> memref<72x64xf32, #tpu.memory_space<vmem>>
        %dma_start3A_1400 = arith.constant 0 : i32
        %dma_start3A_1401 = tpu.memref_slice %arg10[%add3A_1393, %dma_start3A_1400] : memref<70x72xi32, #tpu.memory_space<vmem>> -> memref<1x72xi32, #tpu.memory_space<vmem>>
        %dma_start3A_1402 = tpu.memref_squeeze %dma_start3A_1401 : memref<1x72xi32, #tpu.memory_space<vmem>> -> memref<72xi32, #tpu.memory_space<vmem>>
        %dma_start3A_1403 = arith.constant 0 : i32
        %dma_start3A_1404 = arith.constant 0 : i32
        %dma_start3A_1405 = tpu.memref_slice %arg14[%dma_start3A_1403, %dma_start3A_1404] : memref<10000x64xf32, #tpu.memory_space<vmem_shared>> -> memref<10000x64xf32, #tpu.memory_space<vmem_shared>>
        %dma_start3A_1406 = tpu.memref_slice %arg17[%dma_start3A_1395] : memref<7x!tpu.dma_semaphore, #tpu.memory_space<semaphore_mem>> -> memref<1x!tpu.dma_semaphore, #tpu.memory_space<semaphore_mem>>
        %dma_start3A_1407 = tpu.memref_squeeze %dma_start3A_1406 : memref<1x!tpu.dma_semaphore, #tpu.memory_space<semaphore_mem>> -> memref<!tpu.dma_semaphore, #tpu.memory_space<semaphore_mem>>
        tpu.enqueue_indirect_dma source(%dma_start3A_1405 : memref<10000x64xf32, #tpu.memory_space<vmem_shared>>) target(%dma_start3A_1399 : memref<72x64xf32, #tpu.memory_space<vmem>>) offsets(%dma_start3A_1402 : memref<72xi32, #tpu.memory_space<vmem>>) semaphore(%dma_start3A_1407 : memref<!tpu.dma_semaphore, #tpu.memory_space<semaphore_mem>>)
      } else {
      }
      %add3A_1349 = arith.constant 4 : i32
      %add3A_1350 = arith.addi %mul3A_1057, %add3A_1349 : i32
      %lt3A_1351 = arith.constant 9 : i32
      %lt3A_1352 = arith.cmpi slt, %scan3A_1055, %lt3A_1351 : i32
      %convert_element_type3A_1353 = arith.extui %lt3A_1352 : i1 to i32
      %cond3A_1354 = arith.constant 0 : i32
      %cond3A_1355 = arith.cmpi ne, %convert_element_type3A_1353, %cond3A_1354 : i32
      scf.if %cond3A_1355 {
        %dma_wait3A_1370 = arith.constant 4 : i32
        %dma_wait3A_1371 = arith.constant 4 : i32
        %dma_wait3A_1372 = arith.constant 0 : i32
        %dma_wait3A_1373 = arith.constant 0 : i32
        %dma_wait3A_1374 = tpu.memref_slice %arg12[%dma_wait3A_1370, %dma_wait3A_1372, %dma_wait3A_1373] : memref<7x72x64xf32, #tpu.memory_space<vmem>> -> memref<1x72x64xf32, #tpu.memory_space<vmem>>
        %dma_wait3A_1375 = tpu.memref_squeeze %dma_wait3A_1374 : memref<1x72x64xf32, #tpu.memory_space<vmem>> -> memref<72x64xf32, #tpu.memory_space<vmem>>
        %dma_wait3A_1376 = arith.constant 0 : i32
        %dma_wait3A_1377 = tpu.memref_slice %arg11[%add3A_1350, %dma_wait3A_1376] : memref<70x72xi32, #tpu.memory_space<vmem>> -> memref<1x72xi32, #tpu.memory_space<vmem>>
        %dma_wait3A_1378 = tpu.memref_squeeze %dma_wait3A_1377 : memref<1x72xi32, #tpu.memory_space<vmem>> -> memref<72xi32, #tpu.memory_space<vmem>>
        %dma_wait3A_1379 = arith.constant 0 : i32
        %dma_wait3A_1380 = arith.constant 0 : i32
        %dma_wait3A_1381 = tpu.memref_slice %arg15[%dma_wait3A_1379, %dma_wait3A_1380] : memref<10240x64xf32, #tpu.memory_space<vmem_shared>> -> memref<10240x64xf32, #tpu.memory_space<vmem_shared>>
        %dma_wait3A_1382 = tpu.memref_slice %arg18[%dma_wait3A_1371] : memref<7x!tpu.dma_semaphore, #tpu.memory_space<semaphore_mem>> -> memref<1x!tpu.dma_semaphore, #tpu.memory_space<semaphore_mem>>
        %dma_wait3A_1383 = tpu.memref_squeeze %dma_wait3A_1382 : memref<1x!tpu.dma_semaphore, #tpu.memory_space<semaphore_mem>> -> memref<!tpu.dma_semaphore, #tpu.memory_space<semaphore_mem>>
        tpu.wait_indirect_dma semaphore(%dma_wait3A_1383 : memref<!tpu.dma_semaphore, #tpu.memory_space<semaphore_mem>>) src(%dma_wait3A_1375 : memref<72x64xf32, #tpu.memory_space<vmem>>) dst(%dma_wait3A_1381 : memref<10240x64xf32, #tpu.memory_space<vmem_shared>>)
        %dma_wait3A_1384 = arith.constant 4 : i32
        %dma_wait3A_1385 = arith.constant 0 : i32
        %dma_wait3A_1386 = tpu.memref_slice %arg11[%add3A_1350, %dma_wait3A_1385] : memref<70x72xi32, #tpu.memory_space<vmem>> -> memref<1x72xi32, #tpu.memory_space<vmem>>
        %dma_wait3A_1387 = tpu.memref_squeeze %dma_wait3A_1386 : memref<1x72xi32, #tpu.memory_space<vmem>> -> memref<72xi32, #tpu.memory_space<vmem>>
        %dma_wait3A_1388 = arith.constant 0 : i32
        %dma_wait3A_1389 = tpu.memref_slice %arg16[%dma_wait3A_1388] : memref<10240xf32, #tpu.memory_space<vmem_shared>> -> memref<10240xf32, #tpu.memory_space<vmem_shared>>
        %dma_wait3A_1390 = tpu.memref_slice %arg19[%dma_wait3A_1384] : memref<7x!tpu.dma_semaphore, #tpu.memory_space<semaphore_mem>> -> memref<1x!tpu.dma_semaphore, #tpu.memory_space<semaphore_mem>>
        %dma_wait3A_1391 = tpu.memref_squeeze %dma_wait3A_1390 : memref<1x!tpu.dma_semaphore, #tpu.memory_space<semaphore_mem>> -> memref<!tpu.dma_semaphore, #tpu.memory_space<semaphore_mem>>
        tpu.wait_indirect_dma semaphore(%dma_wait3A_1391 : memref<!tpu.dma_semaphore, #tpu.memory_space<semaphore_mem>>) src(%arg13 : memref<72xf32, #tpu.memory_space<vmem>>) dst(%dma_wait3A_1389 : memref<10240xf32, #tpu.memory_space<vmem_shared>>)
        %add3A_1392 = arith.constant 7 : i32
        %add3A_1393 = arith.addi %add3A_1350, %add3A_1392 : i32
        %dma_start3A_1394 = arith.constant 4 : i32
        %dma_start3A_1395 = arith.constant 4 : i32
        %dma_start3A_1396 = arith.constant 0 : i32
        %dma_start3A_1397 = arith.constant 0 : i32
        %dma_start3A_1398 = tpu.memref_slice %arg12[%dma_start3A_1394, %dma_start3A_1396, %dma_start3A_1397] : memref<7x72x64xf32, #tpu.memory_space<vmem>> -> memref<1x72x64xf32, #tpu.memory_space<vmem>>
        %dma_start3A_1399 = tpu.memref_squeeze %dma_start3A_1398 : memref<1x72x64xf32, #tpu.memory_space<vmem>> -> memref<72x64xf32, #tpu.memory_space<vmem>>
        %dma_start3A_1400 = arith.constant 0 : i32
        %dma_start3A_1401 = tpu.memref_slice %arg10[%add3A_1393, %dma_start3A_1400] : memref<70x72xi32, #tpu.memory_space<vmem>> -> memref<1x72xi32, #tpu.memory_space<vmem>>
        %dma_start3A_1402 = tpu.memref_squeeze %dma_start3A_1401 : memref<1x72xi32, #tpu.memory_space<vmem>> -> memref<72xi32, #tpu.memory_space<vmem>>
        %dma_start3A_1403 = arith.constant 0 : i32
        %dma_start3A_1404 = arith.constant 0 : i32
        %dma_start3A_1405 = tpu.memref_slice %arg14[%dma_start3A_1403, %dma_start3A_1404] : memref<10000x64xf32, #tpu.memory_space<vmem_shared>> -> memref<10000x64xf32, #tpu.memory_space<vmem_shared>>
        %dma_start3A_1406 = tpu.memref_slice %arg17[%dma_start3A_1395] : memref<7x!tpu.dma_semaphore, #tpu.memory_space<semaphore_mem>> -> memref<1x!tpu.dma_semaphore, #tpu.memory_space<semaphore_mem>>
        %dma_start3A_1407 = tpu.memref_squeeze %dma_start3A_1406 : memref<1x!tpu.dma_semaphore, #tpu.memory_space<semaphore_mem>> -> memref<!tpu.dma_semaphore, #tpu.memory_space<semaphore_mem>>
        tpu.enqueue_indirect_dma source(%dma_start3A_1405 : memref<10000x64xf32, #tpu.memory_space<vmem_shared>>) target(%dma_start3A_1399 : memref<72x64xf32, #tpu.memory_space<vmem>>) offsets(%dma_start3A_1402 : memref<72xi32, #tpu.memory_space<vmem>>) semaphore(%dma_start3A_1407 : memref<!tpu.dma_semaphore, #tpu.memory_space<semaphore_mem>>)
      } else {
      }
      %add3A_1356 = arith.constant 5 : i32
      %add3A_1357 = arith.addi %mul3A_1057, %add3A_1356 : i32
      %lt3A_1358 = arith.constant 9 : i32
      %lt3A_1359 = arith.cmpi slt, %scan3A_1055, %lt3A_1358 : i32
      %convert_element_type3A_1360 = arith.extui %lt3A_1359 : i1 to i32
      %cond3A_1361 = arith.constant 0 : i32
      %cond3A_1362 = arith.cmpi ne, %convert_element_type3A_1360, %cond3A_1361 : i32
      scf.if %cond3A_1362 {
        %dma_wait3A_1370 = arith.constant 5 : i32
        %dma_wait3A_1371 = arith.constant 5 : i32
        %dma_wait3A_1372 = arith.constant 0 : i32
        %dma_wait3A_1373 = arith.constant 0 : i32
        %dma_wait3A_1374 = tpu.memref_slice %arg12[%dma_wait3A_1370, %dma_wait3A_1372, %dma_wait3A_1373] : memref<7x72x64xf32, #tpu.memory_space<vmem>> -> memref<1x72x64xf32, #tpu.memory_space<vmem>>
        %dma_wait3A_1375 = tpu.memref_squeeze %dma_wait3A_1374 : memref<1x72x64xf32, #tpu.memory_space<vmem>> -> memref<72x64xf32, #tpu.memory_space<vmem>>
        %dma_wait3A_1376 = arith.constant 0 : i32
        %dma_wait3A_1377 = tpu.memref_slice %arg11[%add3A_1357, %dma_wait3A_1376] : memref<70x72xi32, #tpu.memory_space<vmem>> -> memref<1x72xi32, #tpu.memory_space<vmem>>
        %dma_wait3A_1378 = tpu.memref_squeeze %dma_wait3A_1377 : memref<1x72xi32, #tpu.memory_space<vmem>> -> memref<72xi32, #tpu.memory_space<vmem>>
        %dma_wait3A_1379 = arith.constant 0 : i32
        %dma_wait3A_1380 = arith.constant 0 : i32
        %dma_wait3A_1381 = tpu.memref_slice %arg15[%dma_wait3A_1379, %dma_wait3A_1380] : memref<10240x64xf32, #tpu.memory_space<vmem_shared>> -> memref<10240x64xf32, #tpu.memory_space<vmem_shared>>
        %dma_wait3A_1382 = tpu.memref_slice %arg18[%dma_wait3A_1371] : memref<7x!tpu.dma_semaphore, #tpu.memory_space<semaphore_mem>> -> memref<1x!tpu.dma_semaphore, #tpu.memory_space<semaphore_mem>>
        %dma_wait3A_1383 = tpu.memref_squeeze %dma_wait3A_1382 : memref<1x!tpu.dma_semaphore, #tpu.memory_space<semaphore_mem>> -> memref<!tpu.dma_semaphore, #tpu.memory_space<semaphore_mem>>
        tpu.wait_indirect_dma semaphore(%dma_wait3A_1383 : memref<!tpu.dma_semaphore, #tpu.memory_space<semaphore_mem>>) src(%dma_wait3A_1375 : memref<72x64xf32, #tpu.memory_space<vmem>>) dst(%dma_wait3A_1381 : memref<10240x64xf32, #tpu.memory_space<vmem_shared>>)
        %dma_wait3A_1384 = arith.constant 5 : i32
        %dma_wait3A_1385 = arith.constant 0 : i32
        %dma_wait3A_1386 = tpu.memref_slice %arg11[%add3A_1357, %dma_wait3A_1385] : memref<70x72xi32, #tpu.memory_space<vmem>> -> memref<1x72xi32, #tpu.memory_space<vmem>>
        %dma_wait3A_1387 = tpu.memref_squeeze %dma_wait3A_1386 : memref<1x72xi32, #tpu.memory_space<vmem>> -> memref<72xi32, #tpu.memory_space<vmem>>
        %dma_wait3A_1388 = arith.constant 0 : i32
        %dma_wait3A_1389 = tpu.memref_slice %arg16[%dma_wait3A_1388] : memref<10240xf32, #tpu.memory_space<vmem_shared>> -> memref<10240xf32, #tpu.memory_space<vmem_shared>>
        %dma_wait3A_1390 = tpu.memref_slice %arg19[%dma_wait3A_1384] : memref<7x!tpu.dma_semaphore, #tpu.memory_space<semaphore_mem>> -> memref<1x!tpu.dma_semaphore, #tpu.memory_space<semaphore_mem>>
        %dma_wait3A_1391 = tpu.memref_squeeze %dma_wait3A_1390 : memref<1x!tpu.dma_semaphore, #tpu.memory_space<semaphore_mem>> -> memref<!tpu.dma_semaphore, #tpu.memory_space<semaphore_mem>>
        tpu.wait_indirect_dma semaphore(%dma_wait3A_1391 : memref<!tpu.dma_semaphore, #tpu.memory_space<semaphore_mem>>) src(%arg13 : memref<72xf32, #tpu.memory_space<vmem>>) dst(%dma_wait3A_1389 : memref<10240xf32, #tpu.memory_space<vmem_shared>>)
        %add3A_1392 = arith.constant 7 : i32
        %add3A_1393 = arith.addi %add3A_1357, %add3A_1392 : i32
        %dma_start3A_1394 = arith.constant 5 : i32
        %dma_start3A_1395 = arith.constant 5 : i32
        %dma_start3A_1396 = arith.constant 0 : i32
        %dma_start3A_1397 = arith.constant 0 : i32
        %dma_start3A_1398 = tpu.memref_slice %arg12[%dma_start3A_1394, %dma_start3A_1396, %dma_start3A_1397] : memref<7x72x64xf32, #tpu.memory_space<vmem>> -> memref<1x72x64xf32, #tpu.memory_space<vmem>>
        %dma_start3A_1399 = tpu.memref_squeeze %dma_start3A_1398 : memref<1x72x64xf32, #tpu.memory_space<vmem>> -> memref<72x64xf32, #tpu.memory_space<vmem>>
        %dma_start3A_1400 = arith.constant 0 : i32
        %dma_start3A_1401 = tpu.memref_slice %arg10[%add3A_1393, %dma_start3A_1400] : memref<70x72xi32, #tpu.memory_space<vmem>> -> memref<1x72xi32, #tpu.memory_space<vmem>>
        %dma_start3A_1402 = tpu.memref_squeeze %dma_start3A_1401 : memref<1x72xi32, #tpu.memory_space<vmem>> -> memref<72xi32, #tpu.memory_space<vmem>>
        %dma_start3A_1403 = arith.constant 0 : i32
        %dma_start3A_1404 = arith.constant 0 : i32
        %dma_start3A_1405 = tpu.memref_slice %arg14[%dma_start3A_1403, %dma_start3A_1404] : memref<10000x64xf32, #tpu.memory_space<vmem_shared>> -> memref<10000x64xf32, #tpu.memory_space<vmem_shared>>
        %dma_start3A_1406 = tpu.memref_slice %arg17[%dma_start3A_1395] : memref<7x!tpu.dma_semaphore, #tpu.memory_space<semaphore_mem>> -> memref<1x!tpu.dma_semaphore, #tpu.memory_space<semaphore_mem>>
        %dma_start3A_1407 = tpu.memref_squeeze %dma_start3A_1406 : memref<1x!tpu.dma_semaphore, #tpu.memory_space<semaphore_mem>> -> memref<!tpu.dma_semaphore, #tpu.memory_space<semaphore_mem>>
        tpu.enqueue_indirect_dma source(%dma_start3A_1405 : memref<10000x64xf32, #tpu.memory_space<vmem_shared>>) target(%dma_start3A_1399 : memref<72x64xf32, #tpu.memory_space<vmem>>) offsets(%dma_start3A_1402 : memref<72xi32, #tpu.memory_space<vmem>>) semaphore(%dma_start3A_1407 : memref<!tpu.dma_semaphore, #tpu.memory_space<semaphore_mem>>)
      } else {
      }
      %add3A_1363 = arith.constant 6 : i32
      %add3A_1364 = arith.addi %mul3A_1057, %add3A_1363 : i32
      %lt3A_1365 = arith.constant 9 : i32
      %lt3A_1366 = arith.cmpi slt, %scan3A_1055, %lt3A_1365 : i32
      %convert_element_type3A_1367 = arith.extui %lt3A_1366 : i1 to i32
      %cond3A_1368 = arith.constant 0 : i32
      %cond3A_1369 = arith.cmpi ne, %convert_element_type3A_1367, %cond3A_1368 : i32
      scf.if %cond3A_1369 {
        %dma_wait3A_1370 = arith.constant 6 : i32
        %dma_wait3A_1371 = arith.constant 6 : i32
        %dma_wait3A_1372 = arith.constant 0 : i32
        %dma_wait3A_1373 = arith.constant 0 : i32
        %dma_wait3A_1374 = tpu.memref_slice %arg12[%dma_wait3A_1370, %dma_wait3A_1372, %dma_wait3A_1373] : memref<7x72x64xf32, #tpu.memory_space<vmem>> -> memref<1x72x64xf32, #tpu.memory_space<vmem>>
        %dma_wait3A_1375 = tpu.memref_squeeze %dma_wait3A_1374 : memref<1x72x64xf32, #tpu.memory_space<vmem>> -> memref<72x64xf32, #tpu.memory_space<vmem>>
        %dma_wait3A_1376 = arith.constant 0 : i32
        %dma_wait3A_1377 = tpu.memref_slice %arg11[%add3A_1364, %dma_wait3A_1376] : memref<70x72xi32, #tpu.memory_space<vmem>> -> memref<1x72xi32, #tpu.memory_space<vmem>>
        %dma_wait3A_1378 = tpu.memref_squeeze %dma_wait3A_1377 : memref<1x72xi32, #tpu.memory_space<vmem>> -> memref<72xi32, #tpu.memory_space<vmem>>
        %dma_wait3A_1379 = arith.constant 0 : i32
        %dma_wait3A_1380 = arith.constant 0 : i32
        %dma_wait3A_1381 = tpu.memref_slice %arg15[%dma_wait3A_1379, %dma_wait3A_1380] : memref<10240x64xf32, #tpu.memory_space<vmem_shared>> -> memref<10240x64xf32, #tpu.memory_space<vmem_shared>>
        %dma_wait3A_1382 = tpu.memref_slice %arg18[%dma_wait3A_1371] : memref<7x!tpu.dma_semaphore, #tpu.memory_space<semaphore_mem>> -> memref<1x!tpu.dma_semaphore, #tpu.memory_space<semaphore_mem>>
        %dma_wait3A_1383 = tpu.memref_squeeze %dma_wait3A_1382 : memref<1x!tpu.dma_semaphore, #tpu.memory_space<semaphore_mem>> -> memref<!tpu.dma_semaphore, #tpu.memory_space<semaphore_mem>>
        tpu.wait_indirect_dma semaphore(%dma_wait3A_1383 : memref<!tpu.dma_semaphore, #tpu.memory_space<semaphore_mem>>) src(%dma_wait3A_1375 : memref<72x64xf32, #tpu.memory_space<vmem>>) dst(%dma_wait3A_1381 : memref<10240x64xf32, #tpu.memory_space<vmem_shared>>)
        %dma_wait3A_1384 = arith.constant 6 : i32
        %dma_wait3A_1385 = arith.constant 0 : i32
        %dma_wait3A_1386 = tpu.memref_slice %arg11[%add3A_1364, %dma_wait3A_1385] : memref<70x72xi32, #tpu.memory_space<vmem>> -> memref<1x72xi32, #tpu.memory_space<vmem>>
        %dma_wait3A_1387 = tpu.memref_squeeze %dma_wait3A_1386 : memref<1x72xi32, #tpu.memory_space<vmem>> -> memref<72xi32, #tpu.memory_space<vmem>>
        %dma_wait3A_1388 = arith.constant 0 : i32
        %dma_wait3A_1389 = tpu.memref_slice %arg16[%dma_wait3A_1388] : memref<10240xf32, #tpu.memory_space<vmem_shared>> -> memref<10240xf32, #tpu.memory_space<vmem_shared>>
        %dma_wait3A_1390 = tpu.memref_slice %arg19[%dma_wait3A_1384] : memref<7x!tpu.dma_semaphore, #tpu.memory_space<semaphore_mem>> -> memref<1x!tpu.dma_semaphore, #tpu.memory_space<semaphore_mem>>
        %dma_wait3A_1391 = tpu.memref_squeeze %dma_wait3A_1390 : memref<1x!tpu.dma_semaphore, #tpu.memory_space<semaphore_mem>> -> memref<!tpu.dma_semaphore, #tpu.memory_space<semaphore_mem>>
        tpu.wait_indirect_dma semaphore(%dma_wait3A_1391 : memref<!tpu.dma_semaphore, #tpu.memory_space<semaphore_mem>>) src(%arg13 : memref<72xf32, #tpu.memory_space<vmem>>) dst(%dma_wait3A_1389 : memref<10240xf32, #tpu.memory_space<vmem_shared>>)
        %add3A_1392 = arith.constant 7 : i32
        %add3A_1393 = arith.addi %add3A_1364, %add3A_1392 : i32
        %dma_start3A_1394 = arith.constant 6 : i32
        %dma_start3A_1395 = arith.constant 6 : i32
        %dma_start3A_1396 = arith.constant 0 : i32
        %dma_start3A_1397 = arith.constant 0 : i32
        %dma_start3A_1398 = tpu.memref_slice %arg12[%dma_start3A_1394, %dma_start3A_1396, %dma_start3A_1397] : memref<7x72x64xf32, #tpu.memory_space<vmem>> -> memref<1x72x64xf32, #tpu.memory_space<vmem>>
        %dma_start3A_1399 = tpu.memref_squeeze %dma_start3A_1398 : memref<1x72x64xf32, #tpu.memory_space<vmem>> -> memref<72x64xf32, #tpu.memory_space<vmem>>
        %dma_start3A_1400 = arith.constant 0 : i32
        %dma_start3A_1401 = tpu.memref_slice %arg10[%add3A_1393, %dma_start3A_1400] : memref<70x72xi32, #tpu.memory_space<vmem>> -> memref<1x72xi32, #tpu.memory_space<vmem>>
        %dma_start3A_1402 = tpu.memref_squeeze %dma_start3A_1401 : memref<1x72xi32, #tpu.memory_space<vmem>> -> memref<72xi32, #tpu.memory_space<vmem>>
        %dma_start3A_1403 = arith.constant 0 : i32
        %dma_start3A_1404 = arith.constant 0 : i32
        %dma_start3A_1405 = tpu.memref_slice %arg14[%dma_start3A_1403, %dma_start3A_1404] : memref<10000x64xf32, #tpu.memory_space<vmem_shared>> -> memref<10000x64xf32, #tpu.memory_space<vmem_shared>>
        %dma_start3A_1406 = tpu.memref_slice %arg17[%dma_start3A_1395] : memref<7x!tpu.dma_semaphore, #tpu.memory_space<semaphore_mem>> -> memref<1x!tpu.dma_semaphore, #tpu.memory_space<semaphore_mem>>
        %dma_start3A_1407 = tpu.memref_squeeze %dma_start3A_1406 : memref<1x!tpu.dma_semaphore, #tpu.memory_space<semaphore_mem>> -> memref<!tpu.dma_semaphore, #tpu.memory_space<semaphore_mem>>
        tpu.enqueue_indirect_dma source(%dma_start3A_1405 : memref<10000x64xf32, #tpu.memory_space<vmem_shared>>) target(%dma_start3A_1399 : memref<72x64xf32, #tpu.memory_space<vmem>>) offsets(%dma_start3A_1402 : memref<72xi32, #tpu.memory_space<vmem>>) semaphore(%dma_start3A_1407 : memref<!tpu.dma_semaphore, #tpu.memory_space<semaphore_mem>>)
      } else {
      }
    }
    %scan3A_118 = arith.constant 10 : i32
    %dma_wait3A = arith.constant 0 : i32
    %dma_wait3A_119 = arith.constant 63 : i32
    %dma_wait3A_120 = arith.constant 0 : i32
    %dma_wait3A_121 = arith.constant 0 : i32
    %dma_wait3A_122 = arith.constant 0 : i32
    %dma_wait3A_123 = tpu.memref_slice %arg12[%dma_wait3A, %dma_wait3A_121, %dma_wait3A_122] : memref<7x72x64xf32, #tpu.memory_space<vmem>> -> memref<1x72x64xf32, #tpu.memory_space<vmem>>
    %dma_wait3A_124 = tpu.memref_squeeze %dma_wait3A_123 : memref<1x72x64xf32, #tpu.memory_space<vmem>> -> memref<72x64xf32, #tpu.memory_space<vmem>>
    %dma_wait3A_125 = arith.constant 0 : i32
    %dma_wait3A_126 = tpu.memref_slice %arg11[%dma_wait3A_119, %dma_wait3A_125] : memref<70x72xi32, #tpu.memory_space<vmem>> -> memref<1x72xi32, #tpu.memory_space<vmem>>
    %dma_wait3A_127 = tpu.memref_squeeze %dma_wait3A_126 : memref<1x72xi32, #tpu.memory_space<vmem>> -> memref<72xi32, #tpu.memory_space<vmem>>
    %dma_wait3A_128 = arith.constant 0 : i32
    %dma_wait3A_129 = arith.constant 0 : i32
    %dma_wait3A_130 = tpu.memref_slice %arg15[%dma_wait3A_128, %dma_wait3A_129] : memref<10240x64xf32, #tpu.memory_space<vmem_shared>> -> memref<10240x64xf32, #tpu.memory_space<vmem_shared>>
    %dma_wait3A_131 = tpu.memref_slice %arg18[%dma_wait3A_120] : memref<7x!tpu.dma_semaphore, #tpu.memory_space<semaphore_mem>> -> memref<1x!tpu.dma_semaphore, #tpu.memory_space<semaphore_mem>>
    %dma_wait3A_132 = tpu.memref_squeeze %dma_wait3A_131 : memref<1x!tpu.dma_semaphore, #tpu.memory_space<semaphore_mem>> -> memref<!tpu.dma_semaphore, #tpu.memory_space<semaphore_mem>>
    tpu.wait_indirect_dma semaphore(%dma_wait3A_132 : memref<!tpu.dma_semaphore, #tpu.memory_space<semaphore_mem>>) src(%dma_wait3A_124 : memref<72x64xf32, #tpu.memory_space<vmem>>) dst(%dma_wait3A_130 : memref<10240x64xf32, #tpu.memory_space<vmem_shared>>)
    %dma_wait3A_133 = arith.constant 63 : i32
    %dma_wait3A_134 = arith.constant 0 : i32
    %dma_wait3A_135 = arith.constant 0 : i32
    %dma_wait3A_136 = tpu.memref_slice %arg11[%dma_wait3A_133, %dma_wait3A_135] : memref<70x72xi32, #tpu.memory_space<vmem>> -> memref<1x72xi32, #tpu.memory_space<vmem>>
    %dma_wait3A_137 = tpu.memref_squeeze %dma_wait3A_136 : memref<1x72xi32, #tpu.memory_space<vmem>> -> memref<72xi32, #tpu.memory_space<vmem>>
    %dma_wait3A_138 = arith.constant 0 : i32
    %dma_wait3A_139 = tpu.memref_slice %arg16[%dma_wait3A_138] : memref<10240xf32, #tpu.memory_space<vmem_shared>> -> memref<10240xf32, #tpu.memory_space<vmem_shared>>
    %dma_wait3A_140 = tpu.memref_slice %arg19[%dma_wait3A_134] : memref<7x!tpu.dma_semaphore, #tpu.memory_space<semaphore_mem>> -> memref<1x!tpu.dma_semaphore, #tpu.memory_space<semaphore_mem>>
    %dma_wait3A_141 = tpu.memref_squeeze %dma_wait3A_140 : memref<1x!tpu.dma_semaphore, #tpu.memory_space<semaphore_mem>> -> memref<!tpu.dma_semaphore, #tpu.memory_space<semaphore_mem>>
    tpu.wait_indirect_dma semaphore(%dma_wait3A_141 : memref<!tpu.dma_semaphore, #tpu.memory_space<semaphore_mem>>) src(%arg13 : memref<72xf32, #tpu.memory_space<vmem>>) dst(%dma_wait3A_139 : memref<10240xf32, #tpu.memory_space<vmem_shared>>)
    %dma_wait3A_142 = arith.constant 1 : i32
    %dma_wait3A_143 = arith.constant 64 : i32
    %dma_wait3A_144 = arith.constant 1 : i32
    %dma_wait3A_145 = arith.constant 0 : i32
    %dma_wait3A_146 = arith.constant 0 : i32
    %dma_wait3A_147 = tpu.memref_slice %arg12[%dma_wait3A_142, %dma_wait3A_145, %dma_wait3A_146] : memref<7x72x64xf32, #tpu.memory_space<vmem>> -> memref<1x72x64xf32, #tpu.memory_space<vmem>>
    %dma_wait3A_148 = tpu.memref_squeeze %dma_wait3A_147 : memref<1x72x64xf32, #tpu.memory_space<vmem>> -> memref<72x64xf32, #tpu.memory_space<vmem>>
    %dma_wait3A_149 = arith.constant 0 : i32
    %dma_wait3A_150 = tpu.memref_slice %arg11[%dma_wait3A_143, %dma_wait3A_149] : memref<70x72xi32, #tpu.memory_space<vmem>> -> memref<1x72xi32, #tpu.memory_space<vmem>>
    %dma_wait3A_151 = tpu.memref_squeeze %dma_wait3A_150 : memref<1x72xi32, #tpu.memory_space<vmem>> -> memref<72xi32, #tpu.memory_space<vmem>>
    %dma_wait3A_152 = arith.constant 0 : i32
    %dma_wait3A_153 = arith.constant 0 : i32
    %dma_wait3A_154 = tpu.memref_slice %arg15[%dma_wait3A_152, %dma_wait3A_153] : memref<10240x64xf32, #tpu.memory_space<vmem_shared>> -> memref<10240x64xf32, #tpu.memory_space<vmem_shared>>
    %dma_wait3A_155 = tpu.memref_slice %arg18[%dma_wait3A_144] : memref<7x!tpu.dma_semaphore, #tpu.memory_space<semaphore_mem>> -> memref<1x!tpu.dma_semaphore, #tpu.memory_space<semaphore_mem>>
    %dma_wait3A_156 = tpu.memref_squeeze %dma_wait3A_155 : memref<1x!tpu.dma_semaphore, #tpu.memory_space<semaphore_mem>> -> memref<!tpu.dma_semaphore, #tpu.memory_space<semaphore_mem>>
    tpu.wait_indirect_dma semaphore(%dma_wait3A_156 : memref<!tpu.dma_semaphore, #tpu.memory_space<semaphore_mem>>) src(%dma_wait3A_148 : memref<72x64xf32, #tpu.memory_space<vmem>>) dst(%dma_wait3A_154 : memref<10240x64xf32, #tpu.memory_space<vmem_shared>>)
    %dma_wait3A_157 = arith.constant 64 : i32
    %dma_wait3A_158 = arith.constant 1 : i32
    %dma_wait3A_159 = arith.constant 0 : i32
    %dma_wait3A_160 = tpu.memref_slice %arg11[%dma_wait3A_157, %dma_wait3A_159] : memref<70x72xi32, #tpu.memory_space<vmem>> -> memref<1x72xi32, #tpu.memory_space<vmem>>
    %dma_wait3A_161 = tpu.memref_squeeze %dma_wait3A_160 : memref<1x72xi32, #tpu.memory_space<vmem>> -> memref<72xi32, #tpu.memory_space<vmem>>
    %dma_wait3A_162 = arith.constant 0 : i32
    %dma_wait3A_163 = tpu.memref_slice %arg16[%dma_wait3A_162] : memref<10240xf32, #tpu.memory_space<vmem_shared>> -> memref<10240xf32, #tpu.memory_space<vmem_shared>>
    %dma_wait3A_164 = tpu.memref_slice %arg19[%dma_wait3A_158] : memref<7x!tpu.dma_semaphore, #tpu.memory_space<semaphore_mem>> -> memref<1x!tpu.dma_semaphore, #tpu.memory_space<semaphore_mem>>
    %dma_wait3A_165 = tpu.memref_squeeze %dma_wait3A_164 : memref<1x!tpu.dma_semaphore, #tpu.memory_space<semaphore_mem>> -> memref<!tpu.dma_semaphore, #tpu.memory_space<semaphore_mem>>
    tpu.wait_indirect_dma semaphore(%dma_wait3A_165 : memref<!tpu.dma_semaphore, #tpu.memory_space<semaphore_mem>>) src(%arg13 : memref<72xf32, #tpu.memory_space<vmem>>) dst(%dma_wait3A_163 : memref<10240xf32, #tpu.memory_space<vmem_shared>>)
    %dma_wait3A_166 = arith.constant 2 : i32
    %dma_wait3A_167 = arith.constant 65 : i32
    %dma_wait3A_168 = arith.constant 2 : i32
    %dma_wait3A_169 = arith.constant 0 : i32
    %dma_wait3A_170 = arith.constant 0 : i32
    %dma_wait3A_171 = tpu.memref_slice %arg12[%dma_wait3A_166, %dma_wait3A_169, %dma_wait3A_170] : memref<7x72x64xf32, #tpu.memory_space<vmem>> -> memref<1x72x64xf32, #tpu.memory_space<vmem>>
    %dma_wait3A_172 = tpu.memref_squeeze %dma_wait3A_171 : memref<1x72x64xf32, #tpu.memory_space<vmem>> -> memref<72x64xf32, #tpu.memory_space<vmem>>
    %dma_wait3A_173 = arith.constant 0 : i32
    %dma_wait3A_174 = tpu.memref_slice %arg11[%dma_wait3A_167, %dma_wait3A_173] : memref<70x72xi32, #tpu.memory_space<vmem>> -> memref<1x72xi32, #tpu.memory_space<vmem>>
    %dma_wait3A_175 = tpu.memref_squeeze %dma_wait3A_174 : memref<1x72xi32, #tpu.memory_space<vmem>> -> memref<72xi32, #tpu.memory_space<vmem>>
    %dma_wait3A_176 = arith.constant 0 : i32
    %dma_wait3A_177 = arith.constant 0 : i32
    %dma_wait3A_178 = tpu.memref_slice %arg15[%dma_wait3A_176, %dma_wait3A_177] : memref<10240x64xf32, #tpu.memory_space<vmem_shared>> -> memref<10240x64xf32, #tpu.memory_space<vmem_shared>>
    %dma_wait3A_179 = tpu.memref_slice %arg18[%dma_wait3A_168] : memref<7x!tpu.dma_semaphore, #tpu.memory_space<semaphore_mem>> -> memref<1x!tpu.dma_semaphore, #tpu.memory_space<semaphore_mem>>
    %dma_wait3A_180 = tpu.memref_squeeze %dma_wait3A_179 : memref<1x!tpu.dma_semaphore, #tpu.memory_space<semaphore_mem>> -> memref<!tpu.dma_semaphore, #tpu.memory_space<semaphore_mem>>
    tpu.wait_indirect_dma semaphore(%dma_wait3A_180 : memref<!tpu.dma_semaphore, #tpu.memory_space<semaphore_mem>>) src(%dma_wait3A_172 : memref<72x64xf32, #tpu.memory_space<vmem>>) dst(%dma_wait3A_178 : memref<10240x64xf32, #tpu.memory_space<vmem_shared>>)
    %dma_wait3A_181 = arith.constant 65 : i32
    %dma_wait3A_182 = arith.constant 2 : i32
    %dma_wait3A_183 = arith.constant 0 : i32
    %dma_wait3A_184 = tpu.memref_slice %arg11[%dma_wait3A_181, %dma_wait3A_183] : memref<70x72xi32, #tpu.memory_space<vmem>> -> memref<1x72xi32, #tpu.memory_space<vmem>>
    %dma_wait3A_185 = tpu.memref_squeeze %dma_wait3A_184 : memref<1x72xi32, #tpu.memory_space<vmem>> -> memref<72xi32, #tpu.memory_space<vmem>>
    %dma_wait3A_186 = arith.constant 0 : i32
    %dma_wait3A_187 = tpu.memref_slice %arg16[%dma_wait3A_186] : memref<10240xf32, #tpu.memory_space<vmem_shared>> -> memref<10240xf32, #tpu.memory_space<vmem_shared>>
    %dma_wait3A_188 = tpu.memref_slice %arg19[%dma_wait3A_182] : memref<7x!tpu.dma_semaphore, #tpu.memory_space<semaphore_mem>> -> memref<1x!tpu.dma_semaphore, #tpu.memory_space<semaphore_mem>>
    %dma_wait3A_189 = tpu.memref_squeeze %dma_wait3A_188 : memref<1x!tpu.dma_semaphore, #tpu.memory_space<semaphore_mem>> -> memref<!tpu.dma_semaphore, #tpu.memory_space<semaphore_mem>>
    tpu.wait_indirect_dma semaphore(%dma_wait3A_189 : memref<!tpu.dma_semaphore, #tpu.memory_space<semaphore_mem>>) src(%arg13 : memref<72xf32, #tpu.memory_space<vmem>>) dst(%dma_wait3A_187 : memref<10240xf32, #tpu.memory_space<vmem_shared>>)
    %dma_wait3A_190 = arith.constant 3 : i32
    %dma_wait3A_191 = arith.constant 66 : i32
    %dma_wait3A_192 = arith.constant 3 : i32
    %dma_wait3A_193 = arith.constant 0 : i32
    %dma_wait3A_194 = arith.constant 0 : i32
    %dma_wait3A_195 = tpu.memref_slice %arg12[%dma_wait3A_190, %dma_wait3A_193, %dma_wait3A_194] : memref<7x72x64xf32, #tpu.memory_space<vmem>> -> memref<1x72x64xf32, #tpu.memory_space<vmem>>
    %dma_wait3A_196 = tpu.memref_squeeze %dma_wait3A_195 : memref<1x72x64xf32, #tpu.memory_space<vmem>> -> memref<72x64xf32, #tpu.memory_space<vmem>>
    %dma_wait3A_197 = arith.constant 0 : i32
    %dma_wait3A_198 = tpu.memref_slice %arg11[%dma_wait3A_191, %dma_wait3A_197] : memref<70x72xi32, #tpu.memory_space<vmem>> -> memref<1x72xi32, #tpu.memory_space<vmem>>
    %dma_wait3A_199 = tpu.memref_squeeze %dma_wait3A_198 : memref<1x72xi32, #tpu.memory_space<vmem>> -> memref<72xi32, #tpu.memory_space<vmem>>
    %dma_wait3A_200 = arith.constant 0 : i32
    %dma_wait3A_201 = arith.constant 0 : i32
    %dma_wait3A_202 = tpu.memref_slice %arg15[%dma_wait3A_200, %dma_wait3A_201] : memref<10240x64xf32, #tpu.memory_space<vmem_shared>> -> memref<10240x64xf32, #tpu.memory_space<vmem_shared>>
    %dma_wait3A_203 = tpu.memref_slice %arg18[%dma_wait3A_192] : memref<7x!tpu.dma_semaphore, #tpu.memory_space<semaphore_mem>> -> memref<1x!tpu.dma_semaphore, #tpu.memory_space<semaphore_mem>>
    %dma_wait3A_204 = tpu.memref_squeeze %dma_wait3A_203 : memref<1x!tpu.dma_semaphore, #tpu.memory_space<semaphore_mem>> -> memref<!tpu.dma_semaphore, #tpu.memory_space<semaphore_mem>>
    tpu.wait_indirect_dma semaphore(%dma_wait3A_204 : memref<!tpu.dma_semaphore, #tpu.memory_space<semaphore_mem>>) src(%dma_wait3A_196 : memref<72x64xf32, #tpu.memory_space<vmem>>) dst(%dma_wait3A_202 : memref<10240x64xf32, #tpu.memory_space<vmem_shared>>)
    %dma_wait3A_205 = arith.constant 66 : i32
    %dma_wait3A_206 = arith.constant 3 : i32
    %dma_wait3A_207 = arith.constant 0 : i32
    %dma_wait3A_208 = tpu.memref_slice %arg11[%dma_wait3A_205, %dma_wait3A_207] : memref<70x72xi32, #tpu.memory_space<vmem>> -> memref<1x72xi32, #tpu.memory_space<vmem>>
    %dma_wait3A_209 = tpu.memref_squeeze %dma_wait3A_208 : memref<1x72xi32, #tpu.memory_space<vmem>> -> memref<72xi32, #tpu.memory_space<vmem>>
    %dma_wait3A_210 = arith.constant 0 : i32
    %dma_wait3A_211 = tpu.memref_slice %arg16[%dma_wait3A_210] : memref<10240xf32, #tpu.memory_space<vmem_shared>> -> memref<10240xf32, #tpu.memory_space<vmem_shared>>
    %dma_wait3A_212 = tpu.memref_slice %arg19[%dma_wait3A_206] : memref<7x!tpu.dma_semaphore, #tpu.memory_space<semaphore_mem>> -> memref<1x!tpu.dma_semaphore, #tpu.memory_space<semaphore_mem>>
    %dma_wait3A_213 = tpu.memref_squeeze %dma_wait3A_212 : memref<1x!tpu.dma_semaphore, #tpu.memory_space<semaphore_mem>> -> memref<!tpu.dma_semaphore, #tpu.memory_space<semaphore_mem>>
    tpu.wait_indirect_dma semaphore(%dma_wait3A_213 : memref<!tpu.dma_semaphore, #tpu.memory_space<semaphore_mem>>) src(%arg13 : memref<72xf32, #tpu.memory_space<vmem>>) dst(%dma_wait3A_211 : memref<10240xf32, #tpu.memory_space<vmem_shared>>)
    %dma_wait3A_214 = arith.constant 4 : i32
    %dma_wait3A_215 = arith.constant 67 : i32
    %dma_wait3A_216 = arith.constant 4 : i32
    %dma_wait3A_217 = arith.constant 0 : i32
    %dma_wait3A_218 = arith.constant 0 : i32
    %dma_wait3A_219 = tpu.memref_slice %arg12[%dma_wait3A_214, %dma_wait3A_217, %dma_wait3A_218] : memref<7x72x64xf32, #tpu.memory_space<vmem>> -> memref<1x72x64xf32, #tpu.memory_space<vmem>>
    %dma_wait3A_220 = tpu.memref_squeeze %dma_wait3A_219 : memref<1x72x64xf32, #tpu.memory_space<vmem>> -> memref<72x64xf32, #tpu.memory_space<vmem>>
    %dma_wait3A_221 = arith.constant 0 : i32
    %dma_wait3A_222 = tpu.memref_slice %arg11[%dma_wait3A_215, %dma_wait3A_221] : memref<70x72xi32, #tpu.memory_space<vmem>> -> memref<1x72xi32, #tpu.memory_space<vmem>>
    %dma_wait3A_223 = tpu.memref_squeeze %dma_wait3A_222 : memref<1x72xi32, #tpu.memory_space<vmem>> -> memref<72xi32, #tpu.memory_space<vmem>>
    %dma_wait3A_224 = arith.constant 0 : i32
    %dma_wait3A_225 = arith.constant 0 : i32
    %dma_wait3A_226 = tpu.memref_slice %arg15[%dma_wait3A_224, %dma_wait3A_225] : memref<10240x64xf32, #tpu.memory_space<vmem_shared>> -> memref<10240x64xf32, #tpu.memory_space<vmem_shared>>
    %dma_wait3A_227 = tpu.memref_slice %arg18[%dma_wait3A_216] : memref<7x!tpu.dma_semaphore, #tpu.memory_space<semaphore_mem>> -> memref<1x!tpu.dma_semaphore, #tpu.memory_space<semaphore_mem>>
    %dma_wait3A_228 = tpu.memref_squeeze %dma_wait3A_227 : memref<1x!tpu.dma_semaphore, #tpu.memory_space<semaphore_mem>> -> memref<!tpu.dma_semaphore, #tpu.memory_space<semaphore_mem>>
    tpu.wait_indirect_dma semaphore(%dma_wait3A_228 : memref<!tpu.dma_semaphore, #tpu.memory_space<semaphore_mem>>) src(%dma_wait3A_220 : memref<72x64xf32, #tpu.memory_space<vmem>>) dst(%dma_wait3A_226 : memref<10240x64xf32, #tpu.memory_space<vmem_shared>>)
    %dma_wait3A_229 = arith.constant 67 : i32
    %dma_wait3A_230 = arith.constant 4 : i32
    %dma_wait3A_231 = arith.constant 0 : i32
    %dma_wait3A_232 = tpu.memref_slice %arg11[%dma_wait3A_229, %dma_wait3A_231] : memref<70x72xi32, #tpu.memory_space<vmem>> -> memref<1x72xi32, #tpu.memory_space<vmem>>
    %dma_wait3A_233 = tpu.memref_squeeze %dma_wait3A_232 : memref<1x72xi32, #tpu.memory_space<vmem>> -> memref<72xi32, #tpu.memory_space<vmem>>
    %dma_wait3A_234 = arith.constant 0 : i32
    %dma_wait3A_235 = tpu.memref_slice %arg16[%dma_wait3A_234] : memref<10240xf32, #tpu.memory_space<vmem_shared>> -> memref<10240xf32, #tpu.memory_space<vmem_shared>>
    %dma_wait3A_236 = tpu.memref_slice %arg19[%dma_wait3A_230] : memref<7x!tpu.dma_semaphore, #tpu.memory_space<semaphore_mem>> -> memref<1x!tpu.dma_semaphore, #tpu.memory_space<semaphore_mem>>
    %dma_wait3A_237 = tpu.memref_squeeze %dma_wait3A_236 : memref<1x!tpu.dma_semaphore, #tpu.memory_space<semaphore_mem>> -> memref<!tpu.dma_semaphore, #tpu.memory_space<semaphore_mem>>
    tpu.wait_indirect_dma semaphore(%dma_wait3A_237 : memref<!tpu.dma_semaphore, #tpu.memory_space<semaphore_mem>>) src(%arg13 : memref<72xf32, #tpu.memory_space<vmem>>) dst(%dma_wait3A_235 : memref<10240xf32, #tpu.memory_space<vmem_shared>>)
    %dma_wait3A_238 = arith.constant 5 : i32
    %dma_wait3A_239 = arith.constant 68 : i32
    %dma_wait3A_240 = arith.constant 5 : i32
    %dma_wait3A_241 = arith.constant 0 : i32
    %dma_wait3A_242 = arith.constant 0 : i32
    %dma_wait3A_243 = tpu.memref_slice %arg12[%dma_wait3A_238, %dma_wait3A_241, %dma_wait3A_242] : memref<7x72x64xf32, #tpu.memory_space<vmem>> -> memref<1x72x64xf32, #tpu.memory_space<vmem>>
    %dma_wait3A_244 = tpu.memref_squeeze %dma_wait3A_243 : memref<1x72x64xf32, #tpu.memory_space<vmem>> -> memref<72x64xf32, #tpu.memory_space<vmem>>
    %dma_wait3A_245 = arith.constant 0 : i32
    %dma_wait3A_246 = tpu.memref_slice %arg11[%dma_wait3A_239, %dma_wait3A_245] : memref<70x72xi32, #tpu.memory_space<vmem>> -> memref<1x72xi32, #tpu.memory_space<vmem>>
    %dma_wait3A_247 = tpu.memref_squeeze %dma_wait3A_246 : memref<1x72xi32, #tpu.memory_space<vmem>> -> memref<72xi32, #tpu.memory_space<vmem>>
    %dma_wait3A_248 = arith.constant 0 : i32
    %dma_wait3A_249 = arith.constant 0 : i32
    %dma_wait3A_250 = tpu.memref_slice %arg15[%dma_wait3A_248, %dma_wait3A_249] : memref<10240x64xf32, #tpu.memory_space<vmem_shared>> -> memref<10240x64xf32, #tpu.memory_space<vmem_shared>>
    %dma_wait3A_251 = tpu.memref_slice %arg18[%dma_wait3A_240] : memref<7x!tpu.dma_semaphore, #tpu.memory_space<semaphore_mem>> -> memref<1x!tpu.dma_semaphore, #tpu.memory_space<semaphore_mem>>
    %dma_wait3A_252 = tpu.memref_squeeze %dma_wait3A_251 : memref<1x!tpu.dma_semaphore, #tpu.memory_space<semaphore_mem>> -> memref<!tpu.dma_semaphore, #tpu.memory_space<semaphore_mem>>
    tpu.wait_indirect_dma semaphore(%dma_wait3A_252 : memref<!tpu.dma_semaphore, #tpu.memory_space<semaphore_mem>>) src(%dma_wait3A_244 : memref<72x64xf32, #tpu.memory_space<vmem>>) dst(%dma_wait3A_250 : memref<10240x64xf32, #tpu.memory_space<vmem_shared>>)
    %dma_wait3A_253 = arith.constant 68 : i32
    %dma_wait3A_254 = arith.constant 5 : i32
    %dma_wait3A_255 = arith.constant 0 : i32
    %dma_wait3A_256 = tpu.memref_slice %arg11[%dma_wait3A_253, %dma_wait3A_255] : memref<70x72xi32, #tpu.memory_space<vmem>> -> memref<1x72xi32, #tpu.memory_space<vmem>>
    %dma_wait3A_257 = tpu.memref_squeeze %dma_wait3A_256 : memref<1x72xi32, #tpu.memory_space<vmem>> -> memref<72xi32, #tpu.memory_space<vmem>>
    %dma_wait3A_258 = arith.constant 0 : i32
    %dma_wait3A_259 = tpu.memref_slice %arg16[%dma_wait3A_258] : memref<10240xf32, #tpu.memory_space<vmem_shared>> -> memref<10240xf32, #tpu.memory_space<vmem_shared>>
    %dma_wait3A_260 = tpu.memref_slice %arg19[%dma_wait3A_254] : memref<7x!tpu.dma_semaphore, #tpu.memory_space<semaphore_mem>> -> memref<1x!tpu.dma_semaphore, #tpu.memory_space<semaphore_mem>>
    %dma_wait3A_261 = tpu.memref_squeeze %dma_wait3A_260 : memref<1x!tpu.dma_semaphore, #tpu.memory_space<semaphore_mem>> -> memref<!tpu.dma_semaphore, #tpu.memory_space<semaphore_mem>>
    tpu.wait_indirect_dma semaphore(%dma_wait3A_261 : memref<!tpu.dma_semaphore, #tpu.memory_space<semaphore_mem>>) src(%arg13 : memref<72xf32, #tpu.memory_space<vmem>>) dst(%dma_wait3A_259 : memref<10240xf32, #tpu.memory_space<vmem_shared>>)
    %dma_wait3A_262 = arith.constant 6 : i32
    %dma_wait3A_263 = arith.constant 69 : i32
    %dma_wait3A_264 = arith.constant 6 : i32
    %dma_wait3A_265 = arith.constant 0 : i32
    %dma_wait3A_266 = arith.constant 0 : i32
    %dma_wait3A_267 = tpu.memref_slice %arg12[%dma_wait3A_262, %dma_wait3A_265, %dma_wait3A_266] : memref<7x72x64xf32, #tpu.memory_space<vmem>> -> memref<1x72x64xf32, #tpu.memory_space<vmem>>
    %dma_wait3A_268 = tpu.memref_squeeze %dma_wait3A_267 : memref<1x72x64xf32, #tpu.memory_space<vmem>> -> memref<72x64xf32, #tpu.memory_space<vmem>>
    %dma_wait3A_269 = arith.constant 0 : i32
    %dma_wait3A_270 = tpu.memref_slice %arg11[%dma_wait3A_263, %dma_wait3A_269] : memref<70x72xi32, #tpu.memory_space<vmem>> -> memref<1x72xi32, #tpu.memory_space<vmem>>
    %dma_wait3A_271 = tpu.memref_squeeze %dma_wait3A_270 : memref<1x72xi32, #tpu.memory_space<vmem>> -> memref<72xi32, #tpu.memory_space<vmem>>
    %dma_wait3A_272 = arith.constant 0 : i32
    %dma_wait3A_273 = arith.constant 0 : i32
    %dma_wait3A_274 = tpu.memref_slice %arg15[%dma_wait3A_272, %dma_wait3A_273] : memref<10240x64xf32, #tpu.memory_space<vmem_shared>> -> memref<10240x64xf32, #tpu.memory_space<vmem_shared>>
    %dma_wait3A_275 = tpu.memref_slice %arg18[%dma_wait3A_264] : memref<7x!tpu.dma_semaphore, #tpu.memory_space<semaphore_mem>> -> memref<1x!tpu.dma_semaphore, #tpu.memory_space<semaphore_mem>>
    %dma_wait3A_276 = tpu.memref_squeeze %dma_wait3A_275 : memref<1x!tpu.dma_semaphore, #tpu.memory_space<semaphore_mem>> -> memref<!tpu.dma_semaphore, #tpu.memory_space<semaphore_mem>>
    tpu.wait_indirect_dma semaphore(%dma_wait3A_276 : memref<!tpu.dma_semaphore, #tpu.memory_space<semaphore_mem>>) src(%dma_wait3A_268 : memref<72x64xf32, #tpu.memory_space<vmem>>) dst(%dma_wait3A_274 : memref<10240x64xf32, #tpu.memory_space<vmem_shared>>)
    %dma_wait3A_277 = arith.constant 69 : i32
    %dma_wait3A_278 = arith.constant 6 : i32
    %dma_wait3A_279 = arith.constant 0 : i32
    %dma_wait3A_280 = tpu.memref_slice %arg11[%dma_wait3A_277, %dma_wait3A_279] : memref<70x72xi32, #tpu.memory_space<vmem>> -> memref<1x72xi32, #tpu.memory_space<vmem>>
    %dma_wait3A_281 = tpu.memref_squeeze %dma_wait3A_280 : memref<1x72xi32, #tpu.memory_space<vmem>> -> memref<72xi32, #tpu.memory_space<vmem>>
    %dma_wait3A_282 = arith.constant 0 : i32
    %dma_wait3A_283 = tpu.memref_slice %arg16[%dma_wait3A_282] : memref<10240xf32, #tpu.memory_space<vmem_shared>> -> memref<10240xf32, #tpu.memory_space<vmem_shared>>
    %dma_wait3A_284 = tpu.memref_slice %arg19[%dma_wait3A_278] : memref<7x!tpu.dma_semaphore, #tpu.memory_space<semaphore_mem>> -> memref<1x!tpu.dma_semaphore, #tpu.memory_space<semaphore_mem>>
    %dma_wait3A_285 = tpu.memref_squeeze %dma_wait3A_284 : memref<1x!tpu.dma_semaphore, #tpu.memory_space<semaphore_mem>> -> memref<!tpu.dma_semaphore, #tpu.memory_space<semaphore_mem>>
    tpu.wait_indirect_dma semaphore(%dma_wait3A_285 : memref<!tpu.dma_semaphore, #tpu.memory_space<semaphore_mem>>) src(%arg13 : memref<72xf32, #tpu.memory_space<vmem>>) dst(%dma_wait3A_283 : memref<10240xf32, #tpu.memory_space<vmem_shared>>)
    %barrier3A_286 = arith.constant 0 : index
    tpu.barrier barrier_id(%barrier3A_286)
    %mul3A_287 = arith.constant 640 : i32
    %mul3A_288 = arith.muli %arg1, %mul3A_287 : i32
    %mul3A_289 = arith.constant 640 : i32
    %mul3A_290 = arith.muli %arg1, %mul3A_289 : i32
    %run_scoped3A = arith.constant 0 : i32
    "tpu.region"() ({
      %run_scoped3A_1055 = tpu.sem_alloc : memref<!tpu.dma_semaphore, #tpu.memory_space<semaphore_mem>>
      %dma_start3A_1056 = arith.constant 0 : i32
      %dma_start3A_1057 = tpu.memref_slice %arg8[%run_scoped3A, %add3A_5, %mul3A_290, %dma_start3A_1056] : memref<2x4x10240x64xf32, #tpu.memory_space<hbm>> -> memref<1x1x640x64xf32, #tpu.memory_space<hbm>>
      %dma_start3A_1058 = tpu.memref_squeeze %dma_start3A_1057 : memref<1x1x640x64xf32, #tpu.memory_space<hbm>> -> memref<640x64xf32, #tpu.memory_space<hbm>>
      %dma_start3A_1059 = arith.constant 0 : i32
      %dma_start3A_1060 = tpu.memref_slice %arg15[%mul3A_288, %dma_start3A_1059] : memref<10240x64xf32, #tpu.memory_space<vmem_shared>> -> memref<640x64xf32, #tpu.memory_space<vmem_shared>>
      tpu.enqueue_dma source(%dma_start3A_1060 : memref<640x64xf32, #tpu.memory_space<vmem_shared>>) target(%dma_start3A_1058 : memref<640x64xf32, #tpu.memory_space<hbm>>) target_semaphore(%run_scoped3A_1055 : memref<!tpu.dma_semaphore, #tpu.memory_space<semaphore_mem>>)
      %dma_wait3A_1061 = arith.constant 0 : i32
      %dma_wait3A_1062 = tpu.memref_slice %arg8[%run_scoped3A, %add3A_5, %mul3A_290, %dma_wait3A_1061] : memref<2x4x10240x64xf32, #tpu.memory_space<hbm>> -> memref<1x1x640x64xf32, #tpu.memory_space<hbm>>
      %dma_wait3A_1063 = tpu.memref_squeeze %dma_wait3A_1062 : memref<1x1x640x64xf32, #tpu.memory_space<hbm>> -> memref<640x64xf32, #tpu.memory_space<hbm>>
      %dma_wait3A_1064 = arith.constant 0 : i32
      %dma_wait3A_1065 = tpu.memref_slice %arg15[%mul3A_288, %dma_wait3A_1064] : memref<10240x64xf32, #tpu.memory_space<vmem_shared>> -> memref<640x64xf32, #tpu.memory_space<vmem_shared>>
      tpu.wait_dma2 semaphore(%run_scoped3A_1055 : memref<!tpu.dma_semaphore, #tpu.memory_space<semaphore_mem>>) src(%dma_wait3A_1065 : memref<640x64xf32, #tpu.memory_space<vmem_shared>>) dst(%dma_wait3A_1063 : memref<640x64xf32, #tpu.memory_space<hbm>>)
      tpu.yield
    }) : () -> ()
    %mul3A_291 = arith.constant 640 : i32
    %mul3A_292 = arith.muli %arg1, %mul3A_291 : i32
    %mul3A_293 = arith.constant 640 : i32
    %mul3A_294 = arith.muli %arg1, %mul3A_293 : i32
    "tpu.region"() ({
      %run_scoped3A_1055 = tpu.sem_alloc : memref<!tpu.dma_semaphore, #tpu.memory_space<semaphore_mem>>
      %dma_start3A_1056 = tpu.memref_slice %arg9[%add3A_5, %mul3A_294] : memref<4x10240xf32, #tpu.memory_space<hbm>> -> memref<1x640xf32, #tpu.memory_space<hbm>>
      %dma_start3A_1057 = tpu.memref_squeeze %dma_start3A_1056 : memref<1x640xf32, #tpu.memory_space<hbm>> -> memref<640xf32, #tpu.memory_space<hbm>>
      %dma_start3A_1058 = tpu.memref_slice %arg16[%mul3A_292] : memref<10240xf32, #tpu.memory_space<vmem_shared>> -> memref<640xf32, #tpu.memory_space<vmem_shared>>
      tpu.enqueue_dma source(%dma_start3A_1058 : memref<640xf32, #tpu.memory_space<vmem_shared>>) target(%dma_start3A_1057 : memref<640xf32, #tpu.memory_space<hbm>>) target_semaphore(%run_scoped3A_1055 : memref<!tpu.dma_semaphore, #tpu.memory_space<semaphore_mem>>)
      %dma_wait3A_1059 = tpu.memref_slice %arg9[%add3A_5, %mul3A_294] : memref<4x10240xf32, #tpu.memory_space<hbm>> -> memref<1x640xf32, #tpu.memory_space<hbm>>
      %dma_wait3A_1060 = tpu.memref_squeeze %dma_wait3A_1059 : memref<1x640xf32, #tpu.memory_space<hbm>> -> memref<640xf32, #tpu.memory_space<hbm>>
      %dma_wait3A_1061 = tpu.memref_slice %arg16[%mul3A_292] : memref<10240xf32, #tpu.memory_space<vmem_shared>> -> memref<640xf32, #tpu.memory_space<vmem_shared>>
      tpu.wait_dma2 semaphore(%run_scoped3A_1055 : memref<!tpu.dma_semaphore, #tpu.memory_space<semaphore_mem>>) src(%dma_wait3A_1061 : memref<640xf32, #tpu.memory_space<vmem_shared>>) dst(%dma_wait3A_1060 : memref<640xf32, #tpu.memory_space<hbm>>)
      tpu.yield
    }) : () -> ()
    %mul3A_295 = arith.constant 2 : i32
    %mul3A_296 = arith.muli %arg0, %mul3A_295 : i32
    %add3A_297 = arith.constant 1 : i32
    %add3A_298 = arith.addi %mul3A_296, %add3A_297 : i32
    %mul3A_299 = arith.constant 640 : i32
    %mul3A_300 = arith.muli %arg1, %mul3A_299 : i32
    "tpu.region"() ({
      %run_scoped3A_1055 = tpu.sem_alloc : memref<!tpu.dma_semaphore, #tpu.memory_space<semaphore_mem>>
      %dma_start3A_1056 = arith.constant 0 : i32
      %dma_start3A_1057 = tpu.memref_slice %arg15[%mul3A_300, %dma_start3A_1056] : memref<10240x64xf32, #tpu.memory_space<vmem_shared>> -> memref<640x64xf32, #tpu.memory_space<vmem_shared>>
      tpu.enqueue_dma source(%arg5 : memref<640x64xf32, #tpu.memory_space<hbm>>) target(%dma_start3A_1057 : memref<640x64xf32, #tpu.memory_space<vmem_shared>>) target_semaphore(%run_scoped3A_1055 : memref<!tpu.dma_semaphore, #tpu.memory_space<semaphore_mem>>)
      %dma_wait3A_1058 = arith.constant 0 : i32
      %dma_wait3A_1059 = tpu.memref_slice %arg15[%mul3A_300, %dma_wait3A_1058] : memref<10240x64xf32, #tpu.memory_space<vmem_shared>> -> memref<640x64xf32, #tpu.memory_space<vmem_shared>>
      tpu.wait_dma2 semaphore(%run_scoped3A_1055 : memref<!tpu.dma_semaphore, #tpu.memory_space<semaphore_mem>>) src(%arg5 : memref<640x64xf32, #tpu.memory_space<hbm>>) dst(%dma_wait3A_1059 : memref<640x64xf32, #tpu.memory_space<vmem_shared>>)
      tpu.yield
    }) : () -> ()
    %mul3A_301 = arith.constant 640 : i32
    %mul3A_302 = arith.muli %arg1, %mul3A_301 : i32
    "tpu.region"() ({
      %run_scoped3A_1055 = tpu.sem_alloc : memref<!tpu.dma_semaphore, #tpu.memory_space<semaphore_mem>>
      %dma_start3A_1056 = tpu.memref_slice %arg16[%mul3A_302] : memref<10240xf32, #tpu.memory_space<vmem_shared>> -> memref<640xf32, #tpu.memory_space<vmem_shared>>
      tpu.enqueue_dma source(%arg6 : memref<640xf32, #tpu.memory_space<hbm>>) target(%dma_start3A_1056 : memref<640xf32, #tpu.memory_space<vmem_shared>>) target_semaphore(%run_scoped3A_1055 : memref<!tpu.dma_semaphore, #tpu.memory_space<semaphore_mem>>)
      %dma_wait3A_1057 = tpu.memref_slice %arg16[%mul3A_302] : memref<10240xf32, #tpu.memory_space<vmem_shared>> -> memref<640xf32, #tpu.memory_space<vmem_shared>>
      tpu.wait_dma2 semaphore(%run_scoped3A_1055 : memref<!tpu.dma_semaphore, #tpu.memory_space<semaphore_mem>>) src(%arg6 : memref<640xf32, #tpu.memory_space<hbm>>) dst(%dma_wait3A_1057 : memref<640xf32, #tpu.memory_space<vmem_shared>>)
      tpu.yield
    }) : () -> ()
    "tpu.region"() ({
      %run_scoped3A_1055 = tpu.sem_alloc : memref<!tpu.dma_semaphore, #tpu.memory_space<semaphore_mem>>
      %dma_start3A_1056 = arith.constant 0 : i32
      %dma_start3A_1057 = arith.constant 0 : i32
      %dma_start3A_1058 = tpu.memref_slice %arg3[%add3A_298, %arg1, %dma_start3A_1056, %dma_start3A_1057] : memref<4x16x70x72xi32, #tpu.memory_space<hbm>> -> memref<1x1x70x72xi32, #tpu.memory_space<hbm>>
      %dma_start3A_1059 = tpu.memref_squeeze %dma_start3A_1058 : memref<1x1x70x72xi32, #tpu.memory_space<hbm>> -> memref<70x72xi32, #tpu.memory_space<hbm>>
      %dma_start3A_1060 = arith.constant 0 : i32
      %dma_start3A_1061 = arith.constant 0 : i32
      %dma_start3A_1062 = tpu.memref_slice %arg3[%add3A_298, %arg1, %dma_start3A_1060, %dma_start3A_1061] : memref<4x16x70x72xi32, #tpu.memory_space<hbm>> -> memref<1x1x70x72xi32, #tpu.memory_space<hbm>>
      %dma_start3A_1063 = tpu.memref_squeeze %dma_start3A_1062 : memref<1x1x70x72xi32, #tpu.memory_space<hbm>> -> memref<70x72xi32, #tpu.memory_space<hbm>>
      tpu.enqueue_dma source(%dma_start3A_1063 : memref<70x72xi32, #tpu.memory_space<hbm>>) target(%arg10 : memref<70x72xi32, #tpu.memory_space<vmem>>) target_semaphore(%run_scoped3A_1055 : memref<!tpu.dma_semaphore, #tpu.memory_space<semaphore_mem>>)
      %dma_wait3A_1064 = arith.constant 0 : i32
      %dma_wait3A_1065 = arith.constant 0 : i32
      %dma_wait3A_1066 = tpu.memref_slice %arg3[%add3A_298, %arg1, %dma_wait3A_1064, %dma_wait3A_1065] : memref<4x16x70x72xi32, #tpu.memory_space<hbm>> -> memref<1x1x70x72xi32, #tpu.memory_space<hbm>>
      %dma_wait3A_1067 = tpu.memref_squeeze %dma_wait3A_1066 : memref<1x1x70x72xi32, #tpu.memory_space<hbm>> -> memref<70x72xi32, #tpu.memory_space<hbm>>
      %dma_wait3A_1068 = arith.constant 0 : i32
      %dma_wait3A_1069 = arith.constant 0 : i32
      %dma_wait3A_1070 = tpu.memref_slice %arg3[%add3A_298, %arg1, %dma_wait3A_1068, %dma_wait3A_1069] : memref<4x16x70x72xi32, #tpu.memory_space<hbm>> -> memref<1x1x70x72xi32, #tpu.memory_space<hbm>>
      %dma_wait3A_1071 = tpu.memref_squeeze %dma_wait3A_1070 : memref<1x1x70x72xi32, #tpu.memory_space<hbm>> -> memref<70x72xi32, #tpu.memory_space<hbm>>
      tpu.wait_dma2 semaphore(%run_scoped3A_1055 : memref<!tpu.dma_semaphore, #tpu.memory_space<semaphore_mem>>) src(%dma_wait3A_1071 : memref<70x72xi32, #tpu.memory_space<hbm>>) dst(%arg10 : memref<70x72xi32, #tpu.memory_space<vmem>>)
      tpu.yield
    }) : () -> ()
    "tpu.region"() ({
      %run_scoped3A_1055 = tpu.sem_alloc : memref<!tpu.dma_semaphore, #tpu.memory_space<semaphore_mem>>
      %dma_start3A_1056 = arith.constant 0 : i32
      %dma_start3A_1057 = arith.constant 0 : i32
      %dma_start3A_1058 = tpu.memref_slice %arg4[%add3A_298, %arg1, %dma_start3A_1056, %dma_start3A_1057] : memref<4x16x70x72xi32, #tpu.memory_space<hbm>> -> memref<1x1x70x72xi32, #tpu.memory_space<hbm>>
      %dma_start3A_1059 = tpu.memref_squeeze %dma_start3A_1058 : memref<1x1x70x72xi32, #tpu.memory_space<hbm>> -> memref<70x72xi32, #tpu.memory_space<hbm>>
      %dma_start3A_1060 = arith.constant 0 : i32
      %dma_start3A_1061 = arith.constant 0 : i32
      %dma_start3A_1062 = tpu.memref_slice %arg4[%add3A_298, %arg1, %dma_start3A_1060, %dma_start3A_1061] : memref<4x16x70x72xi32, #tpu.memory_space<hbm>> -> memref<1x1x70x72xi32, #tpu.memory_space<hbm>>
      %dma_start3A_1063 = tpu.memref_squeeze %dma_start3A_1062 : memref<1x1x70x72xi32, #tpu.memory_space<hbm>> -> memref<70x72xi32, #tpu.memory_space<hbm>>
      tpu.enqueue_dma source(%dma_start3A_1063 : memref<70x72xi32, #tpu.memory_space<hbm>>) target(%arg11 : memref<70x72xi32, #tpu.memory_space<vmem>>) target_semaphore(%run_scoped3A_1055 : memref<!tpu.dma_semaphore, #tpu.memory_space<semaphore_mem>>)
      %dma_wait3A_1064 = arith.constant 0 : i32
      %dma_wait3A_1065 = arith.constant 0 : i32
      %dma_wait3A_1066 = tpu.memref_slice %arg4[%add3A_298, %arg1, %dma_wait3A_1064, %dma_wait3A_1065] : memref<4x16x70x72xi32, #tpu.memory_space<hbm>> -> memref<1x1x70x72xi32, #tpu.memory_space<hbm>>
      %dma_wait3A_1067 = tpu.memref_squeeze %dma_wait3A_1066 : memref<1x1x70x72xi32, #tpu.memory_space<hbm>> -> memref<70x72xi32, #tpu.memory_space<hbm>>
      %dma_wait3A_1068 = arith.constant 0 : i32
      %dma_wait3A_1069 = arith.constant 0 : i32
      %dma_wait3A_1070 = tpu.memref_slice %arg4[%add3A_298, %arg1, %dma_wait3A_1068, %dma_wait3A_1069] : memref<4x16x70x72xi32, #tpu.memory_space<hbm>> -> memref<1x1x70x72xi32, #tpu.memory_space<hbm>>
      %dma_wait3A_1071 = tpu.memref_squeeze %dma_wait3A_1070 : memref<1x1x70x72xi32, #tpu.memory_space<hbm>> -> memref<70x72xi32, #tpu.memory_space<hbm>>
      tpu.wait_dma2 semaphore(%run_scoped3A_1055 : memref<!tpu.dma_semaphore, #tpu.memory_space<semaphore_mem>>) src(%dma_wait3A_1071 : memref<70x72xi32, #tpu.memory_space<hbm>>) dst(%arg11 : memref<70x72xi32, #tpu.memory_space<vmem>>)
      tpu.yield
    }) : () -> ()
    %barrier3A_303 = arith.constant 0 : index
    tpu.barrier barrier_id(%barrier3A_303)
    %dma_start3A_304 = arith.constant 0 : i32
    %dma_start3A_305 = arith.constant 0 : i32
    %dma_start3A_306 = arith.constant 0 : i32
    %dma_start3A_307 = arith.constant 0 : i32
    %dma_start3A_308 = arith.constant 0 : i32
    %dma_start3A_309 = tpu.memref_slice %arg12[%dma_start3A_305, %dma_start3A_307, %dma_start3A_308] : memref<7x72x64xf32, #tpu.memory_space<vmem>> -> memref<1x72x64xf32, #tpu.memory_space<vmem>>
    %dma_start3A_310 = tpu.memref_squeeze %dma_start3A_309 : memref<1x72x64xf32, #tpu.memory_space<vmem>> -> memref<72x64xf32, #tpu.memory_space<vmem>>
    %dma_start3A_311 = arith.constant 0 : i32
    %dma_start3A_312 = tpu.memref_slice %arg10[%dma_start3A_304, %dma_start3A_311] : memref<70x72xi32, #tpu.memory_space<vmem>> -> memref<1x72xi32, #tpu.memory_space<vmem>>
    %dma_start3A_313 = tpu.memref_squeeze %dma_start3A_312 : memref<1x72xi32, #tpu.memory_space<vmem>> -> memref<72xi32, #tpu.memory_space<vmem>>
    %dma_start3A_314 = arith.constant 0 : i32
    %dma_start3A_315 = arith.constant 0 : i32
    %dma_start3A_316 = tpu.memref_slice %arg14[%dma_start3A_314, %dma_start3A_315] : memref<10000x64xf32, #tpu.memory_space<vmem_shared>> -> memref<10000x64xf32, #tpu.memory_space<vmem_shared>>
    %dma_start3A_317 = tpu.memref_slice %arg17[%dma_start3A_306] : memref<7x!tpu.dma_semaphore, #tpu.memory_space<semaphore_mem>> -> memref<1x!tpu.dma_semaphore, #tpu.memory_space<semaphore_mem>>
    %dma_start3A_318 = tpu.memref_squeeze %dma_start3A_317 : memref<1x!tpu.dma_semaphore, #tpu.memory_space<semaphore_mem>> -> memref<!tpu.dma_semaphore, #tpu.memory_space<semaphore_mem>>
    tpu.enqueue_indirect_dma source(%dma_start3A_316 : memref<10000x64xf32, #tpu.memory_space<vmem_shared>>) target(%dma_start3A_310 : memref<72x64xf32, #tpu.memory_space<vmem>>) offsets(%dma_start3A_313 : memref<72xi32, #tpu.memory_space<vmem>>) semaphore(%dma_start3A_318 : memref<!tpu.dma_semaphore, #tpu.memory_space<semaphore_mem>>)
    %dma_start3A_319 = arith.constant 1 : i32
    %dma_start3A_320 = arith.constant 1 : i32
    %dma_start3A_321 = arith.constant 1 : i32
    %dma_start3A_322 = arith.constant 0 : i32
    %dma_start3A_323 = arith.constant 0 : i32
    %dma_start3A_324 = tpu.memref_slice %arg12[%dma_start3A_320, %dma_start3A_322, %dma_start3A_323] : memref<7x72x64xf32, #tpu.memory_space<vmem>> -> memref<1x72x64xf32, #tpu.memory_space<vmem>>
    %dma_start3A_325 = tpu.memref_squeeze %dma_start3A_324 : memref<1x72x64xf32, #tpu.memory_space<vmem>> -> memref<72x64xf32, #tpu.memory_space<vmem>>
    %dma_start3A_326 = arith.constant 0 : i32
    %dma_start3A_327 = tpu.memref_slice %arg10[%dma_start3A_319, %dma_start3A_326] : memref<70x72xi32, #tpu.memory_space<vmem>> -> memref<1x72xi32, #tpu.memory_space<vmem>>
    %dma_start3A_328 = tpu.memref_squeeze %dma_start3A_327 : memref<1x72xi32, #tpu.memory_space<vmem>> -> memref<72xi32, #tpu.memory_space<vmem>>
    %dma_start3A_329 = arith.constant 0 : i32
    %dma_start3A_330 = arith.constant 0 : i32
    %dma_start3A_331 = tpu.memref_slice %arg14[%dma_start3A_329, %dma_start3A_330] : memref<10000x64xf32, #tpu.memory_space<vmem_shared>> -> memref<10000x64xf32, #tpu.memory_space<vmem_shared>>
    %dma_start3A_332 = tpu.memref_slice %arg17[%dma_start3A_321] : memref<7x!tpu.dma_semaphore, #tpu.memory_space<semaphore_mem>> -> memref<1x!tpu.dma_semaphore, #tpu.memory_space<semaphore_mem>>
    %dma_start3A_333 = tpu.memref_squeeze %dma_start3A_332 : memref<1x!tpu.dma_semaphore, #tpu.memory_space<semaphore_mem>> -> memref<!tpu.dma_semaphore, #tpu.memory_space<semaphore_mem>>
    tpu.enqueue_indirect_dma source(%dma_start3A_331 : memref<10000x64xf32, #tpu.memory_space<vmem_shared>>) target(%dma_start3A_325 : memref<72x64xf32, #tpu.memory_space<vmem>>) offsets(%dma_start3A_328 : memref<72xi32, #tpu.memory_space<vmem>>) semaphore(%dma_start3A_333 : memref<!tpu.dma_semaphore, #tpu.memory_space<semaphore_mem>>)
    %dma_start3A_334 = arith.constant 2 : i32
    %dma_start3A_335 = arith.constant 2 : i32
    %dma_start3A_336 = arith.constant 2 : i32
    %dma_start3A_337 = arith.constant 0 : i32
    %dma_start3A_338 = arith.constant 0 : i32
    %dma_start3A_339 = tpu.memref_slice %arg12[%dma_start3A_335, %dma_start3A_337, %dma_start3A_338] : memref<7x72x64xf32, #tpu.memory_space<vmem>> -> memref<1x72x64xf32, #tpu.memory_space<vmem>>
    %dma_start3A_340 = tpu.memref_squeeze %dma_start3A_339 : memref<1x72x64xf32, #tpu.memory_space<vmem>> -> memref<72x64xf32, #tpu.memory_space<vmem>>
    %dma_start3A_341 = arith.constant 0 : i32
    %dma_start3A_342 = tpu.memref_slice %arg10[%dma_start3A_334, %dma_start3A_341] : memref<70x72xi32, #tpu.memory_space<vmem>> -> memref<1x72xi32, #tpu.memory_space<vmem>>
    %dma_start3A_343 = tpu.memref_squeeze %dma_start3A_342 : memref<1x72xi32, #tpu.memory_space<vmem>> -> memref<72xi32, #tpu.memory_space<vmem>>
    %dma_start3A_344 = arith.constant 0 : i32
    %dma_start3A_345 = arith.constant 0 : i32
    %dma_start3A_346 = tpu.memref_slice %arg14[%dma_start3A_344, %dma_start3A_345] : memref<10000x64xf32, #tpu.memory_space<vmem_shared>> -> memref<10000x64xf32, #tpu.memory_space<vmem_shared>>
    %dma_start3A_347 = tpu.memref_slice %arg17[%dma_start3A_336] : memref<7x!tpu.dma_semaphore, #tpu.memory_space<semaphore_mem>> -> memref<1x!tpu.dma_semaphore, #tpu.memory_space<semaphore_mem>>
    %dma_start3A_348 = tpu.memref_squeeze %dma_start3A_347 : memref<1x!tpu.dma_semaphore, #tpu.memory_space<semaphore_mem>> -> memref<!tpu.dma_semaphore, #tpu.memory_space<semaphore_mem>>
    tpu.enqueue_indirect_dma source(%dma_start3A_346 : memref<10000x64xf32, #tpu.memory_space<vmem_shared>>) target(%dma_start3A_340 : memref<72x64xf32, #tpu.memory_space<vmem>>) offsets(%dma_start3A_343 : memref<72xi32, #tpu.memory_space<vmem>>) semaphore(%dma_start3A_348 : memref<!tpu.dma_semaphore, #tpu.memory_space<semaphore_mem>>)
    %dma_start3A_349 = arith.constant 3 : i32
    %dma_start3A_350 = arith.constant 3 : i32
    %dma_start3A_351 = arith.constant 3 : i32
    %dma_start3A_352 = arith.constant 0 : i32
    %dma_start3A_353 = arith.constant 0 : i32
    %dma_start3A_354 = tpu.memref_slice %arg12[%dma_start3A_350, %dma_start3A_352, %dma_start3A_353] : memref<7x72x64xf32, #tpu.memory_space<vmem>> -> memref<1x72x64xf32, #tpu.memory_space<vmem>>
    %dma_start3A_355 = tpu.memref_squeeze %dma_start3A_354 : memref<1x72x64xf32, #tpu.memory_space<vmem>> -> memref<72x64xf32, #tpu.memory_space<vmem>>
    %dma_start3A_356 = arith.constant 0 : i32
    %dma_start3A_357 = tpu.memref_slice %arg10[%dma_start3A_349, %dma_start3A_356] : memref<70x72xi32, #tpu.memory_space<vmem>> -> memref<1x72xi32, #tpu.memory_space<vmem>>
    %dma_start3A_358 = tpu.memref_squeeze %dma_start3A_357 : memref<1x72xi32, #tpu.memory_space<vmem>> -> memref<72xi32, #tpu.memory_space<vmem>>
    %dma_start3A_359 = arith.constant 0 : i32
    %dma_start3A_360 = arith.constant 0 : i32
    %dma_start3A_361 = tpu.memref_slice %arg14[%dma_start3A_359, %dma_start3A_360] : memref<10000x64xf32, #tpu.memory_space<vmem_shared>> -> memref<10000x64xf32, #tpu.memory_space<vmem_shared>>
    %dma_start3A_362 = tpu.memref_slice %arg17[%dma_start3A_351] : memref<7x!tpu.dma_semaphore, #tpu.memory_space<semaphore_mem>> -> memref<1x!tpu.dma_semaphore, #tpu.memory_space<semaphore_mem>>
    %dma_start3A_363 = tpu.memref_squeeze %dma_start3A_362 : memref<1x!tpu.dma_semaphore, #tpu.memory_space<semaphore_mem>> -> memref<!tpu.dma_semaphore, #tpu.memory_space<semaphore_mem>>
    tpu.enqueue_indirect_dma source(%dma_start3A_361 : memref<10000x64xf32, #tpu.memory_space<vmem_shared>>) target(%dma_start3A_355 : memref<72x64xf32, #tpu.memory_space<vmem>>) offsets(%dma_start3A_358 : memref<72xi32, #tpu.memory_space<vmem>>) semaphore(%dma_start3A_363 : memref<!tpu.dma_semaphore, #tpu.memory_space<semaphore_mem>>)
    %dma_start3A_364 = arith.constant 4 : i32
    %dma_start3A_365 = arith.constant 4 : i32
    %dma_start3A_366 = arith.constant 4 : i32
    %dma_start3A_367 = arith.constant 0 : i32
    %dma_start3A_368 = arith.constant 0 : i32
    %dma_start3A_369 = tpu.memref_slice %arg12[%dma_start3A_365, %dma_start3A_367, %dma_start3A_368] : memref<7x72x64xf32, #tpu.memory_space<vmem>> -> memref<1x72x64xf32, #tpu.memory_space<vmem>>
    %dma_start3A_370 = tpu.memref_squeeze %dma_start3A_369 : memref<1x72x64xf32, #tpu.memory_space<vmem>> -> memref<72x64xf32, #tpu.memory_space<vmem>>
    %dma_start3A_371 = arith.constant 0 : i32
    %dma_start3A_372 = tpu.memref_slice %arg10[%dma_start3A_364, %dma_start3A_371] : memref<70x72xi32, #tpu.memory_space<vmem>> -> memref<1x72xi32, #tpu.memory_space<vmem>>
    %dma_start3A_373 = tpu.memref_squeeze %dma_start3A_372 : memref<1x72xi32, #tpu.memory_space<vmem>> -> memref<72xi32, #tpu.memory_space<vmem>>
    %dma_start3A_374 = arith.constant 0 : i32
    %dma_start3A_375 = arith.constant 0 : i32
    %dma_start3A_376 = tpu.memref_slice %arg14[%dma_start3A_374, %dma_start3A_375] : memref<10000x64xf32, #tpu.memory_space<vmem_shared>> -> memref<10000x64xf32, #tpu.memory_space<vmem_shared>>
    %dma_start3A_377 = tpu.memref_slice %arg17[%dma_start3A_366] : memref<7x!tpu.dma_semaphore, #tpu.memory_space<semaphore_mem>> -> memref<1x!tpu.dma_semaphore, #tpu.memory_space<semaphore_mem>>
    %dma_start3A_378 = tpu.memref_squeeze %dma_start3A_377 : memref<1x!tpu.dma_semaphore, #tpu.memory_space<semaphore_mem>> -> memref<!tpu.dma_semaphore, #tpu.memory_space<semaphore_mem>>
    tpu.enqueue_indirect_dma source(%dma_start3A_376 : memref<10000x64xf32, #tpu.memory_space<vmem_shared>>) target(%dma_start3A_370 : memref<72x64xf32, #tpu.memory_space<vmem>>) offsets(%dma_start3A_373 : memref<72xi32, #tpu.memory_space<vmem>>) semaphore(%dma_start3A_378 : memref<!tpu.dma_semaphore, #tpu.memory_space<semaphore_mem>>)
    %dma_start3A_379 = arith.constant 5 : i32
    %dma_start3A_380 = arith.constant 5 : i32
    %dma_start3A_381 = arith.constant 5 : i32
    %dma_start3A_382 = arith.constant 0 : i32
    %dma_start3A_383 = arith.constant 0 : i32
    %dma_start3A_384 = tpu.memref_slice %arg12[%dma_start3A_380, %dma_start3A_382, %dma_start3A_383] : memref<7x72x64xf32, #tpu.memory_space<vmem>> -> memref<1x72x64xf32, #tpu.memory_space<vmem>>
    %dma_start3A_385 = tpu.memref_squeeze %dma_start3A_384 : memref<1x72x64xf32, #tpu.memory_space<vmem>> -> memref<72x64xf32, #tpu.memory_space<vmem>>
    %dma_start3A_386 = arith.constant 0 : i32
    %dma_start3A_387 = tpu.memref_slice %arg10[%dma_start3A_379, %dma_start3A_386] : memref<70x72xi32, #tpu.memory_space<vmem>> -> memref<1x72xi32, #tpu.memory_space<vmem>>
    %dma_start3A_388 = tpu.memref_squeeze %dma_start3A_387 : memref<1x72xi32, #tpu.memory_space<vmem>> -> memref<72xi32, #tpu.memory_space<vmem>>
    %dma_start3A_389 = arith.constant 0 : i32
    %dma_start3A_390 = arith.constant 0 : i32
    %dma_start3A_391 = tpu.memref_slice %arg14[%dma_start3A_389, %dma_start3A_390] : memref<10000x64xf32, #tpu.memory_space<vmem_shared>> -> memref<10000x64xf32, #tpu.memory_space<vmem_shared>>
    %dma_start3A_392 = tpu.memref_slice %arg17[%dma_start3A_381] : memref<7x!tpu.dma_semaphore, #tpu.memory_space<semaphore_mem>> -> memref<1x!tpu.dma_semaphore, #tpu.memory_space<semaphore_mem>>
    %dma_start3A_393 = tpu.memref_squeeze %dma_start3A_392 : memref<1x!tpu.dma_semaphore, #tpu.memory_space<semaphore_mem>> -> memref<!tpu.dma_semaphore, #tpu.memory_space<semaphore_mem>>
    tpu.enqueue_indirect_dma source(%dma_start3A_391 : memref<10000x64xf32, #tpu.memory_space<vmem_shared>>) target(%dma_start3A_385 : memref<72x64xf32, #tpu.memory_space<vmem>>) offsets(%dma_start3A_388 : memref<72xi32, #tpu.memory_space<vmem>>) semaphore(%dma_start3A_393 : memref<!tpu.dma_semaphore, #tpu.memory_space<semaphore_mem>>)
    %dma_start3A_394 = arith.constant 6 : i32
    %dma_start3A_395 = arith.constant 6 : i32
    %dma_start3A_396 = arith.constant 6 : i32
    %dma_start3A_397 = arith.constant 0 : i32
    %dma_start3A_398 = arith.constant 0 : i32
    %dma_start3A_399 = tpu.memref_slice %arg12[%dma_start3A_395, %dma_start3A_397, %dma_start3A_398] : memref<7x72x64xf32, #tpu.memory_space<vmem>> -> memref<1x72x64xf32, #tpu.memory_space<vmem>>
    %dma_start3A_400 = tpu.memref_squeeze %dma_start3A_399 : memref<1x72x64xf32, #tpu.memory_space<vmem>> -> memref<72x64xf32, #tpu.memory_space<vmem>>
    %dma_start3A_401 = arith.constant 0 : i32
    %dma_start3A_402 = tpu.memref_slice %arg10[%dma_start3A_394, %dma_start3A_401] : memref<70x72xi32, #tpu.memory_space<vmem>> -> memref<1x72xi32, #tpu.memory_space<vmem>>
    %dma_start3A_403 = tpu.memref_squeeze %dma_start3A_402 : memref<1x72xi32, #tpu.memory_space<vmem>> -> memref<72xi32, #tpu.memory_space<vmem>>
    %dma_start3A_404 = arith.constant 0 : i32
    %dma_start3A_405 = arith.constant 0 : i32
    %dma_start3A_406 = tpu.memref_slice %arg14[%dma_start3A_404, %dma_start3A_405] : memref<10000x64xf32, #tpu.memory_space<vmem_shared>> -> memref<10000x64xf32, #tpu.memory_space<vmem_shared>>
    %dma_start3A_407 = tpu.memref_slice %arg17[%dma_start3A_396] : memref<7x!tpu.dma_semaphore, #tpu.memory_space<semaphore_mem>> -> memref<1x!tpu.dma_semaphore, #tpu.memory_space<semaphore_mem>>
    %dma_start3A_408 = tpu.memref_squeeze %dma_start3A_407 : memref<1x!tpu.dma_semaphore, #tpu.memory_space<semaphore_mem>> -> memref<!tpu.dma_semaphore, #tpu.memory_space<semaphore_mem>>
    tpu.enqueue_indirect_dma source(%dma_start3A_406 : memref<10000x64xf32, #tpu.memory_space<vmem_shared>>) target(%dma_start3A_400 : memref<72x64xf32, #tpu.memory_space<vmem>>) offsets(%dma_start3A_403 : memref<72xi32, #tpu.memory_space<vmem>>) semaphore(%dma_start3A_408 : memref<!tpu.dma_semaphore, #tpu.memory_space<semaphore_mem>>)
    %scan3A_409 = arith.constant 0 : i32
    %scan3A_410 = arith.constant 0 : i32
    %scan3A_411 = arith.constant 10 : i32
    %scan3A_412 = arith.addi %scan3A_410, %scan3A_411 : i32
    %scan3A_413 = arith.constant 1 : i32
    scf.for %scan3A_1055 = %scan3A_410 to %scan3A_412 step %scan3A_413  : i32 {
      %mul3A_1056 = arith.constant 7 : i32
      %mul3A_1057 = arith.muli %scan3A_1055, %mul3A_1056 : i32
      %add3A_1058 = arith.constant 0 : i32
      %add3A_1059 = arith.addi %mul3A_1057, %add3A_1058 : i32
      %dma_wait3A_1060 = arith.constant 0 : i32
      %dma_wait3A_1061 = arith.constant 0 : i32
      %dma_wait3A_1062 = arith.constant 0 : i32
      %dma_wait3A_1063 = arith.constant 0 : i32
      %dma_wait3A_1064 = tpu.memref_slice %arg12[%dma_wait3A_1060, %dma_wait3A_1062, %dma_wait3A_1063] : memref<7x72x64xf32, #tpu.memory_space<vmem>> -> memref<1x72x64xf32, #tpu.memory_space<vmem>>
      %dma_wait3A_1065 = tpu.memref_squeeze %dma_wait3A_1064 : memref<1x72x64xf32, #tpu.memory_space<vmem>> -> memref<72x64xf32, #tpu.memory_space<vmem>>
      %dma_wait3A_1066 = arith.constant 0 : i32
      %dma_wait3A_1067 = tpu.memref_slice %arg10[%add3A_1059, %dma_wait3A_1066] : memref<70x72xi32, #tpu.memory_space<vmem>> -> memref<1x72xi32, #tpu.memory_space<vmem>>
      %dma_wait3A_1068 = tpu.memref_squeeze %dma_wait3A_1067 : memref<1x72xi32, #tpu.memory_space<vmem>> -> memref<72xi32, #tpu.memory_space<vmem>>
      %dma_wait3A_1069 = arith.constant 0 : i32
      %dma_wait3A_1070 = arith.constant 0 : i32
      %dma_wait3A_1071 = tpu.memref_slice %arg14[%dma_wait3A_1069, %dma_wait3A_1070] : memref<10000x64xf32, #tpu.memory_space<vmem_shared>> -> memref<10000x64xf32, #tpu.memory_space<vmem_shared>>
      %dma_wait3A_1072 = tpu.memref_slice %arg17[%dma_wait3A_1061] : memref<7x!tpu.dma_semaphore, #tpu.memory_space<semaphore_mem>> -> memref<1x!tpu.dma_semaphore, #tpu.memory_space<semaphore_mem>>
      %dma_wait3A_1073 = tpu.memref_squeeze %dma_wait3A_1072 : memref<1x!tpu.dma_semaphore, #tpu.memory_space<semaphore_mem>> -> memref<!tpu.dma_semaphore, #tpu.memory_space<semaphore_mem>>
      tpu.wait_indirect_dma semaphore(%dma_wait3A_1073 : memref<!tpu.dma_semaphore, #tpu.memory_space<semaphore_mem>>) src(%dma_wait3A_1071 : memref<10000x64xf32, #tpu.memory_space<vmem_shared>>) dst(%dma_wait3A_1065 : memref<72x64xf32, #tpu.memory_space<vmem>>)
      %dma_start3A_1074 = arith.constant 0 : i32
      %dma_start3A_1075 = arith.constant 0 : i32
      %dma_start3A_1076 = arith.constant 0 : i32
      %dma_start3A_1077 = arith.constant 0 : i32
      %dma_start3A_1078 = tpu.memref_slice %arg12[%dma_start3A_1074, %dma_start3A_1076, %dma_start3A_1077] : memref<7x72x64xf32, #tpu.memory_space<vmem>> -> memref<1x72x64xf32, #tpu.memory_space<vmem>>
      %dma_start3A_1079 = tpu.memref_squeeze %dma_start3A_1078 : memref<1x72x64xf32, #tpu.memory_space<vmem>> -> memref<72x64xf32, #tpu.memory_space<vmem>>
      %dma_start3A_1080 = arith.constant 0 : i32
      %dma_start3A_1081 = tpu.memref_slice %arg11[%add3A_1059, %dma_start3A_1080] : memref<70x72xi32, #tpu.memory_space<vmem>> -> memref<1x72xi32, #tpu.memory_space<vmem>>
      %dma_start3A_1082 = tpu.memref_squeeze %dma_start3A_1081 : memref<1x72xi32, #tpu.memory_space<vmem>> -> memref<72xi32, #tpu.memory_space<vmem>>
      %dma_start3A_1083 = arith.constant 0 : i32
      %dma_start3A_1084 = arith.constant 0 : i32
      %dma_start3A_1085 = tpu.memref_slice %arg15[%dma_start3A_1083, %dma_start3A_1084] : memref<10240x64xf32, #tpu.memory_space<vmem_shared>> -> memref<10240x64xf32, #tpu.memory_space<vmem_shared>>
      %dma_start3A_1086 = tpu.memref_slice %arg18[%dma_start3A_1075] : memref<7x!tpu.dma_semaphore, #tpu.memory_space<semaphore_mem>> -> memref<1x!tpu.dma_semaphore, #tpu.memory_space<semaphore_mem>>
      %dma_start3A_1087 = tpu.memref_squeeze %dma_start3A_1086 : memref<1x!tpu.dma_semaphore, #tpu.memory_space<semaphore_mem>> -> memref<!tpu.dma_semaphore, #tpu.memory_space<semaphore_mem>>
      tpu.enqueue_indirect_dma source(%dma_start3A_1079 : memref<72x64xf32, #tpu.memory_space<vmem>>) target(%dma_start3A_1085 : memref<10240x64xf32, #tpu.memory_space<vmem_shared>>) offsets(%dma_start3A_1082 : memref<72xi32, #tpu.memory_space<vmem>>) semaphore(%dma_start3A_1087 : memref<!tpu.dma_semaphore, #tpu.memory_space<semaphore_mem>>) {add = true}
      %dma_start3A_1088 = arith.constant 0 : i32
      %dma_start3A_1089 = arith.constant 0 : i32
      %dma_start3A_1090 = tpu.memref_slice %arg11[%add3A_1059, %dma_start3A_1089] : memref<70x72xi32, #tpu.memory_space<vmem>> -> memref<1x72xi32, #tpu.memory_space<vmem>>
      %dma_start3A_1091 = tpu.memref_squeeze %dma_start3A_1090 : memref<1x72xi32, #tpu.memory_space<vmem>> -> memref<72xi32, #tpu.memory_space<vmem>>
      %dma_start3A_1092 = arith.constant 0 : i32
      %dma_start3A_1093 = tpu.memref_slice %arg16[%dma_start3A_1092] : memref<10240xf32, #tpu.memory_space<vmem_shared>> -> memref<10240xf32, #tpu.memory_space<vmem_shared>>
      %dma_start3A_1094 = tpu.memref_slice %arg19[%dma_start3A_1088] : memref<7x!tpu.dma_semaphore, #tpu.memory_space<semaphore_mem>> -> memref<1x!tpu.dma_semaphore, #tpu.memory_space<semaphore_mem>>
      %dma_start3A_1095 = tpu.memref_squeeze %dma_start3A_1094 : memref<1x!tpu.dma_semaphore, #tpu.memory_space<semaphore_mem>> -> memref<!tpu.dma_semaphore, #tpu.memory_space<semaphore_mem>>
      tpu.enqueue_indirect_dma source(%arg13 : memref<72xf32, #tpu.memory_space<vmem>>) target(%dma_start3A_1093 : memref<10240xf32, #tpu.memory_space<vmem_shared>>) offsets(%dma_start3A_1091 : memref<72xi32, #tpu.memory_space<vmem>>) semaphore(%dma_start3A_1095 : memref<!tpu.dma_semaphore, #tpu.memory_space<semaphore_mem>>) {add = true}
      %add3A_1096 = arith.constant 1 : i32
      %add3A_1097 = arith.addi %mul3A_1057, %add3A_1096 : i32
      %dma_wait3A_1098 = arith.constant 1 : i32
      %dma_wait3A_1099 = arith.constant 1 : i32
      %dma_wait3A_1100 = arith.constant 0 : i32
      %dma_wait3A_1101 = arith.constant 0 : i32
      %dma_wait3A_1102 = tpu.memref_slice %arg12[%dma_wait3A_1098, %dma_wait3A_1100, %dma_wait3A_1101] : memref<7x72x64xf32, #tpu.memory_space<vmem>> -> memref<1x72x64xf32, #tpu.memory_space<vmem>>
      %dma_wait3A_1103 = tpu.memref_squeeze %dma_wait3A_1102 : memref<1x72x64xf32, #tpu.memory_space<vmem>> -> memref<72x64xf32, #tpu.memory_space<vmem>>
      %dma_wait3A_1104 = arith.constant 0 : i32
      %dma_wait3A_1105 = tpu.memref_slice %arg10[%add3A_1097, %dma_wait3A_1104] : memref<70x72xi32, #tpu.memory_space<vmem>> -> memref<1x72xi32, #tpu.memory_space<vmem>>
      %dma_wait3A_1106 = tpu.memref_squeeze %dma_wait3A_1105 : memref<1x72xi32, #tpu.memory_space<vmem>> -> memref<72xi32, #tpu.memory_space<vmem>>
      %dma_wait3A_1107 = arith.constant 0 : i32
      %dma_wait3A_1108 = arith.constant 0 : i32
      %dma_wait3A_1109 = tpu.memref_slice %arg14[%dma_wait3A_1107, %dma_wait3A_1108] : memref<10000x64xf32, #tpu.memory_space<vmem_shared>> -> memref<10000x64xf32, #tpu.memory_space<vmem_shared>>
      %dma_wait3A_1110 = tpu.memref_slice %arg17[%dma_wait3A_1099] : memref<7x!tpu.dma_semaphore, #tpu.memory_space<semaphore_mem>> -> memref<1x!tpu.dma_semaphore, #tpu.memory_space<semaphore_mem>>
      %dma_wait3A_1111 = tpu.memref_squeeze %dma_wait3A_1110 : memref<1x!tpu.dma_semaphore, #tpu.memory_space<semaphore_mem>> -> memref<!tpu.dma_semaphore, #tpu.memory_space<semaphore_mem>>
      tpu.wait_indirect_dma semaphore(%dma_wait3A_1111 : memref<!tpu.dma_semaphore, #tpu.memory_space<semaphore_mem>>) src(%dma_wait3A_1109 : memref<10000x64xf32, #tpu.memory_space<vmem_shared>>) dst(%dma_wait3A_1103 : memref<72x64xf32, #tpu.memory_space<vmem>>)
      %dma_start3A_1112 = arith.constant 1 : i32
      %dma_start3A_1113 = arith.constant 1 : i32
      %dma_start3A_1114 = arith.constant 0 : i32
      %dma_start3A_1115 = arith.constant 0 : i32
      %dma_start3A_1116 = tpu.memref_slice %arg12[%dma_start3A_1112, %dma_start3A_1114, %dma_start3A_1115] : memref<7x72x64xf32, #tpu.memory_space<vmem>> -> memref<1x72x64xf32, #tpu.memory_space<vmem>>
      %dma_start3A_1117 = tpu.memref_squeeze %dma_start3A_1116 : memref<1x72x64xf32, #tpu.memory_space<vmem>> -> memref<72x64xf32, #tpu.memory_space<vmem>>
      %dma_start3A_1118 = arith.constant 0 : i32
      %dma_start3A_1119 = tpu.memref_slice %arg11[%add3A_1097, %dma_start3A_1118] : memref<70x72xi32, #tpu.memory_space<vmem>> -> memref<1x72xi32, #tpu.memory_space<vmem>>
      %dma_start3A_1120 = tpu.memref_squeeze %dma_start3A_1119 : memref<1x72xi32, #tpu.memory_space<vmem>> -> memref<72xi32, #tpu.memory_space<vmem>>
      %dma_start3A_1121 = arith.constant 0 : i32
      %dma_start3A_1122 = arith.constant 0 : i32
      %dma_start3A_1123 = tpu.memref_slice %arg15[%dma_start3A_1121, %dma_start3A_1122] : memref<10240x64xf32, #tpu.memory_space<vmem_shared>> -> memref<10240x64xf32, #tpu.memory_space<vmem_shared>>
      %dma_start3A_1124 = tpu.memref_slice %arg18[%dma_start3A_1113] : memref<7x!tpu.dma_semaphore, #tpu.memory_space<semaphore_mem>> -> memref<1x!tpu.dma_semaphore, #tpu.memory_space<semaphore_mem>>
      %dma_start3A_1125 = tpu.memref_squeeze %dma_start3A_1124 : memref<1x!tpu.dma_semaphore, #tpu.memory_space<semaphore_mem>> -> memref<!tpu.dma_semaphore, #tpu.memory_space<semaphore_mem>>
      tpu.enqueue_indirect_dma source(%dma_start3A_1117 : memref<72x64xf32, #tpu.memory_space<vmem>>) target(%dma_start3A_1123 : memref<10240x64xf32, #tpu.memory_space<vmem_shared>>) offsets(%dma_start3A_1120 : memref<72xi32, #tpu.memory_space<vmem>>) semaphore(%dma_start3A_1125 : memref<!tpu.dma_semaphore, #tpu.memory_space<semaphore_mem>>) {add = true}
      %dma_start3A_1126 = arith.constant 1 : i32
      %dma_start3A_1127 = arith.constant 0 : i32
      %dma_start3A_1128 = tpu.memref_slice %arg11[%add3A_1097, %dma_start3A_1127] : memref<70x72xi32, #tpu.memory_space<vmem>> -> memref<1x72xi32, #tpu.memory_space<vmem>>
      %dma_start3A_1129 = tpu.memref_squeeze %dma_start3A_1128 : memref<1x72xi32, #tpu.memory_space<vmem>> -> memref<72xi32, #tpu.memory_space<vmem>>
      %dma_start3A_1130 = arith.constant 0 : i32
      %dma_start3A_1131 = tpu.memref_slice %arg16[%dma_start3A_1130] : memref<10240xf32, #tpu.memory_space<vmem_shared>> -> memref<10240xf32, #tpu.memory_space<vmem_shared>>
      %dma_start3A_1132 = tpu.memref_slice %arg19[%dma_start3A_1126] : memref<7x!tpu.dma_semaphore, #tpu.memory_space<semaphore_mem>> -> memref<1x!tpu.dma_semaphore, #tpu.memory_space<semaphore_mem>>
      %dma_start3A_1133 = tpu.memref_squeeze %dma_start3A_1132 : memref<1x!tpu.dma_semaphore, #tpu.memory_space<semaphore_mem>> -> memref<!tpu.dma_semaphore, #tpu.memory_space<semaphore_mem>>
      tpu.enqueue_indirect_dma source(%arg13 : memref<72xf32, #tpu.memory_space<vmem>>) target(%dma_start3A_1131 : memref<10240xf32, #tpu.memory_space<vmem_shared>>) offsets(%dma_start3A_1129 : memref<72xi32, #tpu.memory_space<vmem>>) semaphore(%dma_start3A_1133 : memref<!tpu.dma_semaphore, #tpu.memory_space<semaphore_mem>>) {add = true}
      %add3A_1134 = arith.constant 2 : i32
      %add3A_1135 = arith.addi %mul3A_1057, %add3A_1134 : i32
      %dma_wait3A_1136 = arith.constant 2 : i32
      %dma_wait3A_1137 = arith.constant 2 : i32
      %dma_wait3A_1138 = arith.constant 0 : i32
      %dma_wait3A_1139 = arith.constant 0 : i32
      %dma_wait3A_1140 = tpu.memref_slice %arg12[%dma_wait3A_1136, %dma_wait3A_1138, %dma_wait3A_1139] : memref<7x72x64xf32, #tpu.memory_space<vmem>> -> memref<1x72x64xf32, #tpu.memory_space<vmem>>
      %dma_wait3A_1141 = tpu.memref_squeeze %dma_wait3A_1140 : memref<1x72x64xf32, #tpu.memory_space<vmem>> -> memref<72x64xf32, #tpu.memory_space<vmem>>
      %dma_wait3A_1142 = arith.constant 0 : i32
      %dma_wait3A_1143 = tpu.memref_slice %arg10[%add3A_1135, %dma_wait3A_1142] : memref<70x72xi32, #tpu.memory_space<vmem>> -> memref<1x72xi32, #tpu.memory_space<vmem>>
      %dma_wait3A_1144 = tpu.memref_squeeze %dma_wait3A_1143 : memref<1x72xi32, #tpu.memory_space<vmem>> -> memref<72xi32, #tpu.memory_space<vmem>>
      %dma_wait3A_1145 = arith.constant 0 : i32
      %dma_wait3A_1146 = arith.constant 0 : i32
      %dma_wait3A_1147 = tpu.memref_slice %arg14[%dma_wait3A_1145, %dma_wait3A_1146] : memref<10000x64xf32, #tpu.memory_space<vmem_shared>> -> memref<10000x64xf32, #tpu.memory_space<vmem_shared>>
      %dma_wait3A_1148 = tpu.memref_slice %arg17[%dma_wait3A_1137] : memref<7x!tpu.dma_semaphore, #tpu.memory_space<semaphore_mem>> -> memref<1x!tpu.dma_semaphore, #tpu.memory_space<semaphore_mem>>
      %dma_wait3A_1149 = tpu.memref_squeeze %dma_wait3A_1148 : memref<1x!tpu.dma_semaphore, #tpu.memory_space<semaphore_mem>> -> memref<!tpu.dma_semaphore, #tpu.memory_space<semaphore_mem>>
      tpu.wait_indirect_dma semaphore(%dma_wait3A_1149 : memref<!tpu.dma_semaphore, #tpu.memory_space<semaphore_mem>>) src(%dma_wait3A_1147 : memref<10000x64xf32, #tpu.memory_space<vmem_shared>>) dst(%dma_wait3A_1141 : memref<72x64xf32, #tpu.memory_space<vmem>>)
      %dma_start3A_1150 = arith.constant 2 : i32
      %dma_start3A_1151 = arith.constant 2 : i32
      %dma_start3A_1152 = arith.constant 0 : i32
      %dma_start3A_1153 = arith.constant 0 : i32
      %dma_start3A_1154 = tpu.memref_slice %arg12[%dma_start3A_1150, %dma_start3A_1152, %dma_start3A_1153] : memref<7x72x64xf32, #tpu.memory_space<vmem>> -> memref<1x72x64xf32, #tpu.memory_space<vmem>>
      %dma_start3A_1155 = tpu.memref_squeeze %dma_start3A_1154 : memref<1x72x64xf32, #tpu.memory_space<vmem>> -> memref<72x64xf32, #tpu.memory_space<vmem>>
      %dma_start3A_1156 = arith.constant 0 : i32
      %dma_start3A_1157 = tpu.memref_slice %arg11[%add3A_1135, %dma_start3A_1156] : memref<70x72xi32, #tpu.memory_space<vmem>> -> memref<1x72xi32, #tpu.memory_space<vmem>>
      %dma_start3A_1158 = tpu.memref_squeeze %dma_start3A_1157 : memref<1x72xi32, #tpu.memory_space<vmem>> -> memref<72xi32, #tpu.memory_space<vmem>>
      %dma_start3A_1159 = arith.constant 0 : i32
      %dma_start3A_1160 = arith.constant 0 : i32
      %dma_start3A_1161 = tpu.memref_slice %arg15[%dma_start3A_1159, %dma_start3A_1160] : memref<10240x64xf32, #tpu.memory_space<vmem_shared>> -> memref<10240x64xf32, #tpu.memory_space<vmem_shared>>
      %dma_start3A_1162 = tpu.memref_slice %arg18[%dma_start3A_1151] : memref<7x!tpu.dma_semaphore, #tpu.memory_space<semaphore_mem>> -> memref<1x!tpu.dma_semaphore, #tpu.memory_space<semaphore_mem>>
      %dma_start3A_1163 = tpu.memref_squeeze %dma_start3A_1162 : memref<1x!tpu.dma_semaphore, #tpu.memory_space<semaphore_mem>> -> memref<!tpu.dma_semaphore, #tpu.memory_space<semaphore_mem>>
      tpu.enqueue_indirect_dma source(%dma_start3A_1155 : memref<72x64xf32, #tpu.memory_space<vmem>>) target(%dma_start3A_1161 : memref<10240x64xf32, #tpu.memory_space<vmem_shared>>) offsets(%dma_start3A_1158 : memref<72xi32, #tpu.memory_space<vmem>>) semaphore(%dma_start3A_1163 : memref<!tpu.dma_semaphore, #tpu.memory_space<semaphore_mem>>) {add = true}
      %dma_start3A_1164 = arith.constant 2 : i32
      %dma_start3A_1165 = arith.constant 0 : i32
      %dma_start3A_1166 = tpu.memref_slice %arg11[%add3A_1135, %dma_start3A_1165] : memref<70x72xi32, #tpu.memory_space<vmem>> -> memref<1x72xi32, #tpu.memory_space<vmem>>
      %dma_start3A_1167 = tpu.memref_squeeze %dma_start3A_1166 : memref<1x72xi32, #tpu.memory_space<vmem>> -> memref<72xi32, #tpu.memory_space<vmem>>
      %dma_start3A_1168 = arith.constant 0 : i32
      %dma_start3A_1169 = tpu.memref_slice %arg16[%dma_start3A_1168] : memref<10240xf32, #tpu.memory_space<vmem_shared>> -> memref<10240xf32, #tpu.memory_space<vmem_shared>>
      %dma_start3A_1170 = tpu.memref_slice %arg19[%dma_start3A_1164] : memref<7x!tpu.dma_semaphore, #tpu.memory_space<semaphore_mem>> -> memref<1x!tpu.dma_semaphore, #tpu.memory_space<semaphore_mem>>
      %dma_start3A_1171 = tpu.memref_squeeze %dma_start3A_1170 : memref<1x!tpu.dma_semaphore, #tpu.memory_space<semaphore_mem>> -> memref<!tpu.dma_semaphore, #tpu.memory_space<semaphore_mem>>
      tpu.enqueue_indirect_dma source(%arg13 : memref<72xf32, #tpu.memory_space<vmem>>) target(%dma_start3A_1169 : memref<10240xf32, #tpu.memory_space<vmem_shared>>) offsets(%dma_start3A_1167 : memref<72xi32, #tpu.memory_space<vmem>>) semaphore(%dma_start3A_1171 : memref<!tpu.dma_semaphore, #tpu.memory_space<semaphore_mem>>) {add = true}
      %add3A_1172 = arith.constant 3 : i32
      %add3A_1173 = arith.addi %mul3A_1057, %add3A_1172 : i32
      %dma_wait3A_1174 = arith.constant 3 : i32
      %dma_wait3A_1175 = arith.constant 3 : i32
      %dma_wait3A_1176 = arith.constant 0 : i32
      %dma_wait3A_1177 = arith.constant 0 : i32
      %dma_wait3A_1178 = tpu.memref_slice %arg12[%dma_wait3A_1174, %dma_wait3A_1176, %dma_wait3A_1177] : memref<7x72x64xf32, #tpu.memory_space<vmem>> -> memref<1x72x64xf32, #tpu.memory_space<vmem>>
      %dma_wait3A_1179 = tpu.memref_squeeze %dma_wait3A_1178 : memref<1x72x64xf32, #tpu.memory_space<vmem>> -> memref<72x64xf32, #tpu.memory_space<vmem>>
      %dma_wait3A_1180 = arith.constant 0 : i32
      %dma_wait3A_1181 = tpu.memref_slice %arg10[%add3A_1173, %dma_wait3A_1180] : memref<70x72xi32, #tpu.memory_space<vmem>> -> memref<1x72xi32, #tpu.memory_space<vmem>>
      %dma_wait3A_1182 = tpu.memref_squeeze %dma_wait3A_1181 : memref<1x72xi32, #tpu.memory_space<vmem>> -> memref<72xi32, #tpu.memory_space<vmem>>
      %dma_wait3A_1183 = arith.constant 0 : i32
      %dma_wait3A_1184 = arith.constant 0 : i32
      %dma_wait3A_1185 = tpu.memref_slice %arg14[%dma_wait3A_1183, %dma_wait3A_1184] : memref<10000x64xf32, #tpu.memory_space<vmem_shared>> -> memref<10000x64xf32, #tpu.memory_space<vmem_shared>>
      %dma_wait3A_1186 = tpu.memref_slice %arg17[%dma_wait3A_1175] : memref<7x!tpu.dma_semaphore, #tpu.memory_space<semaphore_mem>> -> memref<1x!tpu.dma_semaphore, #tpu.memory_space<semaphore_mem>>
      %dma_wait3A_1187 = tpu.memref_squeeze %dma_wait3A_1186 : memref<1x!tpu.dma_semaphore, #tpu.memory_space<semaphore_mem>> -> memref<!tpu.dma_semaphore, #tpu.memory_space<semaphore_mem>>
      tpu.wait_indirect_dma semaphore(%dma_wait3A_1187 : memref<!tpu.dma_semaphore, #tpu.memory_space<semaphore_mem>>) src(%dma_wait3A_1185 : memref<10000x64xf32, #tpu.memory_space<vmem_shared>>) dst(%dma_wait3A_1179 : memref<72x64xf32, #tpu.memory_space<vmem>>)
      %dma_start3A_1188 = arith.constant 3 : i32
      %dma_start3A_1189 = arith.constant 3 : i32
      %dma_start3A_1190 = arith.constant 0 : i32
      %dma_start3A_1191 = arith.constant 0 : i32
      %dma_start3A_1192 = tpu.memref_slice %arg12[%dma_start3A_1188, %dma_start3A_1190, %dma_start3A_1191] : memref<7x72x64xf32, #tpu.memory_space<vmem>> -> memref<1x72x64xf32, #tpu.memory_space<vmem>>
      %dma_start3A_1193 = tpu.memref_squeeze %dma_start3A_1192 : memref<1x72x64xf32, #tpu.memory_space<vmem>> -> memref<72x64xf32, #tpu.memory_space<vmem>>
      %dma_start3A_1194 = arith.constant 0 : i32
      %dma_start3A_1195 = tpu.memref_slice %arg11[%add3A_1173, %dma_start3A_1194] : memref<70x72xi32, #tpu.memory_space<vmem>> -> memref<1x72xi32, #tpu.memory_space<vmem>>
      %dma_start3A_1196 = tpu.memref_squeeze %dma_start3A_1195 : memref<1x72xi32, #tpu.memory_space<vmem>> -> memref<72xi32, #tpu.memory_space<vmem>>
      %dma_start3A_1197 = arith.constant 0 : i32
      %dma_start3A_1198 = arith.constant 0 : i32
      %dma_start3A_1199 = tpu.memref_slice %arg15[%dma_start3A_1197, %dma_start3A_1198] : memref<10240x64xf32, #tpu.memory_space<vmem_shared>> -> memref<10240x64xf32, #tpu.memory_space<vmem_shared>>
      %dma_start3A_1200 = tpu.memref_slice %arg18[%dma_start3A_1189] : memref<7x!tpu.dma_semaphore, #tpu.memory_space<semaphore_mem>> -> memref<1x!tpu.dma_semaphore, #tpu.memory_space<semaphore_mem>>
      %dma_start3A_1201 = tpu.memref_squeeze %dma_start3A_1200 : memref<1x!tpu.dma_semaphore, #tpu.memory_space<semaphore_mem>> -> memref<!tpu.dma_semaphore, #tpu.memory_space<semaphore_mem>>
      tpu.enqueue_indirect_dma source(%dma_start3A_1193 : memref<72x64xf32, #tpu.memory_space<vmem>>) target(%dma_start3A_1199 : memref<10240x64xf32, #tpu.memory_space<vmem_shared>>) offsets(%dma_start3A_1196 : memref<72xi32, #tpu.memory_space<vmem>>) semaphore(%dma_start3A_1201 : memref<!tpu.dma_semaphore, #tpu.memory_space<semaphore_mem>>) {add = true}
      %dma_start3A_1202 = arith.constant 3 : i32
      %dma_start3A_1203 = arith.constant 0 : i32
      %dma_start3A_1204 = tpu.memref_slice %arg11[%add3A_1173, %dma_start3A_1203] : memref<70x72xi32, #tpu.memory_space<vmem>> -> memref<1x72xi32, #tpu.memory_space<vmem>>
      %dma_start3A_1205 = tpu.memref_squeeze %dma_start3A_1204 : memref<1x72xi32, #tpu.memory_space<vmem>> -> memref<72xi32, #tpu.memory_space<vmem>>
      %dma_start3A_1206 = arith.constant 0 : i32
      %dma_start3A_1207 = tpu.memref_slice %arg16[%dma_start3A_1206] : memref<10240xf32, #tpu.memory_space<vmem_shared>> -> memref<10240xf32, #tpu.memory_space<vmem_shared>>
      %dma_start3A_1208 = tpu.memref_slice %arg19[%dma_start3A_1202] : memref<7x!tpu.dma_semaphore, #tpu.memory_space<semaphore_mem>> -> memref<1x!tpu.dma_semaphore, #tpu.memory_space<semaphore_mem>>
      %dma_start3A_1209 = tpu.memref_squeeze %dma_start3A_1208 : memref<1x!tpu.dma_semaphore, #tpu.memory_space<semaphore_mem>> -> memref<!tpu.dma_semaphore, #tpu.memory_space<semaphore_mem>>
      tpu.enqueue_indirect_dma source(%arg13 : memref<72xf32, #tpu.memory_space<vmem>>) target(%dma_start3A_1207 : memref<10240xf32, #tpu.memory_space<vmem_shared>>) offsets(%dma_start3A_1205 : memref<72xi32, #tpu.memory_space<vmem>>) semaphore(%dma_start3A_1209 : memref<!tpu.dma_semaphore, #tpu.memory_space<semaphore_mem>>) {add = true}
      %add3A_1210 = arith.constant 4 : i32
      %add3A_1211 = arith.addi %mul3A_1057, %add3A_1210 : i32
      %dma_wait3A_1212 = arith.constant 4 : i32
      %dma_wait3A_1213 = arith.constant 4 : i32
      %dma_wait3A_1214 = arith.constant 0 : i32
      %dma_wait3A_1215 = arith.constant 0 : i32
      %dma_wait3A_1216 = tpu.memref_slice %arg12[%dma_wait3A_1212, %dma_wait3A_1214, %dma_wait3A_1215] : memref<7x72x64xf32, #tpu.memory_space<vmem>> -> memref<1x72x64xf32, #tpu.memory_space<vmem>>
      %dma_wait3A_1217 = tpu.memref_squeeze %dma_wait3A_1216 : memref<1x72x64xf32, #tpu.memory_space<vmem>> -> memref<72x64xf32, #tpu.memory_space<vmem>>
      %dma_wait3A_1218 = arith.constant 0 : i32
      %dma_wait3A_1219 = tpu.memref_slice %arg10[%add3A_1211, %dma_wait3A_1218] : memref<70x72xi32, #tpu.memory_space<vmem>> -> memref<1x72xi32, #tpu.memory_space<vmem>>
      %dma_wait3A_1220 = tpu.memref_squeeze %dma_wait3A_1219 : memref<1x72xi32, #tpu.memory_space<vmem>> -> memref<72xi32, #tpu.memory_space<vmem>>
      %dma_wait3A_1221 = arith.constant 0 : i32
      %dma_wait3A_1222 = arith.constant 0 : i32
      %dma_wait3A_1223 = tpu.memref_slice %arg14[%dma_wait3A_1221, %dma_wait3A_1222] : memref<10000x64xf32, #tpu.memory_space<vmem_shared>> -> memref<10000x64xf32, #tpu.memory_space<vmem_shared>>
      %dma_wait3A_1224 = tpu.memref_slice %arg17[%dma_wait3A_1213] : memref<7x!tpu.dma_semaphore, #tpu.memory_space<semaphore_mem>> -> memref<1x!tpu.dma_semaphore, #tpu.memory_space<semaphore_mem>>
      %dma_wait3A_1225 = tpu.memref_squeeze %dma_wait3A_1224 : memref<1x!tpu.dma_semaphore, #tpu.memory_space<semaphore_mem>> -> memref<!tpu.dma_semaphore, #tpu.memory_space<semaphore_mem>>
      tpu.wait_indirect_dma semaphore(%dma_wait3A_1225 : memref<!tpu.dma_semaphore, #tpu.memory_space<semaphore_mem>>) src(%dma_wait3A_1223 : memref<10000x64xf32, #tpu.memory_space<vmem_shared>>) dst(%dma_wait3A_1217 : memref<72x64xf32, #tpu.memory_space<vmem>>)
      %dma_start3A_1226 = arith.constant 4 : i32
      %dma_start3A_1227 = arith.constant 4 : i32
      %dma_start3A_1228 = arith.constant 0 : i32
      %dma_start3A_1229 = arith.constant 0 : i32
      %dma_start3A_1230 = tpu.memref_slice %arg12[%dma_start3A_1226, %dma_start3A_1228, %dma_start3A_1229] : memref<7x72x64xf32, #tpu.memory_space<vmem>> -> memref<1x72x64xf32, #tpu.memory_space<vmem>>
      %dma_start3A_1231 = tpu.memref_squeeze %dma_start3A_1230 : memref<1x72x64xf32, #tpu.memory_space<vmem>> -> memref<72x64xf32, #tpu.memory_space<vmem>>
      %dma_start3A_1232 = arith.constant 0 : i32
      %dma_start3A_1233 = tpu.memref_slice %arg11[%add3A_1211, %dma_start3A_1232] : memref<70x72xi32, #tpu.memory_space<vmem>> -> memref<1x72xi32, #tpu.memory_space<vmem>>
      %dma_start3A_1234 = tpu.memref_squeeze %dma_start3A_1233 : memref<1x72xi32, #tpu.memory_space<vmem>> -> memref<72xi32, #tpu.memory_space<vmem>>
      %dma_start3A_1235 = arith.constant 0 : i32
      %dma_start3A_1236 = arith.constant 0 : i32
      %dma_start3A_1237 = tpu.memref_slice %arg15[%dma_start3A_1235, %dma_start3A_1236] : memref<10240x64xf32, #tpu.memory_space<vmem_shared>> -> memref<10240x64xf32, #tpu.memory_space<vmem_shared>>
      %dma_start3A_1238 = tpu.memref_slice %arg18[%dma_start3A_1227] : memref<7x!tpu.dma_semaphore, #tpu.memory_space<semaphore_mem>> -> memref<1x!tpu.dma_semaphore, #tpu.memory_space<semaphore_mem>>
      %dma_start3A_1239 = tpu.memref_squeeze %dma_start3A_1238 : memref<1x!tpu.dma_semaphore, #tpu.memory_space<semaphore_mem>> -> memref<!tpu.dma_semaphore, #tpu.memory_space<semaphore_mem>>
      tpu.enqueue_indirect_dma source(%dma_start3A_1231 : memref<72x64xf32, #tpu.memory_space<vmem>>) target(%dma_start3A_1237 : memref<10240x64xf32, #tpu.memory_space<vmem_shared>>) offsets(%dma_start3A_1234 : memref<72xi32, #tpu.memory_space<vmem>>) semaphore(%dma_start3A_1239 : memref<!tpu.dma_semaphore, #tpu.memory_space<semaphore_mem>>) {add = true}
      %dma_start3A_1240 = arith.constant 4 : i32
      %dma_start3A_1241 = arith.constant 0 : i32
      %dma_start3A_1242 = tpu.memref_slice %arg11[%add3A_1211, %dma_start3A_1241] : memref<70x72xi32, #tpu.memory_space<vmem>> -> memref<1x72xi32, #tpu.memory_space<vmem>>
      %dma_start3A_1243 = tpu.memref_squeeze %dma_start3A_1242 : memref<1x72xi32, #tpu.memory_space<vmem>> -> memref<72xi32, #tpu.memory_space<vmem>>
      %dma_start3A_1244 = arith.constant 0 : i32
      %dma_start3A_1245 = tpu.memref_slice %arg16[%dma_start3A_1244] : memref<10240xf32, #tpu.memory_space<vmem_shared>> -> memref<10240xf32, #tpu.memory_space<vmem_shared>>
      %dma_start3A_1246 = tpu.memref_slice %arg19[%dma_start3A_1240] : memref<7x!tpu.dma_semaphore, #tpu.memory_space<semaphore_mem>> -> memref<1x!tpu.dma_semaphore, #tpu.memory_space<semaphore_mem>>
      %dma_start3A_1247 = tpu.memref_squeeze %dma_start3A_1246 : memref<1x!tpu.dma_semaphore, #tpu.memory_space<semaphore_mem>> -> memref<!tpu.dma_semaphore, #tpu.memory_space<semaphore_mem>>
      tpu.enqueue_indirect_dma source(%arg13 : memref<72xf32, #tpu.memory_space<vmem>>) target(%dma_start3A_1245 : memref<10240xf32, #tpu.memory_space<vmem_shared>>) offsets(%dma_start3A_1243 : memref<72xi32, #tpu.memory_space<vmem>>) semaphore(%dma_start3A_1247 : memref<!tpu.dma_semaphore, #tpu.memory_space<semaphore_mem>>) {add = true}
      %add3A_1248 = arith.constant 5 : i32
      %add3A_1249 = arith.addi %mul3A_1057, %add3A_1248 : i32
      %dma_wait3A_1250 = arith.constant 5 : i32
      %dma_wait3A_1251 = arith.constant 5 : i32
      %dma_wait3A_1252 = arith.constant 0 : i32
      %dma_wait3A_1253 = arith.constant 0 : i32
      %dma_wait3A_1254 = tpu.memref_slice %arg12[%dma_wait3A_1250, %dma_wait3A_1252, %dma_wait3A_1253] : memref<7x72x64xf32, #tpu.memory_space<vmem>> -> memref<1x72x64xf32, #tpu.memory_space<vmem>>
      %dma_wait3A_1255 = tpu.memref_squeeze %dma_wait3A_1254 : memref<1x72x64xf32, #tpu.memory_space<vmem>> -> memref<72x64xf32, #tpu.memory_space<vmem>>
      %dma_wait3A_1256 = arith.constant 0 : i32
      %dma_wait3A_1257 = tpu.memref_slice %arg10[%add3A_1249, %dma_wait3A_1256] : memref<70x72xi32, #tpu.memory_space<vmem>> -> memref<1x72xi32, #tpu.memory_space<vmem>>
      %dma_wait3A_1258 = tpu.memref_squeeze %dma_wait3A_1257 : memref<1x72xi32, #tpu.memory_space<vmem>> -> memref<72xi32, #tpu.memory_space<vmem>>
      %dma_wait3A_1259 = arith.constant 0 : i32
      %dma_wait3A_1260 = arith.constant 0 : i32
      %dma_wait3A_1261 = tpu.memref_slice %arg14[%dma_wait3A_1259, %dma_wait3A_1260] : memref<10000x64xf32, #tpu.memory_space<vmem_shared>> -> memref<10000x64xf32, #tpu.memory_space<vmem_shared>>
      %dma_wait3A_1262 = tpu.memref_slice %arg17[%dma_wait3A_1251] : memref<7x!tpu.dma_semaphore, #tpu.memory_space<semaphore_mem>> -> memref<1x!tpu.dma_semaphore, #tpu.memory_space<semaphore_mem>>
      %dma_wait3A_1263 = tpu.memref_squeeze %dma_wait3A_1262 : memref<1x!tpu.dma_semaphore, #tpu.memory_space<semaphore_mem>> -> memref<!tpu.dma_semaphore, #tpu.memory_space<semaphore_mem>>
      tpu.wait_indirect_dma semaphore(%dma_wait3A_1263 : memref<!tpu.dma_semaphore, #tpu.memory_space<semaphore_mem>>) src(%dma_wait3A_1261 : memref<10000x64xf32, #tpu.memory_space<vmem_shared>>) dst(%dma_wait3A_1255 : memref<72x64xf32, #tpu.memory_space<vmem>>)
      %dma_start3A_1264 = arith.constant 5 : i32
      %dma_start3A_1265 = arith.constant 5 : i32
      %dma_start3A_1266 = arith.constant 0 : i32
      %dma_start3A_1267 = arith.constant 0 : i32
      %dma_start3A_1268 = tpu.memref_slice %arg12[%dma_start3A_1264, %dma_start3A_1266, %dma_start3A_1267] : memref<7x72x64xf32, #tpu.memory_space<vmem>> -> memref<1x72x64xf32, #tpu.memory_space<vmem>>
      %dma_start3A_1269 = tpu.memref_squeeze %dma_start3A_1268 : memref<1x72x64xf32, #tpu.memory_space<vmem>> -> memref<72x64xf32, #tpu.memory_space<vmem>>
      %dma_start3A_1270 = arith.constant 0 : i32
      %dma_start3A_1271 = tpu.memref_slice %arg11[%add3A_1249, %dma_start3A_1270] : memref<70x72xi32, #tpu.memory_space<vmem>> -> memref<1x72xi32, #tpu.memory_space<vmem>>
      %dma_start3A_1272 = tpu.memref_squeeze %dma_start3A_1271 : memref<1x72xi32, #tpu.memory_space<vmem>> -> memref<72xi32, #tpu.memory_space<vmem>>
      %dma_start3A_1273 = arith.constant 0 : i32
      %dma_start3A_1274 = arith.constant 0 : i32
      %dma_start3A_1275 = tpu.memref_slice %arg15[%dma_start3A_1273, %dma_start3A_1274] : memref<10240x64xf32, #tpu.memory_space<vmem_shared>> -> memref<10240x64xf32, #tpu.memory_space<vmem_shared>>
      %dma_start3A_1276 = tpu.memref_slice %arg18[%dma_start3A_1265] : memref<7x!tpu.dma_semaphore, #tpu.memory_space<semaphore_mem>> -> memref<1x!tpu.dma_semaphore, #tpu.memory_space<semaphore_mem>>
      %dma_start3A_1277 = tpu.memref_squeeze %dma_start3A_1276 : memref<1x!tpu.dma_semaphore, #tpu.memory_space<semaphore_mem>> -> memref<!tpu.dma_semaphore, #tpu.memory_space<semaphore_mem>>
      tpu.enqueue_indirect_dma source(%dma_start3A_1269 : memref<72x64xf32, #tpu.memory_space<vmem>>) target(%dma_start3A_1275 : memref<10240x64xf32, #tpu.memory_space<vmem_shared>>) offsets(%dma_start3A_1272 : memref<72xi32, #tpu.memory_space<vmem>>) semaphore(%dma_start3A_1277 : memref<!tpu.dma_semaphore, #tpu.memory_space<semaphore_mem>>) {add = true}
      %dma_start3A_1278 = arith.constant 5 : i32
      %dma_start3A_1279 = arith.constant 0 : i32
      %dma_start3A_1280 = tpu.memref_slice %arg11[%add3A_1249, %dma_start3A_1279] : memref<70x72xi32, #tpu.memory_space<vmem>> -> memref<1x72xi32, #tpu.memory_space<vmem>>
      %dma_start3A_1281 = tpu.memref_squeeze %dma_start3A_1280 : memref<1x72xi32, #tpu.memory_space<vmem>> -> memref<72xi32, #tpu.memory_space<vmem>>
      %dma_start3A_1282 = arith.constant 0 : i32
      %dma_start3A_1283 = tpu.memref_slice %arg16[%dma_start3A_1282] : memref<10240xf32, #tpu.memory_space<vmem_shared>> -> memref<10240xf32, #tpu.memory_space<vmem_shared>>
      %dma_start3A_1284 = tpu.memref_slice %arg19[%dma_start3A_1278] : memref<7x!tpu.dma_semaphore, #tpu.memory_space<semaphore_mem>> -> memref<1x!tpu.dma_semaphore, #tpu.memory_space<semaphore_mem>>
      %dma_start3A_1285 = tpu.memref_squeeze %dma_start3A_1284 : memref<1x!tpu.dma_semaphore, #tpu.memory_space<semaphore_mem>> -> memref<!tpu.dma_semaphore, #tpu.memory_space<semaphore_mem>>
      tpu.enqueue_indirect_dma source(%arg13 : memref<72xf32, #tpu.memory_space<vmem>>) target(%dma_start3A_1283 : memref<10240xf32, #tpu.memory_space<vmem_shared>>) offsets(%dma_start3A_1281 : memref<72xi32, #tpu.memory_space<vmem>>) semaphore(%dma_start3A_1285 : memref<!tpu.dma_semaphore, #tpu.memory_space<semaphore_mem>>) {add = true}
      %add3A_1286 = arith.constant 6 : i32
      %add3A_1287 = arith.addi %mul3A_1057, %add3A_1286 : i32
      %dma_wait3A_1288 = arith.constant 6 : i32
      %dma_wait3A_1289 = arith.constant 6 : i32
      %dma_wait3A_1290 = arith.constant 0 : i32
      %dma_wait3A_1291 = arith.constant 0 : i32
      %dma_wait3A_1292 = tpu.memref_slice %arg12[%dma_wait3A_1288, %dma_wait3A_1290, %dma_wait3A_1291] : memref<7x72x64xf32, #tpu.memory_space<vmem>> -> memref<1x72x64xf32, #tpu.memory_space<vmem>>
      %dma_wait3A_1293 = tpu.memref_squeeze %dma_wait3A_1292 : memref<1x72x64xf32, #tpu.memory_space<vmem>> -> memref<72x64xf32, #tpu.memory_space<vmem>>
      %dma_wait3A_1294 = arith.constant 0 : i32
      %dma_wait3A_1295 = tpu.memref_slice %arg10[%add3A_1287, %dma_wait3A_1294] : memref<70x72xi32, #tpu.memory_space<vmem>> -> memref<1x72xi32, #tpu.memory_space<vmem>>
      %dma_wait3A_1296 = tpu.memref_squeeze %dma_wait3A_1295 : memref<1x72xi32, #tpu.memory_space<vmem>> -> memref<72xi32, #tpu.memory_space<vmem>>
      %dma_wait3A_1297 = arith.constant 0 : i32
      %dma_wait3A_1298 = arith.constant 0 : i32
      %dma_wait3A_1299 = tpu.memref_slice %arg14[%dma_wait3A_1297, %dma_wait3A_1298] : memref<10000x64xf32, #tpu.memory_space<vmem_shared>> -> memref<10000x64xf32, #tpu.memory_space<vmem_shared>>
      %dma_wait3A_1300 = tpu.memref_slice %arg17[%dma_wait3A_1289] : memref<7x!tpu.dma_semaphore, #tpu.memory_space<semaphore_mem>> -> memref<1x!tpu.dma_semaphore, #tpu.memory_space<semaphore_mem>>
      %dma_wait3A_1301 = tpu.memref_squeeze %dma_wait3A_1300 : memref<1x!tpu.dma_semaphore, #tpu.memory_space<semaphore_mem>> -> memref<!tpu.dma_semaphore, #tpu.memory_space<semaphore_mem>>
      tpu.wait_indirect_dma semaphore(%dma_wait3A_1301 : memref<!tpu.dma_semaphore, #tpu.memory_space<semaphore_mem>>) src(%dma_wait3A_1299 : memref<10000x64xf32, #tpu.memory_space<vmem_shared>>) dst(%dma_wait3A_1293 : memref<72x64xf32, #tpu.memory_space<vmem>>)
      %dma_start3A_1302 = arith.constant 6 : i32
      %dma_start3A_1303 = arith.constant 6 : i32
      %dma_start3A_1304 = arith.constant 0 : i32
      %dma_start3A_1305 = arith.constant 0 : i32
      %dma_start3A_1306 = tpu.memref_slice %arg12[%dma_start3A_1302, %dma_start3A_1304, %dma_start3A_1305] : memref<7x72x64xf32, #tpu.memory_space<vmem>> -> memref<1x72x64xf32, #tpu.memory_space<vmem>>
      %dma_start3A_1307 = tpu.memref_squeeze %dma_start3A_1306 : memref<1x72x64xf32, #tpu.memory_space<vmem>> -> memref<72x64xf32, #tpu.memory_space<vmem>>
      %dma_start3A_1308 = arith.constant 0 : i32
      %dma_start3A_1309 = tpu.memref_slice %arg11[%add3A_1287, %dma_start3A_1308] : memref<70x72xi32, #tpu.memory_space<vmem>> -> memref<1x72xi32, #tpu.memory_space<vmem>>
      %dma_start3A_1310 = tpu.memref_squeeze %dma_start3A_1309 : memref<1x72xi32, #tpu.memory_space<vmem>> -> memref<72xi32, #tpu.memory_space<vmem>>
      %dma_start3A_1311 = arith.constant 0 : i32
      %dma_start3A_1312 = arith.constant 0 : i32
      %dma_start3A_1313 = tpu.memref_slice %arg15[%dma_start3A_1311, %dma_start3A_1312] : memref<10240x64xf32, #tpu.memory_space<vmem_shared>> -> memref<10240x64xf32, #tpu.memory_space<vmem_shared>>
      %dma_start3A_1314 = tpu.memref_slice %arg18[%dma_start3A_1303] : memref<7x!tpu.dma_semaphore, #tpu.memory_space<semaphore_mem>> -> memref<1x!tpu.dma_semaphore, #tpu.memory_space<semaphore_mem>>
      %dma_start3A_1315 = tpu.memref_squeeze %dma_start3A_1314 : memref<1x!tpu.dma_semaphore, #tpu.memory_space<semaphore_mem>> -> memref<!tpu.dma_semaphore, #tpu.memory_space<semaphore_mem>>
      tpu.enqueue_indirect_dma source(%dma_start3A_1307 : memref<72x64xf32, #tpu.memory_space<vmem>>) target(%dma_start3A_1313 : memref<10240x64xf32, #tpu.memory_space<vmem_shared>>) offsets(%dma_start3A_1310 : memref<72xi32, #tpu.memory_space<vmem>>) semaphore(%dma_start3A_1315 : memref<!tpu.dma_semaphore, #tpu.memory_space<semaphore_mem>>) {add = true}
      %dma_start3A_1316 = arith.constant 6 : i32
      %dma_start3A_1317 = arith.constant 0 : i32
      %dma_start3A_1318 = tpu.memref_slice %arg11[%add3A_1287, %dma_start3A_1317] : memref<70x72xi32, #tpu.memory_space<vmem>> -> memref<1x72xi32, #tpu.memory_space<vmem>>
      %dma_start3A_1319 = tpu.memref_squeeze %dma_start3A_1318 : memref<1x72xi32, #tpu.memory_space<vmem>> -> memref<72xi32, #tpu.memory_space<vmem>>
      %dma_start3A_1320 = arith.constant 0 : i32
      %dma_start3A_1321 = tpu.memref_slice %arg16[%dma_start3A_1320] : memref<10240xf32, #tpu.memory_space<vmem_shared>> -> memref<10240xf32, #tpu.memory_space<vmem_shared>>
      %dma_start3A_1322 = tpu.memref_slice %arg19[%dma_start3A_1316] : memref<7x!tpu.dma_semaphore, #tpu.memory_space<semaphore_mem>> -> memref<1x!tpu.dma_semaphore, #tpu.memory_space<semaphore_mem>>
      %dma_start3A_1323 = tpu.memref_squeeze %dma_start3A_1322 : memref<1x!tpu.dma_semaphore, #tpu.memory_space<semaphore_mem>> -> memref<!tpu.dma_semaphore, #tpu.memory_space<semaphore_mem>>
      tpu.enqueue_indirect_dma source(%arg13 : memref<72xf32, #tpu.memory_space<vmem>>) target(%dma_start3A_1321 : memref<10240xf32, #tpu.memory_space<vmem_shared>>) offsets(%dma_start3A_1319 : memref<72xi32, #tpu.memory_space<vmem>>) semaphore(%dma_start3A_1323 : memref<!tpu.dma_semaphore, #tpu.memory_space<semaphore_mem>>) {add = true}
      %add3A_1324 = arith.constant 0 : i32
      %add3A_1325 = arith.addi %mul3A_1057, %add3A_1324 : i32
      %lt3A = arith.constant 9 : i32
      %lt3A_1326 = arith.cmpi slt, %scan3A_1055, %lt3A : i32
      %convert_element_type3A = arith.extui %lt3A_1326 : i1 to i32
      %cond3A = arith.constant 0 : i32
      %cond3A_1327 = arith.cmpi ne, %convert_element_type3A, %cond3A : i32
      scf.if %cond3A_1327 {
        %dma_wait3A_1370 = arith.constant 0 : i32
        %dma_wait3A_1371 = arith.constant 0 : i32
        %dma_wait3A_1372 = arith.constant 0 : i32
        %dma_wait3A_1373 = arith.constant 0 : i32
        %dma_wait3A_1374 = tpu.memref_slice %arg12[%dma_wait3A_1370, %dma_wait3A_1372, %dma_wait3A_1373] : memref<7x72x64xf32, #tpu.memory_space<vmem>> -> memref<1x72x64xf32, #tpu.memory_space<vmem>>
        %dma_wait3A_1375 = tpu.memref_squeeze %dma_wait3A_1374 : memref<1x72x64xf32, #tpu.memory_space<vmem>> -> memref<72x64xf32, #tpu.memory_space<vmem>>
        %dma_wait3A_1376 = arith.constant 0 : i32
        %dma_wait3A_1377 = tpu.memref_slice %arg11[%add3A_1325, %dma_wait3A_1376] : memref<70x72xi32, #tpu.memory_space<vmem>> -> memref<1x72xi32, #tpu.memory_space<vmem>>
        %dma_wait3A_1378 = tpu.memref_squeeze %dma_wait3A_1377 : memref<1x72xi32, #tpu.memory_space<vmem>> -> memref<72xi32, #tpu.memory_space<vmem>>
        %dma_wait3A_1379 = arith.constant 0 : i32
        %dma_wait3A_1380 = arith.constant 0 : i32
        %dma_wait3A_1381 = tpu.memref_slice %arg15[%dma_wait3A_1379, %dma_wait3A_1380] : memref<10240x64xf32, #tpu.memory_space<vmem_shared>> -> memref<10240x64xf32, #tpu.memory_space<vmem_shared>>
        %dma_wait3A_1382 = tpu.memref_slice %arg18[%dma_wait3A_1371] : memref<7x!tpu.dma_semaphore, #tpu.memory_space<semaphore_mem>> -> memref<1x!tpu.dma_semaphore, #tpu.memory_space<semaphore_mem>>
        %dma_wait3A_1383 = tpu.memref_squeeze %dma_wait3A_1382 : memref<1x!tpu.dma_semaphore, #tpu.memory_space<semaphore_mem>> -> memref<!tpu.dma_semaphore, #tpu.memory_space<semaphore_mem>>
        tpu.wait_indirect_dma semaphore(%dma_wait3A_1383 : memref<!tpu.dma_semaphore, #tpu.memory_space<semaphore_mem>>) src(%dma_wait3A_1375 : memref<72x64xf32, #tpu.memory_space<vmem>>) dst(%dma_wait3A_1381 : memref<10240x64xf32, #tpu.memory_space<vmem_shared>>)
        %dma_wait3A_1384 = arith.constant 0 : i32
        %dma_wait3A_1385 = arith.constant 0 : i32
        %dma_wait3A_1386 = tpu.memref_slice %arg11[%add3A_1325, %dma_wait3A_1385] : memref<70x72xi32, #tpu.memory_space<vmem>> -> memref<1x72xi32, #tpu.memory_space<vmem>>
        %dma_wait3A_1387 = tpu.memref_squeeze %dma_wait3A_1386 : memref<1x72xi32, #tpu.memory_space<vmem>> -> memref<72xi32, #tpu.memory_space<vmem>>
        %dma_wait3A_1388 = arith.constant 0 : i32
        %dma_wait3A_1389 = tpu.memref_slice %arg16[%dma_wait3A_1388] : memref<10240xf32, #tpu.memory_space<vmem_shared>> -> memref<10240xf32, #tpu.memory_space<vmem_shared>>
        %dma_wait3A_1390 = tpu.memref_slice %arg19[%dma_wait3A_1384] : memref<7x!tpu.dma_semaphore, #tpu.memory_space<semaphore_mem>> -> memref<1x!tpu.dma_semaphore, #tpu.memory_space<semaphore_mem>>
        %dma_wait3A_1391 = tpu.memref_squeeze %dma_wait3A_1390 : memref<1x!tpu.dma_semaphore, #tpu.memory_space<semaphore_mem>> -> memref<!tpu.dma_semaphore, #tpu.memory_space<semaphore_mem>>
        tpu.wait_indirect_dma semaphore(%dma_wait3A_1391 : memref<!tpu.dma_semaphore, #tpu.memory_space<semaphore_mem>>) src(%arg13 : memref<72xf32, #tpu.memory_space<vmem>>) dst(%dma_wait3A_1389 : memref<10240xf32, #tpu.memory_space<vmem_shared>>)
        %add3A_1392 = arith.constant 7 : i32
        %add3A_1393 = arith.addi %add3A_1325, %add3A_1392 : i32
        %dma_start3A_1394 = arith.constant 0 : i32
        %dma_start3A_1395 = arith.constant 0 : i32
        %dma_start3A_1396 = arith.constant 0 : i32
        %dma_start3A_1397 = arith.constant 0 : i32
        %dma_start3A_1398 = tpu.memref_slice %arg12[%dma_start3A_1394, %dma_start3A_1396, %dma_start3A_1397] : memref<7x72x64xf32, #tpu.memory_space<vmem>> -> memref<1x72x64xf32, #tpu.memory_space<vmem>>
        %dma_start3A_1399 = tpu.memref_squeeze %dma_start3A_1398 : memref<1x72x64xf32, #tpu.memory_space<vmem>> -> memref<72x64xf32, #tpu.memory_space<vmem>>
        %dma_start3A_1400 = arith.constant 0 : i32
        %dma_start3A_1401 = tpu.memref_slice %arg10[%add3A_1393, %dma_start3A_1400] : memref<70x72xi32, #tpu.memory_space<vmem>> -> memref<1x72xi32, #tpu.memory_space<vmem>>
        %dma_start3A_1402 = tpu.memref_squeeze %dma_start3A_1401 : memref<1x72xi32, #tpu.memory_space<vmem>> -> memref<72xi32, #tpu.memory_space<vmem>>
        %dma_start3A_1403 = arith.constant 0 : i32
        %dma_start3A_1404 = arith.constant 0 : i32
        %dma_start3A_1405 = tpu.memref_slice %arg14[%dma_start3A_1403, %dma_start3A_1404] : memref<10000x64xf32, #tpu.memory_space<vmem_shared>> -> memref<10000x64xf32, #tpu.memory_space<vmem_shared>>
        %dma_start3A_1406 = tpu.memref_slice %arg17[%dma_start3A_1395] : memref<7x!tpu.dma_semaphore, #tpu.memory_space<semaphore_mem>> -> memref<1x!tpu.dma_semaphore, #tpu.memory_space<semaphore_mem>>
        %dma_start3A_1407 = tpu.memref_squeeze %dma_start3A_1406 : memref<1x!tpu.dma_semaphore, #tpu.memory_space<semaphore_mem>> -> memref<!tpu.dma_semaphore, #tpu.memory_space<semaphore_mem>>
        tpu.enqueue_indirect_dma source(%dma_start3A_1405 : memref<10000x64xf32, #tpu.memory_space<vmem_shared>>) target(%dma_start3A_1399 : memref<72x64xf32, #tpu.memory_space<vmem>>) offsets(%dma_start3A_1402 : memref<72xi32, #tpu.memory_space<vmem>>) semaphore(%dma_start3A_1407 : memref<!tpu.dma_semaphore, #tpu.memory_space<semaphore_mem>>)
      } else {
      }
      %add3A_1328 = arith.constant 1 : i32
      %add3A_1329 = arith.addi %mul3A_1057, %add3A_1328 : i32
      %lt3A_1330 = arith.constant 9 : i32
      %lt3A_1331 = arith.cmpi slt, %scan3A_1055, %lt3A_1330 : i32
      %convert_element_type3A_1332 = arith.extui %lt3A_1331 : i1 to i32
      %cond3A_1333 = arith.constant 0 : i32
      %cond3A_1334 = arith.cmpi ne, %convert_element_type3A_1332, %cond3A_1333 : i32
      scf.if %cond3A_1334 {
        %dma_wait3A_1370 = arith.constant 1 : i32
        %dma_wait3A_1371 = arith.constant 1 : i32
        %dma_wait3A_1372 = arith.constant 0 : i32
        %dma_wait3A_1373 = arith.constant 0 : i32
        %dma_wait3A_1374 = tpu.memref_slice %arg12[%dma_wait3A_1370, %dma_wait3A_1372, %dma_wait3A_1373] : memref<7x72x64xf32, #tpu.memory_space<vmem>> -> memref<1x72x64xf32, #tpu.memory_space<vmem>>
        %dma_wait3A_1375 = tpu.memref_squeeze %dma_wait3A_1374 : memref<1x72x64xf32, #tpu.memory_space<vmem>> -> memref<72x64xf32, #tpu.memory_space<vmem>>
        %dma_wait3A_1376 = arith.constant 0 : i32
        %dma_wait3A_1377 = tpu.memref_slice %arg11[%add3A_1329, %dma_wait3A_1376] : memref<70x72xi32, #tpu.memory_space<vmem>> -> memref<1x72xi32, #tpu.memory_space<vmem>>
        %dma_wait3A_1378 = tpu.memref_squeeze %dma_wait3A_1377 : memref<1x72xi32, #tpu.memory_space<vmem>> -> memref<72xi32, #tpu.memory_space<vmem>>
        %dma_wait3A_1379 = arith.constant 0 : i32
        %dma_wait3A_1380 = arith.constant 0 : i32
        %dma_wait3A_1381 = tpu.memref_slice %arg15[%dma_wait3A_1379, %dma_wait3A_1380] : memref<10240x64xf32, #tpu.memory_space<vmem_shared>> -> memref<10240x64xf32, #tpu.memory_space<vmem_shared>>
        %dma_wait3A_1382 = tpu.memref_slice %arg18[%dma_wait3A_1371] : memref<7x!tpu.dma_semaphore, #tpu.memory_space<semaphore_mem>> -> memref<1x!tpu.dma_semaphore, #tpu.memory_space<semaphore_mem>>
        %dma_wait3A_1383 = tpu.memref_squeeze %dma_wait3A_1382 : memref<1x!tpu.dma_semaphore, #tpu.memory_space<semaphore_mem>> -> memref<!tpu.dma_semaphore, #tpu.memory_space<semaphore_mem>>
        tpu.wait_indirect_dma semaphore(%dma_wait3A_1383 : memref<!tpu.dma_semaphore, #tpu.memory_space<semaphore_mem>>) src(%dma_wait3A_1375 : memref<72x64xf32, #tpu.memory_space<vmem>>) dst(%dma_wait3A_1381 : memref<10240x64xf32, #tpu.memory_space<vmem_shared>>)
        %dma_wait3A_1384 = arith.constant 1 : i32
        %dma_wait3A_1385 = arith.constant 0 : i32
        %dma_wait3A_1386 = tpu.memref_slice %arg11[%add3A_1329, %dma_wait3A_1385] : memref<70x72xi32, #tpu.memory_space<vmem>> -> memref<1x72xi32, #tpu.memory_space<vmem>>
        %dma_wait3A_1387 = tpu.memref_squeeze %dma_wait3A_1386 : memref<1x72xi32, #tpu.memory_space<vmem>> -> memref<72xi32, #tpu.memory_space<vmem>>
        %dma_wait3A_1388 = arith.constant 0 : i32
        %dma_wait3A_1389 = tpu.memref_slice %arg16[%dma_wait3A_1388] : memref<10240xf32, #tpu.memory_space<vmem_shared>> -> memref<10240xf32, #tpu.memory_space<vmem_shared>>
        %dma_wait3A_1390 = tpu.memref_slice %arg19[%dma_wait3A_1384] : memref<7x!tpu.dma_semaphore, #tpu.memory_space<semaphore_mem>> -> memref<1x!tpu.dma_semaphore, #tpu.memory_space<semaphore_mem>>
        %dma_wait3A_1391 = tpu.memref_squeeze %dma_wait3A_1390 : memref<1x!tpu.dma_semaphore, #tpu.memory_space<semaphore_mem>> -> memref<!tpu.dma_semaphore, #tpu.memory_space<semaphore_mem>>
        tpu.wait_indirect_dma semaphore(%dma_wait3A_1391 : memref<!tpu.dma_semaphore, #tpu.memory_space<semaphore_mem>>) src(%arg13 : memref<72xf32, #tpu.memory_space<vmem>>) dst(%dma_wait3A_1389 : memref<10240xf32, #tpu.memory_space<vmem_shared>>)
        %add3A_1392 = arith.constant 7 : i32
        %add3A_1393 = arith.addi %add3A_1329, %add3A_1392 : i32
        %dma_start3A_1394 = arith.constant 1 : i32
        %dma_start3A_1395 = arith.constant 1 : i32
        %dma_start3A_1396 = arith.constant 0 : i32
        %dma_start3A_1397 = arith.constant 0 : i32
        %dma_start3A_1398 = tpu.memref_slice %arg12[%dma_start3A_1394, %dma_start3A_1396, %dma_start3A_1397] : memref<7x72x64xf32, #tpu.memory_space<vmem>> -> memref<1x72x64xf32, #tpu.memory_space<vmem>>
        %dma_start3A_1399 = tpu.memref_squeeze %dma_start3A_1398 : memref<1x72x64xf32, #tpu.memory_space<vmem>> -> memref<72x64xf32, #tpu.memory_space<vmem>>
        %dma_start3A_1400 = arith.constant 0 : i32
        %dma_start3A_1401 = tpu.memref_slice %arg10[%add3A_1393, %dma_start3A_1400] : memref<70x72xi32, #tpu.memory_space<vmem>> -> memref<1x72xi32, #tpu.memory_space<vmem>>
        %dma_start3A_1402 = tpu.memref_squeeze %dma_start3A_1401 : memref<1x72xi32, #tpu.memory_space<vmem>> -> memref<72xi32, #tpu.memory_space<vmem>>
        %dma_start3A_1403 = arith.constant 0 : i32
        %dma_start3A_1404 = arith.constant 0 : i32
        %dma_start3A_1405 = tpu.memref_slice %arg14[%dma_start3A_1403, %dma_start3A_1404] : memref<10000x64xf32, #tpu.memory_space<vmem_shared>> -> memref<10000x64xf32, #tpu.memory_space<vmem_shared>>
        %dma_start3A_1406 = tpu.memref_slice %arg17[%dma_start3A_1395] : memref<7x!tpu.dma_semaphore, #tpu.memory_space<semaphore_mem>> -> memref<1x!tpu.dma_semaphore, #tpu.memory_space<semaphore_mem>>
        %dma_start3A_1407 = tpu.memref_squeeze %dma_start3A_1406 : memref<1x!tpu.dma_semaphore, #tpu.memory_space<semaphore_mem>> -> memref<!tpu.dma_semaphore, #tpu.memory_space<semaphore_mem>>
        tpu.enqueue_indirect_dma source(%dma_start3A_1405 : memref<10000x64xf32, #tpu.memory_space<vmem_shared>>) target(%dma_start3A_1399 : memref<72x64xf32, #tpu.memory_space<vmem>>) offsets(%dma_start3A_1402 : memref<72xi32, #tpu.memory_space<vmem>>) semaphore(%dma_start3A_1407 : memref<!tpu.dma_semaphore, #tpu.memory_space<semaphore_mem>>)
      } else {
      }
      %add3A_1335 = arith.constant 2 : i32
      %add3A_1336 = arith.addi %mul3A_1057, %add3A_1335 : i32
      %lt3A_1337 = arith.constant 9 : i32
      %lt3A_1338 = arith.cmpi slt, %scan3A_1055, %lt3A_1337 : i32
      %convert_element_type3A_1339 = arith.extui %lt3A_1338 : i1 to i32
      %cond3A_1340 = arith.constant 0 : i32
      %cond3A_1341 = arith.cmpi ne, %convert_element_type3A_1339, %cond3A_1340 : i32
      scf.if %cond3A_1341 {
        %dma_wait3A_1370 = arith.constant 2 : i32
        %dma_wait3A_1371 = arith.constant 2 : i32
        %dma_wait3A_1372 = arith.constant 0 : i32
        %dma_wait3A_1373 = arith.constant 0 : i32
        %dma_wait3A_1374 = tpu.memref_slice %arg12[%dma_wait3A_1370, %dma_wait3A_1372, %dma_wait3A_1373] : memref<7x72x64xf32, #tpu.memory_space<vmem>> -> memref<1x72x64xf32, #tpu.memory_space<vmem>>
        %dma_wait3A_1375 = tpu.memref_squeeze %dma_wait3A_1374 : memref<1x72x64xf32, #tpu.memory_space<vmem>> -> memref<72x64xf32, #tpu.memory_space<vmem>>
        %dma_wait3A_1376 = arith.constant 0 : i32
        %dma_wait3A_1377 = tpu.memref_slice %arg11[%add3A_1336, %dma_wait3A_1376] : memref<70x72xi32, #tpu.memory_space<vmem>> -> memref<1x72xi32, #tpu.memory_space<vmem>>
        %dma_wait3A_1378 = tpu.memref_squeeze %dma_wait3A_1377 : memref<1x72xi32, #tpu.memory_space<vmem>> -> memref<72xi32, #tpu.memory_space<vmem>>
        %dma_wait3A_1379 = arith.constant 0 : i32
        %dma_wait3A_1380 = arith.constant 0 : i32
        %dma_wait3A_1381 = tpu.memref_slice %arg15[%dma_wait3A_1379, %dma_wait3A_1380] : memref<10240x64xf32, #tpu.memory_space<vmem_shared>> -> memref<10240x64xf32, #tpu.memory_space<vmem_shared>>
        %dma_wait3A_1382 = tpu.memref_slice %arg18[%dma_wait3A_1371] : memref<7x!tpu.dma_semaphore, #tpu.memory_space<semaphore_mem>> -> memref<1x!tpu.dma_semaphore, #tpu.memory_space<semaphore_mem>>
        %dma_wait3A_1383 = tpu.memref_squeeze %dma_wait3A_1382 : memref<1x!tpu.dma_semaphore, #tpu.memory_space<semaphore_mem>> -> memref<!tpu.dma_semaphore, #tpu.memory_space<semaphore_mem>>
        tpu.wait_indirect_dma semaphore(%dma_wait3A_1383 : memref<!tpu.dma_semaphore, #tpu.memory_space<semaphore_mem>>) src(%dma_wait3A_1375 : memref<72x64xf32, #tpu.memory_space<vmem>>) dst(%dma_wait3A_1381 : memref<10240x64xf32, #tpu.memory_space<vmem_shared>>)
        %dma_wait3A_1384 = arith.constant 2 : i32
        %dma_wait3A_1385 = arith.constant 0 : i32
        %dma_wait3A_1386 = tpu.memref_slice %arg11[%add3A_1336, %dma_wait3A_1385] : memref<70x72xi32, #tpu.memory_space<vmem>> -> memref<1x72xi32, #tpu.memory_space<vmem>>
        %dma_wait3A_1387 = tpu.memref_squeeze %dma_wait3A_1386 : memref<1x72xi32, #tpu.memory_space<vmem>> -> memref<72xi32, #tpu.memory_space<vmem>>
        %dma_wait3A_1388 = arith.constant 0 : i32
        %dma_wait3A_1389 = tpu.memref_slice %arg16[%dma_wait3A_1388] : memref<10240xf32, #tpu.memory_space<vmem_shared>> -> memref<10240xf32, #tpu.memory_space<vmem_shared>>
        %dma_wait3A_1390 = tpu.memref_slice %arg19[%dma_wait3A_1384] : memref<7x!tpu.dma_semaphore, #tpu.memory_space<semaphore_mem>> -> memref<1x!tpu.dma_semaphore, #tpu.memory_space<semaphore_mem>>
        %dma_wait3A_1391 = tpu.memref_squeeze %dma_wait3A_1390 : memref<1x!tpu.dma_semaphore, #tpu.memory_space<semaphore_mem>> -> memref<!tpu.dma_semaphore, #tpu.memory_space<semaphore_mem>>
        tpu.wait_indirect_dma semaphore(%dma_wait3A_1391 : memref<!tpu.dma_semaphore, #tpu.memory_space<semaphore_mem>>) src(%arg13 : memref<72xf32, #tpu.memory_space<vmem>>) dst(%dma_wait3A_1389 : memref<10240xf32, #tpu.memory_space<vmem_shared>>)
        %add3A_1392 = arith.constant 7 : i32
        %add3A_1393 = arith.addi %add3A_1336, %add3A_1392 : i32
        %dma_start3A_1394 = arith.constant 2 : i32
        %dma_start3A_1395 = arith.constant 2 : i32
        %dma_start3A_1396 = arith.constant 0 : i32
        %dma_start3A_1397 = arith.constant 0 : i32
        %dma_start3A_1398 = tpu.memref_slice %arg12[%dma_start3A_1394, %dma_start3A_1396, %dma_start3A_1397] : memref<7x72x64xf32, #tpu.memory_space<vmem>> -> memref<1x72x64xf32, #tpu.memory_space<vmem>>
        %dma_start3A_1399 = tpu.memref_squeeze %dma_start3A_1398 : memref<1x72x64xf32, #tpu.memory_space<vmem>> -> memref<72x64xf32, #tpu.memory_space<vmem>>
        %dma_start3A_1400 = arith.constant 0 : i32
        %dma_start3A_1401 = tpu.memref_slice %arg10[%add3A_1393, %dma_start3A_1400] : memref<70x72xi32, #tpu.memory_space<vmem>> -> memref<1x72xi32, #tpu.memory_space<vmem>>
        %dma_start3A_1402 = tpu.memref_squeeze %dma_start3A_1401 : memref<1x72xi32, #tpu.memory_space<vmem>> -> memref<72xi32, #tpu.memory_space<vmem>>
        %dma_start3A_1403 = arith.constant 0 : i32
        %dma_start3A_1404 = arith.constant 0 : i32
        %dma_start3A_1405 = tpu.memref_slice %arg14[%dma_start3A_1403, %dma_start3A_1404] : memref<10000x64xf32, #tpu.memory_space<vmem_shared>> -> memref<10000x64xf32, #tpu.memory_space<vmem_shared>>
        %dma_start3A_1406 = tpu.memref_slice %arg17[%dma_start3A_1395] : memref<7x!tpu.dma_semaphore, #tpu.memory_space<semaphore_mem>> -> memref<1x!tpu.dma_semaphore, #tpu.memory_space<semaphore_mem>>
        %dma_start3A_1407 = tpu.memref_squeeze %dma_start3A_1406 : memref<1x!tpu.dma_semaphore, #tpu.memory_space<semaphore_mem>> -> memref<!tpu.dma_semaphore, #tpu.memory_space<semaphore_mem>>
        tpu.enqueue_indirect_dma source(%dma_start3A_1405 : memref<10000x64xf32, #tpu.memory_space<vmem_shared>>) target(%dma_start3A_1399 : memref<72x64xf32, #tpu.memory_space<vmem>>) offsets(%dma_start3A_1402 : memref<72xi32, #tpu.memory_space<vmem>>) semaphore(%dma_start3A_1407 : memref<!tpu.dma_semaphore, #tpu.memory_space<semaphore_mem>>)
      } else {
      }
      %add3A_1342 = arith.constant 3 : i32
      %add3A_1343 = arith.addi %mul3A_1057, %add3A_1342 : i32
      %lt3A_1344 = arith.constant 9 : i32
      %lt3A_1345 = arith.cmpi slt, %scan3A_1055, %lt3A_1344 : i32
      %convert_element_type3A_1346 = arith.extui %lt3A_1345 : i1 to i32
      %cond3A_1347 = arith.constant 0 : i32
      %cond3A_1348 = arith.cmpi ne, %convert_element_type3A_1346, %cond3A_1347 : i32
      scf.if %cond3A_1348 {
        %dma_wait3A_1370 = arith.constant 3 : i32
        %dma_wait3A_1371 = arith.constant 3 : i32
        %dma_wait3A_1372 = arith.constant 0 : i32
        %dma_wait3A_1373 = arith.constant 0 : i32
        %dma_wait3A_1374 = tpu.memref_slice %arg12[%dma_wait3A_1370, %dma_wait3A_1372, %dma_wait3A_1373] : memref<7x72x64xf32, #tpu.memory_space<vmem>> -> memref<1x72x64xf32, #tpu.memory_space<vmem>>
        %dma_wait3A_1375 = tpu.memref_squeeze %dma_wait3A_1374 : memref<1x72x64xf32, #tpu.memory_space<vmem>> -> memref<72x64xf32, #tpu.memory_space<vmem>>
        %dma_wait3A_1376 = arith.constant 0 : i32
        %dma_wait3A_1377 = tpu.memref_slice %arg11[%add3A_1343, %dma_wait3A_1376] : memref<70x72xi32, #tpu.memory_space<vmem>> -> memref<1x72xi32, #tpu.memory_space<vmem>>
        %dma_wait3A_1378 = tpu.memref_squeeze %dma_wait3A_1377 : memref<1x72xi32, #tpu.memory_space<vmem>> -> memref<72xi32, #tpu.memory_space<vmem>>
        %dma_wait3A_1379 = arith.constant 0 : i32
        %dma_wait3A_1380 = arith.constant 0 : i32
        %dma_wait3A_1381 = tpu.memref_slice %arg15[%dma_wait3A_1379, %dma_wait3A_1380] : memref<10240x64xf32, #tpu.memory_space<vmem_shared>> -> memref<10240x64xf32, #tpu.memory_space<vmem_shared>>
        %dma_wait3A_1382 = tpu.memref_slice %arg18[%dma_wait3A_1371] : memref<7x!tpu.dma_semaphore, #tpu.memory_space<semaphore_mem>> -> memref<1x!tpu.dma_semaphore, #tpu.memory_space<semaphore_mem>>
        %dma_wait3A_1383 = tpu.memref_squeeze %dma_wait3A_1382 : memref<1x!tpu.dma_semaphore, #tpu.memory_space<semaphore_mem>> -> memref<!tpu.dma_semaphore, #tpu.memory_space<semaphore_mem>>
        tpu.wait_indirect_dma semaphore(%dma_wait3A_1383 : memref<!tpu.dma_semaphore, #tpu.memory_space<semaphore_mem>>) src(%dma_wait3A_1375 : memref<72x64xf32, #tpu.memory_space<vmem>>) dst(%dma_wait3A_1381 : memref<10240x64xf32, #tpu.memory_space<vmem_shared>>)
        %dma_wait3A_1384 = arith.constant 3 : i32
        %dma_wait3A_1385 = arith.constant 0 : i32
        %dma_wait3A_1386 = tpu.memref_slice %arg11[%add3A_1343, %dma_wait3A_1385] : memref<70x72xi32, #tpu.memory_space<vmem>> -> memref<1x72xi32, #tpu.memory_space<vmem>>
        %dma_wait3A_1387 = tpu.memref_squeeze %dma_wait3A_1386 : memref<1x72xi32, #tpu.memory_space<vmem>> -> memref<72xi32, #tpu.memory_space<vmem>>
        %dma_wait3A_1388 = arith.constant 0 : i32
        %dma_wait3A_1389 = tpu.memref_slice %arg16[%dma_wait3A_1388] : memref<10240xf32, #tpu.memory_space<vmem_shared>> -> memref<10240xf32, #tpu.memory_space<vmem_shared>>
        %dma_wait3A_1390 = tpu.memref_slice %arg19[%dma_wait3A_1384] : memref<7x!tpu.dma_semaphore, #tpu.memory_space<semaphore_mem>> -> memref<1x!tpu.dma_semaphore, #tpu.memory_space<semaphore_mem>>
        %dma_wait3A_1391 = tpu.memref_squeeze %dma_wait3A_1390 : memref<1x!tpu.dma_semaphore, #tpu.memory_space<semaphore_mem>> -> memref<!tpu.dma_semaphore, #tpu.memory_space<semaphore_mem>>
        tpu.wait_indirect_dma semaphore(%dma_wait3A_1391 : memref<!tpu.dma_semaphore, #tpu.memory_space<semaphore_mem>>) src(%arg13 : memref<72xf32, #tpu.memory_space<vmem>>) dst(%dma_wait3A_1389 : memref<10240xf32, #tpu.memory_space<vmem_shared>>)
        %add3A_1392 = arith.constant 7 : i32
        %add3A_1393 = arith.addi %add3A_1343, %add3A_1392 : i32
        %dma_start3A_1394 = arith.constant 3 : i32
        %dma_start3A_1395 = arith.constant 3 : i32
        %dma_start3A_1396 = arith.constant 0 : i32
        %dma_start3A_1397 = arith.constant 0 : i32
        %dma_start3A_1398 = tpu.memref_slice %arg12[%dma_start3A_1394, %dma_start3A_1396, %dma_start3A_1397] : memref<7x72x64xf32, #tpu.memory_space<vmem>> -> memref<1x72x64xf32, #tpu.memory_space<vmem>>
        %dma_start3A_1399 = tpu.memref_squeeze %dma_start3A_1398 : memref<1x72x64xf32, #tpu.memory_space<vmem>> -> memref<72x64xf32, #tpu.memory_space<vmem>>
        %dma_start3A_1400 = arith.constant 0 : i32
        %dma_start3A_1401 = tpu.memref_slice %arg10[%add3A_1393, %dma_start3A_1400] : memref<70x72xi32, #tpu.memory_space<vmem>> -> memref<1x72xi32, #tpu.memory_space<vmem>>
        %dma_start3A_1402 = tpu.memref_squeeze %dma_start3A_1401 : memref<1x72xi32, #tpu.memory_space<vmem>> -> memref<72xi32, #tpu.memory_space<vmem>>
        %dma_start3A_1403 = arith.constant 0 : i32
        %dma_start3A_1404 = arith.constant 0 : i32
        %dma_start3A_1405 = tpu.memref_slice %arg14[%dma_start3A_1403, %dma_start3A_1404] : memref<10000x64xf32, #tpu.memory_space<vmem_shared>> -> memref<10000x64xf32, #tpu.memory_space<vmem_shared>>
        %dma_start3A_1406 = tpu.memref_slice %arg17[%dma_start3A_1395] : memref<7x!tpu.dma_semaphore, #tpu.memory_space<semaphore_mem>> -> memref<1x!tpu.dma_semaphore, #tpu.memory_space<semaphore_mem>>
        %dma_start3A_1407 = tpu.memref_squeeze %dma_start3A_1406 : memref<1x!tpu.dma_semaphore, #tpu.memory_space<semaphore_mem>> -> memref<!tpu.dma_semaphore, #tpu.memory_space<semaphore_mem>>
        tpu.enqueue_indirect_dma source(%dma_start3A_1405 : memref<10000x64xf32, #tpu.memory_space<vmem_shared>>) target(%dma_start3A_1399 : memref<72x64xf32, #tpu.memory_space<vmem>>) offsets(%dma_start3A_1402 : memref<72xi32, #tpu.memory_space<vmem>>) semaphore(%dma_start3A_1407 : memref<!tpu.dma_semaphore, #tpu.memory_space<semaphore_mem>>)
      } else {
      }
      %add3A_1349 = arith.constant 4 : i32
      %add3A_1350 = arith.addi %mul3A_1057, %add3A_1349 : i32
      %lt3A_1351 = arith.constant 9 : i32
      %lt3A_1352 = arith.cmpi slt, %scan3A_1055, %lt3A_1351 : i32
      %convert_element_type3A_1353 = arith.extui %lt3A_1352 : i1 to i32
      %cond3A_1354 = arith.constant 0 : i32
      %cond3A_1355 = arith.cmpi ne, %convert_element_type3A_1353, %cond3A_1354 : i32
      scf.if %cond3A_1355 {
        %dma_wait3A_1370 = arith.constant 4 : i32
        %dma_wait3A_1371 = arith.constant 4 : i32
        %dma_wait3A_1372 = arith.constant 0 : i32
        %dma_wait3A_1373 = arith.constant 0 : i32
        %dma_wait3A_1374 = tpu.memref_slice %arg12[%dma_wait3A_1370, %dma_wait3A_1372, %dma_wait3A_1373] : memref<7x72x64xf32, #tpu.memory_space<vmem>> -> memref<1x72x64xf32, #tpu.memory_space<vmem>>
        %dma_wait3A_1375 = tpu.memref_squeeze %dma_wait3A_1374 : memref<1x72x64xf32, #tpu.memory_space<vmem>> -> memref<72x64xf32, #tpu.memory_space<vmem>>
        %dma_wait3A_1376 = arith.constant 0 : i32
        %dma_wait3A_1377 = tpu.memref_slice %arg11[%add3A_1350, %dma_wait3A_1376] : memref<70x72xi32, #tpu.memory_space<vmem>> -> memref<1x72xi32, #tpu.memory_space<vmem>>
        %dma_wait3A_1378 = tpu.memref_squeeze %dma_wait3A_1377 : memref<1x72xi32, #tpu.memory_space<vmem>> -> memref<72xi32, #tpu.memory_space<vmem>>
        %dma_wait3A_1379 = arith.constant 0 : i32
        %dma_wait3A_1380 = arith.constant 0 : i32
        %dma_wait3A_1381 = tpu.memref_slice %arg15[%dma_wait3A_1379, %dma_wait3A_1380] : memref<10240x64xf32, #tpu.memory_space<vmem_shared>> -> memref<10240x64xf32, #tpu.memory_space<vmem_shared>>
        %dma_wait3A_1382 = tpu.memref_slice %arg18[%dma_wait3A_1371] : memref<7x!tpu.dma_semaphore, #tpu.memory_space<semaphore_mem>> -> memref<1x!tpu.dma_semaphore, #tpu.memory_space<semaphore_mem>>
        %dma_wait3A_1383 = tpu.memref_squeeze %dma_wait3A_1382 : memref<1x!tpu.dma_semaphore, #tpu.memory_space<semaphore_mem>> -> memref<!tpu.dma_semaphore, #tpu.memory_space<semaphore_mem>>
        tpu.wait_indirect_dma semaphore(%dma_wait3A_1383 : memref<!tpu.dma_semaphore, #tpu.memory_space<semaphore_mem>>) src(%dma_wait3A_1375 : memref<72x64xf32, #tpu.memory_space<vmem>>) dst(%dma_wait3A_1381 : memref<10240x64xf32, #tpu.memory_space<vmem_shared>>)
        %dma_wait3A_1384 = arith.constant 4 : i32
        %dma_wait3A_1385 = arith.constant 0 : i32
        %dma_wait3A_1386 = tpu.memref_slice %arg11[%add3A_1350, %dma_wait3A_1385] : memref<70x72xi32, #tpu.memory_space<vmem>> -> memref<1x72xi32, #tpu.memory_space<vmem>>
        %dma_wait3A_1387 = tpu.memref_squeeze %dma_wait3A_1386 : memref<1x72xi32, #tpu.memory_space<vmem>> -> memref<72xi32, #tpu.memory_space<vmem>>
        %dma_wait3A_1388 = arith.constant 0 : i32
        %dma_wait3A_1389 = tpu.memref_slice %arg16[%dma_wait3A_1388] : memref<10240xf32, #tpu.memory_space<vmem_shared>> -> memref<10240xf32, #tpu.memory_space<vmem_shared>>
        %dma_wait3A_1390 = tpu.memref_slice %arg19[%dma_wait3A_1384] : memref<7x!tpu.dma_semaphore, #tpu.memory_space<semaphore_mem>> -> memref<1x!tpu.dma_semaphore, #tpu.memory_space<semaphore_mem>>
        %dma_wait3A_1391 = tpu.memref_squeeze %dma_wait3A_1390 : memref<1x!tpu.dma_semaphore, #tpu.memory_space<semaphore_mem>> -> memref<!tpu.dma_semaphore, #tpu.memory_space<semaphore_mem>>
        tpu.wait_indirect_dma semaphore(%dma_wait3A_1391 : memref<!tpu.dma_semaphore, #tpu.memory_space<semaphore_mem>>) src(%arg13 : memref<72xf32, #tpu.memory_space<vmem>>) dst(%dma_wait3A_1389 : memref<10240xf32, #tpu.memory_space<vmem_shared>>)
        %add3A_1392 = arith.constant 7 : i32
        %add3A_1393 = arith.addi %add3A_1350, %add3A_1392 : i32
        %dma_start3A_1394 = arith.constant 4 : i32
        %dma_start3A_1395 = arith.constant 4 : i32
        %dma_start3A_1396 = arith.constant 0 : i32
        %dma_start3A_1397 = arith.constant 0 : i32
        %dma_start3A_1398 = tpu.memref_slice %arg12[%dma_start3A_1394, %dma_start3A_1396, %dma_start3A_1397] : memref<7x72x64xf32, #tpu.memory_space<vmem>> -> memref<1x72x64xf32, #tpu.memory_space<vmem>>
        %dma_start3A_1399 = tpu.memref_squeeze %dma_start3A_1398 : memref<1x72x64xf32, #tpu.memory_space<vmem>> -> memref<72x64xf32, #tpu.memory_space<vmem>>
        %dma_start3A_1400 = arith.constant 0 : i32
        %dma_start3A_1401 = tpu.memref_slice %arg10[%add3A_1393, %dma_start3A_1400] : memref<70x72xi32, #tpu.memory_space<vmem>> -> memref<1x72xi32, #tpu.memory_space<vmem>>
        %dma_start3A_1402 = tpu.memref_squeeze %dma_start3A_1401 : memref<1x72xi32, #tpu.memory_space<vmem>> -> memref<72xi32, #tpu.memory_space<vmem>>
        %dma_start3A_1403 = arith.constant 0 : i32
        %dma_start3A_1404 = arith.constant 0 : i32
        %dma_start3A_1405 = tpu.memref_slice %arg14[%dma_start3A_1403, %dma_start3A_1404] : memref<10000x64xf32, #tpu.memory_space<vmem_shared>> -> memref<10000x64xf32, #tpu.memory_space<vmem_shared>>
        %dma_start3A_1406 = tpu.memref_slice %arg17[%dma_start3A_1395] : memref<7x!tpu.dma_semaphore, #tpu.memory_space<semaphore_mem>> -> memref<1x!tpu.dma_semaphore, #tpu.memory_space<semaphore_mem>>
        %dma_start3A_1407 = tpu.memref_squeeze %dma_start3A_1406 : memref<1x!tpu.dma_semaphore, #tpu.memory_space<semaphore_mem>> -> memref<!tpu.dma_semaphore, #tpu.memory_space<semaphore_mem>>
        tpu.enqueue_indirect_dma source(%dma_start3A_1405 : memref<10000x64xf32, #tpu.memory_space<vmem_shared>>) target(%dma_start3A_1399 : memref<72x64xf32, #tpu.memory_space<vmem>>) offsets(%dma_start3A_1402 : memref<72xi32, #tpu.memory_space<vmem>>) semaphore(%dma_start3A_1407 : memref<!tpu.dma_semaphore, #tpu.memory_space<semaphore_mem>>)
      } else {
      }
      %add3A_1356 = arith.constant 5 : i32
      %add3A_1357 = arith.addi %mul3A_1057, %add3A_1356 : i32
      %lt3A_1358 = arith.constant 9 : i32
      %lt3A_1359 = arith.cmpi slt, %scan3A_1055, %lt3A_1358 : i32
      %convert_element_type3A_1360 = arith.extui %lt3A_1359 : i1 to i32
      %cond3A_1361 = arith.constant 0 : i32
      %cond3A_1362 = arith.cmpi ne, %convert_element_type3A_1360, %cond3A_1361 : i32
      scf.if %cond3A_1362 {
        %dma_wait3A_1370 = arith.constant 5 : i32
        %dma_wait3A_1371 = arith.constant 5 : i32
        %dma_wait3A_1372 = arith.constant 0 : i32
        %dma_wait3A_1373 = arith.constant 0 : i32
        %dma_wait3A_1374 = tpu.memref_slice %arg12[%dma_wait3A_1370, %dma_wait3A_1372, %dma_wait3A_1373] : memref<7x72x64xf32, #tpu.memory_space<vmem>> -> memref<1x72x64xf32, #tpu.memory_space<vmem>>
        %dma_wait3A_1375 = tpu.memref_squeeze %dma_wait3A_1374 : memref<1x72x64xf32, #tpu.memory_space<vmem>> -> memref<72x64xf32, #tpu.memory_space<vmem>>
        %dma_wait3A_1376 = arith.constant 0 : i32
        %dma_wait3A_1377 = tpu.memref_slice %arg11[%add3A_1357, %dma_wait3A_1376] : memref<70x72xi32, #tpu.memory_space<vmem>> -> memref<1x72xi32, #tpu.memory_space<vmem>>
        %dma_wait3A_1378 = tpu.memref_squeeze %dma_wait3A_1377 : memref<1x72xi32, #tpu.memory_space<vmem>> -> memref<72xi32, #tpu.memory_space<vmem>>
        %dma_wait3A_1379 = arith.constant 0 : i32
        %dma_wait3A_1380 = arith.constant 0 : i32
        %dma_wait3A_1381 = tpu.memref_slice %arg15[%dma_wait3A_1379, %dma_wait3A_1380] : memref<10240x64xf32, #tpu.memory_space<vmem_shared>> -> memref<10240x64xf32, #tpu.memory_space<vmem_shared>>
        %dma_wait3A_1382 = tpu.memref_slice %arg18[%dma_wait3A_1371] : memref<7x!tpu.dma_semaphore, #tpu.memory_space<semaphore_mem>> -> memref<1x!tpu.dma_semaphore, #tpu.memory_space<semaphore_mem>>
        %dma_wait3A_1383 = tpu.memref_squeeze %dma_wait3A_1382 : memref<1x!tpu.dma_semaphore, #tpu.memory_space<semaphore_mem>> -> memref<!tpu.dma_semaphore, #tpu.memory_space<semaphore_mem>>
        tpu.wait_indirect_dma semaphore(%dma_wait3A_1383 : memref<!tpu.dma_semaphore, #tpu.memory_space<semaphore_mem>>) src(%dma_wait3A_1375 : memref<72x64xf32, #tpu.memory_space<vmem>>) dst(%dma_wait3A_1381 : memref<10240x64xf32, #tpu.memory_space<vmem_shared>>)
        %dma_wait3A_1384 = arith.constant 5 : i32
        %dma_wait3A_1385 = arith.constant 0 : i32
        %dma_wait3A_1386 = tpu.memref_slice %arg11[%add3A_1357, %dma_wait3A_1385] : memref<70x72xi32, #tpu.memory_space<vmem>> -> memref<1x72xi32, #tpu.memory_space<vmem>>
        %dma_wait3A_1387 = tpu.memref_squeeze %dma_wait3A_1386 : memref<1x72xi32, #tpu.memory_space<vmem>> -> memref<72xi32, #tpu.memory_space<vmem>>
        %dma_wait3A_1388 = arith.constant 0 : i32
        %dma_wait3A_1389 = tpu.memref_slice %arg16[%dma_wait3A_1388] : memref<10240xf32, #tpu.memory_space<vmem_shared>> -> memref<10240xf32, #tpu.memory_space<vmem_shared>>
        %dma_wait3A_1390 = tpu.memref_slice %arg19[%dma_wait3A_1384] : memref<7x!tpu.dma_semaphore, #tpu.memory_space<semaphore_mem>> -> memref<1x!tpu.dma_semaphore, #tpu.memory_space<semaphore_mem>>
        %dma_wait3A_1391 = tpu.memref_squeeze %dma_wait3A_1390 : memref<1x!tpu.dma_semaphore, #tpu.memory_space<semaphore_mem>> -> memref<!tpu.dma_semaphore, #tpu.memory_space<semaphore_mem>>
        tpu.wait_indirect_dma semaphore(%dma_wait3A_1391 : memref<!tpu.dma_semaphore, #tpu.memory_space<semaphore_mem>>) src(%arg13 : memref<72xf32, #tpu.memory_space<vmem>>) dst(%dma_wait3A_1389 : memref<10240xf32, #tpu.memory_space<vmem_shared>>)
        %add3A_1392 = arith.constant 7 : i32
        %add3A_1393 = arith.addi %add3A_1357, %add3A_1392 : i32
        %dma_start3A_1394 = arith.constant 5 : i32
        %dma_start3A_1395 = arith.constant 5 : i32
        %dma_start3A_1396 = arith.constant 0 : i32
        %dma_start3A_1397 = arith.constant 0 : i32
        %dma_start3A_1398 = tpu.memref_slice %arg12[%dma_start3A_1394, %dma_start3A_1396, %dma_start3A_1397] : memref<7x72x64xf32, #tpu.memory_space<vmem>> -> memref<1x72x64xf32, #tpu.memory_space<vmem>>
        %dma_start3A_1399 = tpu.memref_squeeze %dma_start3A_1398 : memref<1x72x64xf32, #tpu.memory_space<vmem>> -> memref<72x64xf32, #tpu.memory_space<vmem>>
        %dma_start3A_1400 = arith.constant 0 : i32
        %dma_start3A_1401 = tpu.memref_slice %arg10[%add3A_1393, %dma_start3A_1400] : memref<70x72xi32, #tpu.memory_space<vmem>> -> memref<1x72xi32, #tpu.memory_space<vmem>>
        %dma_start3A_1402 = tpu.memref_squeeze %dma_start3A_1401 : memref<1x72xi32, #tpu.memory_space<vmem>> -> memref<72xi32, #tpu.memory_space<vmem>>
        %dma_start3A_1403 = arith.constant 0 : i32
        %dma_start3A_1404 = arith.constant 0 : i32
        %dma_start3A_1405 = tpu.memref_slice %arg14[%dma_start3A_1403, %dma_start3A_1404] : memref<10000x64xf32, #tpu.memory_space<vmem_shared>> -> memref<10000x64xf32, #tpu.memory_space<vmem_shared>>
        %dma_start3A_1406 = tpu.memref_slice %arg17[%dma_start3A_1395] : memref<7x!tpu.dma_semaphore, #tpu.memory_space<semaphore_mem>> -> memref<1x!tpu.dma_semaphore, #tpu.memory_space<semaphore_mem>>
        %dma_start3A_1407 = tpu.memref_squeeze %dma_start3A_1406 : memref<1x!tpu.dma_semaphore, #tpu.memory_space<semaphore_mem>> -> memref<!tpu.dma_semaphore, #tpu.memory_space<semaphore_mem>>
        tpu.enqueue_indirect_dma source(%dma_start3A_1405 : memref<10000x64xf32, #tpu.memory_space<vmem_shared>>) target(%dma_start3A_1399 : memref<72x64xf32, #tpu.memory_space<vmem>>) offsets(%dma_start3A_1402 : memref<72xi32, #tpu.memory_space<vmem>>) semaphore(%dma_start3A_1407 : memref<!tpu.dma_semaphore, #tpu.memory_space<semaphore_mem>>)
      } else {
      }
      %add3A_1363 = arith.constant 6 : i32
      %add3A_1364 = arith.addi %mul3A_1057, %add3A_1363 : i32
      %lt3A_1365 = arith.constant 9 : i32
      %lt3A_1366 = arith.cmpi slt, %scan3A_1055, %lt3A_1365 : i32
      %convert_element_type3A_1367 = arith.extui %lt3A_1366 : i1 to i32
      %cond3A_1368 = arith.constant 0 : i32
      %cond3A_1369 = arith.cmpi ne, %convert_element_type3A_1367, %cond3A_1368 : i32
      scf.if %cond3A_1369 {
        %dma_wait3A_1370 = arith.constant 6 : i32
        %dma_wait3A_1371 = arith.constant 6 : i32
        %dma_wait3A_1372 = arith.constant 0 : i32
        %dma_wait3A_1373 = arith.constant 0 : i32
        %dma_wait3A_1374 = tpu.memref_slice %arg12[%dma_wait3A_1370, %dma_wait3A_1372, %dma_wait3A_1373] : memref<7x72x64xf32, #tpu.memory_space<vmem>> -> memref<1x72x64xf32, #tpu.memory_space<vmem>>
        %dma_wait3A_1375 = tpu.memref_squeeze %dma_wait3A_1374 : memref<1x72x64xf32, #tpu.memory_space<vmem>> -> memref<72x64xf32, #tpu.memory_space<vmem>>
        %dma_wait3A_1376 = arith.constant 0 : i32
        %dma_wait3A_1377 = tpu.memref_slice %arg11[%add3A_1364, %dma_wait3A_1376] : memref<70x72xi32, #tpu.memory_space<vmem>> -> memref<1x72xi32, #tpu.memory_space<vmem>>
        %dma_wait3A_1378 = tpu.memref_squeeze %dma_wait3A_1377 : memref<1x72xi32, #tpu.memory_space<vmem>> -> memref<72xi32, #tpu.memory_space<vmem>>
        %dma_wait3A_1379 = arith.constant 0 : i32
        %dma_wait3A_1380 = arith.constant 0 : i32
        %dma_wait3A_1381 = tpu.memref_slice %arg15[%dma_wait3A_1379, %dma_wait3A_1380] : memref<10240x64xf32, #tpu.memory_space<vmem_shared>> -> memref<10240x64xf32, #tpu.memory_space<vmem_shared>>
        %dma_wait3A_1382 = tpu.memref_slice %arg18[%dma_wait3A_1371] : memref<7x!tpu.dma_semaphore, #tpu.memory_space<semaphore_mem>> -> memref<1x!tpu.dma_semaphore, #tpu.memory_space<semaphore_mem>>
        %dma_wait3A_1383 = tpu.memref_squeeze %dma_wait3A_1382 : memref<1x!tpu.dma_semaphore, #tpu.memory_space<semaphore_mem>> -> memref<!tpu.dma_semaphore, #tpu.memory_space<semaphore_mem>>
        tpu.wait_indirect_dma semaphore(%dma_wait3A_1383 : memref<!tpu.dma_semaphore, #tpu.memory_space<semaphore_mem>>) src(%dma_wait3A_1375 : memref<72x64xf32, #tpu.memory_space<vmem>>) dst(%dma_wait3A_1381 : memref<10240x64xf32, #tpu.memory_space<vmem_shared>>)
        %dma_wait3A_1384 = arith.constant 6 : i32
        %dma_wait3A_1385 = arith.constant 0 : i32
        %dma_wait3A_1386 = tpu.memref_slice %arg11[%add3A_1364, %dma_wait3A_1385] : memref<70x72xi32, #tpu.memory_space<vmem>> -> memref<1x72xi32, #tpu.memory_space<vmem>>
        %dma_wait3A_1387 = tpu.memref_squeeze %dma_wait3A_1386 : memref<1x72xi32, #tpu.memory_space<vmem>> -> memref<72xi32, #tpu.memory_space<vmem>>
        %dma_wait3A_1388 = arith.constant 0 : i32
        %dma_wait3A_1389 = tpu.memref_slice %arg16[%dma_wait3A_1388] : memref<10240xf32, #tpu.memory_space<vmem_shared>> -> memref<10240xf32, #tpu.memory_space<vmem_shared>>
        %dma_wait3A_1390 = tpu.memref_slice %arg19[%dma_wait3A_1384] : memref<7x!tpu.dma_semaphore, #tpu.memory_space<semaphore_mem>> -> memref<1x!tpu.dma_semaphore, #tpu.memory_space<semaphore_mem>>
        %dma_wait3A_1391 = tpu.memref_squeeze %dma_wait3A_1390 : memref<1x!tpu.dma_semaphore, #tpu.memory_space<semaphore_mem>> -> memref<!tpu.dma_semaphore, #tpu.memory_space<semaphore_mem>>
        tpu.wait_indirect_dma semaphore(%dma_wait3A_1391 : memref<!tpu.dma_semaphore, #tpu.memory_space<semaphore_mem>>) src(%arg13 : memref<72xf32, #tpu.memory_space<vmem>>) dst(%dma_wait3A_1389 : memref<10240xf32, #tpu.memory_space<vmem_shared>>)
        %add3A_1392 = arith.constant 7 : i32
        %add3A_1393 = arith.addi %add3A_1364, %add3A_1392 : i32
        %dma_start3A_1394 = arith.constant 6 : i32
        %dma_start3A_1395 = arith.constant 6 : i32
        %dma_start3A_1396 = arith.constant 0 : i32
        %dma_start3A_1397 = arith.constant 0 : i32
        %dma_start3A_1398 = tpu.memref_slice %arg12[%dma_start3A_1394, %dma_start3A_1396, %dma_start3A_1397] : memref<7x72x64xf32, #tpu.memory_space<vmem>> -> memref<1x72x64xf32, #tpu.memory_space<vmem>>
        %dma_start3A_1399 = tpu.memref_squeeze %dma_start3A_1398 : memref<1x72x64xf32, #tpu.memory_space<vmem>> -> memref<72x64xf32, #tpu.memory_space<vmem>>
        %dma_start3A_1400 = arith.constant 0 : i32
        %dma_start3A_1401 = tpu.memref_slice %arg10[%add3A_1393, %dma_start3A_1400] : memref<70x72xi32, #tpu.memory_space<vmem>> -> memref<1x72xi32, #tpu.memory_space<vmem>>
        %dma_start3A_1402 = tpu.memref_squeeze %dma_start3A_1401 : memref<1x72xi32, #tpu.memory_space<vmem>> -> memref<72xi32, #tpu.memory_space<vmem>>
        %dma_start3A_1403 = arith.constant 0 : i32
        %dma_start3A_1404 = arith.constant 0 : i32
        %dma_start3A_1405 = tpu.memref_slice %arg14[%dma_start3A_1403, %dma_start3A_1404] : memref<10000x64xf32, #tpu.memory_space<vmem_shared>> -> memref<10000x64xf32, #tpu.memory_space<vmem_shared>>
        %dma_start3A_1406 = tpu.memref_slice %arg17[%dma_start3A_1395] : memref<7x!tpu.dma_semaphore, #tpu.memory_space<semaphore_mem>> -> memref<1x!tpu.dma_semaphore, #tpu.memory_space<semaphore_mem>>
        %dma_start3A_1407 = tpu.memref_squeeze %dma_start3A_1406 : memref<1x!tpu.dma_semaphore, #tpu.memory_space<semaphore_mem>> -> memref<!tpu.dma_semaphore, #tpu.memory_space<semaphore_mem>>
        tpu.enqueue_indirect_dma source(%dma_start3A_1405 : memref<10000x64xf32, #tpu.memory_space<vmem_shared>>) target(%dma_start3A_1399 : memref<72x64xf32, #tpu.memory_space<vmem>>) offsets(%dma_start3A_1402 : memref<72xi32, #tpu.memory_space<vmem>>) semaphore(%dma_start3A_1407 : memref<!tpu.dma_semaphore, #tpu.memory_space<semaphore_mem>>)
      } else {
      }
    }
    %scan3A_414 = arith.constant 10 : i32
    %dma_wait3A_415 = arith.constant 0 : i32
    %dma_wait3A_416 = arith.constant 63 : i32
    %dma_wait3A_417 = arith.constant 0 : i32
    %dma_wait3A_418 = arith.constant 0 : i32
    %dma_wait3A_419 = arith.constant 0 : i32
    %dma_wait3A_420 = tpu.memref_slice %arg12[%dma_wait3A_415, %dma_wait3A_418, %dma_wait3A_419] : memref<7x72x64xf32, #tpu.memory_space<vmem>> -> memref<1x72x64xf32, #tpu.memory_space<vmem>>
    %dma_wait3A_421 = tpu.memref_squeeze %dma_wait3A_420 : memref<1x72x64xf32, #tpu.memory_space<vmem>> -> memref<72x64xf32, #tpu.memory_space<vmem>>
    %dma_wait3A_422 = arith.constant 0 : i32
    %dma_wait3A_423 = tpu.memref_slice %arg11[%dma_wait3A_416, %dma_wait3A_422] : memref<70x72xi32, #tpu.memory_space<vmem>> -> memref<1x72xi32, #tpu.memory_space<vmem>>
    %dma_wait3A_424 = tpu.memref_squeeze %dma_wait3A_423 : memref<1x72xi32, #tpu.memory_space<vmem>> -> memref<72xi32, #tpu.memory_space<vmem>>
    %dma_wait3A_425 = arith.constant 0 : i32
    %dma_wait3A_426 = arith.constant 0 : i32
    %dma_wait3A_427 = tpu.memref_slice %arg15[%dma_wait3A_425, %dma_wait3A_426] : memref<10240x64xf32, #tpu.memory_space<vmem_shared>> -> memref<10240x64xf32, #tpu.memory_space<vmem_shared>>
    %dma_wait3A_428 = tpu.memref_slice %arg18[%dma_wait3A_417] : memref<7x!tpu.dma_semaphore, #tpu.memory_space<semaphore_mem>> -> memref<1x!tpu.dma_semaphore, #tpu.memory_space<semaphore_mem>>
    %dma_wait3A_429 = tpu.memref_squeeze %dma_wait3A_428 : memref<1x!tpu.dma_semaphore, #tpu.memory_space<semaphore_mem>> -> memref<!tpu.dma_semaphore, #tpu.memory_space<semaphore_mem>>
    tpu.wait_indirect_dma semaphore(%dma_wait3A_429 : memref<!tpu.dma_semaphore, #tpu.memory_space<semaphore_mem>>) src(%dma_wait3A_421 : memref<72x64xf32, #tpu.memory_space<vmem>>) dst(%dma_wait3A_427 : memref<10240x64xf32, #tpu.memory_space<vmem_shared>>)
    %dma_wait3A_430 = arith.constant 63 : i32
    %dma_wait3A_431 = arith.constant 0 : i32
    %dma_wait3A_432 = arith.constant 0 : i32
    %dma_wait3A_433 = tpu.memref_slice %arg11[%dma_wait3A_430, %dma_wait3A_432] : memref<70x72xi32, #tpu.memory_space<vmem>> -> memref<1x72xi32, #tpu.memory_space<vmem>>
    %dma_wait3A_434 = tpu.memref_squeeze %dma_wait3A_433 : memref<1x72xi32, #tpu.memory_space<vmem>> -> memref<72xi32, #tpu.memory_space<vmem>>
    %dma_wait3A_435 = arith.constant 0 : i32
    %dma_wait3A_436 = tpu.memref_slice %arg16[%dma_wait3A_435] : memref<10240xf32, #tpu.memory_space<vmem_shared>> -> memref<10240xf32, #tpu.memory_space<vmem_shared>>
    %dma_wait3A_437 = tpu.memref_slice %arg19[%dma_wait3A_431] : memref<7x!tpu.dma_semaphore, #tpu.memory_space<semaphore_mem>> -> memref<1x!tpu.dma_semaphore, #tpu.memory_space<semaphore_mem>>
    %dma_wait3A_438 = tpu.memref_squeeze %dma_wait3A_437 : memref<1x!tpu.dma_semaphore, #tpu.memory_space<semaphore_mem>> -> memref<!tpu.dma_semaphore, #tpu.memory_space<semaphore_mem>>
    tpu.wait_indirect_dma semaphore(%dma_wait3A_438 : memref<!tpu.dma_semaphore, #tpu.memory_space<semaphore_mem>>) src(%arg13 : memref<72xf32, #tpu.memory_space<vmem>>) dst(%dma_wait3A_436 : memref<10240xf32, #tpu.memory_space<vmem_shared>>)
    %dma_wait3A_439 = arith.constant 1 : i32
    %dma_wait3A_440 = arith.constant 64 : i32
    %dma_wait3A_441 = arith.constant 1 : i32
    %dma_wait3A_442 = arith.constant 0 : i32
    %dma_wait3A_443 = arith.constant 0 : i32
    %dma_wait3A_444 = tpu.memref_slice %arg12[%dma_wait3A_439, %dma_wait3A_442, %dma_wait3A_443] : memref<7x72x64xf32, #tpu.memory_space<vmem>> -> memref<1x72x64xf32, #tpu.memory_space<vmem>>
    %dma_wait3A_445 = tpu.memref_squeeze %dma_wait3A_444 : memref<1x72x64xf32, #tpu.memory_space<vmem>> -> memref<72x64xf32, #tpu.memory_space<vmem>>
    %dma_wait3A_446 = arith.constant 0 : i32
    %dma_wait3A_447 = tpu.memref_slice %arg11[%dma_wait3A_440, %dma_wait3A_446] : memref<70x72xi32, #tpu.memory_space<vmem>> -> memref<1x72xi32, #tpu.memory_space<vmem>>
    %dma_wait3A_448 = tpu.memref_squeeze %dma_wait3A_447 : memref<1x72xi32, #tpu.memory_space<vmem>> -> memref<72xi32, #tpu.memory_space<vmem>>
    %dma_wait3A_449 = arith.constant 0 : i32
    %dma_wait3A_450 = arith.constant 0 : i32
    %dma_wait3A_451 = tpu.memref_slice %arg15[%dma_wait3A_449, %dma_wait3A_450] : memref<10240x64xf32, #tpu.memory_space<vmem_shared>> -> memref<10240x64xf32, #tpu.memory_space<vmem_shared>>
    %dma_wait3A_452 = tpu.memref_slice %arg18[%dma_wait3A_441] : memref<7x!tpu.dma_semaphore, #tpu.memory_space<semaphore_mem>> -> memref<1x!tpu.dma_semaphore, #tpu.memory_space<semaphore_mem>>
    %dma_wait3A_453 = tpu.memref_squeeze %dma_wait3A_452 : memref<1x!tpu.dma_semaphore, #tpu.memory_space<semaphore_mem>> -> memref<!tpu.dma_semaphore, #tpu.memory_space<semaphore_mem>>
    tpu.wait_indirect_dma semaphore(%dma_wait3A_453 : memref<!tpu.dma_semaphore, #tpu.memory_space<semaphore_mem>>) src(%dma_wait3A_445 : memref<72x64xf32, #tpu.memory_space<vmem>>) dst(%dma_wait3A_451 : memref<10240x64xf32, #tpu.memory_space<vmem_shared>>)
    %dma_wait3A_454 = arith.constant 64 : i32
    %dma_wait3A_455 = arith.constant 1 : i32
    %dma_wait3A_456 = arith.constant 0 : i32
    %dma_wait3A_457 = tpu.memref_slice %arg11[%dma_wait3A_454, %dma_wait3A_456] : memref<70x72xi32, #tpu.memory_space<vmem>> -> memref<1x72xi32, #tpu.memory_space<vmem>>
    %dma_wait3A_458 = tpu.memref_squeeze %dma_wait3A_457 : memref<1x72xi32, #tpu.memory_space<vmem>> -> memref<72xi32, #tpu.memory_space<vmem>>
    %dma_wait3A_459 = arith.constant 0 : i32
    %dma_wait3A_460 = tpu.memref_slice %arg16[%dma_wait3A_459] : memref<10240xf32, #tpu.memory_space<vmem_shared>> -> memref<10240xf32, #tpu.memory_space<vmem_shared>>
    %dma_wait3A_461 = tpu.memref_slice %arg19[%dma_wait3A_455] : memref<7x!tpu.dma_semaphore, #tpu.memory_space<semaphore_mem>> -> memref<1x!tpu.dma_semaphore, #tpu.memory_space<semaphore_mem>>
    %dma_wait3A_462 = tpu.memref_squeeze %dma_wait3A_461 : memref<1x!tpu.dma_semaphore, #tpu.memory_space<semaphore_mem>> -> memref<!tpu.dma_semaphore, #tpu.memory_space<semaphore_mem>>
    tpu.wait_indirect_dma semaphore(%dma_wait3A_462 : memref<!tpu.dma_semaphore, #tpu.memory_space<semaphore_mem>>) src(%arg13 : memref<72xf32, #tpu.memory_space<vmem>>) dst(%dma_wait3A_460 : memref<10240xf32, #tpu.memory_space<vmem_shared>>)
    %dma_wait3A_463 = arith.constant 2 : i32
    %dma_wait3A_464 = arith.constant 65 : i32
    %dma_wait3A_465 = arith.constant 2 : i32
    %dma_wait3A_466 = arith.constant 0 : i32
    %dma_wait3A_467 = arith.constant 0 : i32
    %dma_wait3A_468 = tpu.memref_slice %arg12[%dma_wait3A_463, %dma_wait3A_466, %dma_wait3A_467] : memref<7x72x64xf32, #tpu.memory_space<vmem>> -> memref<1x72x64xf32, #tpu.memory_space<vmem>>
    %dma_wait3A_469 = tpu.memref_squeeze %dma_wait3A_468 : memref<1x72x64xf32, #tpu.memory_space<vmem>> -> memref<72x64xf32, #tpu.memory_space<vmem>>
    %dma_wait3A_470 = arith.constant 0 : i32
    %dma_wait3A_471 = tpu.memref_slice %arg11[%dma_wait3A_464, %dma_wait3A_470] : memref<70x72xi32, #tpu.memory_space<vmem>> -> memref<1x72xi32, #tpu.memory_space<vmem>>
    %dma_wait3A_472 = tpu.memref_squeeze %dma_wait3A_471 : memref<1x72xi32, #tpu.memory_space<vmem>> -> memref<72xi32, #tpu.memory_space<vmem>>
    %dma_wait3A_473 = arith.constant 0 : i32
    %dma_wait3A_474 = arith.constant 0 : i32
    %dma_wait3A_475 = tpu.memref_slice %arg15[%dma_wait3A_473, %dma_wait3A_474] : memref<10240x64xf32, #tpu.memory_space<vmem_shared>> -> memref<10240x64xf32, #tpu.memory_space<vmem_shared>>
    %dma_wait3A_476 = tpu.memref_slice %arg18[%dma_wait3A_465] : memref<7x!tpu.dma_semaphore, #tpu.memory_space<semaphore_mem>> -> memref<1x!tpu.dma_semaphore, #tpu.memory_space<semaphore_mem>>
    %dma_wait3A_477 = tpu.memref_squeeze %dma_wait3A_476 : memref<1x!tpu.dma_semaphore, #tpu.memory_space<semaphore_mem>> -> memref<!tpu.dma_semaphore, #tpu.memory_space<semaphore_mem>>
    tpu.wait_indirect_dma semaphore(%dma_wait3A_477 : memref<!tpu.dma_semaphore, #tpu.memory_space<semaphore_mem>>) src(%dma_wait3A_469 : memref<72x64xf32, #tpu.memory_space<vmem>>) dst(%dma_wait3A_475 : memref<10240x64xf32, #tpu.memory_space<vmem_shared>>)
    %dma_wait3A_478 = arith.constant 65 : i32
    %dma_wait3A_479 = arith.constant 2 : i32
    %dma_wait3A_480 = arith.constant 0 : i32
    %dma_wait3A_481 = tpu.memref_slice %arg11[%dma_wait3A_478, %dma_wait3A_480] : memref<70x72xi32, #tpu.memory_space<vmem>> -> memref<1x72xi32, #tpu.memory_space<vmem>>
    %dma_wait3A_482 = tpu.memref_squeeze %dma_wait3A_481 : memref<1x72xi32, #tpu.memory_space<vmem>> -> memref<72xi32, #tpu.memory_space<vmem>>
    %dma_wait3A_483 = arith.constant 0 : i32
    %dma_wait3A_484 = tpu.memref_slice %arg16[%dma_wait3A_483] : memref<10240xf32, #tpu.memory_space<vmem_shared>> -> memref<10240xf32, #tpu.memory_space<vmem_shared>>
    %dma_wait3A_485 = tpu.memref_slice %arg19[%dma_wait3A_479] : memref<7x!tpu.dma_semaphore, #tpu.memory_space<semaphore_mem>> -> memref<1x!tpu.dma_semaphore, #tpu.memory_space<semaphore_mem>>
    %dma_wait3A_486 = tpu.memref_squeeze %dma_wait3A_485 : memref<1x!tpu.dma_semaphore, #tpu.memory_space<semaphore_mem>> -> memref<!tpu.dma_semaphore, #tpu.memory_space<semaphore_mem>>
    tpu.wait_indirect_dma semaphore(%dma_wait3A_486 : memref<!tpu.dma_semaphore, #tpu.memory_space<semaphore_mem>>) src(%arg13 : memref<72xf32, #tpu.memory_space<vmem>>) dst(%dma_wait3A_484 : memref<10240xf32, #tpu.memory_space<vmem_shared>>)
    %dma_wait3A_487 = arith.constant 3 : i32
    %dma_wait3A_488 = arith.constant 66 : i32
    %dma_wait3A_489 = arith.constant 3 : i32
    %dma_wait3A_490 = arith.constant 0 : i32
    %dma_wait3A_491 = arith.constant 0 : i32
    %dma_wait3A_492 = tpu.memref_slice %arg12[%dma_wait3A_487, %dma_wait3A_490, %dma_wait3A_491] : memref<7x72x64xf32, #tpu.memory_space<vmem>> -> memref<1x72x64xf32, #tpu.memory_space<vmem>>
    %dma_wait3A_493 = tpu.memref_squeeze %dma_wait3A_492 : memref<1x72x64xf32, #tpu.memory_space<vmem>> -> memref<72x64xf32, #tpu.memory_space<vmem>>
    %dma_wait3A_494 = arith.constant 0 : i32
    %dma_wait3A_495 = tpu.memref_slice %arg11[%dma_wait3A_488, %dma_wait3A_494] : memref<70x72xi32, #tpu.memory_space<vmem>> -> memref<1x72xi32, #tpu.memory_space<vmem>>
    %dma_wait3A_496 = tpu.memref_squeeze %dma_wait3A_495 : memref<1x72xi32, #tpu.memory_space<vmem>> -> memref<72xi32, #tpu.memory_space<vmem>>
    %dma_wait3A_497 = arith.constant 0 : i32
    %dma_wait3A_498 = arith.constant 0 : i32
    %dma_wait3A_499 = tpu.memref_slice %arg15[%dma_wait3A_497, %dma_wait3A_498] : memref<10240x64xf32, #tpu.memory_space<vmem_shared>> -> memref<10240x64xf32, #tpu.memory_space<vmem_shared>>
    %dma_wait3A_500 = tpu.memref_slice %arg18[%dma_wait3A_489] : memref<7x!tpu.dma_semaphore, #tpu.memory_space<semaphore_mem>> -> memref<1x!tpu.dma_semaphore, #tpu.memory_space<semaphore_mem>>
    %dma_wait3A_501 = tpu.memref_squeeze %dma_wait3A_500 : memref<1x!tpu.dma_semaphore, #tpu.memory_space<semaphore_mem>> -> memref<!tpu.dma_semaphore, #tpu.memory_space<semaphore_mem>>
    tpu.wait_indirect_dma semaphore(%dma_wait3A_501 : memref<!tpu.dma_semaphore, #tpu.memory_space<semaphore_mem>>) src(%dma_wait3A_493 : memref<72x64xf32, #tpu.memory_space<vmem>>) dst(%dma_wait3A_499 : memref<10240x64xf32, #tpu.memory_space<vmem_shared>>)
    %dma_wait3A_502 = arith.constant 66 : i32
    %dma_wait3A_503 = arith.constant 3 : i32
    %dma_wait3A_504 = arith.constant 0 : i32
    %dma_wait3A_505 = tpu.memref_slice %arg11[%dma_wait3A_502, %dma_wait3A_504] : memref<70x72xi32, #tpu.memory_space<vmem>> -> memref<1x72xi32, #tpu.memory_space<vmem>>
    %dma_wait3A_506 = tpu.memref_squeeze %dma_wait3A_505 : memref<1x72xi32, #tpu.memory_space<vmem>> -> memref<72xi32, #tpu.memory_space<vmem>>
    %dma_wait3A_507 = arith.constant 0 : i32
    %dma_wait3A_508 = tpu.memref_slice %arg16[%dma_wait3A_507] : memref<10240xf32, #tpu.memory_space<vmem_shared>> -> memref<10240xf32, #tpu.memory_space<vmem_shared>>
    %dma_wait3A_509 = tpu.memref_slice %arg19[%dma_wait3A_503] : memref<7x!tpu.dma_semaphore, #tpu.memory_space<semaphore_mem>> -> memref<1x!tpu.dma_semaphore, #tpu.memory_space<semaphore_mem>>
    %dma_wait3A_510 = tpu.memref_squeeze %dma_wait3A_509 : memref<1x!tpu.dma_semaphore, #tpu.memory_space<semaphore_mem>> -> memref<!tpu.dma_semaphore, #tpu.memory_space<semaphore_mem>>
    tpu.wait_indirect_dma semaphore(%dma_wait3A_510 : memref<!tpu.dma_semaphore, #tpu.memory_space<semaphore_mem>>) src(%arg13 : memref<72xf32, #tpu.memory_space<vmem>>) dst(%dma_wait3A_508 : memref<10240xf32, #tpu.memory_space<vmem_shared>>)
    %dma_wait3A_511 = arith.constant 4 : i32
    %dma_wait3A_512 = arith.constant 67 : i32
    %dma_wait3A_513 = arith.constant 4 : i32
    %dma_wait3A_514 = arith.constant 0 : i32
    %dma_wait3A_515 = arith.constant 0 : i32
    %dma_wait3A_516 = tpu.memref_slice %arg12[%dma_wait3A_511, %dma_wait3A_514, %dma_wait3A_515] : memref<7x72x64xf32, #tpu.memory_space<vmem>> -> memref<1x72x64xf32, #tpu.memory_space<vmem>>
    %dma_wait3A_517 = tpu.memref_squeeze %dma_wait3A_516 : memref<1x72x64xf32, #tpu.memory_space<vmem>> -> memref<72x64xf32, #tpu.memory_space<vmem>>
    %dma_wait3A_518 = arith.constant 0 : i32
    %dma_wait3A_519 = tpu.memref_slice %arg11[%dma_wait3A_512, %dma_wait3A_518] : memref<70x72xi32, #tpu.memory_space<vmem>> -> memref<1x72xi32, #tpu.memory_space<vmem>>
    %dma_wait3A_520 = tpu.memref_squeeze %dma_wait3A_519 : memref<1x72xi32, #tpu.memory_space<vmem>> -> memref<72xi32, #tpu.memory_space<vmem>>
    %dma_wait3A_521 = arith.constant 0 : i32
    %dma_wait3A_522 = arith.constant 0 : i32
    %dma_wait3A_523 = tpu.memref_slice %arg15[%dma_wait3A_521, %dma_wait3A_522] : memref<10240x64xf32, #tpu.memory_space<vmem_shared>> -> memref<10240x64xf32, #tpu.memory_space<vmem_shared>>
    %dma_wait3A_524 = tpu.memref_slice %arg18[%dma_wait3A_513] : memref<7x!tpu.dma_semaphore, #tpu.memory_space<semaphore_mem>> -> memref<1x!tpu.dma_semaphore, #tpu.memory_space<semaphore_mem>>
    %dma_wait3A_525 = tpu.memref_squeeze %dma_wait3A_524 : memref<1x!tpu.dma_semaphore, #tpu.memory_space<semaphore_mem>> -> memref<!tpu.dma_semaphore, #tpu.memory_space<semaphore_mem>>
    tpu.wait_indirect_dma semaphore(%dma_wait3A_525 : memref<!tpu.dma_semaphore, #tpu.memory_space<semaphore_mem>>) src(%dma_wait3A_517 : memref<72x64xf32, #tpu.memory_space<vmem>>) dst(%dma_wait3A_523 : memref<10240x64xf32, #tpu.memory_space<vmem_shared>>)
    %dma_wait3A_526 = arith.constant 67 : i32
    %dma_wait3A_527 = arith.constant 4 : i32
    %dma_wait3A_528 = arith.constant 0 : i32
    %dma_wait3A_529 = tpu.memref_slice %arg11[%dma_wait3A_526, %dma_wait3A_528] : memref<70x72xi32, #tpu.memory_space<vmem>> -> memref<1x72xi32, #tpu.memory_space<vmem>>
    %dma_wait3A_530 = tpu.memref_squeeze %dma_wait3A_529 : memref<1x72xi32, #tpu.memory_space<vmem>> -> memref<72xi32, #tpu.memory_space<vmem>>
    %dma_wait3A_531 = arith.constant 0 : i32
    %dma_wait3A_532 = tpu.memref_slice %arg16[%dma_wait3A_531] : memref<10240xf32, #tpu.memory_space<vmem_shared>> -> memref<10240xf32, #tpu.memory_space<vmem_shared>>
    %dma_wait3A_533 = tpu.memref_slice %arg19[%dma_wait3A_527] : memref<7x!tpu.dma_semaphore, #tpu.memory_space<semaphore_mem>> -> memref<1x!tpu.dma_semaphore, #tpu.memory_space<semaphore_mem>>
    %dma_wait3A_534 = tpu.memref_squeeze %dma_wait3A_533 : memref<1x!tpu.dma_semaphore, #tpu.memory_space<semaphore_mem>> -> memref<!tpu.dma_semaphore, #tpu.memory_space<semaphore_mem>>
    tpu.wait_indirect_dma semaphore(%dma_wait3A_534 : memref<!tpu.dma_semaphore, #tpu.memory_space<semaphore_mem>>) src(%arg13 : memref<72xf32, #tpu.memory_space<vmem>>) dst(%dma_wait3A_532 : memref<10240xf32, #tpu.memory_space<vmem_shared>>)
    %dma_wait3A_535 = arith.constant 5 : i32
    %dma_wait3A_536 = arith.constant 68 : i32
    %dma_wait3A_537 = arith.constant 5 : i32
    %dma_wait3A_538 = arith.constant 0 : i32
    %dma_wait3A_539 = arith.constant 0 : i32
    %dma_wait3A_540 = tpu.memref_slice %arg12[%dma_wait3A_535, %dma_wait3A_538, %dma_wait3A_539] : memref<7x72x64xf32, #tpu.memory_space<vmem>> -> memref<1x72x64xf32, #tpu.memory_space<vmem>>
    %dma_wait3A_541 = tpu.memref_squeeze %dma_wait3A_540 : memref<1x72x64xf32, #tpu.memory_space<vmem>> -> memref<72x64xf32, #tpu.memory_space<vmem>>
    %dma_wait3A_542 = arith.constant 0 : i32
    %dma_wait3A_543 = tpu.memref_slice %arg11[%dma_wait3A_536, %dma_wait3A_542] : memref<70x72xi32, #tpu.memory_space<vmem>> -> memref<1x72xi32, #tpu.memory_space<vmem>>
    %dma_wait3A_544 = tpu.memref_squeeze %dma_wait3A_543 : memref<1x72xi32, #tpu.memory_space<vmem>> -> memref<72xi32, #tpu.memory_space<vmem>>
    %dma_wait3A_545 = arith.constant 0 : i32
    %dma_wait3A_546 = arith.constant 0 : i32
    %dma_wait3A_547 = tpu.memref_slice %arg15[%dma_wait3A_545, %dma_wait3A_546] : memref<10240x64xf32, #tpu.memory_space<vmem_shared>> -> memref<10240x64xf32, #tpu.memory_space<vmem_shared>>
    %dma_wait3A_548 = tpu.memref_slice %arg18[%dma_wait3A_537] : memref<7x!tpu.dma_semaphore, #tpu.memory_space<semaphore_mem>> -> memref<1x!tpu.dma_semaphore, #tpu.memory_space<semaphore_mem>>
    %dma_wait3A_549 = tpu.memref_squeeze %dma_wait3A_548 : memref<1x!tpu.dma_semaphore, #tpu.memory_space<semaphore_mem>> -> memref<!tpu.dma_semaphore, #tpu.memory_space<semaphore_mem>>
    tpu.wait_indirect_dma semaphore(%dma_wait3A_549 : memref<!tpu.dma_semaphore, #tpu.memory_space<semaphore_mem>>) src(%dma_wait3A_541 : memref<72x64xf32, #tpu.memory_space<vmem>>) dst(%dma_wait3A_547 : memref<10240x64xf32, #tpu.memory_space<vmem_shared>>)
    %dma_wait3A_550 = arith.constant 68 : i32
    %dma_wait3A_551 = arith.constant 5 : i32
    %dma_wait3A_552 = arith.constant 0 : i32
    %dma_wait3A_553 = tpu.memref_slice %arg11[%dma_wait3A_550, %dma_wait3A_552] : memref<70x72xi32, #tpu.memory_space<vmem>> -> memref<1x72xi32, #tpu.memory_space<vmem>>
    %dma_wait3A_554 = tpu.memref_squeeze %dma_wait3A_553 : memref<1x72xi32, #tpu.memory_space<vmem>> -> memref<72xi32, #tpu.memory_space<vmem>>
    %dma_wait3A_555 = arith.constant 0 : i32
    %dma_wait3A_556 = tpu.memref_slice %arg16[%dma_wait3A_555] : memref<10240xf32, #tpu.memory_space<vmem_shared>> -> memref<10240xf32, #tpu.memory_space<vmem_shared>>
    %dma_wait3A_557 = tpu.memref_slice %arg19[%dma_wait3A_551] : memref<7x!tpu.dma_semaphore, #tpu.memory_space<semaphore_mem>> -> memref<1x!tpu.dma_semaphore, #tpu.memory_space<semaphore_mem>>
    %dma_wait3A_558 = tpu.memref_squeeze %dma_wait3A_557 : memref<1x!tpu.dma_semaphore, #tpu.memory_space<semaphore_mem>> -> memref<!tpu.dma_semaphore, #tpu.memory_space<semaphore_mem>>
    tpu.wait_indirect_dma semaphore(%dma_wait3A_558 : memref<!tpu.dma_semaphore, #tpu.memory_space<semaphore_mem>>) src(%arg13 : memref<72xf32, #tpu.memory_space<vmem>>) dst(%dma_wait3A_556 : memref<10240xf32, #tpu.memory_space<vmem_shared>>)
    %dma_wait3A_559 = arith.constant 6 : i32
    %dma_wait3A_560 = arith.constant 69 : i32
    %dma_wait3A_561 = arith.constant 6 : i32
    %dma_wait3A_562 = arith.constant 0 : i32
    %dma_wait3A_563 = arith.constant 0 : i32
    %dma_wait3A_564 = tpu.memref_slice %arg12[%dma_wait3A_559, %dma_wait3A_562, %dma_wait3A_563] : memref<7x72x64xf32, #tpu.memory_space<vmem>> -> memref<1x72x64xf32, #tpu.memory_space<vmem>>
    %dma_wait3A_565 = tpu.memref_squeeze %dma_wait3A_564 : memref<1x72x64xf32, #tpu.memory_space<vmem>> -> memref<72x64xf32, #tpu.memory_space<vmem>>
    %dma_wait3A_566 = arith.constant 0 : i32
    %dma_wait3A_567 = tpu.memref_slice %arg11[%dma_wait3A_560, %dma_wait3A_566] : memref<70x72xi32, #tpu.memory_space<vmem>> -> memref<1x72xi32, #tpu.memory_space<vmem>>
    %dma_wait3A_568 = tpu.memref_squeeze %dma_wait3A_567 : memref<1x72xi32, #tpu.memory_space<vmem>> -> memref<72xi32, #tpu.memory_space<vmem>>
    %dma_wait3A_569 = arith.constant 0 : i32
    %dma_wait3A_570 = arith.constant 0 : i32
    %dma_wait3A_571 = tpu.memref_slice %arg15[%dma_wait3A_569, %dma_wait3A_570] : memref<10240x64xf32, #tpu.memory_space<vmem_shared>> -> memref<10240x64xf32, #tpu.memory_space<vmem_shared>>
    %dma_wait3A_572 = tpu.memref_slice %arg18[%dma_wait3A_561] : memref<7x!tpu.dma_semaphore, #tpu.memory_space<semaphore_mem>> -> memref<1x!tpu.dma_semaphore, #tpu.memory_space<semaphore_mem>>
    %dma_wait3A_573 = tpu.memref_squeeze %dma_wait3A_572 : memref<1x!tpu.dma_semaphore, #tpu.memory_space<semaphore_mem>> -> memref<!tpu.dma_semaphore, #tpu.memory_space<semaphore_mem>>
    tpu.wait_indirect_dma semaphore(%dma_wait3A_573 : memref<!tpu.dma_semaphore, #tpu.memory_space<semaphore_mem>>) src(%dma_wait3A_565 : memref<72x64xf32, #tpu.memory_space<vmem>>) dst(%dma_wait3A_571 : memref<10240x64xf32, #tpu.memory_space<vmem_shared>>)
    %dma_wait3A_574 = arith.constant 69 : i32
    %dma_wait3A_575 = arith.constant 6 : i32
    %dma_wait3A_576 = arith.constant 0 : i32
    %dma_wait3A_577 = tpu.memref_slice %arg11[%dma_wait3A_574, %dma_wait3A_576] : memref<70x72xi32, #tpu.memory_space<vmem>> -> memref<1x72xi32, #tpu.memory_space<vmem>>
    %dma_wait3A_578 = tpu.memref_squeeze %dma_wait3A_577 : memref<1x72xi32, #tpu.memory_space<vmem>> -> memref<72xi32, #tpu.memory_space<vmem>>
    %dma_wait3A_579 = arith.constant 0 : i32
    %dma_wait3A_580 = tpu.memref_slice %arg16[%dma_wait3A_579] : memref<10240xf32, #tpu.memory_space<vmem_shared>> -> memref<10240xf32, #tpu.memory_space<vmem_shared>>
    %dma_wait3A_581 = tpu.memref_slice %arg19[%dma_wait3A_575] : memref<7x!tpu.dma_semaphore, #tpu.memory_space<semaphore_mem>> -> memref<1x!tpu.dma_semaphore, #tpu.memory_space<semaphore_mem>>
    %dma_wait3A_582 = tpu.memref_squeeze %dma_wait3A_581 : memref<1x!tpu.dma_semaphore, #tpu.memory_space<semaphore_mem>> -> memref<!tpu.dma_semaphore, #tpu.memory_space<semaphore_mem>>
    tpu.wait_indirect_dma semaphore(%dma_wait3A_582 : memref<!tpu.dma_semaphore, #tpu.memory_space<semaphore_mem>>) src(%arg13 : memref<72xf32, #tpu.memory_space<vmem>>) dst(%dma_wait3A_580 : memref<10240xf32, #tpu.memory_space<vmem_shared>>)
    %barrier3A_583 = arith.constant 0 : index
    tpu.barrier barrier_id(%barrier3A_583)
    %mul3A_584 = arith.constant 640 : i32
    %mul3A_585 = arith.muli %arg1, %mul3A_584 : i32
    %mul3A_586 = arith.constant 640 : i32
    %mul3A_587 = arith.muli %arg1, %mul3A_586 : i32
    %run_scoped3A_588 = arith.constant 0 : i32
    "tpu.region"() ({
      %run_scoped3A_1055 = tpu.sem_alloc : memref<!tpu.dma_semaphore, #tpu.memory_space<semaphore_mem>>
      %dma_start3A_1056 = arith.constant 0 : i32
      %dma_start3A_1057 = tpu.memref_slice %arg8[%run_scoped3A_588, %add3A_298, %mul3A_587, %dma_start3A_1056] : memref<2x4x10240x64xf32, #tpu.memory_space<hbm>> -> memref<1x1x640x64xf32, #tpu.memory_space<hbm>>
      %dma_start3A_1058 = tpu.memref_squeeze %dma_start3A_1057 : memref<1x1x640x64xf32, #tpu.memory_space<hbm>> -> memref<640x64xf32, #tpu.memory_space<hbm>>
      %dma_start3A_1059 = arith.constant 0 : i32
      %dma_start3A_1060 = tpu.memref_slice %arg15[%mul3A_585, %dma_start3A_1059] : memref<10240x64xf32, #tpu.memory_space<vmem_shared>> -> memref<640x64xf32, #tpu.memory_space<vmem_shared>>
      tpu.enqueue_dma source(%dma_start3A_1060 : memref<640x64xf32, #tpu.memory_space<vmem_shared>>) target(%dma_start3A_1058 : memref<640x64xf32, #tpu.memory_space<hbm>>) target_semaphore(%run_scoped3A_1055 : memref<!tpu.dma_semaphore, #tpu.memory_space<semaphore_mem>>)
      %dma_wait3A_1061 = arith.constant 0 : i32
      %dma_wait3A_1062 = tpu.memref_slice %arg8[%run_scoped3A_588, %add3A_298, %mul3A_587, %dma_wait3A_1061] : memref<2x4x10240x64xf32, #tpu.memory_space<hbm>> -> memref<1x1x640x64xf32, #tpu.memory_space<hbm>>
      %dma_wait3A_1063 = tpu.memref_squeeze %dma_wait3A_1062 : memref<1x1x640x64xf32, #tpu.memory_space<hbm>> -> memref<640x64xf32, #tpu.memory_space<hbm>>
      %dma_wait3A_1064 = arith.constant 0 : i32
      %dma_wait3A_1065 = tpu.memref_slice %arg15[%mul3A_585, %dma_wait3A_1064] : memref<10240x64xf32, #tpu.memory_space<vmem_shared>> -> memref<640x64xf32, #tpu.memory_space<vmem_shared>>
      tpu.wait_dma2 semaphore(%run_scoped3A_1055 : memref<!tpu.dma_semaphore, #tpu.memory_space<semaphore_mem>>) src(%dma_wait3A_1065 : memref<640x64xf32, #tpu.memory_space<vmem_shared>>) dst(%dma_wait3A_1063 : memref<640x64xf32, #tpu.memory_space<hbm>>)
      tpu.yield
    }) : () -> ()
    %mul3A_589 = arith.constant 640 : i32
    %mul3A_590 = arith.muli %arg1, %mul3A_589 : i32
    %mul3A_591 = arith.constant 640 : i32
    %mul3A_592 = arith.muli %arg1, %mul3A_591 : i32
    "tpu.region"() ({
      %run_scoped3A_1055 = tpu.sem_alloc : memref<!tpu.dma_semaphore, #tpu.memory_space<semaphore_mem>>
      %dma_start3A_1056 = tpu.memref_slice %arg9[%add3A_298, %mul3A_592] : memref<4x10240xf32, #tpu.memory_space<hbm>> -> memref<1x640xf32, #tpu.memory_space<hbm>>
      %dma_start3A_1057 = tpu.memref_squeeze %dma_start3A_1056 : memref<1x640xf32, #tpu.memory_space<hbm>> -> memref<640xf32, #tpu.memory_space<hbm>>
      %dma_start3A_1058 = tpu.memref_slice %arg16[%mul3A_590] : memref<10240xf32, #tpu.memory_space<vmem_shared>> -> memref<640xf32, #tpu.memory_space<vmem_shared>>
      tpu.enqueue_dma source(%dma_start3A_1058 : memref<640xf32, #tpu.memory_space<vmem_shared>>) target(%dma_start3A_1057 : memref<640xf32, #tpu.memory_space<hbm>>) target_semaphore(%run_scoped3A_1055 : memref<!tpu.dma_semaphore, #tpu.memory_space<semaphore_mem>>)
      %dma_wait3A_1059 = tpu.memref_slice %arg9[%add3A_298, %mul3A_592] : memref<4x10240xf32, #tpu.memory_space<hbm>> -> memref<1x640xf32, #tpu.memory_space<hbm>>
      %dma_wait3A_1060 = tpu.memref_squeeze %dma_wait3A_1059 : memref<1x640xf32, #tpu.memory_space<hbm>> -> memref<640xf32, #tpu.memory_space<hbm>>
      %dma_wait3A_1061 = tpu.memref_slice %arg16[%mul3A_590] : memref<10240xf32, #tpu.memory_space<vmem_shared>> -> memref<640xf32, #tpu.memory_space<vmem_shared>>
      tpu.wait_dma2 semaphore(%run_scoped3A_1055 : memref<!tpu.dma_semaphore, #tpu.memory_space<semaphore_mem>>) src(%dma_wait3A_1061 : memref<640xf32, #tpu.memory_space<vmem_shared>>) dst(%dma_wait3A_1060 : memref<640xf32, #tpu.memory_space<hbm>>)
      tpu.yield
    }) : () -> ()
    %mul3A_593 = arith.constant 625 : i32
    %mul3A_594 = arith.muli %arg1, %mul3A_593 : i32
    %mul3A_595 = arith.constant 625 : i32
    %mul3A_596 = arith.muli %arg1, %mul3A_595 : i32
    "tpu.region"() ({
      %run_scoped3A_1055 = tpu.sem_alloc : memref<!tpu.dma_semaphore, #tpu.memory_space<semaphore_mem>>
      %dma_start3A_1056 = arith.constant 0 : i32
      %dma_start3A_1057 = tpu.memref_slice %arg14[%mul3A_596, %dma_start3A_1056] : memref<10000x64xf32, #tpu.memory_space<vmem_shared>> -> memref<625x64xf32, #tpu.memory_space<vmem_shared>>
      %dma_start3A_1058 = arith.constant 64 : i32
      %dma_start3A_1059 = tpu.memref_slice %arg2[%mul3A_594, %dma_start3A_1058] : memref<10000x128xf32, #tpu.memory_space<hbm>> -> memref<625x64xf32, #tpu.memory_space<hbm>>
      tpu.enqueue_dma source(%dma_start3A_1059 : memref<625x64xf32, #tpu.memory_space<hbm>>) target(%dma_start3A_1057 : memref<625x64xf32, #tpu.memory_space<vmem_shared>>) target_semaphore(%run_scoped3A_1055 : memref<!tpu.dma_semaphore, #tpu.memory_space<semaphore_mem>>)
      %dma_wait3A_1060 = arith.constant 0 : i32
      %dma_wait3A_1061 = tpu.memref_slice %arg14[%mul3A_596, %dma_wait3A_1060] : memref<10000x64xf32, #tpu.memory_space<vmem_shared>> -> memref<625x64xf32, #tpu.memory_space<vmem_shared>>
      %dma_wait3A_1062 = arith.constant 64 : i32
      %dma_wait3A_1063 = tpu.memref_slice %arg2[%mul3A_594, %dma_wait3A_1062] : memref<10000x128xf32, #tpu.memory_space<hbm>> -> memref<625x64xf32, #tpu.memory_space<hbm>>
      tpu.wait_dma2 semaphore(%run_scoped3A_1055 : memref<!tpu.dma_semaphore, #tpu.memory_space<semaphore_mem>>) src(%dma_wait3A_1063 : memref<625x64xf32, #tpu.memory_space<hbm>>) dst(%dma_wait3A_1061 : memref<625x64xf32, #tpu.memory_space<vmem_shared>>)
      tpu.yield
    }) : () -> ()
    %mul3A_597 = arith.constant 2 : i32
    %mul3A_598 = arith.muli %arg0, %mul3A_597 : i32
    %add3A_599 = arith.constant 0 : i32
    %add3A_600 = arith.addi %mul3A_598, %add3A_599 : i32
    %mul3A_601 = arith.constant 640 : i32
    %mul3A_602 = arith.muli %arg1, %mul3A_601 : i32
    "tpu.region"() ({
      %run_scoped3A_1055 = tpu.sem_alloc : memref<!tpu.dma_semaphore, #tpu.memory_space<semaphore_mem>>
      %dma_start3A_1056 = arith.constant 0 : i32
      %dma_start3A_1057 = tpu.memref_slice %arg15[%mul3A_602, %dma_start3A_1056] : memref<10240x64xf32, #tpu.memory_space<vmem_shared>> -> memref<640x64xf32, #tpu.memory_space<vmem_shared>>
      tpu.enqueue_dma source(%arg5 : memref<640x64xf32, #tpu.memory_space<hbm>>) target(%dma_start3A_1057 : memref<640x64xf32, #tpu.memory_space<vmem_shared>>) target_semaphore(%run_scoped3A_1055 : memref<!tpu.dma_semaphore, #tpu.memory_space<semaphore_mem>>)
      %dma_wait3A_1058 = arith.constant 0 : i32
      %dma_wait3A_1059 = tpu.memref_slice %arg15[%mul3A_602, %dma_wait3A_1058] : memref<10240x64xf32, #tpu.memory_space<vmem_shared>> -> memref<640x64xf32, #tpu.memory_space<vmem_shared>>
      tpu.wait_dma2 semaphore(%run_scoped3A_1055 : memref<!tpu.dma_semaphore, #tpu.memory_space<semaphore_mem>>) src(%arg5 : memref<640x64xf32, #tpu.memory_space<hbm>>) dst(%dma_wait3A_1059 : memref<640x64xf32, #tpu.memory_space<vmem_shared>>)
      tpu.yield
    }) : () -> ()
    "tpu.region"() ({
      %run_scoped3A_1055 = tpu.sem_alloc : memref<!tpu.dma_semaphore, #tpu.memory_space<semaphore_mem>>
      %dma_start3A_1056 = arith.constant 0 : i32
      %dma_start3A_1057 = arith.constant 0 : i32
      %dma_start3A_1058 = tpu.memref_slice %arg3[%add3A_600, %arg1, %dma_start3A_1056, %dma_start3A_1057] : memref<4x16x70x72xi32, #tpu.memory_space<hbm>> -> memref<1x1x70x72xi32, #tpu.memory_space<hbm>>
      %dma_start3A_1059 = tpu.memref_squeeze %dma_start3A_1058 : memref<1x1x70x72xi32, #tpu.memory_space<hbm>> -> memref<70x72xi32, #tpu.memory_space<hbm>>
      %dma_start3A_1060 = arith.constant 0 : i32
      %dma_start3A_1061 = arith.constant 0 : i32
      %dma_start3A_1062 = tpu.memref_slice %arg3[%add3A_600, %arg1, %dma_start3A_1060, %dma_start3A_1061] : memref<4x16x70x72xi32, #tpu.memory_space<hbm>> -> memref<1x1x70x72xi32, #tpu.memory_space<hbm>>
      %dma_start3A_1063 = tpu.memref_squeeze %dma_start3A_1062 : memref<1x1x70x72xi32, #tpu.memory_space<hbm>> -> memref<70x72xi32, #tpu.memory_space<hbm>>
      tpu.enqueue_dma source(%dma_start3A_1063 : memref<70x72xi32, #tpu.memory_space<hbm>>) target(%arg10 : memref<70x72xi32, #tpu.memory_space<vmem>>) target_semaphore(%run_scoped3A_1055 : memref<!tpu.dma_semaphore, #tpu.memory_space<semaphore_mem>>)
      %dma_wait3A_1064 = arith.constant 0 : i32
      %dma_wait3A_1065 = arith.constant 0 : i32
      %dma_wait3A_1066 = tpu.memref_slice %arg3[%add3A_600, %arg1, %dma_wait3A_1064, %dma_wait3A_1065] : memref<4x16x70x72xi32, #tpu.memory_space<hbm>> -> memref<1x1x70x72xi32, #tpu.memory_space<hbm>>
      %dma_wait3A_1067 = tpu.memref_squeeze %dma_wait3A_1066 : memref<1x1x70x72xi32, #tpu.memory_space<hbm>> -> memref<70x72xi32, #tpu.memory_space<hbm>>
      %dma_wait3A_1068 = arith.constant 0 : i32
      %dma_wait3A_1069 = arith.constant 0 : i32
      %dma_wait3A_1070 = tpu.memref_slice %arg3[%add3A_600, %arg1, %dma_wait3A_1068, %dma_wait3A_1069] : memref<4x16x70x72xi32, #tpu.memory_space<hbm>> -> memref<1x1x70x72xi32, #tpu.memory_space<hbm>>
      %dma_wait3A_1071 = tpu.memref_squeeze %dma_wait3A_1070 : memref<1x1x70x72xi32, #tpu.memory_space<hbm>> -> memref<70x72xi32, #tpu.memory_space<hbm>>
      tpu.wait_dma2 semaphore(%run_scoped3A_1055 : memref<!tpu.dma_semaphore, #tpu.memory_space<semaphore_mem>>) src(%dma_wait3A_1071 : memref<70x72xi32, #tpu.memory_space<hbm>>) dst(%arg10 : memref<70x72xi32, #tpu.memory_space<vmem>>)
      tpu.yield
    }) : () -> ()
    "tpu.region"() ({
      %run_scoped3A_1055 = tpu.sem_alloc : memref<!tpu.dma_semaphore, #tpu.memory_space<semaphore_mem>>
      %dma_start3A_1056 = arith.constant 0 : i32
      %dma_start3A_1057 = arith.constant 0 : i32
      %dma_start3A_1058 = tpu.memref_slice %arg4[%add3A_600, %arg1, %dma_start3A_1056, %dma_start3A_1057] : memref<4x16x70x72xi32, #tpu.memory_space<hbm>> -> memref<1x1x70x72xi32, #tpu.memory_space<hbm>>
      %dma_start3A_1059 = tpu.memref_squeeze %dma_start3A_1058 : memref<1x1x70x72xi32, #tpu.memory_space<hbm>> -> memref<70x72xi32, #tpu.memory_space<hbm>>
      %dma_start3A_1060 = arith.constant 0 : i32
      %dma_start3A_1061 = arith.constant 0 : i32
      %dma_start3A_1062 = tpu.memref_slice %arg4[%add3A_600, %arg1, %dma_start3A_1060, %dma_start3A_1061] : memref<4x16x70x72xi32, #tpu.memory_space<hbm>> -> memref<1x1x70x72xi32, #tpu.memory_space<hbm>>
      %dma_start3A_1063 = tpu.memref_squeeze %dma_start3A_1062 : memref<1x1x70x72xi32, #tpu.memory_space<hbm>> -> memref<70x72xi32, #tpu.memory_space<hbm>>
      tpu.enqueue_dma source(%dma_start3A_1063 : memref<70x72xi32, #tpu.memory_space<hbm>>) target(%arg11 : memref<70x72xi32, #tpu.memory_space<vmem>>) target_semaphore(%run_scoped3A_1055 : memref<!tpu.dma_semaphore, #tpu.memory_space<semaphore_mem>>)
      %dma_wait3A_1064 = arith.constant 0 : i32
      %dma_wait3A_1065 = arith.constant 0 : i32
      %dma_wait3A_1066 = tpu.memref_slice %arg4[%add3A_600, %arg1, %dma_wait3A_1064, %dma_wait3A_1065] : memref<4x16x70x72xi32, #tpu.memory_space<hbm>> -> memref<1x1x70x72xi32, #tpu.memory_space<hbm>>
      %dma_wait3A_1067 = tpu.memref_squeeze %dma_wait3A_1066 : memref<1x1x70x72xi32, #tpu.memory_space<hbm>> -> memref<70x72xi32, #tpu.memory_space<hbm>>
      %dma_wait3A_1068 = arith.constant 0 : i32
      %dma_wait3A_1069 = arith.constant 0 : i32
      %dma_wait3A_1070 = tpu.memref_slice %arg4[%add3A_600, %arg1, %dma_wait3A_1068, %dma_wait3A_1069] : memref<4x16x70x72xi32, #tpu.memory_space<hbm>> -> memref<1x1x70x72xi32, #tpu.memory_space<hbm>>
      %dma_wait3A_1071 = tpu.memref_squeeze %dma_wait3A_1070 : memref<1x1x70x72xi32, #tpu.memory_space<hbm>> -> memref<70x72xi32, #tpu.memory_space<hbm>>
      tpu.wait_dma2 semaphore(%run_scoped3A_1055 : memref<!tpu.dma_semaphore, #tpu.memory_space<semaphore_mem>>) src(%dma_wait3A_1071 : memref<70x72xi32, #tpu.memory_space<hbm>>) dst(%arg11 : memref<70x72xi32, #tpu.memory_space<vmem>>)
      tpu.yield
    }) : () -> ()
    %barrier3A_603 = arith.constant 0 : index
    tpu.barrier barrier_id(%barrier3A_603)
    %dma_start3A_604 = arith.constant 0 : i32
    %dma_start3A_605 = arith.constant 0 : i32
    %dma_start3A_606 = arith.constant 0 : i32
    %dma_start3A_607 = arith.constant 0 : i32
    %dma_start3A_608 = arith.constant 0 : i32
    %dma_start3A_609 = tpu.memref_slice %arg12[%dma_start3A_605, %dma_start3A_607, %dma_start3A_608] : memref<7x72x64xf32, #tpu.memory_space<vmem>> -> memref<1x72x64xf32, #tpu.memory_space<vmem>>
    %dma_start3A_610 = tpu.memref_squeeze %dma_start3A_609 : memref<1x72x64xf32, #tpu.memory_space<vmem>> -> memref<72x64xf32, #tpu.memory_space<vmem>>
    %dma_start3A_611 = arith.constant 0 : i32
    %dma_start3A_612 = tpu.memref_slice %arg10[%dma_start3A_604, %dma_start3A_611] : memref<70x72xi32, #tpu.memory_space<vmem>> -> memref<1x72xi32, #tpu.memory_space<vmem>>
    %dma_start3A_613 = tpu.memref_squeeze %dma_start3A_612 : memref<1x72xi32, #tpu.memory_space<vmem>> -> memref<72xi32, #tpu.memory_space<vmem>>
    %dma_start3A_614 = arith.constant 0 : i32
    %dma_start3A_615 = arith.constant 0 : i32
    %dma_start3A_616 = tpu.memref_slice %arg14[%dma_start3A_614, %dma_start3A_615] : memref<10000x64xf32, #tpu.memory_space<vmem_shared>> -> memref<10000x64xf32, #tpu.memory_space<vmem_shared>>
    %dma_start3A_617 = tpu.memref_slice %arg17[%dma_start3A_606] : memref<7x!tpu.dma_semaphore, #tpu.memory_space<semaphore_mem>> -> memref<1x!tpu.dma_semaphore, #tpu.memory_space<semaphore_mem>>
    %dma_start3A_618 = tpu.memref_squeeze %dma_start3A_617 : memref<1x!tpu.dma_semaphore, #tpu.memory_space<semaphore_mem>> -> memref<!tpu.dma_semaphore, #tpu.memory_space<semaphore_mem>>
    tpu.enqueue_indirect_dma source(%dma_start3A_616 : memref<10000x64xf32, #tpu.memory_space<vmem_shared>>) target(%dma_start3A_610 : memref<72x64xf32, #tpu.memory_space<vmem>>) offsets(%dma_start3A_613 : memref<72xi32, #tpu.memory_space<vmem>>) semaphore(%dma_start3A_618 : memref<!tpu.dma_semaphore, #tpu.memory_space<semaphore_mem>>)
    %dma_start3A_619 = arith.constant 1 : i32
    %dma_start3A_620 = arith.constant 1 : i32
    %dma_start3A_621 = arith.constant 1 : i32
    %dma_start3A_622 = arith.constant 0 : i32
    %dma_start3A_623 = arith.constant 0 : i32
    %dma_start3A_624 = tpu.memref_slice %arg12[%dma_start3A_620, %dma_start3A_622, %dma_start3A_623] : memref<7x72x64xf32, #tpu.memory_space<vmem>> -> memref<1x72x64xf32, #tpu.memory_space<vmem>>
    %dma_start3A_625 = tpu.memref_squeeze %dma_start3A_624 : memref<1x72x64xf32, #tpu.memory_space<vmem>> -> memref<72x64xf32, #tpu.memory_space<vmem>>
    %dma_start3A_626 = arith.constant 0 : i32
    %dma_start3A_627 = tpu.memref_slice %arg10[%dma_start3A_619, %dma_start3A_626] : memref<70x72xi32, #tpu.memory_space<vmem>> -> memref<1x72xi32, #tpu.memory_space<vmem>>
    %dma_start3A_628 = tpu.memref_squeeze %dma_start3A_627 : memref<1x72xi32, #tpu.memory_space<vmem>> -> memref<72xi32, #tpu.memory_space<vmem>>
    %dma_start3A_629 = arith.constant 0 : i32
    %dma_start3A_630 = arith.constant 0 : i32
    %dma_start3A_631 = tpu.memref_slice %arg14[%dma_start3A_629, %dma_start3A_630] : memref<10000x64xf32, #tpu.memory_space<vmem_shared>> -> memref<10000x64xf32, #tpu.memory_space<vmem_shared>>
    %dma_start3A_632 = tpu.memref_slice %arg17[%dma_start3A_621] : memref<7x!tpu.dma_semaphore, #tpu.memory_space<semaphore_mem>> -> memref<1x!tpu.dma_semaphore, #tpu.memory_space<semaphore_mem>>
    %dma_start3A_633 = tpu.memref_squeeze %dma_start3A_632 : memref<1x!tpu.dma_semaphore, #tpu.memory_space<semaphore_mem>> -> memref<!tpu.dma_semaphore, #tpu.memory_space<semaphore_mem>>
    tpu.enqueue_indirect_dma source(%dma_start3A_631 : memref<10000x64xf32, #tpu.memory_space<vmem_shared>>) target(%dma_start3A_625 : memref<72x64xf32, #tpu.memory_space<vmem>>) offsets(%dma_start3A_628 : memref<72xi32, #tpu.memory_space<vmem>>) semaphore(%dma_start3A_633 : memref<!tpu.dma_semaphore, #tpu.memory_space<semaphore_mem>>)
    %dma_start3A_634 = arith.constant 2 : i32
    %dma_start3A_635 = arith.constant 2 : i32
    %dma_start3A_636 = arith.constant 2 : i32
    %dma_start3A_637 = arith.constant 0 : i32
    %dma_start3A_638 = arith.constant 0 : i32
    %dma_start3A_639 = tpu.memref_slice %arg12[%dma_start3A_635, %dma_start3A_637, %dma_start3A_638] : memref<7x72x64xf32, #tpu.memory_space<vmem>> -> memref<1x72x64xf32, #tpu.memory_space<vmem>>
    %dma_start3A_640 = tpu.memref_squeeze %dma_start3A_639 : memref<1x72x64xf32, #tpu.memory_space<vmem>> -> memref<72x64xf32, #tpu.memory_space<vmem>>
    %dma_start3A_641 = arith.constant 0 : i32
    %dma_start3A_642 = tpu.memref_slice %arg10[%dma_start3A_634, %dma_start3A_641] : memref<70x72xi32, #tpu.memory_space<vmem>> -> memref<1x72xi32, #tpu.memory_space<vmem>>
    %dma_start3A_643 = tpu.memref_squeeze %dma_start3A_642 : memref<1x72xi32, #tpu.memory_space<vmem>> -> memref<72xi32, #tpu.memory_space<vmem>>
    %dma_start3A_644 = arith.constant 0 : i32
    %dma_start3A_645 = arith.constant 0 : i32
    %dma_start3A_646 = tpu.memref_slice %arg14[%dma_start3A_644, %dma_start3A_645] : memref<10000x64xf32, #tpu.memory_space<vmem_shared>> -> memref<10000x64xf32, #tpu.memory_space<vmem_shared>>
    %dma_start3A_647 = tpu.memref_slice %arg17[%dma_start3A_636] : memref<7x!tpu.dma_semaphore, #tpu.memory_space<semaphore_mem>> -> memref<1x!tpu.dma_semaphore, #tpu.memory_space<semaphore_mem>>
    %dma_start3A_648 = tpu.memref_squeeze %dma_start3A_647 : memref<1x!tpu.dma_semaphore, #tpu.memory_space<semaphore_mem>> -> memref<!tpu.dma_semaphore, #tpu.memory_space<semaphore_mem>>
    tpu.enqueue_indirect_dma source(%dma_start3A_646 : memref<10000x64xf32, #tpu.memory_space<vmem_shared>>) target(%dma_start3A_640 : memref<72x64xf32, #tpu.memory_space<vmem>>) offsets(%dma_start3A_643 : memref<72xi32, #tpu.memory_space<vmem>>) semaphore(%dma_start3A_648 : memref<!tpu.dma_semaphore, #tpu.memory_space<semaphore_mem>>)
    %dma_start3A_649 = arith.constant 3 : i32
    %dma_start3A_650 = arith.constant 3 : i32
    %dma_start3A_651 = arith.constant 3 : i32
    %dma_start3A_652 = arith.constant 0 : i32
    %dma_start3A_653 = arith.constant 0 : i32
    %dma_start3A_654 = tpu.memref_slice %arg12[%dma_start3A_650, %dma_start3A_652, %dma_start3A_653] : memref<7x72x64xf32, #tpu.memory_space<vmem>> -> memref<1x72x64xf32, #tpu.memory_space<vmem>>
    %dma_start3A_655 = tpu.memref_squeeze %dma_start3A_654 : memref<1x72x64xf32, #tpu.memory_space<vmem>> -> memref<72x64xf32, #tpu.memory_space<vmem>>
    %dma_start3A_656 = arith.constant 0 : i32
    %dma_start3A_657 = tpu.memref_slice %arg10[%dma_start3A_649, %dma_start3A_656] : memref<70x72xi32, #tpu.memory_space<vmem>> -> memref<1x72xi32, #tpu.memory_space<vmem>>
    %dma_start3A_658 = tpu.memref_squeeze %dma_start3A_657 : memref<1x72xi32, #tpu.memory_space<vmem>> -> memref<72xi32, #tpu.memory_space<vmem>>
    %dma_start3A_659 = arith.constant 0 : i32
    %dma_start3A_660 = arith.constant 0 : i32
    %dma_start3A_661 = tpu.memref_slice %arg14[%dma_start3A_659, %dma_start3A_660] : memref<10000x64xf32, #tpu.memory_space<vmem_shared>> -> memref<10000x64xf32, #tpu.memory_space<vmem_shared>>
    %dma_start3A_662 = tpu.memref_slice %arg17[%dma_start3A_651] : memref<7x!tpu.dma_semaphore, #tpu.memory_space<semaphore_mem>> -> memref<1x!tpu.dma_semaphore, #tpu.memory_space<semaphore_mem>>
    %dma_start3A_663 = tpu.memref_squeeze %dma_start3A_662 : memref<1x!tpu.dma_semaphore, #tpu.memory_space<semaphore_mem>> -> memref<!tpu.dma_semaphore, #tpu.memory_space<semaphore_mem>>
    tpu.enqueue_indirect_dma source(%dma_start3A_661 : memref<10000x64xf32, #tpu.memory_space<vmem_shared>>) target(%dma_start3A_655 : memref<72x64xf32, #tpu.memory_space<vmem>>) offsets(%dma_start3A_658 : memref<72xi32, #tpu.memory_space<vmem>>) semaphore(%dma_start3A_663 : memref<!tpu.dma_semaphore, #tpu.memory_space<semaphore_mem>>)
    %dma_start3A_664 = arith.constant 4 : i32
    %dma_start3A_665 = arith.constant 4 : i32
    %dma_start3A_666 = arith.constant 4 : i32
    %dma_start3A_667 = arith.constant 0 : i32
    %dma_start3A_668 = arith.constant 0 : i32
    %dma_start3A_669 = tpu.memref_slice %arg12[%dma_start3A_665, %dma_start3A_667, %dma_start3A_668] : memref<7x72x64xf32, #tpu.memory_space<vmem>> -> memref<1x72x64xf32, #tpu.memory_space<vmem>>
    %dma_start3A_670 = tpu.memref_squeeze %dma_start3A_669 : memref<1x72x64xf32, #tpu.memory_space<vmem>> -> memref<72x64xf32, #tpu.memory_space<vmem>>
    %dma_start3A_671 = arith.constant 0 : i32
    %dma_start3A_672 = tpu.memref_slice %arg10[%dma_start3A_664, %dma_start3A_671] : memref<70x72xi32, #tpu.memory_space<vmem>> -> memref<1x72xi32, #tpu.memory_space<vmem>>
    %dma_start3A_673 = tpu.memref_squeeze %dma_start3A_672 : memref<1x72xi32, #tpu.memory_space<vmem>> -> memref<72xi32, #tpu.memory_space<vmem>>
    %dma_start3A_674 = arith.constant 0 : i32
    %dma_start3A_675 = arith.constant 0 : i32
    %dma_start3A_676 = tpu.memref_slice %arg14[%dma_start3A_674, %dma_start3A_675] : memref<10000x64xf32, #tpu.memory_space<vmem_shared>> -> memref<10000x64xf32, #tpu.memory_space<vmem_shared>>
    %dma_start3A_677 = tpu.memref_slice %arg17[%dma_start3A_666] : memref<7x!tpu.dma_semaphore, #tpu.memory_space<semaphore_mem>> -> memref<1x!tpu.dma_semaphore, #tpu.memory_space<semaphore_mem>>
    %dma_start3A_678 = tpu.memref_squeeze %dma_start3A_677 : memref<1x!tpu.dma_semaphore, #tpu.memory_space<semaphore_mem>> -> memref<!tpu.dma_semaphore, #tpu.memory_space<semaphore_mem>>
    tpu.enqueue_indirect_dma source(%dma_start3A_676 : memref<10000x64xf32, #tpu.memory_space<vmem_shared>>) target(%dma_start3A_670 : memref<72x64xf32, #tpu.memory_space<vmem>>) offsets(%dma_start3A_673 : memref<72xi32, #tpu.memory_space<vmem>>) semaphore(%dma_start3A_678 : memref<!tpu.dma_semaphore, #tpu.memory_space<semaphore_mem>>)
    %dma_start3A_679 = arith.constant 5 : i32
    %dma_start3A_680 = arith.constant 5 : i32
    %dma_start3A_681 = arith.constant 5 : i32
    %dma_start3A_682 = arith.constant 0 : i32
    %dma_start3A_683 = arith.constant 0 : i32
    %dma_start3A_684 = tpu.memref_slice %arg12[%dma_start3A_680, %dma_start3A_682, %dma_start3A_683] : memref<7x72x64xf32, #tpu.memory_space<vmem>> -> memref<1x72x64xf32, #tpu.memory_space<vmem>>
    %dma_start3A_685 = tpu.memref_squeeze %dma_start3A_684 : memref<1x72x64xf32, #tpu.memory_space<vmem>> -> memref<72x64xf32, #tpu.memory_space<vmem>>
    %dma_start3A_686 = arith.constant 0 : i32
    %dma_start3A_687 = tpu.memref_slice %arg10[%dma_start3A_679, %dma_start3A_686] : memref<70x72xi32, #tpu.memory_space<vmem>> -> memref<1x72xi32, #tpu.memory_space<vmem>>
    %dma_start3A_688 = tpu.memref_squeeze %dma_start3A_687 : memref<1x72xi32, #tpu.memory_space<vmem>> -> memref<72xi32, #tpu.memory_space<vmem>>
    %dma_start3A_689 = arith.constant 0 : i32
    %dma_start3A_690 = arith.constant 0 : i32
    %dma_start3A_691 = tpu.memref_slice %arg14[%dma_start3A_689, %dma_start3A_690] : memref<10000x64xf32, #tpu.memory_space<vmem_shared>> -> memref<10000x64xf32, #tpu.memory_space<vmem_shared>>
    %dma_start3A_692 = tpu.memref_slice %arg17[%dma_start3A_681] : memref<7x!tpu.dma_semaphore, #tpu.memory_space<semaphore_mem>> -> memref<1x!tpu.dma_semaphore, #tpu.memory_space<semaphore_mem>>
    %dma_start3A_693 = tpu.memref_squeeze %dma_start3A_692 : memref<1x!tpu.dma_semaphore, #tpu.memory_space<semaphore_mem>> -> memref<!tpu.dma_semaphore, #tpu.memory_space<semaphore_mem>>
    tpu.enqueue_indirect_dma source(%dma_start3A_691 : memref<10000x64xf32, #tpu.memory_space<vmem_shared>>) target(%dma_start3A_685 : memref<72x64xf32, #tpu.memory_space<vmem>>) offsets(%dma_start3A_688 : memref<72xi32, #tpu.memory_space<vmem>>) semaphore(%dma_start3A_693 : memref<!tpu.dma_semaphore, #tpu.memory_space<semaphore_mem>>)
    %dma_start3A_694 = arith.constant 6 : i32
    %dma_start3A_695 = arith.constant 6 : i32
    %dma_start3A_696 = arith.constant 6 : i32
    %dma_start3A_697 = arith.constant 0 : i32
    %dma_start3A_698 = arith.constant 0 : i32
    %dma_start3A_699 = tpu.memref_slice %arg12[%dma_start3A_695, %dma_start3A_697, %dma_start3A_698] : memref<7x72x64xf32, #tpu.memory_space<vmem>> -> memref<1x72x64xf32, #tpu.memory_space<vmem>>
    %dma_start3A_700 = tpu.memref_squeeze %dma_start3A_699 : memref<1x72x64xf32, #tpu.memory_space<vmem>> -> memref<72x64xf32, #tpu.memory_space<vmem>>
    %dma_start3A_701 = arith.constant 0 : i32
    %dma_start3A_702 = tpu.memref_slice %arg10[%dma_start3A_694, %dma_start3A_701] : memref<70x72xi32, #tpu.memory_space<vmem>> -> memref<1x72xi32, #tpu.memory_space<vmem>>
    %dma_start3A_703 = tpu.memref_squeeze %dma_start3A_702 : memref<1x72xi32, #tpu.memory_space<vmem>> -> memref<72xi32, #tpu.memory_space<vmem>>
    %dma_start3A_704 = arith.constant 0 : i32
    %dma_start3A_705 = arith.constant 0 : i32
    %dma_start3A_706 = tpu.memref_slice %arg14[%dma_start3A_704, %dma_start3A_705] : memref<10000x64xf32, #tpu.memory_space<vmem_shared>> -> memref<10000x64xf32, #tpu.memory_space<vmem_shared>>
    %dma_start3A_707 = tpu.memref_slice %arg17[%dma_start3A_696] : memref<7x!tpu.dma_semaphore, #tpu.memory_space<semaphore_mem>> -> memref<1x!tpu.dma_semaphore, #tpu.memory_space<semaphore_mem>>
    %dma_start3A_708 = tpu.memref_squeeze %dma_start3A_707 : memref<1x!tpu.dma_semaphore, #tpu.memory_space<semaphore_mem>> -> memref<!tpu.dma_semaphore, #tpu.memory_space<semaphore_mem>>
    tpu.enqueue_indirect_dma source(%dma_start3A_706 : memref<10000x64xf32, #tpu.memory_space<vmem_shared>>) target(%dma_start3A_700 : memref<72x64xf32, #tpu.memory_space<vmem>>) offsets(%dma_start3A_703 : memref<72xi32, #tpu.memory_space<vmem>>) semaphore(%dma_start3A_708 : memref<!tpu.dma_semaphore, #tpu.memory_space<semaphore_mem>>)
    %scan3A_709 = arith.constant 0 : i32
    %scan3A_710 = arith.constant 0 : i32
    %scan3A_711 = arith.constant 10 : i32
    %scan3A_712 = arith.addi %scan3A_710, %scan3A_711 : i32
    %scan3A_713 = arith.constant 1 : i32
    scf.for %scan3A_1055 = %scan3A_710 to %scan3A_712 step %scan3A_713  : i32 {
      %mul3A_1056 = arith.constant 7 : i32
      %mul3A_1057 = arith.muli %scan3A_1055, %mul3A_1056 : i32
      %add3A_1058 = arith.constant 0 : i32
      %add3A_1059 = arith.addi %mul3A_1057, %add3A_1058 : i32
      %dma_wait3A_1060 = arith.constant 0 : i32
      %dma_wait3A_1061 = arith.constant 0 : i32
      %dma_wait3A_1062 = arith.constant 0 : i32
      %dma_wait3A_1063 = arith.constant 0 : i32
      %dma_wait3A_1064 = tpu.memref_slice %arg12[%dma_wait3A_1060, %dma_wait3A_1062, %dma_wait3A_1063] : memref<7x72x64xf32, #tpu.memory_space<vmem>> -> memref<1x72x64xf32, #tpu.memory_space<vmem>>
      %dma_wait3A_1065 = tpu.memref_squeeze %dma_wait3A_1064 : memref<1x72x64xf32, #tpu.memory_space<vmem>> -> memref<72x64xf32, #tpu.memory_space<vmem>>
      %dma_wait3A_1066 = arith.constant 0 : i32
      %dma_wait3A_1067 = tpu.memref_slice %arg10[%add3A_1059, %dma_wait3A_1066] : memref<70x72xi32, #tpu.memory_space<vmem>> -> memref<1x72xi32, #tpu.memory_space<vmem>>
      %dma_wait3A_1068 = tpu.memref_squeeze %dma_wait3A_1067 : memref<1x72xi32, #tpu.memory_space<vmem>> -> memref<72xi32, #tpu.memory_space<vmem>>
      %dma_wait3A_1069 = arith.constant 0 : i32
      %dma_wait3A_1070 = arith.constant 0 : i32
      %dma_wait3A_1071 = tpu.memref_slice %arg14[%dma_wait3A_1069, %dma_wait3A_1070] : memref<10000x64xf32, #tpu.memory_space<vmem_shared>> -> memref<10000x64xf32, #tpu.memory_space<vmem_shared>>
      %dma_wait3A_1072 = tpu.memref_slice %arg17[%dma_wait3A_1061] : memref<7x!tpu.dma_semaphore, #tpu.memory_space<semaphore_mem>> -> memref<1x!tpu.dma_semaphore, #tpu.memory_space<semaphore_mem>>
      %dma_wait3A_1073 = tpu.memref_squeeze %dma_wait3A_1072 : memref<1x!tpu.dma_semaphore, #tpu.memory_space<semaphore_mem>> -> memref<!tpu.dma_semaphore, #tpu.memory_space<semaphore_mem>>
      tpu.wait_indirect_dma semaphore(%dma_wait3A_1073 : memref<!tpu.dma_semaphore, #tpu.memory_space<semaphore_mem>>) src(%dma_wait3A_1071 : memref<10000x64xf32, #tpu.memory_space<vmem_shared>>) dst(%dma_wait3A_1065 : memref<72x64xf32, #tpu.memory_space<vmem>>)
      %dma_start3A_1074 = arith.constant 0 : i32
      %dma_start3A_1075 = arith.constant 0 : i32
      %dma_start3A_1076 = arith.constant 0 : i32
      %dma_start3A_1077 = arith.constant 0 : i32
      %dma_start3A_1078 = tpu.memref_slice %arg12[%dma_start3A_1074, %dma_start3A_1076, %dma_start3A_1077] : memref<7x72x64xf32, #tpu.memory_space<vmem>> -> memref<1x72x64xf32, #tpu.memory_space<vmem>>
      %dma_start3A_1079 = tpu.memref_squeeze %dma_start3A_1078 : memref<1x72x64xf32, #tpu.memory_space<vmem>> -> memref<72x64xf32, #tpu.memory_space<vmem>>
      %dma_start3A_1080 = arith.constant 0 : i32
      %dma_start3A_1081 = tpu.memref_slice %arg11[%add3A_1059, %dma_start3A_1080] : memref<70x72xi32, #tpu.memory_space<vmem>> -> memref<1x72xi32, #tpu.memory_space<vmem>>
      %dma_start3A_1082 = tpu.memref_squeeze %dma_start3A_1081 : memref<1x72xi32, #tpu.memory_space<vmem>> -> memref<72xi32, #tpu.memory_space<vmem>>
      %dma_start3A_1083 = arith.constant 0 : i32
      %dma_start3A_1084 = arith.constant 0 : i32
      %dma_start3A_1085 = tpu.memref_slice %arg15[%dma_start3A_1083, %dma_start3A_1084] : memref<10240x64xf32, #tpu.memory_space<vmem_shared>> -> memref<10240x64xf32, #tpu.memory_space<vmem_shared>>
      %dma_start3A_1086 = tpu.memref_slice %arg18[%dma_start3A_1075] : memref<7x!tpu.dma_semaphore, #tpu.memory_space<semaphore_mem>> -> memref<1x!tpu.dma_semaphore, #tpu.memory_space<semaphore_mem>>
      %dma_start3A_1087 = tpu.memref_squeeze %dma_start3A_1086 : memref<1x!tpu.dma_semaphore, #tpu.memory_space<semaphore_mem>> -> memref<!tpu.dma_semaphore, #tpu.memory_space<semaphore_mem>>
      tpu.enqueue_indirect_dma source(%dma_start3A_1079 : memref<72x64xf32, #tpu.memory_space<vmem>>) target(%dma_start3A_1085 : memref<10240x64xf32, #tpu.memory_space<vmem_shared>>) offsets(%dma_start3A_1082 : memref<72xi32, #tpu.memory_space<vmem>>) semaphore(%dma_start3A_1087 : memref<!tpu.dma_semaphore, #tpu.memory_space<semaphore_mem>>) {add = true}
      %add3A_1088 = arith.constant 1 : i32
      %add3A_1089 = arith.addi %mul3A_1057, %add3A_1088 : i32
      %dma_wait3A_1090 = arith.constant 1 : i32
      %dma_wait3A_1091 = arith.constant 1 : i32
      %dma_wait3A_1092 = arith.constant 0 : i32
      %dma_wait3A_1093 = arith.constant 0 : i32
      %dma_wait3A_1094 = tpu.memref_slice %arg12[%dma_wait3A_1090, %dma_wait3A_1092, %dma_wait3A_1093] : memref<7x72x64xf32, #tpu.memory_space<vmem>> -> memref<1x72x64xf32, #tpu.memory_space<vmem>>
      %dma_wait3A_1095 = tpu.memref_squeeze %dma_wait3A_1094 : memref<1x72x64xf32, #tpu.memory_space<vmem>> -> memref<72x64xf32, #tpu.memory_space<vmem>>
      %dma_wait3A_1096 = arith.constant 0 : i32
      %dma_wait3A_1097 = tpu.memref_slice %arg10[%add3A_1089, %dma_wait3A_1096] : memref<70x72xi32, #tpu.memory_space<vmem>> -> memref<1x72xi32, #tpu.memory_space<vmem>>
      %dma_wait3A_1098 = tpu.memref_squeeze %dma_wait3A_1097 : memref<1x72xi32, #tpu.memory_space<vmem>> -> memref<72xi32, #tpu.memory_space<vmem>>
      %dma_wait3A_1099 = arith.constant 0 : i32
      %dma_wait3A_1100 = arith.constant 0 : i32
      %dma_wait3A_1101 = tpu.memref_slice %arg14[%dma_wait3A_1099, %dma_wait3A_1100] : memref<10000x64xf32, #tpu.memory_space<vmem_shared>> -> memref<10000x64xf32, #tpu.memory_space<vmem_shared>>
      %dma_wait3A_1102 = tpu.memref_slice %arg17[%dma_wait3A_1091] : memref<7x!tpu.dma_semaphore, #tpu.memory_space<semaphore_mem>> -> memref<1x!tpu.dma_semaphore, #tpu.memory_space<semaphore_mem>>
      %dma_wait3A_1103 = tpu.memref_squeeze %dma_wait3A_1102 : memref<1x!tpu.dma_semaphore, #tpu.memory_space<semaphore_mem>> -> memref<!tpu.dma_semaphore, #tpu.memory_space<semaphore_mem>>
      tpu.wait_indirect_dma semaphore(%dma_wait3A_1103 : memref<!tpu.dma_semaphore, #tpu.memory_space<semaphore_mem>>) src(%dma_wait3A_1101 : memref<10000x64xf32, #tpu.memory_space<vmem_shared>>) dst(%dma_wait3A_1095 : memref<72x64xf32, #tpu.memory_space<vmem>>)
      %dma_start3A_1104 = arith.constant 1 : i32
      %dma_start3A_1105 = arith.constant 1 : i32
      %dma_start3A_1106 = arith.constant 0 : i32
      %dma_start3A_1107 = arith.constant 0 : i32
      %dma_start3A_1108 = tpu.memref_slice %arg12[%dma_start3A_1104, %dma_start3A_1106, %dma_start3A_1107] : memref<7x72x64xf32, #tpu.memory_space<vmem>> -> memref<1x72x64xf32, #tpu.memory_space<vmem>>
      %dma_start3A_1109 = tpu.memref_squeeze %dma_start3A_1108 : memref<1x72x64xf32, #tpu.memory_space<vmem>> -> memref<72x64xf32, #tpu.memory_space<vmem>>
      %dma_start3A_1110 = arith.constant 0 : i32
      %dma_start3A_1111 = tpu.memref_slice %arg11[%add3A_1089, %dma_start3A_1110] : memref<70x72xi32, #tpu.memory_space<vmem>> -> memref<1x72xi32, #tpu.memory_space<vmem>>
      %dma_start3A_1112 = tpu.memref_squeeze %dma_start3A_1111 : memref<1x72xi32, #tpu.memory_space<vmem>> -> memref<72xi32, #tpu.memory_space<vmem>>
      %dma_start3A_1113 = arith.constant 0 : i32
      %dma_start3A_1114 = arith.constant 0 : i32
      %dma_start3A_1115 = tpu.memref_slice %arg15[%dma_start3A_1113, %dma_start3A_1114] : memref<10240x64xf32, #tpu.memory_space<vmem_shared>> -> memref<10240x64xf32, #tpu.memory_space<vmem_shared>>
      %dma_start3A_1116 = tpu.memref_slice %arg18[%dma_start3A_1105] : memref<7x!tpu.dma_semaphore, #tpu.memory_space<semaphore_mem>> -> memref<1x!tpu.dma_semaphore, #tpu.memory_space<semaphore_mem>>
      %dma_start3A_1117 = tpu.memref_squeeze %dma_start3A_1116 : memref<1x!tpu.dma_semaphore, #tpu.memory_space<semaphore_mem>> -> memref<!tpu.dma_semaphore, #tpu.memory_space<semaphore_mem>>
      tpu.enqueue_indirect_dma source(%dma_start3A_1109 : memref<72x64xf32, #tpu.memory_space<vmem>>) target(%dma_start3A_1115 : memref<10240x64xf32, #tpu.memory_space<vmem_shared>>) offsets(%dma_start3A_1112 : memref<72xi32, #tpu.memory_space<vmem>>) semaphore(%dma_start3A_1117 : memref<!tpu.dma_semaphore, #tpu.memory_space<semaphore_mem>>) {add = true}
      %add3A_1118 = arith.constant 2 : i32
      %add3A_1119 = arith.addi %mul3A_1057, %add3A_1118 : i32
      %dma_wait3A_1120 = arith.constant 2 : i32
      %dma_wait3A_1121 = arith.constant 2 : i32
      %dma_wait3A_1122 = arith.constant 0 : i32
      %dma_wait3A_1123 = arith.constant 0 : i32
      %dma_wait3A_1124 = tpu.memref_slice %arg12[%dma_wait3A_1120, %dma_wait3A_1122, %dma_wait3A_1123] : memref<7x72x64xf32, #tpu.memory_space<vmem>> -> memref<1x72x64xf32, #tpu.memory_space<vmem>>
      %dma_wait3A_1125 = tpu.memref_squeeze %dma_wait3A_1124 : memref<1x72x64xf32, #tpu.memory_space<vmem>> -> memref<72x64xf32, #tpu.memory_space<vmem>>
      %dma_wait3A_1126 = arith.constant 0 : i32
      %dma_wait3A_1127 = tpu.memref_slice %arg10[%add3A_1119, %dma_wait3A_1126] : memref<70x72xi32, #tpu.memory_space<vmem>> -> memref<1x72xi32, #tpu.memory_space<vmem>>
      %dma_wait3A_1128 = tpu.memref_squeeze %dma_wait3A_1127 : memref<1x72xi32, #tpu.memory_space<vmem>> -> memref<72xi32, #tpu.memory_space<vmem>>
      %dma_wait3A_1129 = arith.constant 0 : i32
      %dma_wait3A_1130 = arith.constant 0 : i32
      %dma_wait3A_1131 = tpu.memref_slice %arg14[%dma_wait3A_1129, %dma_wait3A_1130] : memref<10000x64xf32, #tpu.memory_space<vmem_shared>> -> memref<10000x64xf32, #tpu.memory_space<vmem_shared>>
      %dma_wait3A_1132 = tpu.memref_slice %arg17[%dma_wait3A_1121] : memref<7x!tpu.dma_semaphore, #tpu.memory_space<semaphore_mem>> -> memref<1x!tpu.dma_semaphore, #tpu.memory_space<semaphore_mem>>
      %dma_wait3A_1133 = tpu.memref_squeeze %dma_wait3A_1132 : memref<1x!tpu.dma_semaphore, #tpu.memory_space<semaphore_mem>> -> memref<!tpu.dma_semaphore, #tpu.memory_space<semaphore_mem>>
      tpu.wait_indirect_dma semaphore(%dma_wait3A_1133 : memref<!tpu.dma_semaphore, #tpu.memory_space<semaphore_mem>>) src(%dma_wait3A_1131 : memref<10000x64xf32, #tpu.memory_space<vmem_shared>>) dst(%dma_wait3A_1125 : memref<72x64xf32, #tpu.memory_space<vmem>>)
      %dma_start3A_1134 = arith.constant 2 : i32
      %dma_start3A_1135 = arith.constant 2 : i32
      %dma_start3A_1136 = arith.constant 0 : i32
      %dma_start3A_1137 = arith.constant 0 : i32
      %dma_start3A_1138 = tpu.memref_slice %arg12[%dma_start3A_1134, %dma_start3A_1136, %dma_start3A_1137] : memref<7x72x64xf32, #tpu.memory_space<vmem>> -> memref<1x72x64xf32, #tpu.memory_space<vmem>>
      %dma_start3A_1139 = tpu.memref_squeeze %dma_start3A_1138 : memref<1x72x64xf32, #tpu.memory_space<vmem>> -> memref<72x64xf32, #tpu.memory_space<vmem>>
      %dma_start3A_1140 = arith.constant 0 : i32
      %dma_start3A_1141 = tpu.memref_slice %arg11[%add3A_1119, %dma_start3A_1140] : memref<70x72xi32, #tpu.memory_space<vmem>> -> memref<1x72xi32, #tpu.memory_space<vmem>>
      %dma_start3A_1142 = tpu.memref_squeeze %dma_start3A_1141 : memref<1x72xi32, #tpu.memory_space<vmem>> -> memref<72xi32, #tpu.memory_space<vmem>>
      %dma_start3A_1143 = arith.constant 0 : i32
      %dma_start3A_1144 = arith.constant 0 : i32
      %dma_start3A_1145 = tpu.memref_slice %arg15[%dma_start3A_1143, %dma_start3A_1144] : memref<10240x64xf32, #tpu.memory_space<vmem_shared>> -> memref<10240x64xf32, #tpu.memory_space<vmem_shared>>
      %dma_start3A_1146 = tpu.memref_slice %arg18[%dma_start3A_1135] : memref<7x!tpu.dma_semaphore, #tpu.memory_space<semaphore_mem>> -> memref<1x!tpu.dma_semaphore, #tpu.memory_space<semaphore_mem>>
      %dma_start3A_1147 = tpu.memref_squeeze %dma_start3A_1146 : memref<1x!tpu.dma_semaphore, #tpu.memory_space<semaphore_mem>> -> memref<!tpu.dma_semaphore, #tpu.memory_space<semaphore_mem>>
      tpu.enqueue_indirect_dma source(%dma_start3A_1139 : memref<72x64xf32, #tpu.memory_space<vmem>>) target(%dma_start3A_1145 : memref<10240x64xf32, #tpu.memory_space<vmem_shared>>) offsets(%dma_start3A_1142 : memref<72xi32, #tpu.memory_space<vmem>>) semaphore(%dma_start3A_1147 : memref<!tpu.dma_semaphore, #tpu.memory_space<semaphore_mem>>) {add = true}
      %add3A_1148 = arith.constant 3 : i32
      %add3A_1149 = arith.addi %mul3A_1057, %add3A_1148 : i32
      %dma_wait3A_1150 = arith.constant 3 : i32
      %dma_wait3A_1151 = arith.constant 3 : i32
      %dma_wait3A_1152 = arith.constant 0 : i32
      %dma_wait3A_1153 = arith.constant 0 : i32
      %dma_wait3A_1154 = tpu.memref_slice %arg12[%dma_wait3A_1150, %dma_wait3A_1152, %dma_wait3A_1153] : memref<7x72x64xf32, #tpu.memory_space<vmem>> -> memref<1x72x64xf32, #tpu.memory_space<vmem>>
      %dma_wait3A_1155 = tpu.memref_squeeze %dma_wait3A_1154 : memref<1x72x64xf32, #tpu.memory_space<vmem>> -> memref<72x64xf32, #tpu.memory_space<vmem>>
      %dma_wait3A_1156 = arith.constant 0 : i32
      %dma_wait3A_1157 = tpu.memref_slice %arg10[%add3A_1149, %dma_wait3A_1156] : memref<70x72xi32, #tpu.memory_space<vmem>> -> memref<1x72xi32, #tpu.memory_space<vmem>>
      %dma_wait3A_1158 = tpu.memref_squeeze %dma_wait3A_1157 : memref<1x72xi32, #tpu.memory_space<vmem>> -> memref<72xi32, #tpu.memory_space<vmem>>
      %dma_wait3A_1159 = arith.constant 0 : i32
      %dma_wait3A_1160 = arith.constant 0 : i32
      %dma_wait3A_1161 = tpu.memref_slice %arg14[%dma_wait3A_1159, %dma_wait3A_1160] : memref<10000x64xf32, #tpu.memory_space<vmem_shared>> -> memref<10000x64xf32, #tpu.memory_space<vmem_shared>>
      %dma_wait3A_1162 = tpu.memref_slice %arg17[%dma_wait3A_1151] : memref<7x!tpu.dma_semaphore, #tpu.memory_space<semaphore_mem>> -> memref<1x!tpu.dma_semaphore, #tpu.memory_space<semaphore_mem>>
      %dma_wait3A_1163 = tpu.memref_squeeze %dma_wait3A_1162 : memref<1x!tpu.dma_semaphore, #tpu.memory_space<semaphore_mem>> -> memref<!tpu.dma_semaphore, #tpu.memory_space<semaphore_mem>>
      tpu.wait_indirect_dma semaphore(%dma_wait3A_1163 : memref<!tpu.dma_semaphore, #tpu.memory_space<semaphore_mem>>) src(%dma_wait3A_1161 : memref<10000x64xf32, #tpu.memory_space<vmem_shared>>) dst(%dma_wait3A_1155 : memref<72x64xf32, #tpu.memory_space<vmem>>)
      %dma_start3A_1164 = arith.constant 3 : i32
      %dma_start3A_1165 = arith.constant 3 : i32
      %dma_start3A_1166 = arith.constant 0 : i32
      %dma_start3A_1167 = arith.constant 0 : i32
      %dma_start3A_1168 = tpu.memref_slice %arg12[%dma_start3A_1164, %dma_start3A_1166, %dma_start3A_1167] : memref<7x72x64xf32, #tpu.memory_space<vmem>> -> memref<1x72x64xf32, #tpu.memory_space<vmem>>
      %dma_start3A_1169 = tpu.memref_squeeze %dma_start3A_1168 : memref<1x72x64xf32, #tpu.memory_space<vmem>> -> memref<72x64xf32, #tpu.memory_space<vmem>>
      %dma_start3A_1170 = arith.constant 0 : i32
      %dma_start3A_1171 = tpu.memref_slice %arg11[%add3A_1149, %dma_start3A_1170] : memref<70x72xi32, #tpu.memory_space<vmem>> -> memref<1x72xi32, #tpu.memory_space<vmem>>
      %dma_start3A_1172 = tpu.memref_squeeze %dma_start3A_1171 : memref<1x72xi32, #tpu.memory_space<vmem>> -> memref<72xi32, #tpu.memory_space<vmem>>
      %dma_start3A_1173 = arith.constant 0 : i32
      %dma_start3A_1174 = arith.constant 0 : i32
      %dma_start3A_1175 = tpu.memref_slice %arg15[%dma_start3A_1173, %dma_start3A_1174] : memref<10240x64xf32, #tpu.memory_space<vmem_shared>> -> memref<10240x64xf32, #tpu.memory_space<vmem_shared>>
      %dma_start3A_1176 = tpu.memref_slice %arg18[%dma_start3A_1165] : memref<7x!tpu.dma_semaphore, #tpu.memory_space<semaphore_mem>> -> memref<1x!tpu.dma_semaphore, #tpu.memory_space<semaphore_mem>>
      %dma_start3A_1177 = tpu.memref_squeeze %dma_start3A_1176 : memref<1x!tpu.dma_semaphore, #tpu.memory_space<semaphore_mem>> -> memref<!tpu.dma_semaphore, #tpu.memory_space<semaphore_mem>>
      tpu.enqueue_indirect_dma source(%dma_start3A_1169 : memref<72x64xf32, #tpu.memory_space<vmem>>) target(%dma_start3A_1175 : memref<10240x64xf32, #tpu.memory_space<vmem_shared>>) offsets(%dma_start3A_1172 : memref<72xi32, #tpu.memory_space<vmem>>) semaphore(%dma_start3A_1177 : memref<!tpu.dma_semaphore, #tpu.memory_space<semaphore_mem>>) {add = true}
      %add3A_1178 = arith.constant 4 : i32
      %add3A_1179 = arith.addi %mul3A_1057, %add3A_1178 : i32
      %dma_wait3A_1180 = arith.constant 4 : i32
      %dma_wait3A_1181 = arith.constant 4 : i32
      %dma_wait3A_1182 = arith.constant 0 : i32
      %dma_wait3A_1183 = arith.constant 0 : i32
      %dma_wait3A_1184 = tpu.memref_slice %arg12[%dma_wait3A_1180, %dma_wait3A_1182, %dma_wait3A_1183] : memref<7x72x64xf32, #tpu.memory_space<vmem>> -> memref<1x72x64xf32, #tpu.memory_space<vmem>>
      %dma_wait3A_1185 = tpu.memref_squeeze %dma_wait3A_1184 : memref<1x72x64xf32, #tpu.memory_space<vmem>> -> memref<72x64xf32, #tpu.memory_space<vmem>>
      %dma_wait3A_1186 = arith.constant 0 : i32
      %dma_wait3A_1187 = tpu.memref_slice %arg10[%add3A_1179, %dma_wait3A_1186] : memref<70x72xi32, #tpu.memory_space<vmem>> -> memref<1x72xi32, #tpu.memory_space<vmem>>
      %dma_wait3A_1188 = tpu.memref_squeeze %dma_wait3A_1187 : memref<1x72xi32, #tpu.memory_space<vmem>> -> memref<72xi32, #tpu.memory_space<vmem>>
      %dma_wait3A_1189 = arith.constant 0 : i32
      %dma_wait3A_1190 = arith.constant 0 : i32
      %dma_wait3A_1191 = tpu.memref_slice %arg14[%dma_wait3A_1189, %dma_wait3A_1190] : memref<10000x64xf32, #tpu.memory_space<vmem_shared>> -> memref<10000x64xf32, #tpu.memory_space<vmem_shared>>
      %dma_wait3A_1192 = tpu.memref_slice %arg17[%dma_wait3A_1181] : memref<7x!tpu.dma_semaphore, #tpu.memory_space<semaphore_mem>> -> memref<1x!tpu.dma_semaphore, #tpu.memory_space<semaphore_mem>>
      %dma_wait3A_1193 = tpu.memref_squeeze %dma_wait3A_1192 : memref<1x!tpu.dma_semaphore, #tpu.memory_space<semaphore_mem>> -> memref<!tpu.dma_semaphore, #tpu.memory_space<semaphore_mem>>
      tpu.wait_indirect_dma semaphore(%dma_wait3A_1193 : memref<!tpu.dma_semaphore, #tpu.memory_space<semaphore_mem>>) src(%dma_wait3A_1191 : memref<10000x64xf32, #tpu.memory_space<vmem_shared>>) dst(%dma_wait3A_1185 : memref<72x64xf32, #tpu.memory_space<vmem>>)
      %dma_start3A_1194 = arith.constant 4 : i32
      %dma_start3A_1195 = arith.constant 4 : i32
      %dma_start3A_1196 = arith.constant 0 : i32
      %dma_start3A_1197 = arith.constant 0 : i32
      %dma_start3A_1198 = tpu.memref_slice %arg12[%dma_start3A_1194, %dma_start3A_1196, %dma_start3A_1197] : memref<7x72x64xf32, #tpu.memory_space<vmem>> -> memref<1x72x64xf32, #tpu.memory_space<vmem>>
      %dma_start3A_1199 = tpu.memref_squeeze %dma_start3A_1198 : memref<1x72x64xf32, #tpu.memory_space<vmem>> -> memref<72x64xf32, #tpu.memory_space<vmem>>
      %dma_start3A_1200 = arith.constant 0 : i32
      %dma_start3A_1201 = tpu.memref_slice %arg11[%add3A_1179, %dma_start3A_1200] : memref<70x72xi32, #tpu.memory_space<vmem>> -> memref<1x72xi32, #tpu.memory_space<vmem>>
      %dma_start3A_1202 = tpu.memref_squeeze %dma_start3A_1201 : memref<1x72xi32, #tpu.memory_space<vmem>> -> memref<72xi32, #tpu.memory_space<vmem>>
      %dma_start3A_1203 = arith.constant 0 : i32
      %dma_start3A_1204 = arith.constant 0 : i32
      %dma_start3A_1205 = tpu.memref_slice %arg15[%dma_start3A_1203, %dma_start3A_1204] : memref<10240x64xf32, #tpu.memory_space<vmem_shared>> -> memref<10240x64xf32, #tpu.memory_space<vmem_shared>>
      %dma_start3A_1206 = tpu.memref_slice %arg18[%dma_start3A_1195] : memref<7x!tpu.dma_semaphore, #tpu.memory_space<semaphore_mem>> -> memref<1x!tpu.dma_semaphore, #tpu.memory_space<semaphore_mem>>
      %dma_start3A_1207 = tpu.memref_squeeze %dma_start3A_1206 : memref<1x!tpu.dma_semaphore, #tpu.memory_space<semaphore_mem>> -> memref<!tpu.dma_semaphore, #tpu.memory_space<semaphore_mem>>
      tpu.enqueue_indirect_dma source(%dma_start3A_1199 : memref<72x64xf32, #tpu.memory_space<vmem>>) target(%dma_start3A_1205 : memref<10240x64xf32, #tpu.memory_space<vmem_shared>>) offsets(%dma_start3A_1202 : memref<72xi32, #tpu.memory_space<vmem>>) semaphore(%dma_start3A_1207 : memref<!tpu.dma_semaphore, #tpu.memory_space<semaphore_mem>>) {add = true}
      %add3A_1208 = arith.constant 5 : i32
      %add3A_1209 = arith.addi %mul3A_1057, %add3A_1208 : i32
      %dma_wait3A_1210 = arith.constant 5 : i32
      %dma_wait3A_1211 = arith.constant 5 : i32
      %dma_wait3A_1212 = arith.constant 0 : i32
      %dma_wait3A_1213 = arith.constant 0 : i32
      %dma_wait3A_1214 = tpu.memref_slice %arg12[%dma_wait3A_1210, %dma_wait3A_1212, %dma_wait3A_1213] : memref<7x72x64xf32, #tpu.memory_space<vmem>> -> memref<1x72x64xf32, #tpu.memory_space<vmem>>
      %dma_wait3A_1215 = tpu.memref_squeeze %dma_wait3A_1214 : memref<1x72x64xf32, #tpu.memory_space<vmem>> -> memref<72x64xf32, #tpu.memory_space<vmem>>
      %dma_wait3A_1216 = arith.constant 0 : i32
      %dma_wait3A_1217 = tpu.memref_slice %arg10[%add3A_1209, %dma_wait3A_1216] : memref<70x72xi32, #tpu.memory_space<vmem>> -> memref<1x72xi32, #tpu.memory_space<vmem>>
      %dma_wait3A_1218 = tpu.memref_squeeze %dma_wait3A_1217 : memref<1x72xi32, #tpu.memory_space<vmem>> -> memref<72xi32, #tpu.memory_space<vmem>>
      %dma_wait3A_1219 = arith.constant 0 : i32
      %dma_wait3A_1220 = arith.constant 0 : i32
      %dma_wait3A_1221 = tpu.memref_slice %arg14[%dma_wait3A_1219, %dma_wait3A_1220] : memref<10000x64xf32, #tpu.memory_space<vmem_shared>> -> memref<10000x64xf32, #tpu.memory_space<vmem_shared>>
      %dma_wait3A_1222 = tpu.memref_slice %arg17[%dma_wait3A_1211] : memref<7x!tpu.dma_semaphore, #tpu.memory_space<semaphore_mem>> -> memref<1x!tpu.dma_semaphore, #tpu.memory_space<semaphore_mem>>
      %dma_wait3A_1223 = tpu.memref_squeeze %dma_wait3A_1222 : memref<1x!tpu.dma_semaphore, #tpu.memory_space<semaphore_mem>> -> memref<!tpu.dma_semaphore, #tpu.memory_space<semaphore_mem>>
      tpu.wait_indirect_dma semaphore(%dma_wait3A_1223 : memref<!tpu.dma_semaphore, #tpu.memory_space<semaphore_mem>>) src(%dma_wait3A_1221 : memref<10000x64xf32, #tpu.memory_space<vmem_shared>>) dst(%dma_wait3A_1215 : memref<72x64xf32, #tpu.memory_space<vmem>>)
      %dma_start3A_1224 = arith.constant 5 : i32
      %dma_start3A_1225 = arith.constant 5 : i32
      %dma_start3A_1226 = arith.constant 0 : i32
      %dma_start3A_1227 = arith.constant 0 : i32
      %dma_start3A_1228 = tpu.memref_slice %arg12[%dma_start3A_1224, %dma_start3A_1226, %dma_start3A_1227] : memref<7x72x64xf32, #tpu.memory_space<vmem>> -> memref<1x72x64xf32, #tpu.memory_space<vmem>>
      %dma_start3A_1229 = tpu.memref_squeeze %dma_start3A_1228 : memref<1x72x64xf32, #tpu.memory_space<vmem>> -> memref<72x64xf32, #tpu.memory_space<vmem>>
      %dma_start3A_1230 = arith.constant 0 : i32
      %dma_start3A_1231 = tpu.memref_slice %arg11[%add3A_1209, %dma_start3A_1230] : memref<70x72xi32, #tpu.memory_space<vmem>> -> memref<1x72xi32, #tpu.memory_space<vmem>>
      %dma_start3A_1232 = tpu.memref_squeeze %dma_start3A_1231 : memref<1x72xi32, #tpu.memory_space<vmem>> -> memref<72xi32, #tpu.memory_space<vmem>>
      %dma_start3A_1233 = arith.constant 0 : i32
      %dma_start3A_1234 = arith.constant 0 : i32
      %dma_start3A_1235 = tpu.memref_slice %arg15[%dma_start3A_1233, %dma_start3A_1234] : memref<10240x64xf32, #tpu.memory_space<vmem_shared>> -> memref<10240x64xf32, #tpu.memory_space<vmem_shared>>
      %dma_start3A_1236 = tpu.memref_slice %arg18[%dma_start3A_1225] : memref<7x!tpu.dma_semaphore, #tpu.memory_space<semaphore_mem>> -> memref<1x!tpu.dma_semaphore, #tpu.memory_space<semaphore_mem>>
      %dma_start3A_1237 = tpu.memref_squeeze %dma_start3A_1236 : memref<1x!tpu.dma_semaphore, #tpu.memory_space<semaphore_mem>> -> memref<!tpu.dma_semaphore, #tpu.memory_space<semaphore_mem>>
      tpu.enqueue_indirect_dma source(%dma_start3A_1229 : memref<72x64xf32, #tpu.memory_space<vmem>>) target(%dma_start3A_1235 : memref<10240x64xf32, #tpu.memory_space<vmem_shared>>) offsets(%dma_start3A_1232 : memref<72xi32, #tpu.memory_space<vmem>>) semaphore(%dma_start3A_1237 : memref<!tpu.dma_semaphore, #tpu.memory_space<semaphore_mem>>) {add = true}
      %add3A_1238 = arith.constant 6 : i32
      %add3A_1239 = arith.addi %mul3A_1057, %add3A_1238 : i32
      %dma_wait3A_1240 = arith.constant 6 : i32
      %dma_wait3A_1241 = arith.constant 6 : i32
      %dma_wait3A_1242 = arith.constant 0 : i32
      %dma_wait3A_1243 = arith.constant 0 : i32
      %dma_wait3A_1244 = tpu.memref_slice %arg12[%dma_wait3A_1240, %dma_wait3A_1242, %dma_wait3A_1243] : memref<7x72x64xf32, #tpu.memory_space<vmem>> -> memref<1x72x64xf32, #tpu.memory_space<vmem>>
      %dma_wait3A_1245 = tpu.memref_squeeze %dma_wait3A_1244 : memref<1x72x64xf32, #tpu.memory_space<vmem>> -> memref<72x64xf32, #tpu.memory_space<vmem>>
      %dma_wait3A_1246 = arith.constant 0 : i32
      %dma_wait3A_1247 = tpu.memref_slice %arg10[%add3A_1239, %dma_wait3A_1246] : memref<70x72xi32, #tpu.memory_space<vmem>> -> memref<1x72xi32, #tpu.memory_space<vmem>>
      %dma_wait3A_1248 = tpu.memref_squeeze %dma_wait3A_1247 : memref<1x72xi32, #tpu.memory_space<vmem>> -> memref<72xi32, #tpu.memory_space<vmem>>
      %dma_wait3A_1249 = arith.constant 0 : i32
      %dma_wait3A_1250 = arith.constant 0 : i32
      %dma_wait3A_1251 = tpu.memref_slice %arg14[%dma_wait3A_1249, %dma_wait3A_1250] : memref<10000x64xf32, #tpu.memory_space<vmem_shared>> -> memref<10000x64xf32, #tpu.memory_space<vmem_shared>>
      %dma_wait3A_1252 = tpu.memref_slice %arg17[%dma_wait3A_1241] : memref<7x!tpu.dma_semaphore, #tpu.memory_space<semaphore_mem>> -> memref<1x!tpu.dma_semaphore, #tpu.memory_space<semaphore_mem>>
      %dma_wait3A_1253 = tpu.memref_squeeze %dma_wait3A_1252 : memref<1x!tpu.dma_semaphore, #tpu.memory_space<semaphore_mem>> -> memref<!tpu.dma_semaphore, #tpu.memory_space<semaphore_mem>>
      tpu.wait_indirect_dma semaphore(%dma_wait3A_1253 : memref<!tpu.dma_semaphore, #tpu.memory_space<semaphore_mem>>) src(%dma_wait3A_1251 : memref<10000x64xf32, #tpu.memory_space<vmem_shared>>) dst(%dma_wait3A_1245 : memref<72x64xf32, #tpu.memory_space<vmem>>)
      %dma_start3A_1254 = arith.constant 6 : i32
      %dma_start3A_1255 = arith.constant 6 : i32
      %dma_start3A_1256 = arith.constant 0 : i32
      %dma_start3A_1257 = arith.constant 0 : i32
      %dma_start3A_1258 = tpu.memref_slice %arg12[%dma_start3A_1254, %dma_start3A_1256, %dma_start3A_1257] : memref<7x72x64xf32, #tpu.memory_space<vmem>> -> memref<1x72x64xf32, #tpu.memory_space<vmem>>
      %dma_start3A_1259 = tpu.memref_squeeze %dma_start3A_1258 : memref<1x72x64xf32, #tpu.memory_space<vmem>> -> memref<72x64xf32, #tpu.memory_space<vmem>>
      %dma_start3A_1260 = arith.constant 0 : i32
      %dma_start3A_1261 = tpu.memref_slice %arg11[%add3A_1239, %dma_start3A_1260] : memref<70x72xi32, #tpu.memory_space<vmem>> -> memref<1x72xi32, #tpu.memory_space<vmem>>
      %dma_start3A_1262 = tpu.memref_squeeze %dma_start3A_1261 : memref<1x72xi32, #tpu.memory_space<vmem>> -> memref<72xi32, #tpu.memory_space<vmem>>
      %dma_start3A_1263 = arith.constant 0 : i32
      %dma_start3A_1264 = arith.constant 0 : i32
      %dma_start3A_1265 = tpu.memref_slice %arg15[%dma_start3A_1263, %dma_start3A_1264] : memref<10240x64xf32, #tpu.memory_space<vmem_shared>> -> memref<10240x64xf32, #tpu.memory_space<vmem_shared>>
      %dma_start3A_1266 = tpu.memref_slice %arg18[%dma_start3A_1255] : memref<7x!tpu.dma_semaphore, #tpu.memory_space<semaphore_mem>> -> memref<1x!tpu.dma_semaphore, #tpu.memory_space<semaphore_mem>>
      %dma_start3A_1267 = tpu.memref_squeeze %dma_start3A_1266 : memref<1x!tpu.dma_semaphore, #tpu.memory_space<semaphore_mem>> -> memref<!tpu.dma_semaphore, #tpu.memory_space<semaphore_mem>>
      tpu.enqueue_indirect_dma source(%dma_start3A_1259 : memref<72x64xf32, #tpu.memory_space<vmem>>) target(%dma_start3A_1265 : memref<10240x64xf32, #tpu.memory_space<vmem_shared>>) offsets(%dma_start3A_1262 : memref<72xi32, #tpu.memory_space<vmem>>) semaphore(%dma_start3A_1267 : memref<!tpu.dma_semaphore, #tpu.memory_space<semaphore_mem>>) {add = true}
      %add3A_1268 = arith.constant 0 : i32
      %add3A_1269 = arith.addi %mul3A_1057, %add3A_1268 : i32
      %lt3A = arith.constant 9 : i32
      %lt3A_1270 = arith.cmpi slt, %scan3A_1055, %lt3A : i32
      %convert_element_type3A = arith.extui %lt3A_1270 : i1 to i32
      %cond3A = arith.constant 0 : i32
      %cond3A_1271 = arith.cmpi ne, %convert_element_type3A, %cond3A : i32
      scf.if %cond3A_1271 {
        %dma_wait3A_1314 = arith.constant 0 : i32
        %dma_wait3A_1315 = arith.constant 0 : i32
        %dma_wait3A_1316 = arith.constant 0 : i32
        %dma_wait3A_1317 = arith.constant 0 : i32
        %dma_wait3A_1318 = tpu.memref_slice %arg12[%dma_wait3A_1314, %dma_wait3A_1316, %dma_wait3A_1317] : memref<7x72x64xf32, #tpu.memory_space<vmem>> -> memref<1x72x64xf32, #tpu.memory_space<vmem>>
        %dma_wait3A_1319 = tpu.memref_squeeze %dma_wait3A_1318 : memref<1x72x64xf32, #tpu.memory_space<vmem>> -> memref<72x64xf32, #tpu.memory_space<vmem>>
        %dma_wait3A_1320 = arith.constant 0 : i32
        %dma_wait3A_1321 = tpu.memref_slice %arg11[%add3A_1269, %dma_wait3A_1320] : memref<70x72xi32, #tpu.memory_space<vmem>> -> memref<1x72xi32, #tpu.memory_space<vmem>>
        %dma_wait3A_1322 = tpu.memref_squeeze %dma_wait3A_1321 : memref<1x72xi32, #tpu.memory_space<vmem>> -> memref<72xi32, #tpu.memory_space<vmem>>
        %dma_wait3A_1323 = arith.constant 0 : i32
        %dma_wait3A_1324 = arith.constant 0 : i32
        %dma_wait3A_1325 = tpu.memref_slice %arg15[%dma_wait3A_1323, %dma_wait3A_1324] : memref<10240x64xf32, #tpu.memory_space<vmem_shared>> -> memref<10240x64xf32, #tpu.memory_space<vmem_shared>>
        %dma_wait3A_1326 = tpu.memref_slice %arg18[%dma_wait3A_1315] : memref<7x!tpu.dma_semaphore, #tpu.memory_space<semaphore_mem>> -> memref<1x!tpu.dma_semaphore, #tpu.memory_space<semaphore_mem>>
        %dma_wait3A_1327 = tpu.memref_squeeze %dma_wait3A_1326 : memref<1x!tpu.dma_semaphore, #tpu.memory_space<semaphore_mem>> -> memref<!tpu.dma_semaphore, #tpu.memory_space<semaphore_mem>>
        tpu.wait_indirect_dma semaphore(%dma_wait3A_1327 : memref<!tpu.dma_semaphore, #tpu.memory_space<semaphore_mem>>) src(%dma_wait3A_1319 : memref<72x64xf32, #tpu.memory_space<vmem>>) dst(%dma_wait3A_1325 : memref<10240x64xf32, #tpu.memory_space<vmem_shared>>)
        %add3A_1328 = arith.constant 7 : i32
        %add3A_1329 = arith.addi %add3A_1269, %add3A_1328 : i32
        %dma_start3A_1330 = arith.constant 0 : i32
        %dma_start3A_1331 = arith.constant 0 : i32
        %dma_start3A_1332 = arith.constant 0 : i32
        %dma_start3A_1333 = arith.constant 0 : i32
        %dma_start3A_1334 = tpu.memref_slice %arg12[%dma_start3A_1330, %dma_start3A_1332, %dma_start3A_1333] : memref<7x72x64xf32, #tpu.memory_space<vmem>> -> memref<1x72x64xf32, #tpu.memory_space<vmem>>
        %dma_start3A_1335 = tpu.memref_squeeze %dma_start3A_1334 : memref<1x72x64xf32, #tpu.memory_space<vmem>> -> memref<72x64xf32, #tpu.memory_space<vmem>>
        %dma_start3A_1336 = arith.constant 0 : i32
        %dma_start3A_1337 = tpu.memref_slice %arg10[%add3A_1329, %dma_start3A_1336] : memref<70x72xi32, #tpu.memory_space<vmem>> -> memref<1x72xi32, #tpu.memory_space<vmem>>
        %dma_start3A_1338 = tpu.memref_squeeze %dma_start3A_1337 : memref<1x72xi32, #tpu.memory_space<vmem>> -> memref<72xi32, #tpu.memory_space<vmem>>
        %dma_start3A_1339 = arith.constant 0 : i32
        %dma_start3A_1340 = arith.constant 0 : i32
        %dma_start3A_1341 = tpu.memref_slice %arg14[%dma_start3A_1339, %dma_start3A_1340] : memref<10000x64xf32, #tpu.memory_space<vmem_shared>> -> memref<10000x64xf32, #tpu.memory_space<vmem_shared>>
        %dma_start3A_1342 = tpu.memref_slice %arg17[%dma_start3A_1331] : memref<7x!tpu.dma_semaphore, #tpu.memory_space<semaphore_mem>> -> memref<1x!tpu.dma_semaphore, #tpu.memory_space<semaphore_mem>>
        %dma_start3A_1343 = tpu.memref_squeeze %dma_start3A_1342 : memref<1x!tpu.dma_semaphore, #tpu.memory_space<semaphore_mem>> -> memref<!tpu.dma_semaphore, #tpu.memory_space<semaphore_mem>>
        tpu.enqueue_indirect_dma source(%dma_start3A_1341 : memref<10000x64xf32, #tpu.memory_space<vmem_shared>>) target(%dma_start3A_1335 : memref<72x64xf32, #tpu.memory_space<vmem>>) offsets(%dma_start3A_1338 : memref<72xi32, #tpu.memory_space<vmem>>) semaphore(%dma_start3A_1343 : memref<!tpu.dma_semaphore, #tpu.memory_space<semaphore_mem>>)
      } else {
      }
      %add3A_1272 = arith.constant 1 : i32
      %add3A_1273 = arith.addi %mul3A_1057, %add3A_1272 : i32
      %lt3A_1274 = arith.constant 9 : i32
      %lt3A_1275 = arith.cmpi slt, %scan3A_1055, %lt3A_1274 : i32
      %convert_element_type3A_1276 = arith.extui %lt3A_1275 : i1 to i32
      %cond3A_1277 = arith.constant 0 : i32
      %cond3A_1278 = arith.cmpi ne, %convert_element_type3A_1276, %cond3A_1277 : i32
      scf.if %cond3A_1278 {
        %dma_wait3A_1314 = arith.constant 1 : i32
        %dma_wait3A_1315 = arith.constant 1 : i32
        %dma_wait3A_1316 = arith.constant 0 : i32
        %dma_wait3A_1317 = arith.constant 0 : i32
        %dma_wait3A_1318 = tpu.memref_slice %arg12[%dma_wait3A_1314, %dma_wait3A_1316, %dma_wait3A_1317] : memref<7x72x64xf32, #tpu.memory_space<vmem>> -> memref<1x72x64xf32, #tpu.memory_space<vmem>>
        %dma_wait3A_1319 = tpu.memref_squeeze %dma_wait3A_1318 : memref<1x72x64xf32, #tpu.memory_space<vmem>> -> memref<72x64xf32, #tpu.memory_space<vmem>>
        %dma_wait3A_1320 = arith.constant 0 : i32
        %dma_wait3A_1321 = tpu.memref_slice %arg11[%add3A_1273, %dma_wait3A_1320] : memref<70x72xi32, #tpu.memory_space<vmem>> -> memref<1x72xi32, #tpu.memory_space<vmem>>
        %dma_wait3A_1322 = tpu.memref_squeeze %dma_wait3A_1321 : memref<1x72xi32, #tpu.memory_space<vmem>> -> memref<72xi32, #tpu.memory_space<vmem>>
        %dma_wait3A_1323 = arith.constant 0 : i32
        %dma_wait3A_1324 = arith.constant 0 : i32
        %dma_wait3A_1325 = tpu.memref_slice %arg15[%dma_wait3A_1323, %dma_wait3A_1324] : memref<10240x64xf32, #tpu.memory_space<vmem_shared>> -> memref<10240x64xf32, #tpu.memory_space<vmem_shared>>
        %dma_wait3A_1326 = tpu.memref_slice %arg18[%dma_wait3A_1315] : memref<7x!tpu.dma_semaphore, #tpu.memory_space<semaphore_mem>> -> memref<1x!tpu.dma_semaphore, #tpu.memory_space<semaphore_mem>>
        %dma_wait3A_1327 = tpu.memref_squeeze %dma_wait3A_1326 : memref<1x!tpu.dma_semaphore, #tpu.memory_space<semaphore_mem>> -> memref<!tpu.dma_semaphore, #tpu.memory_space<semaphore_mem>>
        tpu.wait_indirect_dma semaphore(%dma_wait3A_1327 : memref<!tpu.dma_semaphore, #tpu.memory_space<semaphore_mem>>) src(%dma_wait3A_1319 : memref<72x64xf32, #tpu.memory_space<vmem>>) dst(%dma_wait3A_1325 : memref<10240x64xf32, #tpu.memory_space<vmem_shared>>)
        %add3A_1328 = arith.constant 7 : i32
        %add3A_1329 = arith.addi %add3A_1273, %add3A_1328 : i32
        %dma_start3A_1330 = arith.constant 1 : i32
        %dma_start3A_1331 = arith.constant 1 : i32
        %dma_start3A_1332 = arith.constant 0 : i32
        %dma_start3A_1333 = arith.constant 0 : i32
        %dma_start3A_1334 = tpu.memref_slice %arg12[%dma_start3A_1330, %dma_start3A_1332, %dma_start3A_1333] : memref<7x72x64xf32, #tpu.memory_space<vmem>> -> memref<1x72x64xf32, #tpu.memory_space<vmem>>
        %dma_start3A_1335 = tpu.memref_squeeze %dma_start3A_1334 : memref<1x72x64xf32, #tpu.memory_space<vmem>> -> memref<72x64xf32, #tpu.memory_space<vmem>>
        %dma_start3A_1336 = arith.constant 0 : i32
        %dma_start3A_1337 = tpu.memref_slice %arg10[%add3A_1329, %dma_start3A_1336] : memref<70x72xi32, #tpu.memory_space<vmem>> -> memref<1x72xi32, #tpu.memory_space<vmem>>
        %dma_start3A_1338 = tpu.memref_squeeze %dma_start3A_1337 : memref<1x72xi32, #tpu.memory_space<vmem>> -> memref<72xi32, #tpu.memory_space<vmem>>
        %dma_start3A_1339 = arith.constant 0 : i32
        %dma_start3A_1340 = arith.constant 0 : i32
        %dma_start3A_1341 = tpu.memref_slice %arg14[%dma_start3A_1339, %dma_start3A_1340] : memref<10000x64xf32, #tpu.memory_space<vmem_shared>> -> memref<10000x64xf32, #tpu.memory_space<vmem_shared>>
        %dma_start3A_1342 = tpu.memref_slice %arg17[%dma_start3A_1331] : memref<7x!tpu.dma_semaphore, #tpu.memory_space<semaphore_mem>> -> memref<1x!tpu.dma_semaphore, #tpu.memory_space<semaphore_mem>>
        %dma_start3A_1343 = tpu.memref_squeeze %dma_start3A_1342 : memref<1x!tpu.dma_semaphore, #tpu.memory_space<semaphore_mem>> -> memref<!tpu.dma_semaphore, #tpu.memory_space<semaphore_mem>>
        tpu.enqueue_indirect_dma source(%dma_start3A_1341 : memref<10000x64xf32, #tpu.memory_space<vmem_shared>>) target(%dma_start3A_1335 : memref<72x64xf32, #tpu.memory_space<vmem>>) offsets(%dma_start3A_1338 : memref<72xi32, #tpu.memory_space<vmem>>) semaphore(%dma_start3A_1343 : memref<!tpu.dma_semaphore, #tpu.memory_space<semaphore_mem>>)
      } else {
      }
      %add3A_1279 = arith.constant 2 : i32
      %add3A_1280 = arith.addi %mul3A_1057, %add3A_1279 : i32
      %lt3A_1281 = arith.constant 9 : i32
      %lt3A_1282 = arith.cmpi slt, %scan3A_1055, %lt3A_1281 : i32
      %convert_element_type3A_1283 = arith.extui %lt3A_1282 : i1 to i32
      %cond3A_1284 = arith.constant 0 : i32
      %cond3A_1285 = arith.cmpi ne, %convert_element_type3A_1283, %cond3A_1284 : i32
      scf.if %cond3A_1285 {
        %dma_wait3A_1314 = arith.constant 2 : i32
        %dma_wait3A_1315 = arith.constant 2 : i32
        %dma_wait3A_1316 = arith.constant 0 : i32
        %dma_wait3A_1317 = arith.constant 0 : i32
        %dma_wait3A_1318 = tpu.memref_slice %arg12[%dma_wait3A_1314, %dma_wait3A_1316, %dma_wait3A_1317] : memref<7x72x64xf32, #tpu.memory_space<vmem>> -> memref<1x72x64xf32, #tpu.memory_space<vmem>>
        %dma_wait3A_1319 = tpu.memref_squeeze %dma_wait3A_1318 : memref<1x72x64xf32, #tpu.memory_space<vmem>> -> memref<72x64xf32, #tpu.memory_space<vmem>>
        %dma_wait3A_1320 = arith.constant 0 : i32
        %dma_wait3A_1321 = tpu.memref_slice %arg11[%add3A_1280, %dma_wait3A_1320] : memref<70x72xi32, #tpu.memory_space<vmem>> -> memref<1x72xi32, #tpu.memory_space<vmem>>
        %dma_wait3A_1322 = tpu.memref_squeeze %dma_wait3A_1321 : memref<1x72xi32, #tpu.memory_space<vmem>> -> memref<72xi32, #tpu.memory_space<vmem>>
        %dma_wait3A_1323 = arith.constant 0 : i32
        %dma_wait3A_1324 = arith.constant 0 : i32
        %dma_wait3A_1325 = tpu.memref_slice %arg15[%dma_wait3A_1323, %dma_wait3A_1324] : memref<10240x64xf32, #tpu.memory_space<vmem_shared>> -> memref<10240x64xf32, #tpu.memory_space<vmem_shared>>
        %dma_wait3A_1326 = tpu.memref_slice %arg18[%dma_wait3A_1315] : memref<7x!tpu.dma_semaphore, #tpu.memory_space<semaphore_mem>> -> memref<1x!tpu.dma_semaphore, #tpu.memory_space<semaphore_mem>>
        %dma_wait3A_1327 = tpu.memref_squeeze %dma_wait3A_1326 : memref<1x!tpu.dma_semaphore, #tpu.memory_space<semaphore_mem>> -> memref<!tpu.dma_semaphore, #tpu.memory_space<semaphore_mem>>
        tpu.wait_indirect_dma semaphore(%dma_wait3A_1327 : memref<!tpu.dma_semaphore, #tpu.memory_space<semaphore_mem>>) src(%dma_wait3A_1319 : memref<72x64xf32, #tpu.memory_space<vmem>>) dst(%dma_wait3A_1325 : memref<10240x64xf32, #tpu.memory_space<vmem_shared>>)
        %add3A_1328 = arith.constant 7 : i32
        %add3A_1329 = arith.addi %add3A_1280, %add3A_1328 : i32
        %dma_start3A_1330 = arith.constant 2 : i32
        %dma_start3A_1331 = arith.constant 2 : i32
        %dma_start3A_1332 = arith.constant 0 : i32
        %dma_start3A_1333 = arith.constant 0 : i32
        %dma_start3A_1334 = tpu.memref_slice %arg12[%dma_start3A_1330, %dma_start3A_1332, %dma_start3A_1333] : memref<7x72x64xf32, #tpu.memory_space<vmem>> -> memref<1x72x64xf32, #tpu.memory_space<vmem>>
        %dma_start3A_1335 = tpu.memref_squeeze %dma_start3A_1334 : memref<1x72x64xf32, #tpu.memory_space<vmem>> -> memref<72x64xf32, #tpu.memory_space<vmem>>
        %dma_start3A_1336 = arith.constant 0 : i32
        %dma_start3A_1337 = tpu.memref_slice %arg10[%add3A_1329, %dma_start3A_1336] : memref<70x72xi32, #tpu.memory_space<vmem>> -> memref<1x72xi32, #tpu.memory_space<vmem>>
        %dma_start3A_1338 = tpu.memref_squeeze %dma_start3A_1337 : memref<1x72xi32, #tpu.memory_space<vmem>> -> memref<72xi32, #tpu.memory_space<vmem>>
        %dma_start3A_1339 = arith.constant 0 : i32
        %dma_start3A_1340 = arith.constant 0 : i32
        %dma_start3A_1341 = tpu.memref_slice %arg14[%dma_start3A_1339, %dma_start3A_1340] : memref<10000x64xf32, #tpu.memory_space<vmem_shared>> -> memref<10000x64xf32, #tpu.memory_space<vmem_shared>>
        %dma_start3A_1342 = tpu.memref_slice %arg17[%dma_start3A_1331] : memref<7x!tpu.dma_semaphore, #tpu.memory_space<semaphore_mem>> -> memref<1x!tpu.dma_semaphore, #tpu.memory_space<semaphore_mem>>
        %dma_start3A_1343 = tpu.memref_squeeze %dma_start3A_1342 : memref<1x!tpu.dma_semaphore, #tpu.memory_space<semaphore_mem>> -> memref<!tpu.dma_semaphore, #tpu.memory_space<semaphore_mem>>
        tpu.enqueue_indirect_dma source(%dma_start3A_1341 : memref<10000x64xf32, #tpu.memory_space<vmem_shared>>) target(%dma_start3A_1335 : memref<72x64xf32, #tpu.memory_space<vmem>>) offsets(%dma_start3A_1338 : memref<72xi32, #tpu.memory_space<vmem>>) semaphore(%dma_start3A_1343 : memref<!tpu.dma_semaphore, #tpu.memory_space<semaphore_mem>>)
      } else {
      }
      %add3A_1286 = arith.constant 3 : i32
      %add3A_1287 = arith.addi %mul3A_1057, %add3A_1286 : i32
      %lt3A_1288 = arith.constant 9 : i32
      %lt3A_1289 = arith.cmpi slt, %scan3A_1055, %lt3A_1288 : i32
      %convert_element_type3A_1290 = arith.extui %lt3A_1289 : i1 to i32
      %cond3A_1291 = arith.constant 0 : i32
      %cond3A_1292 = arith.cmpi ne, %convert_element_type3A_1290, %cond3A_1291 : i32
      scf.if %cond3A_1292 {
        %dma_wait3A_1314 = arith.constant 3 : i32
        %dma_wait3A_1315 = arith.constant 3 : i32
        %dma_wait3A_1316 = arith.constant 0 : i32
        %dma_wait3A_1317 = arith.constant 0 : i32
        %dma_wait3A_1318 = tpu.memref_slice %arg12[%dma_wait3A_1314, %dma_wait3A_1316, %dma_wait3A_1317] : memref<7x72x64xf32, #tpu.memory_space<vmem>> -> memref<1x72x64xf32, #tpu.memory_space<vmem>>
        %dma_wait3A_1319 = tpu.memref_squeeze %dma_wait3A_1318 : memref<1x72x64xf32, #tpu.memory_space<vmem>> -> memref<72x64xf32, #tpu.memory_space<vmem>>
        %dma_wait3A_1320 = arith.constant 0 : i32
        %dma_wait3A_1321 = tpu.memref_slice %arg11[%add3A_1287, %dma_wait3A_1320] : memref<70x72xi32, #tpu.memory_space<vmem>> -> memref<1x72xi32, #tpu.memory_space<vmem>>
        %dma_wait3A_1322 = tpu.memref_squeeze %dma_wait3A_1321 : memref<1x72xi32, #tpu.memory_space<vmem>> -> memref<72xi32, #tpu.memory_space<vmem>>
        %dma_wait3A_1323 = arith.constant 0 : i32
        %dma_wait3A_1324 = arith.constant 0 : i32
        %dma_wait3A_1325 = tpu.memref_slice %arg15[%dma_wait3A_1323, %dma_wait3A_1324] : memref<10240x64xf32, #tpu.memory_space<vmem_shared>> -> memref<10240x64xf32, #tpu.memory_space<vmem_shared>>
        %dma_wait3A_1326 = tpu.memref_slice %arg18[%dma_wait3A_1315] : memref<7x!tpu.dma_semaphore, #tpu.memory_space<semaphore_mem>> -> memref<1x!tpu.dma_semaphore, #tpu.memory_space<semaphore_mem>>
        %dma_wait3A_1327 = tpu.memref_squeeze %dma_wait3A_1326 : memref<1x!tpu.dma_semaphore, #tpu.memory_space<semaphore_mem>> -> memref<!tpu.dma_semaphore, #tpu.memory_space<semaphore_mem>>
        tpu.wait_indirect_dma semaphore(%dma_wait3A_1327 : memref<!tpu.dma_semaphore, #tpu.memory_space<semaphore_mem>>) src(%dma_wait3A_1319 : memref<72x64xf32, #tpu.memory_space<vmem>>) dst(%dma_wait3A_1325 : memref<10240x64xf32, #tpu.memory_space<vmem_shared>>)
        %add3A_1328 = arith.constant 7 : i32
        %add3A_1329 = arith.addi %add3A_1287, %add3A_1328 : i32
        %dma_start3A_1330 = arith.constant 3 : i32
        %dma_start3A_1331 = arith.constant 3 : i32
        %dma_start3A_1332 = arith.constant 0 : i32
        %dma_start3A_1333 = arith.constant 0 : i32
        %dma_start3A_1334 = tpu.memref_slice %arg12[%dma_start3A_1330, %dma_start3A_1332, %dma_start3A_1333] : memref<7x72x64xf32, #tpu.memory_space<vmem>> -> memref<1x72x64xf32, #tpu.memory_space<vmem>>
        %dma_start3A_1335 = tpu.memref_squeeze %dma_start3A_1334 : memref<1x72x64xf32, #tpu.memory_space<vmem>> -> memref<72x64xf32, #tpu.memory_space<vmem>>
        %dma_start3A_1336 = arith.constant 0 : i32
        %dma_start3A_1337 = tpu.memref_slice %arg10[%add3A_1329, %dma_start3A_1336] : memref<70x72xi32, #tpu.memory_space<vmem>> -> memref<1x72xi32, #tpu.memory_space<vmem>>
        %dma_start3A_1338 = tpu.memref_squeeze %dma_start3A_1337 : memref<1x72xi32, #tpu.memory_space<vmem>> -> memref<72xi32, #tpu.memory_space<vmem>>
        %dma_start3A_1339 = arith.constant 0 : i32
        %dma_start3A_1340 = arith.constant 0 : i32
        %dma_start3A_1341 = tpu.memref_slice %arg14[%dma_start3A_1339, %dma_start3A_1340] : memref<10000x64xf32, #tpu.memory_space<vmem_shared>> -> memref<10000x64xf32, #tpu.memory_space<vmem_shared>>
        %dma_start3A_1342 = tpu.memref_slice %arg17[%dma_start3A_1331] : memref<7x!tpu.dma_semaphore, #tpu.memory_space<semaphore_mem>> -> memref<1x!tpu.dma_semaphore, #tpu.memory_space<semaphore_mem>>
        %dma_start3A_1343 = tpu.memref_squeeze %dma_start3A_1342 : memref<1x!tpu.dma_semaphore, #tpu.memory_space<semaphore_mem>> -> memref<!tpu.dma_semaphore, #tpu.memory_space<semaphore_mem>>
        tpu.enqueue_indirect_dma source(%dma_start3A_1341 : memref<10000x64xf32, #tpu.memory_space<vmem_shared>>) target(%dma_start3A_1335 : memref<72x64xf32, #tpu.memory_space<vmem>>) offsets(%dma_start3A_1338 : memref<72xi32, #tpu.memory_space<vmem>>) semaphore(%dma_start3A_1343 : memref<!tpu.dma_semaphore, #tpu.memory_space<semaphore_mem>>)
      } else {
      }
      %add3A_1293 = arith.constant 4 : i32
      %add3A_1294 = arith.addi %mul3A_1057, %add3A_1293 : i32
      %lt3A_1295 = arith.constant 9 : i32
      %lt3A_1296 = arith.cmpi slt, %scan3A_1055, %lt3A_1295 : i32
      %convert_element_type3A_1297 = arith.extui %lt3A_1296 : i1 to i32
      %cond3A_1298 = arith.constant 0 : i32
      %cond3A_1299 = arith.cmpi ne, %convert_element_type3A_1297, %cond3A_1298 : i32
      scf.if %cond3A_1299 {
        %dma_wait3A_1314 = arith.constant 4 : i32
        %dma_wait3A_1315 = arith.constant 4 : i32
        %dma_wait3A_1316 = arith.constant 0 : i32
        %dma_wait3A_1317 = arith.constant 0 : i32
        %dma_wait3A_1318 = tpu.memref_slice %arg12[%dma_wait3A_1314, %dma_wait3A_1316, %dma_wait3A_1317] : memref<7x72x64xf32, #tpu.memory_space<vmem>> -> memref<1x72x64xf32, #tpu.memory_space<vmem>>
        %dma_wait3A_1319 = tpu.memref_squeeze %dma_wait3A_1318 : memref<1x72x64xf32, #tpu.memory_space<vmem>> -> memref<72x64xf32, #tpu.memory_space<vmem>>
        %dma_wait3A_1320 = arith.constant 0 : i32
        %dma_wait3A_1321 = tpu.memref_slice %arg11[%add3A_1294, %dma_wait3A_1320] : memref<70x72xi32, #tpu.memory_space<vmem>> -> memref<1x72xi32, #tpu.memory_space<vmem>>
        %dma_wait3A_1322 = tpu.memref_squeeze %dma_wait3A_1321 : memref<1x72xi32, #tpu.memory_space<vmem>> -> memref<72xi32, #tpu.memory_space<vmem>>
        %dma_wait3A_1323 = arith.constant 0 : i32
        %dma_wait3A_1324 = arith.constant 0 : i32
        %dma_wait3A_1325 = tpu.memref_slice %arg15[%dma_wait3A_1323, %dma_wait3A_1324] : memref<10240x64xf32, #tpu.memory_space<vmem_shared>> -> memref<10240x64xf32, #tpu.memory_space<vmem_shared>>
        %dma_wait3A_1326 = tpu.memref_slice %arg18[%dma_wait3A_1315] : memref<7x!tpu.dma_semaphore, #tpu.memory_space<semaphore_mem>> -> memref<1x!tpu.dma_semaphore, #tpu.memory_space<semaphore_mem>>
        %dma_wait3A_1327 = tpu.memref_squeeze %dma_wait3A_1326 : memref<1x!tpu.dma_semaphore, #tpu.memory_space<semaphore_mem>> -> memref<!tpu.dma_semaphore, #tpu.memory_space<semaphore_mem>>
        tpu.wait_indirect_dma semaphore(%dma_wait3A_1327 : memref<!tpu.dma_semaphore, #tpu.memory_space<semaphore_mem>>) src(%dma_wait3A_1319 : memref<72x64xf32, #tpu.memory_space<vmem>>) dst(%dma_wait3A_1325 : memref<10240x64xf32, #tpu.memory_space<vmem_shared>>)
        %add3A_1328 = arith.constant 7 : i32
        %add3A_1329 = arith.addi %add3A_1294, %add3A_1328 : i32
        %dma_start3A_1330 = arith.constant 4 : i32
        %dma_start3A_1331 = arith.constant 4 : i32
        %dma_start3A_1332 = arith.constant 0 : i32
        %dma_start3A_1333 = arith.constant 0 : i32
        %dma_start3A_1334 = tpu.memref_slice %arg12[%dma_start3A_1330, %dma_start3A_1332, %dma_start3A_1333] : memref<7x72x64xf32, #tpu.memory_space<vmem>> -> memref<1x72x64xf32, #tpu.memory_space<vmem>>
        %dma_start3A_1335 = tpu.memref_squeeze %dma_start3A_1334 : memref<1x72x64xf32, #tpu.memory_space<vmem>> -> memref<72x64xf32, #tpu.memory_space<vmem>>
        %dma_start3A_1336 = arith.constant 0 : i32
        %dma_start3A_1337 = tpu.memref_slice %arg10[%add3A_1329, %dma_start3A_1336] : memref<70x72xi32, #tpu.memory_space<vmem>> -> memref<1x72xi32, #tpu.memory_space<vmem>>
        %dma_start3A_1338 = tpu.memref_squeeze %dma_start3A_1337 : memref<1x72xi32, #tpu.memory_space<vmem>> -> memref<72xi32, #tpu.memory_space<vmem>>
        %dma_start3A_1339 = arith.constant 0 : i32
        %dma_start3A_1340 = arith.constant 0 : i32
        %dma_start3A_1341 = tpu.memref_slice %arg14[%dma_start3A_1339, %dma_start3A_1340] : memref<10000x64xf32, #tpu.memory_space<vmem_shared>> -> memref<10000x64xf32, #tpu.memory_space<vmem_shared>>
        %dma_start3A_1342 = tpu.memref_slice %arg17[%dma_start3A_1331] : memref<7x!tpu.dma_semaphore, #tpu.memory_space<semaphore_mem>> -> memref<1x!tpu.dma_semaphore, #tpu.memory_space<semaphore_mem>>
        %dma_start3A_1343 = tpu.memref_squeeze %dma_start3A_1342 : memref<1x!tpu.dma_semaphore, #tpu.memory_space<semaphore_mem>> -> memref<!tpu.dma_semaphore, #tpu.memory_space<semaphore_mem>>
        tpu.enqueue_indirect_dma source(%dma_start3A_1341 : memref<10000x64xf32, #tpu.memory_space<vmem_shared>>) target(%dma_start3A_1335 : memref<72x64xf32, #tpu.memory_space<vmem>>) offsets(%dma_start3A_1338 : memref<72xi32, #tpu.memory_space<vmem>>) semaphore(%dma_start3A_1343 : memref<!tpu.dma_semaphore, #tpu.memory_space<semaphore_mem>>)
      } else {
      }
      %add3A_1300 = arith.constant 5 : i32
      %add3A_1301 = arith.addi %mul3A_1057, %add3A_1300 : i32
      %lt3A_1302 = arith.constant 9 : i32
      %lt3A_1303 = arith.cmpi slt, %scan3A_1055, %lt3A_1302 : i32
      %convert_element_type3A_1304 = arith.extui %lt3A_1303 : i1 to i32
      %cond3A_1305 = arith.constant 0 : i32
      %cond3A_1306 = arith.cmpi ne, %convert_element_type3A_1304, %cond3A_1305 : i32
      scf.if %cond3A_1306 {
        %dma_wait3A_1314 = arith.constant 5 : i32
        %dma_wait3A_1315 = arith.constant 5 : i32
        %dma_wait3A_1316 = arith.constant 0 : i32
        %dma_wait3A_1317 = arith.constant 0 : i32
        %dma_wait3A_1318 = tpu.memref_slice %arg12[%dma_wait3A_1314, %dma_wait3A_1316, %dma_wait3A_1317] : memref<7x72x64xf32, #tpu.memory_space<vmem>> -> memref<1x72x64xf32, #tpu.memory_space<vmem>>
        %dma_wait3A_1319 = tpu.memref_squeeze %dma_wait3A_1318 : memref<1x72x64xf32, #tpu.memory_space<vmem>> -> memref<72x64xf32, #tpu.memory_space<vmem>>
        %dma_wait3A_1320 = arith.constant 0 : i32
        %dma_wait3A_1321 = tpu.memref_slice %arg11[%add3A_1301, %dma_wait3A_1320] : memref<70x72xi32, #tpu.memory_space<vmem>> -> memref<1x72xi32, #tpu.memory_space<vmem>>
        %dma_wait3A_1322 = tpu.memref_squeeze %dma_wait3A_1321 : memref<1x72xi32, #tpu.memory_space<vmem>> -> memref<72xi32, #tpu.memory_space<vmem>>
        %dma_wait3A_1323 = arith.constant 0 : i32
        %dma_wait3A_1324 = arith.constant 0 : i32
        %dma_wait3A_1325 = tpu.memref_slice %arg15[%dma_wait3A_1323, %dma_wait3A_1324] : memref<10240x64xf32, #tpu.memory_space<vmem_shared>> -> memref<10240x64xf32, #tpu.memory_space<vmem_shared>>
        %dma_wait3A_1326 = tpu.memref_slice %arg18[%dma_wait3A_1315] : memref<7x!tpu.dma_semaphore, #tpu.memory_space<semaphore_mem>> -> memref<1x!tpu.dma_semaphore, #tpu.memory_space<semaphore_mem>>
        %dma_wait3A_1327 = tpu.memref_squeeze %dma_wait3A_1326 : memref<1x!tpu.dma_semaphore, #tpu.memory_space<semaphore_mem>> -> memref<!tpu.dma_semaphore, #tpu.memory_space<semaphore_mem>>
        tpu.wait_indirect_dma semaphore(%dma_wait3A_1327 : memref<!tpu.dma_semaphore, #tpu.memory_space<semaphore_mem>>) src(%dma_wait3A_1319 : memref<72x64xf32, #tpu.memory_space<vmem>>) dst(%dma_wait3A_1325 : memref<10240x64xf32, #tpu.memory_space<vmem_shared>>)
        %add3A_1328 = arith.constant 7 : i32
        %add3A_1329 = arith.addi %add3A_1301, %add3A_1328 : i32
        %dma_start3A_1330 = arith.constant 5 : i32
        %dma_start3A_1331 = arith.constant 5 : i32
        %dma_start3A_1332 = arith.constant 0 : i32
        %dma_start3A_1333 = arith.constant 0 : i32
        %dma_start3A_1334 = tpu.memref_slice %arg12[%dma_start3A_1330, %dma_start3A_1332, %dma_start3A_1333] : memref<7x72x64xf32, #tpu.memory_space<vmem>> -> memref<1x72x64xf32, #tpu.memory_space<vmem>>
        %dma_start3A_1335 = tpu.memref_squeeze %dma_start3A_1334 : memref<1x72x64xf32, #tpu.memory_space<vmem>> -> memref<72x64xf32, #tpu.memory_space<vmem>>
        %dma_start3A_1336 = arith.constant 0 : i32
        %dma_start3A_1337 = tpu.memref_slice %arg10[%add3A_1329, %dma_start3A_1336] : memref<70x72xi32, #tpu.memory_space<vmem>> -> memref<1x72xi32, #tpu.memory_space<vmem>>
        %dma_start3A_1338 = tpu.memref_squeeze %dma_start3A_1337 : memref<1x72xi32, #tpu.memory_space<vmem>> -> memref<72xi32, #tpu.memory_space<vmem>>
        %dma_start3A_1339 = arith.constant 0 : i32
        %dma_start3A_1340 = arith.constant 0 : i32
        %dma_start3A_1341 = tpu.memref_slice %arg14[%dma_start3A_1339, %dma_start3A_1340] : memref<10000x64xf32, #tpu.memory_space<vmem_shared>> -> memref<10000x64xf32, #tpu.memory_space<vmem_shared>>
        %dma_start3A_1342 = tpu.memref_slice %arg17[%dma_start3A_1331] : memref<7x!tpu.dma_semaphore, #tpu.memory_space<semaphore_mem>> -> memref<1x!tpu.dma_semaphore, #tpu.memory_space<semaphore_mem>>
        %dma_start3A_1343 = tpu.memref_squeeze %dma_start3A_1342 : memref<1x!tpu.dma_semaphore, #tpu.memory_space<semaphore_mem>> -> memref<!tpu.dma_semaphore, #tpu.memory_space<semaphore_mem>>
        tpu.enqueue_indirect_dma source(%dma_start3A_1341 : memref<10000x64xf32, #tpu.memory_space<vmem_shared>>) target(%dma_start3A_1335 : memref<72x64xf32, #tpu.memory_space<vmem>>) offsets(%dma_start3A_1338 : memref<72xi32, #tpu.memory_space<vmem>>) semaphore(%dma_start3A_1343 : memref<!tpu.dma_semaphore, #tpu.memory_space<semaphore_mem>>)
      } else {
      }
      %add3A_1307 = arith.constant 6 : i32
      %add3A_1308 = arith.addi %mul3A_1057, %add3A_1307 : i32
      %lt3A_1309 = arith.constant 9 : i32
      %lt3A_1310 = arith.cmpi slt, %scan3A_1055, %lt3A_1309 : i32
      %convert_element_type3A_1311 = arith.extui %lt3A_1310 : i1 to i32
      %cond3A_1312 = arith.constant 0 : i32
      %cond3A_1313 = arith.cmpi ne, %convert_element_type3A_1311, %cond3A_1312 : i32
      scf.if %cond3A_1313 {
        %dma_wait3A_1314 = arith.constant 6 : i32
        %dma_wait3A_1315 = arith.constant 6 : i32
        %dma_wait3A_1316 = arith.constant 0 : i32
        %dma_wait3A_1317 = arith.constant 0 : i32
        %dma_wait3A_1318 = tpu.memref_slice %arg12[%dma_wait3A_1314, %dma_wait3A_1316, %dma_wait3A_1317] : memref<7x72x64xf32, #tpu.memory_space<vmem>> -> memref<1x72x64xf32, #tpu.memory_space<vmem>>
        %dma_wait3A_1319 = tpu.memref_squeeze %dma_wait3A_1318 : memref<1x72x64xf32, #tpu.memory_space<vmem>> -> memref<72x64xf32, #tpu.memory_space<vmem>>
        %dma_wait3A_1320 = arith.constant 0 : i32
        %dma_wait3A_1321 = tpu.memref_slice %arg11[%add3A_1308, %dma_wait3A_1320] : memref<70x72xi32, #tpu.memory_space<vmem>> -> memref<1x72xi32, #tpu.memory_space<vmem>>
        %dma_wait3A_1322 = tpu.memref_squeeze %dma_wait3A_1321 : memref<1x72xi32, #tpu.memory_space<vmem>> -> memref<72xi32, #tpu.memory_space<vmem>>
        %dma_wait3A_1323 = arith.constant 0 : i32
        %dma_wait3A_1324 = arith.constant 0 : i32
        %dma_wait3A_1325 = tpu.memref_slice %arg15[%dma_wait3A_1323, %dma_wait3A_1324] : memref<10240x64xf32, #tpu.memory_space<vmem_shared>> -> memref<10240x64xf32, #tpu.memory_space<vmem_shared>>
        %dma_wait3A_1326 = tpu.memref_slice %arg18[%dma_wait3A_1315] : memref<7x!tpu.dma_semaphore, #tpu.memory_space<semaphore_mem>> -> memref<1x!tpu.dma_semaphore, #tpu.memory_space<semaphore_mem>>
        %dma_wait3A_1327 = tpu.memref_squeeze %dma_wait3A_1326 : memref<1x!tpu.dma_semaphore, #tpu.memory_space<semaphore_mem>> -> memref<!tpu.dma_semaphore, #tpu.memory_space<semaphore_mem>>
        tpu.wait_indirect_dma semaphore(%dma_wait3A_1327 : memref<!tpu.dma_semaphore, #tpu.memory_space<semaphore_mem>>) src(%dma_wait3A_1319 : memref<72x64xf32, #tpu.memory_space<vmem>>) dst(%dma_wait3A_1325 : memref<10240x64xf32, #tpu.memory_space<vmem_shared>>)
        %add3A_1328 = arith.constant 7 : i32
        %add3A_1329 = arith.addi %add3A_1308, %add3A_1328 : i32
        %dma_start3A_1330 = arith.constant 6 : i32
        %dma_start3A_1331 = arith.constant 6 : i32
        %dma_start3A_1332 = arith.constant 0 : i32
        %dma_start3A_1333 = arith.constant 0 : i32
        %dma_start3A_1334 = tpu.memref_slice %arg12[%dma_start3A_1330, %dma_start3A_1332, %dma_start3A_1333] : memref<7x72x64xf32, #tpu.memory_space<vmem>> -> memref<1x72x64xf32, #tpu.memory_space<vmem>>
        %dma_start3A_1335 = tpu.memref_squeeze %dma_start3A_1334 : memref<1x72x64xf32, #tpu.memory_space<vmem>> -> memref<72x64xf32, #tpu.memory_space<vmem>>
        %dma_start3A_1336 = arith.constant 0 : i32
        %dma_start3A_1337 = tpu.memref_slice %arg10[%add3A_1329, %dma_start3A_1336] : memref<70x72xi32, #tpu.memory_space<vmem>> -> memref<1x72xi32, #tpu.memory_space<vmem>>
        %dma_start3A_1338 = tpu.memref_squeeze %dma_start3A_1337 : memref<1x72xi32, #tpu.memory_space<vmem>> -> memref<72xi32, #tpu.memory_space<vmem>>
        %dma_start3A_1339 = arith.constant 0 : i32
        %dma_start3A_1340 = arith.constant 0 : i32
        %dma_start3A_1341 = tpu.memref_slice %arg14[%dma_start3A_1339, %dma_start3A_1340] : memref<10000x64xf32, #tpu.memory_space<vmem_shared>> -> memref<10000x64xf32, #tpu.memory_space<vmem_shared>>
        %dma_start3A_1342 = tpu.memref_slice %arg17[%dma_start3A_1331] : memref<7x!tpu.dma_semaphore, #tpu.memory_space<semaphore_mem>> -> memref<1x!tpu.dma_semaphore, #tpu.memory_space<semaphore_mem>>
        %dma_start3A_1343 = tpu.memref_squeeze %dma_start3A_1342 : memref<1x!tpu.dma_semaphore, #tpu.memory_space<semaphore_mem>> -> memref<!tpu.dma_semaphore, #tpu.memory_space<semaphore_mem>>
        tpu.enqueue_indirect_dma source(%dma_start3A_1341 : memref<10000x64xf32, #tpu.memory_space<vmem_shared>>) target(%dma_start3A_1335 : memref<72x64xf32, #tpu.memory_space<vmem>>) offsets(%dma_start3A_1338 : memref<72xi32, #tpu.memory_space<vmem>>) semaphore(%dma_start3A_1343 : memref<!tpu.dma_semaphore, #tpu.memory_space<semaphore_mem>>)
      } else {
      }
    }
    %scan3A_714 = arith.constant 10 : i32
    %dma_wait3A_715 = arith.constant 0 : i32
    %dma_wait3A_716 = arith.constant 63 : i32
    %dma_wait3A_717 = arith.constant 0 : i32
    %dma_wait3A_718 = arith.constant 0 : i32
    %dma_wait3A_719 = arith.constant 0 : i32
    %dma_wait3A_720 = tpu.memref_slice %arg12[%dma_wait3A_715, %dma_wait3A_718, %dma_wait3A_719] : memref<7x72x64xf32, #tpu.memory_space<vmem>> -> memref<1x72x64xf32, #tpu.memory_space<vmem>>
    %dma_wait3A_721 = tpu.memref_squeeze %dma_wait3A_720 : memref<1x72x64xf32, #tpu.memory_space<vmem>> -> memref<72x64xf32, #tpu.memory_space<vmem>>
    %dma_wait3A_722 = arith.constant 0 : i32
    %dma_wait3A_723 = tpu.memref_slice %arg11[%dma_wait3A_716, %dma_wait3A_722] : memref<70x72xi32, #tpu.memory_space<vmem>> -> memref<1x72xi32, #tpu.memory_space<vmem>>
    %dma_wait3A_724 = tpu.memref_squeeze %dma_wait3A_723 : memref<1x72xi32, #tpu.memory_space<vmem>> -> memref<72xi32, #tpu.memory_space<vmem>>
    %dma_wait3A_725 = arith.constant 0 : i32
    %dma_wait3A_726 = arith.constant 0 : i32
    %dma_wait3A_727 = tpu.memref_slice %arg15[%dma_wait3A_725, %dma_wait3A_726] : memref<10240x64xf32, #tpu.memory_space<vmem_shared>> -> memref<10240x64xf32, #tpu.memory_space<vmem_shared>>
    %dma_wait3A_728 = tpu.memref_slice %arg18[%dma_wait3A_717] : memref<7x!tpu.dma_semaphore, #tpu.memory_space<semaphore_mem>> -> memref<1x!tpu.dma_semaphore, #tpu.memory_space<semaphore_mem>>
    %dma_wait3A_729 = tpu.memref_squeeze %dma_wait3A_728 : memref<1x!tpu.dma_semaphore, #tpu.memory_space<semaphore_mem>> -> memref<!tpu.dma_semaphore, #tpu.memory_space<semaphore_mem>>
    tpu.wait_indirect_dma semaphore(%dma_wait3A_729 : memref<!tpu.dma_semaphore, #tpu.memory_space<semaphore_mem>>) src(%dma_wait3A_721 : memref<72x64xf32, #tpu.memory_space<vmem>>) dst(%dma_wait3A_727 : memref<10240x64xf32, #tpu.memory_space<vmem_shared>>)
    %dma_wait3A_730 = arith.constant 1 : i32
    %dma_wait3A_731 = arith.constant 64 : i32
    %dma_wait3A_732 = arith.constant 1 : i32
    %dma_wait3A_733 = arith.constant 0 : i32
    %dma_wait3A_734 = arith.constant 0 : i32
    %dma_wait3A_735 = tpu.memref_slice %arg12[%dma_wait3A_730, %dma_wait3A_733, %dma_wait3A_734] : memref<7x72x64xf32, #tpu.memory_space<vmem>> -> memref<1x72x64xf32, #tpu.memory_space<vmem>>
    %dma_wait3A_736 = tpu.memref_squeeze %dma_wait3A_735 : memref<1x72x64xf32, #tpu.memory_space<vmem>> -> memref<72x64xf32, #tpu.memory_space<vmem>>
    %dma_wait3A_737 = arith.constant 0 : i32
    %dma_wait3A_738 = tpu.memref_slice %arg11[%dma_wait3A_731, %dma_wait3A_737] : memref<70x72xi32, #tpu.memory_space<vmem>> -> memref<1x72xi32, #tpu.memory_space<vmem>>
    %dma_wait3A_739 = tpu.memref_squeeze %dma_wait3A_738 : memref<1x72xi32, #tpu.memory_space<vmem>> -> memref<72xi32, #tpu.memory_space<vmem>>
    %dma_wait3A_740 = arith.constant 0 : i32
    %dma_wait3A_741 = arith.constant 0 : i32
    %dma_wait3A_742 = tpu.memref_slice %arg15[%dma_wait3A_740, %dma_wait3A_741] : memref<10240x64xf32, #tpu.memory_space<vmem_shared>> -> memref<10240x64xf32, #tpu.memory_space<vmem_shared>>
    %dma_wait3A_743 = tpu.memref_slice %arg18[%dma_wait3A_732] : memref<7x!tpu.dma_semaphore, #tpu.memory_space<semaphore_mem>> -> memref<1x!tpu.dma_semaphore, #tpu.memory_space<semaphore_mem>>
    %dma_wait3A_744 = tpu.memref_squeeze %dma_wait3A_743 : memref<1x!tpu.dma_semaphore, #tpu.memory_space<semaphore_mem>> -> memref<!tpu.dma_semaphore, #tpu.memory_space<semaphore_mem>>
    tpu.wait_indirect_dma semaphore(%dma_wait3A_744 : memref<!tpu.dma_semaphore, #tpu.memory_space<semaphore_mem>>) src(%dma_wait3A_736 : memref<72x64xf32, #tpu.memory_space<vmem>>) dst(%dma_wait3A_742 : memref<10240x64xf32, #tpu.memory_space<vmem_shared>>)
    %dma_wait3A_745 = arith.constant 2 : i32
    %dma_wait3A_746 = arith.constant 65 : i32
    %dma_wait3A_747 = arith.constant 2 : i32
    %dma_wait3A_748 = arith.constant 0 : i32
    %dma_wait3A_749 = arith.constant 0 : i32
    %dma_wait3A_750 = tpu.memref_slice %arg12[%dma_wait3A_745, %dma_wait3A_748, %dma_wait3A_749] : memref<7x72x64xf32, #tpu.memory_space<vmem>> -> memref<1x72x64xf32, #tpu.memory_space<vmem>>
    %dma_wait3A_751 = tpu.memref_squeeze %dma_wait3A_750 : memref<1x72x64xf32, #tpu.memory_space<vmem>> -> memref<72x64xf32, #tpu.memory_space<vmem>>
    %dma_wait3A_752 = arith.constant 0 : i32
    %dma_wait3A_753 = tpu.memref_slice %arg11[%dma_wait3A_746, %dma_wait3A_752] : memref<70x72xi32, #tpu.memory_space<vmem>> -> memref<1x72xi32, #tpu.memory_space<vmem>>
    %dma_wait3A_754 = tpu.memref_squeeze %dma_wait3A_753 : memref<1x72xi32, #tpu.memory_space<vmem>> -> memref<72xi32, #tpu.memory_space<vmem>>
    %dma_wait3A_755 = arith.constant 0 : i32
    %dma_wait3A_756 = arith.constant 0 : i32
    %dma_wait3A_757 = tpu.memref_slice %arg15[%dma_wait3A_755, %dma_wait3A_756] : memref<10240x64xf32, #tpu.memory_space<vmem_shared>> -> memref<10240x64xf32, #tpu.memory_space<vmem_shared>>
    %dma_wait3A_758 = tpu.memref_slice %arg18[%dma_wait3A_747] : memref<7x!tpu.dma_semaphore, #tpu.memory_space<semaphore_mem>> -> memref<1x!tpu.dma_semaphore, #tpu.memory_space<semaphore_mem>>
    %dma_wait3A_759 = tpu.memref_squeeze %dma_wait3A_758 : memref<1x!tpu.dma_semaphore, #tpu.memory_space<semaphore_mem>> -> memref<!tpu.dma_semaphore, #tpu.memory_space<semaphore_mem>>
    tpu.wait_indirect_dma semaphore(%dma_wait3A_759 : memref<!tpu.dma_semaphore, #tpu.memory_space<semaphore_mem>>) src(%dma_wait3A_751 : memref<72x64xf32, #tpu.memory_space<vmem>>) dst(%dma_wait3A_757 : memref<10240x64xf32, #tpu.memory_space<vmem_shared>>)
    %dma_wait3A_760 = arith.constant 3 : i32
    %dma_wait3A_761 = arith.constant 66 : i32
    %dma_wait3A_762 = arith.constant 3 : i32
    %dma_wait3A_763 = arith.constant 0 : i32
    %dma_wait3A_764 = arith.constant 0 : i32
    %dma_wait3A_765 = tpu.memref_slice %arg12[%dma_wait3A_760, %dma_wait3A_763, %dma_wait3A_764] : memref<7x72x64xf32, #tpu.memory_space<vmem>> -> memref<1x72x64xf32, #tpu.memory_space<vmem>>
    %dma_wait3A_766 = tpu.memref_squeeze %dma_wait3A_765 : memref<1x72x64xf32, #tpu.memory_space<vmem>> -> memref<72x64xf32, #tpu.memory_space<vmem>>
    %dma_wait3A_767 = arith.constant 0 : i32
    %dma_wait3A_768 = tpu.memref_slice %arg11[%dma_wait3A_761, %dma_wait3A_767] : memref<70x72xi32, #tpu.memory_space<vmem>> -> memref<1x72xi32, #tpu.memory_space<vmem>>
    %dma_wait3A_769 = tpu.memref_squeeze %dma_wait3A_768 : memref<1x72xi32, #tpu.memory_space<vmem>> -> memref<72xi32, #tpu.memory_space<vmem>>
    %dma_wait3A_770 = arith.constant 0 : i32
    %dma_wait3A_771 = arith.constant 0 : i32
    %dma_wait3A_772 = tpu.memref_slice %arg15[%dma_wait3A_770, %dma_wait3A_771] : memref<10240x64xf32, #tpu.memory_space<vmem_shared>> -> memref<10240x64xf32, #tpu.memory_space<vmem_shared>>
    %dma_wait3A_773 = tpu.memref_slice %arg18[%dma_wait3A_762] : memref<7x!tpu.dma_semaphore, #tpu.memory_space<semaphore_mem>> -> memref<1x!tpu.dma_semaphore, #tpu.memory_space<semaphore_mem>>
    %dma_wait3A_774 = tpu.memref_squeeze %dma_wait3A_773 : memref<1x!tpu.dma_semaphore, #tpu.memory_space<semaphore_mem>> -> memref<!tpu.dma_semaphore, #tpu.memory_space<semaphore_mem>>
    tpu.wait_indirect_dma semaphore(%dma_wait3A_774 : memref<!tpu.dma_semaphore, #tpu.memory_space<semaphore_mem>>) src(%dma_wait3A_766 : memref<72x64xf32, #tpu.memory_space<vmem>>) dst(%dma_wait3A_772 : memref<10240x64xf32, #tpu.memory_space<vmem_shared>>)
    %dma_wait3A_775 = arith.constant 4 : i32
    %dma_wait3A_776 = arith.constant 67 : i32
    %dma_wait3A_777 = arith.constant 4 : i32
    %dma_wait3A_778 = arith.constant 0 : i32
    %dma_wait3A_779 = arith.constant 0 : i32
    %dma_wait3A_780 = tpu.memref_slice %arg12[%dma_wait3A_775, %dma_wait3A_778, %dma_wait3A_779] : memref<7x72x64xf32, #tpu.memory_space<vmem>> -> memref<1x72x64xf32, #tpu.memory_space<vmem>>
    %dma_wait3A_781 = tpu.memref_squeeze %dma_wait3A_780 : memref<1x72x64xf32, #tpu.memory_space<vmem>> -> memref<72x64xf32, #tpu.memory_space<vmem>>
    %dma_wait3A_782 = arith.constant 0 : i32
    %dma_wait3A_783 = tpu.memref_slice %arg11[%dma_wait3A_776, %dma_wait3A_782] : memref<70x72xi32, #tpu.memory_space<vmem>> -> memref<1x72xi32, #tpu.memory_space<vmem>>
    %dma_wait3A_784 = tpu.memref_squeeze %dma_wait3A_783 : memref<1x72xi32, #tpu.memory_space<vmem>> -> memref<72xi32, #tpu.memory_space<vmem>>
    %dma_wait3A_785 = arith.constant 0 : i32
    %dma_wait3A_786 = arith.constant 0 : i32
    %dma_wait3A_787 = tpu.memref_slice %arg15[%dma_wait3A_785, %dma_wait3A_786] : memref<10240x64xf32, #tpu.memory_space<vmem_shared>> -> memref<10240x64xf32, #tpu.memory_space<vmem_shared>>
    %dma_wait3A_788 = tpu.memref_slice %arg18[%dma_wait3A_777] : memref<7x!tpu.dma_semaphore, #tpu.memory_space<semaphore_mem>> -> memref<1x!tpu.dma_semaphore, #tpu.memory_space<semaphore_mem>>
    %dma_wait3A_789 = tpu.memref_squeeze %dma_wait3A_788 : memref<1x!tpu.dma_semaphore, #tpu.memory_space<semaphore_mem>> -> memref<!tpu.dma_semaphore, #tpu.memory_space<semaphore_mem>>
    tpu.wait_indirect_dma semaphore(%dma_wait3A_789 : memref<!tpu.dma_semaphore, #tpu.memory_space<semaphore_mem>>) src(%dma_wait3A_781 : memref<72x64xf32, #tpu.memory_space<vmem>>) dst(%dma_wait3A_787 : memref<10240x64xf32, #tpu.memory_space<vmem_shared>>)
    %dma_wait3A_790 = arith.constant 5 : i32
    %dma_wait3A_791 = arith.constant 68 : i32
    %dma_wait3A_792 = arith.constant 5 : i32
    %dma_wait3A_793 = arith.constant 0 : i32
    %dma_wait3A_794 = arith.constant 0 : i32
    %dma_wait3A_795 = tpu.memref_slice %arg12[%dma_wait3A_790, %dma_wait3A_793, %dma_wait3A_794] : memref<7x72x64xf32, #tpu.memory_space<vmem>> -> memref<1x72x64xf32, #tpu.memory_space<vmem>>
    %dma_wait3A_796 = tpu.memref_squeeze %dma_wait3A_795 : memref<1x72x64xf32, #tpu.memory_space<vmem>> -> memref<72x64xf32, #tpu.memory_space<vmem>>
    %dma_wait3A_797 = arith.constant 0 : i32
    %dma_wait3A_798 = tpu.memref_slice %arg11[%dma_wait3A_791, %dma_wait3A_797] : memref<70x72xi32, #tpu.memory_space<vmem>> -> memref<1x72xi32, #tpu.memory_space<vmem>>
    %dma_wait3A_799 = tpu.memref_squeeze %dma_wait3A_798 : memref<1x72xi32, #tpu.memory_space<vmem>> -> memref<72xi32, #tpu.memory_space<vmem>>
    %dma_wait3A_800 = arith.constant 0 : i32
    %dma_wait3A_801 = arith.constant 0 : i32
    %dma_wait3A_802 = tpu.memref_slice %arg15[%dma_wait3A_800, %dma_wait3A_801] : memref<10240x64xf32, #tpu.memory_space<vmem_shared>> -> memref<10240x64xf32, #tpu.memory_space<vmem_shared>>
    %dma_wait3A_803 = tpu.memref_slice %arg18[%dma_wait3A_792] : memref<7x!tpu.dma_semaphore, #tpu.memory_space<semaphore_mem>> -> memref<1x!tpu.dma_semaphore, #tpu.memory_space<semaphore_mem>>
    %dma_wait3A_804 = tpu.memref_squeeze %dma_wait3A_803 : memref<1x!tpu.dma_semaphore, #tpu.memory_space<semaphore_mem>> -> memref<!tpu.dma_semaphore, #tpu.memory_space<semaphore_mem>>
    tpu.wait_indirect_dma semaphore(%dma_wait3A_804 : memref<!tpu.dma_semaphore, #tpu.memory_space<semaphore_mem>>) src(%dma_wait3A_796 : memref<72x64xf32, #tpu.memory_space<vmem>>) dst(%dma_wait3A_802 : memref<10240x64xf32, #tpu.memory_space<vmem_shared>>)
    %dma_wait3A_805 = arith.constant 6 : i32
    %dma_wait3A_806 = arith.constant 69 : i32
    %dma_wait3A_807 = arith.constant 6 : i32
    %dma_wait3A_808 = arith.constant 0 : i32
    %dma_wait3A_809 = arith.constant 0 : i32
    %dma_wait3A_810 = tpu.memref_slice %arg12[%dma_wait3A_805, %dma_wait3A_808, %dma_wait3A_809] : memref<7x72x64xf32, #tpu.memory_space<vmem>> -> memref<1x72x64xf32, #tpu.memory_space<vmem>>
    %dma_wait3A_811 = tpu.memref_squeeze %dma_wait3A_810 : memref<1x72x64xf32, #tpu.memory_space<vmem>> -> memref<72x64xf32, #tpu.memory_space<vmem>>
    %dma_wait3A_812 = arith.constant 0 : i32
    %dma_wait3A_813 = tpu.memref_slice %arg11[%dma_wait3A_806, %dma_wait3A_812] : memref<70x72xi32, #tpu.memory_space<vmem>> -> memref<1x72xi32, #tpu.memory_space<vmem>>
    %dma_wait3A_814 = tpu.memref_squeeze %dma_wait3A_813 : memref<1x72xi32, #tpu.memory_space<vmem>> -> memref<72xi32, #tpu.memory_space<vmem>>
    %dma_wait3A_815 = arith.constant 0 : i32
    %dma_wait3A_816 = arith.constant 0 : i32
    %dma_wait3A_817 = tpu.memref_slice %arg15[%dma_wait3A_815, %dma_wait3A_816] : memref<10240x64xf32, #tpu.memory_space<vmem_shared>> -> memref<10240x64xf32, #tpu.memory_space<vmem_shared>>
    %dma_wait3A_818 = tpu.memref_slice %arg18[%dma_wait3A_807] : memref<7x!tpu.dma_semaphore, #tpu.memory_space<semaphore_mem>> -> memref<1x!tpu.dma_semaphore, #tpu.memory_space<semaphore_mem>>
    %dma_wait3A_819 = tpu.memref_squeeze %dma_wait3A_818 : memref<1x!tpu.dma_semaphore, #tpu.memory_space<semaphore_mem>> -> memref<!tpu.dma_semaphore, #tpu.memory_space<semaphore_mem>>
    tpu.wait_indirect_dma semaphore(%dma_wait3A_819 : memref<!tpu.dma_semaphore, #tpu.memory_space<semaphore_mem>>) src(%dma_wait3A_811 : memref<72x64xf32, #tpu.memory_space<vmem>>) dst(%dma_wait3A_817 : memref<10240x64xf32, #tpu.memory_space<vmem_shared>>)
    %barrier3A_820 = arith.constant 0 : index
    tpu.barrier barrier_id(%barrier3A_820)
    %mul3A_821 = arith.constant 640 : i32
    %mul3A_822 = arith.muli %arg1, %mul3A_821 : i32
    %mul3A_823 = arith.constant 640 : i32
    %mul3A_824 = arith.muli %arg1, %mul3A_823 : i32
    %run_scoped3A_825 = arith.constant 1 : i32
    "tpu.region"() ({
      %run_scoped3A_1055 = tpu.sem_alloc : memref<!tpu.dma_semaphore, #tpu.memory_space<semaphore_mem>>
      %dma_start3A_1056 = arith.constant 0 : i32
      %dma_start3A_1057 = tpu.memref_slice %arg8[%run_scoped3A_825, %add3A_600, %mul3A_824, %dma_start3A_1056] : memref<2x4x10240x64xf32, #tpu.memory_space<hbm>> -> memref<1x1x640x64xf32, #tpu.memory_space<hbm>>
      %dma_start3A_1058 = tpu.memref_squeeze %dma_start3A_1057 : memref<1x1x640x64xf32, #tpu.memory_space<hbm>> -> memref<640x64xf32, #tpu.memory_space<hbm>>
      %dma_start3A_1059 = arith.constant 0 : i32
      %dma_start3A_1060 = tpu.memref_slice %arg15[%mul3A_822, %dma_start3A_1059] : memref<10240x64xf32, #tpu.memory_space<vmem_shared>> -> memref<640x64xf32, #tpu.memory_space<vmem_shared>>
      tpu.enqueue_dma source(%dma_start3A_1060 : memref<640x64xf32, #tpu.memory_space<vmem_shared>>) target(%dma_start3A_1058 : memref<640x64xf32, #tpu.memory_space<hbm>>) target_semaphore(%run_scoped3A_1055 : memref<!tpu.dma_semaphore, #tpu.memory_space<semaphore_mem>>)
      %dma_wait3A_1061 = arith.constant 0 : i32
      %dma_wait3A_1062 = tpu.memref_slice %arg8[%run_scoped3A_825, %add3A_600, %mul3A_824, %dma_wait3A_1061] : memref<2x4x10240x64xf32, #tpu.memory_space<hbm>> -> memref<1x1x640x64xf32, #tpu.memory_space<hbm>>
      %dma_wait3A_1063 = tpu.memref_squeeze %dma_wait3A_1062 : memref<1x1x640x64xf32, #tpu.memory_space<hbm>> -> memref<640x64xf32, #tpu.memory_space<hbm>>
      %dma_wait3A_1064 = arith.constant 0 : i32
      %dma_wait3A_1065 = tpu.memref_slice %arg15[%mul3A_822, %dma_wait3A_1064] : memref<10240x64xf32, #tpu.memory_space<vmem_shared>> -> memref<640x64xf32, #tpu.memory_space<vmem_shared>>
      tpu.wait_dma2 semaphore(%run_scoped3A_1055 : memref<!tpu.dma_semaphore, #tpu.memory_space<semaphore_mem>>) src(%dma_wait3A_1065 : memref<640x64xf32, #tpu.memory_space<vmem_shared>>) dst(%dma_wait3A_1063 : memref<640x64xf32, #tpu.memory_space<hbm>>)
      tpu.yield
    }) : () -> ()
    %mul3A_826 = arith.constant 2 : i32
    %mul3A_827 = arith.muli %arg0, %mul3A_826 : i32
    %add3A_828 = arith.constant 1 : i32
    %add3A_829 = arith.addi %mul3A_827, %add3A_828 : i32
    %mul3A_830 = arith.constant 640 : i32
    %mul3A_831 = arith.muli %arg1, %mul3A_830 : i32
    "tpu.region"() ({
      %run_scoped3A_1055 = tpu.sem_alloc : memref<!tpu.dma_semaphore, #tpu.memory_space<semaphore_mem>>
      %dma_start3A_1056 = arith.constant 0 : i32
      %dma_start3A_1057 = tpu.memref_slice %arg15[%mul3A_831, %dma_start3A_1056] : memref<10240x64xf32, #tpu.memory_space<vmem_shared>> -> memref<640x64xf32, #tpu.memory_space<vmem_shared>>
      tpu.enqueue_dma source(%arg5 : memref<640x64xf32, #tpu.memory_space<hbm>>) target(%dma_start3A_1057 : memref<640x64xf32, #tpu.memory_space<vmem_shared>>) target_semaphore(%run_scoped3A_1055 : memref<!tpu.dma_semaphore, #tpu.memory_space<semaphore_mem>>)
      %dma_wait3A_1058 = arith.constant 0 : i32
      %dma_wait3A_1059 = tpu.memref_slice %arg15[%mul3A_831, %dma_wait3A_1058] : memref<10240x64xf32, #tpu.memory_space<vmem_shared>> -> memref<640x64xf32, #tpu.memory_space<vmem_shared>>
      tpu.wait_dma2 semaphore(%run_scoped3A_1055 : memref<!tpu.dma_semaphore, #tpu.memory_space<semaphore_mem>>) src(%arg5 : memref<640x64xf32, #tpu.memory_space<hbm>>) dst(%dma_wait3A_1059 : memref<640x64xf32, #tpu.memory_space<vmem_shared>>)
      tpu.yield
    }) : () -> ()
    "tpu.region"() ({
      %run_scoped3A_1055 = tpu.sem_alloc : memref<!tpu.dma_semaphore, #tpu.memory_space<semaphore_mem>>
      %dma_start3A_1056 = arith.constant 0 : i32
      %dma_start3A_1057 = arith.constant 0 : i32
      %dma_start3A_1058 = tpu.memref_slice %arg3[%add3A_829, %arg1, %dma_start3A_1056, %dma_start3A_1057] : memref<4x16x70x72xi32, #tpu.memory_space<hbm>> -> memref<1x1x70x72xi32, #tpu.memory_space<hbm>>
      %dma_start3A_1059 = tpu.memref_squeeze %dma_start3A_1058 : memref<1x1x70x72xi32, #tpu.memory_space<hbm>> -> memref<70x72xi32, #tpu.memory_space<hbm>>
      %dma_start3A_1060 = arith.constant 0 : i32
      %dma_start3A_1061 = arith.constant 0 : i32
      %dma_start3A_1062 = tpu.memref_slice %arg3[%add3A_829, %arg1, %dma_start3A_1060, %dma_start3A_1061] : memref<4x16x70x72xi32, #tpu.memory_space<hbm>> -> memref<1x1x70x72xi32, #tpu.memory_space<hbm>>
      %dma_start3A_1063 = tpu.memref_squeeze %dma_start3A_1062 : memref<1x1x70x72xi32, #tpu.memory_space<hbm>> -> memref<70x72xi32, #tpu.memory_space<hbm>>
      tpu.enqueue_dma source(%dma_start3A_1063 : memref<70x72xi32, #tpu.memory_space<hbm>>) target(%arg10 : memref<70x72xi32, #tpu.memory_space<vmem>>) target_semaphore(%run_scoped3A_1055 : memref<!tpu.dma_semaphore, #tpu.memory_space<semaphore_mem>>)
      %dma_wait3A_1064 = arith.constant 0 : i32
      %dma_wait3A_1065 = arith.constant 0 : i32
      %dma_wait3A_1066 = tpu.memref_slice %arg3[%add3A_829, %arg1, %dma_wait3A_1064, %dma_wait3A_1065] : memref<4x16x70x72xi32, #tpu.memory_space<hbm>> -> memref<1x1x70x72xi32, #tpu.memory_space<hbm>>
      %dma_wait3A_1067 = tpu.memref_squeeze %dma_wait3A_1066 : memref<1x1x70x72xi32, #tpu.memory_space<hbm>> -> memref<70x72xi32, #tpu.memory_space<hbm>>
      %dma_wait3A_1068 = arith.constant 0 : i32
      %dma_wait3A_1069 = arith.constant 0 : i32
      %dma_wait3A_1070 = tpu.memref_slice %arg3[%add3A_829, %arg1, %dma_wait3A_1068, %dma_wait3A_1069] : memref<4x16x70x72xi32, #tpu.memory_space<hbm>> -> memref<1x1x70x72xi32, #tpu.memory_space<hbm>>
      %dma_wait3A_1071 = tpu.memref_squeeze %dma_wait3A_1070 : memref<1x1x70x72xi32, #tpu.memory_space<hbm>> -> memref<70x72xi32, #tpu.memory_space<hbm>>
      tpu.wait_dma2 semaphore(%run_scoped3A_1055 : memref<!tpu.dma_semaphore, #tpu.memory_space<semaphore_mem>>) src(%dma_wait3A_1071 : memref<70x72xi32, #tpu.memory_space<hbm>>) dst(%arg10 : memref<70x72xi32, #tpu.memory_space<vmem>>)
      tpu.yield
    }) : () -> ()
    "tpu.region"() ({
      %run_scoped3A_1055 = tpu.sem_alloc : memref<!tpu.dma_semaphore, #tpu.memory_space<semaphore_mem>>
      %dma_start3A_1056 = arith.constant 0 : i32
      %dma_start3A_1057 = arith.constant 0 : i32
      %dma_start3A_1058 = tpu.memref_slice %arg4[%add3A_829, %arg1, %dma_start3A_1056, %dma_start3A_1057] : memref<4x16x70x72xi32, #tpu.memory_space<hbm>> -> memref<1x1x70x72xi32, #tpu.memory_space<hbm>>
      %dma_start3A_1059 = tpu.memref_squeeze %dma_start3A_1058 : memref<1x1x70x72xi32, #tpu.memory_space<hbm>> -> memref<70x72xi32, #tpu.memory_space<hbm>>
      %dma_start3A_1060 = arith.constant 0 : i32
      %dma_start3A_1061 = arith.constant 0 : i32
      %dma_start3A_1062 = tpu.memref_slice %arg4[%add3A_829, %arg1, %dma_start3A_1060, %dma_start3A_1061] : memref<4x16x70x72xi32, #tpu.memory_space<hbm>> -> memref<1x1x70x72xi32, #tpu.memory_space<hbm>>
      %dma_start3A_1063 = tpu.memref_squeeze %dma_start3A_1062 : memref<1x1x70x72xi32, #tpu.memory_space<hbm>> -> memref<70x72xi32, #tpu.memory_space<hbm>>
      tpu.enqueue_dma source(%dma_start3A_1063 : memref<70x72xi32, #tpu.memory_space<hbm>>) target(%arg11 : memref<70x72xi32, #tpu.memory_space<vmem>>) target_semaphore(%run_scoped3A_1055 : memref<!tpu.dma_semaphore, #tpu.memory_space<semaphore_mem>>)
      %dma_wait3A_1064 = arith.constant 0 : i32
      %dma_wait3A_1065 = arith.constant 0 : i32
      %dma_wait3A_1066 = tpu.memref_slice %arg4[%add3A_829, %arg1, %dma_wait3A_1064, %dma_wait3A_1065] : memref<4x16x70x72xi32, #tpu.memory_space<hbm>> -> memref<1x1x70x72xi32, #tpu.memory_space<hbm>>
      %dma_wait3A_1067 = tpu.memref_squeeze %dma_wait3A_1066 : memref<1x1x70x72xi32, #tpu.memory_space<hbm>> -> memref<70x72xi32, #tpu.memory_space<hbm>>
      %dma_wait3A_1068 = arith.constant 0 : i32
      %dma_wait3A_1069 = arith.constant 0 : i32
      %dma_wait3A_1070 = tpu.memref_slice %arg4[%add3A_829, %arg1, %dma_wait3A_1068, %dma_wait3A_1069] : memref<4x16x70x72xi32, #tpu.memory_space<hbm>> -> memref<1x1x70x72xi32, #tpu.memory_space<hbm>>
      %dma_wait3A_1071 = tpu.memref_squeeze %dma_wait3A_1070 : memref<1x1x70x72xi32, #tpu.memory_space<hbm>> -> memref<70x72xi32, #tpu.memory_space<hbm>>
      tpu.wait_dma2 semaphore(%run_scoped3A_1055 : memref<!tpu.dma_semaphore, #tpu.memory_space<semaphore_mem>>) src(%dma_wait3A_1071 : memref<70x72xi32, #tpu.memory_space<hbm>>) dst(%arg11 : memref<70x72xi32, #tpu.memory_space<vmem>>)
      tpu.yield
    }) : () -> ()
    %barrier3A_832 = arith.constant 0 : index
    tpu.barrier barrier_id(%barrier3A_832)
    %dma_start3A_833 = arith.constant 0 : i32
    %dma_start3A_834 = arith.constant 0 : i32
    %dma_start3A_835 = arith.constant 0 : i32
    %dma_start3A_836 = arith.constant 0 : i32
    %dma_start3A_837 = arith.constant 0 : i32
    %dma_start3A_838 = tpu.memref_slice %arg12[%dma_start3A_834, %dma_start3A_836, %dma_start3A_837] : memref<7x72x64xf32, #tpu.memory_space<vmem>> -> memref<1x72x64xf32, #tpu.memory_space<vmem>>
    %dma_start3A_839 = tpu.memref_squeeze %dma_start3A_838 : memref<1x72x64xf32, #tpu.memory_space<vmem>> -> memref<72x64xf32, #tpu.memory_space<vmem>>
    %dma_start3A_840 = arith.constant 0 : i32
    %dma_start3A_841 = tpu.memref_slice %arg10[%dma_start3A_833, %dma_start3A_840] : memref<70x72xi32, #tpu.memory_space<vmem>> -> memref<1x72xi32, #tpu.memory_space<vmem>>
    %dma_start3A_842 = tpu.memref_squeeze %dma_start3A_841 : memref<1x72xi32, #tpu.memory_space<vmem>> -> memref<72xi32, #tpu.memory_space<vmem>>
    %dma_start3A_843 = arith.constant 0 : i32
    %dma_start3A_844 = arith.constant 0 : i32
    %dma_start3A_845 = tpu.memref_slice %arg14[%dma_start3A_843, %dma_start3A_844] : memref<10000x64xf32, #tpu.memory_space<vmem_shared>> -> memref<10000x64xf32, #tpu.memory_space<vmem_shared>>
    %dma_start3A_846 = tpu.memref_slice %arg17[%dma_start3A_835] : memref<7x!tpu.dma_semaphore, #tpu.memory_space<semaphore_mem>> -> memref<1x!tpu.dma_semaphore, #tpu.memory_space<semaphore_mem>>
    %dma_start3A_847 = tpu.memref_squeeze %dma_start3A_846 : memref<1x!tpu.dma_semaphore, #tpu.memory_space<semaphore_mem>> -> memref<!tpu.dma_semaphore, #tpu.memory_space<semaphore_mem>>
    tpu.enqueue_indirect_dma source(%dma_start3A_845 : memref<10000x64xf32, #tpu.memory_space<vmem_shared>>) target(%dma_start3A_839 : memref<72x64xf32, #tpu.memory_space<vmem>>) offsets(%dma_start3A_842 : memref<72xi32, #tpu.memory_space<vmem>>) semaphore(%dma_start3A_847 : memref<!tpu.dma_semaphore, #tpu.memory_space<semaphore_mem>>)
    %dma_start3A_848 = arith.constant 1 : i32
    %dma_start3A_849 = arith.constant 1 : i32
    %dma_start3A_850 = arith.constant 1 : i32
    %dma_start3A_851 = arith.constant 0 : i32
    %dma_start3A_852 = arith.constant 0 : i32
    %dma_start3A_853 = tpu.memref_slice %arg12[%dma_start3A_849, %dma_start3A_851, %dma_start3A_852] : memref<7x72x64xf32, #tpu.memory_space<vmem>> -> memref<1x72x64xf32, #tpu.memory_space<vmem>>
    %dma_start3A_854 = tpu.memref_squeeze %dma_start3A_853 : memref<1x72x64xf32, #tpu.memory_space<vmem>> -> memref<72x64xf32, #tpu.memory_space<vmem>>
    %dma_start3A_855 = arith.constant 0 : i32
    %dma_start3A_856 = tpu.memref_slice %arg10[%dma_start3A_848, %dma_start3A_855] : memref<70x72xi32, #tpu.memory_space<vmem>> -> memref<1x72xi32, #tpu.memory_space<vmem>>
    %dma_start3A_857 = tpu.memref_squeeze %dma_start3A_856 : memref<1x72xi32, #tpu.memory_space<vmem>> -> memref<72xi32, #tpu.memory_space<vmem>>
    %dma_start3A_858 = arith.constant 0 : i32
    %dma_start3A_859 = arith.constant 0 : i32
    %dma_start3A_860 = tpu.memref_slice %arg14[%dma_start3A_858, %dma_start3A_859] : memref<10000x64xf32, #tpu.memory_space<vmem_shared>> -> memref<10000x64xf32, #tpu.memory_space<vmem_shared>>
    %dma_start3A_861 = tpu.memref_slice %arg17[%dma_start3A_850] : memref<7x!tpu.dma_semaphore, #tpu.memory_space<semaphore_mem>> -> memref<1x!tpu.dma_semaphore, #tpu.memory_space<semaphore_mem>>
    %dma_start3A_862 = tpu.memref_squeeze %dma_start3A_861 : memref<1x!tpu.dma_semaphore, #tpu.memory_space<semaphore_mem>> -> memref<!tpu.dma_semaphore, #tpu.memory_space<semaphore_mem>>
    tpu.enqueue_indirect_dma source(%dma_start3A_860 : memref<10000x64xf32, #tpu.memory_space<vmem_shared>>) target(%dma_start3A_854 : memref<72x64xf32, #tpu.memory_space<vmem>>) offsets(%dma_start3A_857 : memref<72xi32, #tpu.memory_space<vmem>>) semaphore(%dma_start3A_862 : memref<!tpu.dma_semaphore, #tpu.memory_space<semaphore_mem>>)
    %dma_start3A_863 = arith.constant 2 : i32
    %dma_start3A_864 = arith.constant 2 : i32
    %dma_start3A_865 = arith.constant 2 : i32
    %dma_start3A_866 = arith.constant 0 : i32
    %dma_start3A_867 = arith.constant 0 : i32
    %dma_start3A_868 = tpu.memref_slice %arg12[%dma_start3A_864, %dma_start3A_866, %dma_start3A_867] : memref<7x72x64xf32, #tpu.memory_space<vmem>> -> memref<1x72x64xf32, #tpu.memory_space<vmem>>
    %dma_start3A_869 = tpu.memref_squeeze %dma_start3A_868 : memref<1x72x64xf32, #tpu.memory_space<vmem>> -> memref<72x64xf32, #tpu.memory_space<vmem>>
    %dma_start3A_870 = arith.constant 0 : i32
    %dma_start3A_871 = tpu.memref_slice %arg10[%dma_start3A_863, %dma_start3A_870] : memref<70x72xi32, #tpu.memory_space<vmem>> -> memref<1x72xi32, #tpu.memory_space<vmem>>
    %dma_start3A_872 = tpu.memref_squeeze %dma_start3A_871 : memref<1x72xi32, #tpu.memory_space<vmem>> -> memref<72xi32, #tpu.memory_space<vmem>>
    %dma_start3A_873 = arith.constant 0 : i32
    %dma_start3A_874 = arith.constant 0 : i32
    %dma_start3A_875 = tpu.memref_slice %arg14[%dma_start3A_873, %dma_start3A_874] : memref<10000x64xf32, #tpu.memory_space<vmem_shared>> -> memref<10000x64xf32, #tpu.memory_space<vmem_shared>>
    %dma_start3A_876 = tpu.memref_slice %arg17[%dma_start3A_865] : memref<7x!tpu.dma_semaphore, #tpu.memory_space<semaphore_mem>> -> memref<1x!tpu.dma_semaphore, #tpu.memory_space<semaphore_mem>>
    %dma_start3A_877 = tpu.memref_squeeze %dma_start3A_876 : memref<1x!tpu.dma_semaphore, #tpu.memory_space<semaphore_mem>> -> memref<!tpu.dma_semaphore, #tpu.memory_space<semaphore_mem>>
    tpu.enqueue_indirect_dma source(%dma_start3A_875 : memref<10000x64xf32, #tpu.memory_space<vmem_shared>>) target(%dma_start3A_869 : memref<72x64xf32, #tpu.memory_space<vmem>>) offsets(%dma_start3A_872 : memref<72xi32, #tpu.memory_space<vmem>>) semaphore(%dma_start3A_877 : memref<!tpu.dma_semaphore, #tpu.memory_space<semaphore_mem>>)
    %dma_start3A_878 = arith.constant 3 : i32
    %dma_start3A_879 = arith.constant 3 : i32
    %dma_start3A_880 = arith.constant 3 : i32
    %dma_start3A_881 = arith.constant 0 : i32
    %dma_start3A_882 = arith.constant 0 : i32
    %dma_start3A_883 = tpu.memref_slice %arg12[%dma_start3A_879, %dma_start3A_881, %dma_start3A_882] : memref<7x72x64xf32, #tpu.memory_space<vmem>> -> memref<1x72x64xf32, #tpu.memory_space<vmem>>
    %dma_start3A_884 = tpu.memref_squeeze %dma_start3A_883 : memref<1x72x64xf32, #tpu.memory_space<vmem>> -> memref<72x64xf32, #tpu.memory_space<vmem>>
    %dma_start3A_885 = arith.constant 0 : i32
    %dma_start3A_886 = tpu.memref_slice %arg10[%dma_start3A_878, %dma_start3A_885] : memref<70x72xi32, #tpu.memory_space<vmem>> -> memref<1x72xi32, #tpu.memory_space<vmem>>
    %dma_start3A_887 = tpu.memref_squeeze %dma_start3A_886 : memref<1x72xi32, #tpu.memory_space<vmem>> -> memref<72xi32, #tpu.memory_space<vmem>>
    %dma_start3A_888 = arith.constant 0 : i32
    %dma_start3A_889 = arith.constant 0 : i32
    %dma_start3A_890 = tpu.memref_slice %arg14[%dma_start3A_888, %dma_start3A_889] : memref<10000x64xf32, #tpu.memory_space<vmem_shared>> -> memref<10000x64xf32, #tpu.memory_space<vmem_shared>>
    %dma_start3A_891 = tpu.memref_slice %arg17[%dma_start3A_880] : memref<7x!tpu.dma_semaphore, #tpu.memory_space<semaphore_mem>> -> memref<1x!tpu.dma_semaphore, #tpu.memory_space<semaphore_mem>>
    %dma_start3A_892 = tpu.memref_squeeze %dma_start3A_891 : memref<1x!tpu.dma_semaphore, #tpu.memory_space<semaphore_mem>> -> memref<!tpu.dma_semaphore, #tpu.memory_space<semaphore_mem>>
    tpu.enqueue_indirect_dma source(%dma_start3A_890 : memref<10000x64xf32, #tpu.memory_space<vmem_shared>>) target(%dma_start3A_884 : memref<72x64xf32, #tpu.memory_space<vmem>>) offsets(%dma_start3A_887 : memref<72xi32, #tpu.memory_space<vmem>>) semaphore(%dma_start3A_892 : memref<!tpu.dma_semaphore, #tpu.memory_space<semaphore_mem>>)
    %dma_start3A_893 = arith.constant 4 : i32
    %dma_start3A_894 = arith.constant 4 : i32
    %dma_start3A_895 = arith.constant 4 : i32
    %dma_start3A_896 = arith.constant 0 : i32
    %dma_start3A_897 = arith.constant 0 : i32
    %dma_start3A_898 = tpu.memref_slice %arg12[%dma_start3A_894, %dma_start3A_896, %dma_start3A_897] : memref<7x72x64xf32, #tpu.memory_space<vmem>> -> memref<1x72x64xf32, #tpu.memory_space<vmem>>
    %dma_start3A_899 = tpu.memref_squeeze %dma_start3A_898 : memref<1x72x64xf32, #tpu.memory_space<vmem>> -> memref<72x64xf32, #tpu.memory_space<vmem>>
    %dma_start3A_900 = arith.constant 0 : i32
    %dma_start3A_901 = tpu.memref_slice %arg10[%dma_start3A_893, %dma_start3A_900] : memref<70x72xi32, #tpu.memory_space<vmem>> -> memref<1x72xi32, #tpu.memory_space<vmem>>
    %dma_start3A_902 = tpu.memref_squeeze %dma_start3A_901 : memref<1x72xi32, #tpu.memory_space<vmem>> -> memref<72xi32, #tpu.memory_space<vmem>>
    %dma_start3A_903 = arith.constant 0 : i32
    %dma_start3A_904 = arith.constant 0 : i32
    %dma_start3A_905 = tpu.memref_slice %arg14[%dma_start3A_903, %dma_start3A_904] : memref<10000x64xf32, #tpu.memory_space<vmem_shared>> -> memref<10000x64xf32, #tpu.memory_space<vmem_shared>>
    %dma_start3A_906 = tpu.memref_slice %arg17[%dma_start3A_895] : memref<7x!tpu.dma_semaphore, #tpu.memory_space<semaphore_mem>> -> memref<1x!tpu.dma_semaphore, #tpu.memory_space<semaphore_mem>>
    %dma_start3A_907 = tpu.memref_squeeze %dma_start3A_906 : memref<1x!tpu.dma_semaphore, #tpu.memory_space<semaphore_mem>> -> memref<!tpu.dma_semaphore, #tpu.memory_space<semaphore_mem>>
    tpu.enqueue_indirect_dma source(%dma_start3A_905 : memref<10000x64xf32, #tpu.memory_space<vmem_shared>>) target(%dma_start3A_899 : memref<72x64xf32, #tpu.memory_space<vmem>>) offsets(%dma_start3A_902 : memref<72xi32, #tpu.memory_space<vmem>>) semaphore(%dma_start3A_907 : memref<!tpu.dma_semaphore, #tpu.memory_space<semaphore_mem>>)
    %dma_start3A_908 = arith.constant 5 : i32
    %dma_start3A_909 = arith.constant 5 : i32
    %dma_start3A_910 = arith.constant 5 : i32
    %dma_start3A_911 = arith.constant 0 : i32
    %dma_start3A_912 = arith.constant 0 : i32
    %dma_start3A_913 = tpu.memref_slice %arg12[%dma_start3A_909, %dma_start3A_911, %dma_start3A_912] : memref<7x72x64xf32, #tpu.memory_space<vmem>> -> memref<1x72x64xf32, #tpu.memory_space<vmem>>
    %dma_start3A_914 = tpu.memref_squeeze %dma_start3A_913 : memref<1x72x64xf32, #tpu.memory_space<vmem>> -> memref<72x64xf32, #tpu.memory_space<vmem>>
    %dma_start3A_915 = arith.constant 0 : i32
    %dma_start3A_916 = tpu.memref_slice %arg10[%dma_start3A_908, %dma_start3A_915] : memref<70x72xi32, #tpu.memory_space<vmem>> -> memref<1x72xi32, #tpu.memory_space<vmem>>
    %dma_start3A_917 = tpu.memref_squeeze %dma_start3A_916 : memref<1x72xi32, #tpu.memory_space<vmem>> -> memref<72xi32, #tpu.memory_space<vmem>>
    %dma_start3A_918 = arith.constant 0 : i32
    %dma_start3A_919 = arith.constant 0 : i32
    %dma_start3A_920 = tpu.memref_slice %arg14[%dma_start3A_918, %dma_start3A_919] : memref<10000x64xf32, #tpu.memory_space<vmem_shared>> -> memref<10000x64xf32, #tpu.memory_space<vmem_shared>>
    %dma_start3A_921 = tpu.memref_slice %arg17[%dma_start3A_910] : memref<7x!tpu.dma_semaphore, #tpu.memory_space<semaphore_mem>> -> memref<1x!tpu.dma_semaphore, #tpu.memory_space<semaphore_mem>>
    %dma_start3A_922 = tpu.memref_squeeze %dma_start3A_921 : memref<1x!tpu.dma_semaphore, #tpu.memory_space<semaphore_mem>> -> memref<!tpu.dma_semaphore, #tpu.memory_space<semaphore_mem>>
    tpu.enqueue_indirect_dma source(%dma_start3A_920 : memref<10000x64xf32, #tpu.memory_space<vmem_shared>>) target(%dma_start3A_914 : memref<72x64xf32, #tpu.memory_space<vmem>>) offsets(%dma_start3A_917 : memref<72xi32, #tpu.memory_space<vmem>>) semaphore(%dma_start3A_922 : memref<!tpu.dma_semaphore, #tpu.memory_space<semaphore_mem>>)
    %dma_start3A_923 = arith.constant 6 : i32
    %dma_start3A_924 = arith.constant 6 : i32
    %dma_start3A_925 = arith.constant 6 : i32
    %dma_start3A_926 = arith.constant 0 : i32
    %dma_start3A_927 = arith.constant 0 : i32
    %dma_start3A_928 = tpu.memref_slice %arg12[%dma_start3A_924, %dma_start3A_926, %dma_start3A_927] : memref<7x72x64xf32, #tpu.memory_space<vmem>> -> memref<1x72x64xf32, #tpu.memory_space<vmem>>
    %dma_start3A_929 = tpu.memref_squeeze %dma_start3A_928 : memref<1x72x64xf32, #tpu.memory_space<vmem>> -> memref<72x64xf32, #tpu.memory_space<vmem>>
    %dma_start3A_930 = arith.constant 0 : i32
    %dma_start3A_931 = tpu.memref_slice %arg10[%dma_start3A_923, %dma_start3A_930] : memref<70x72xi32, #tpu.memory_space<vmem>> -> memref<1x72xi32, #tpu.memory_space<vmem>>
    %dma_start3A_932 = tpu.memref_squeeze %dma_start3A_931 : memref<1x72xi32, #tpu.memory_space<vmem>> -> memref<72xi32, #tpu.memory_space<vmem>>
    %dma_start3A_933 = arith.constant 0 : i32
    %dma_start3A_934 = arith.constant 0 : i32
    %dma_start3A_935 = tpu.memref_slice %arg14[%dma_start3A_933, %dma_start3A_934] : memref<10000x64xf32, #tpu.memory_space<vmem_shared>> -> memref<10000x64xf32, #tpu.memory_space<vmem_shared>>
    %dma_start3A_936 = tpu.memref_slice %arg17[%dma_start3A_925] : memref<7x!tpu.dma_semaphore, #tpu.memory_space<semaphore_mem>> -> memref<1x!tpu.dma_semaphore, #tpu.memory_space<semaphore_mem>>
    %dma_start3A_937 = tpu.memref_squeeze %dma_start3A_936 : memref<1x!tpu.dma_semaphore, #tpu.memory_space<semaphore_mem>> -> memref<!tpu.dma_semaphore, #tpu.memory_space<semaphore_mem>>
    tpu.enqueue_indirect_dma source(%dma_start3A_935 : memref<10000x64xf32, #tpu.memory_space<vmem_shared>>) target(%dma_start3A_929 : memref<72x64xf32, #tpu.memory_space<vmem>>) offsets(%dma_start3A_932 : memref<72xi32, #tpu.memory_space<vmem>>) semaphore(%dma_start3A_937 : memref<!tpu.dma_semaphore, #tpu.memory_space<semaphore_mem>>)
    %scan3A_938 = arith.constant 0 : i32
    %scan3A_939 = arith.constant 0 : i32
    %scan3A_940 = arith.constant 10 : i32
    %scan3A_941 = arith.addi %scan3A_939, %scan3A_940 : i32
    %scan3A_942 = arith.constant 1 : i32
    scf.for %scan3A_1055 = %scan3A_939 to %scan3A_941 step %scan3A_942  : i32 {
      %mul3A_1056 = arith.constant 7 : i32
      %mul3A_1057 = arith.muli %scan3A_1055, %mul3A_1056 : i32
      %add3A_1058 = arith.constant 0 : i32
      %add3A_1059 = arith.addi %mul3A_1057, %add3A_1058 : i32
      %dma_wait3A_1060 = arith.constant 0 : i32
      %dma_wait3A_1061 = arith.constant 0 : i32
      %dma_wait3A_1062 = arith.constant 0 : i32
      %dma_wait3A_1063 = arith.constant 0 : i32
      %dma_wait3A_1064 = tpu.memref_slice %arg12[%dma_wait3A_1060, %dma_wait3A_1062, %dma_wait3A_1063] : memref<7x72x64xf32, #tpu.memory_space<vmem>> -> memref<1x72x64xf32, #tpu.memory_space<vmem>>
      %dma_wait3A_1065 = tpu.memref_squeeze %dma_wait3A_1064 : memref<1x72x64xf32, #tpu.memory_space<vmem>> -> memref<72x64xf32, #tpu.memory_space<vmem>>
      %dma_wait3A_1066 = arith.constant 0 : i32
      %dma_wait3A_1067 = tpu.memref_slice %arg10[%add3A_1059, %dma_wait3A_1066] : memref<70x72xi32, #tpu.memory_space<vmem>> -> memref<1x72xi32, #tpu.memory_space<vmem>>
      %dma_wait3A_1068 = tpu.memref_squeeze %dma_wait3A_1067 : memref<1x72xi32, #tpu.memory_space<vmem>> -> memref<72xi32, #tpu.memory_space<vmem>>
      %dma_wait3A_1069 = arith.constant 0 : i32
      %dma_wait3A_1070 = arith.constant 0 : i32
      %dma_wait3A_1071 = tpu.memref_slice %arg14[%dma_wait3A_1069, %dma_wait3A_1070] : memref<10000x64xf32, #tpu.memory_space<vmem_shared>> -> memref<10000x64xf32, #tpu.memory_space<vmem_shared>>
      %dma_wait3A_1072 = tpu.memref_slice %arg17[%dma_wait3A_1061] : memref<7x!tpu.dma_semaphore, #tpu.memory_space<semaphore_mem>> -> memref<1x!tpu.dma_semaphore, #tpu.memory_space<semaphore_mem>>
      %dma_wait3A_1073 = tpu.memref_squeeze %dma_wait3A_1072 : memref<1x!tpu.dma_semaphore, #tpu.memory_space<semaphore_mem>> -> memref<!tpu.dma_semaphore, #tpu.memory_space<semaphore_mem>>
      tpu.wait_indirect_dma semaphore(%dma_wait3A_1073 : memref<!tpu.dma_semaphore, #tpu.memory_space<semaphore_mem>>) src(%dma_wait3A_1071 : memref<10000x64xf32, #tpu.memory_space<vmem_shared>>) dst(%dma_wait3A_1065 : memref<72x64xf32, #tpu.memory_space<vmem>>)
      %dma_start3A_1074 = arith.constant 0 : i32
      %dma_start3A_1075 = arith.constant 0 : i32
      %dma_start3A_1076 = arith.constant 0 : i32
      %dma_start3A_1077 = arith.constant 0 : i32
      %dma_start3A_1078 = tpu.memref_slice %arg12[%dma_start3A_1074, %dma_start3A_1076, %dma_start3A_1077] : memref<7x72x64xf32, #tpu.memory_space<vmem>> -> memref<1x72x64xf32, #tpu.memory_space<vmem>>
      %dma_start3A_1079 = tpu.memref_squeeze %dma_start3A_1078 : memref<1x72x64xf32, #tpu.memory_space<vmem>> -> memref<72x64xf32, #tpu.memory_space<vmem>>
      %dma_start3A_1080 = arith.constant 0 : i32
      %dma_start3A_1081 = tpu.memref_slice %arg11[%add3A_1059, %dma_start3A_1080] : memref<70x72xi32, #tpu.memory_space<vmem>> -> memref<1x72xi32, #tpu.memory_space<vmem>>
      %dma_start3A_1082 = tpu.memref_squeeze %dma_start3A_1081 : memref<1x72xi32, #tpu.memory_space<vmem>> -> memref<72xi32, #tpu.memory_space<vmem>>
      %dma_start3A_1083 = arith.constant 0 : i32
      %dma_start3A_1084 = arith.constant 0 : i32
      %dma_start3A_1085 = tpu.memref_slice %arg15[%dma_start3A_1083, %dma_start3A_1084] : memref<10240x64xf32, #tpu.memory_space<vmem_shared>> -> memref<10240x64xf32, #tpu.memory_space<vmem_shared>>
      %dma_start3A_1086 = tpu.memref_slice %arg18[%dma_start3A_1075] : memref<7x!tpu.dma_semaphore, #tpu.memory_space<semaphore_mem>> -> memref<1x!tpu.dma_semaphore, #tpu.memory_space<semaphore_mem>>
      %dma_start3A_1087 = tpu.memref_squeeze %dma_start3A_1086 : memref<1x!tpu.dma_semaphore, #tpu.memory_space<semaphore_mem>> -> memref<!tpu.dma_semaphore, #tpu.memory_space<semaphore_mem>>
      tpu.enqueue_indirect_dma source(%dma_start3A_1079 : memref<72x64xf32, #tpu.memory_space<vmem>>) target(%dma_start3A_1085 : memref<10240x64xf32, #tpu.memory_space<vmem_shared>>) offsets(%dma_start3A_1082 : memref<72xi32, #tpu.memory_space<vmem>>) semaphore(%dma_start3A_1087 : memref<!tpu.dma_semaphore, #tpu.memory_space<semaphore_mem>>) {add = true}
      %add3A_1088 = arith.constant 1 : i32
      %add3A_1089 = arith.addi %mul3A_1057, %add3A_1088 : i32
      %dma_wait3A_1090 = arith.constant 1 : i32
      %dma_wait3A_1091 = arith.constant 1 : i32
      %dma_wait3A_1092 = arith.constant 0 : i32
      %dma_wait3A_1093 = arith.constant 0 : i32
      %dma_wait3A_1094 = tpu.memref_slice %arg12[%dma_wait3A_1090, %dma_wait3A_1092, %dma_wait3A_1093] : memref<7x72x64xf32, #tpu.memory_space<vmem>> -> memref<1x72x64xf32, #tpu.memory_space<vmem>>
      %dma_wait3A_1095 = tpu.memref_squeeze %dma_wait3A_1094 : memref<1x72x64xf32, #tpu.memory_space<vmem>> -> memref<72x64xf32, #tpu.memory_space<vmem>>
      %dma_wait3A_1096 = arith.constant 0 : i32
      %dma_wait3A_1097 = tpu.memref_slice %arg10[%add3A_1089, %dma_wait3A_1096] : memref<70x72xi32, #tpu.memory_space<vmem>> -> memref<1x72xi32, #tpu.memory_space<vmem>>
      %dma_wait3A_1098 = tpu.memref_squeeze %dma_wait3A_1097 : memref<1x72xi32, #tpu.memory_space<vmem>> -> memref<72xi32, #tpu.memory_space<vmem>>
      %dma_wait3A_1099 = arith.constant 0 : i32
      %dma_wait3A_1100 = arith.constant 0 : i32
      %dma_wait3A_1101 = tpu.memref_slice %arg14[%dma_wait3A_1099, %dma_wait3A_1100] : memref<10000x64xf32, #tpu.memory_space<vmem_shared>> -> memref<10000x64xf32, #tpu.memory_space<vmem_shared>>
      %dma_wait3A_1102 = tpu.memref_slice %arg17[%dma_wait3A_1091] : memref<7x!tpu.dma_semaphore, #tpu.memory_space<semaphore_mem>> -> memref<1x!tpu.dma_semaphore, #tpu.memory_space<semaphore_mem>>
      %dma_wait3A_1103 = tpu.memref_squeeze %dma_wait3A_1102 : memref<1x!tpu.dma_semaphore, #tpu.memory_space<semaphore_mem>> -> memref<!tpu.dma_semaphore, #tpu.memory_space<semaphore_mem>>
      tpu.wait_indirect_dma semaphore(%dma_wait3A_1103 : memref<!tpu.dma_semaphore, #tpu.memory_space<semaphore_mem>>) src(%dma_wait3A_1101 : memref<10000x64xf32, #tpu.memory_space<vmem_shared>>) dst(%dma_wait3A_1095 : memref<72x64xf32, #tpu.memory_space<vmem>>)
      %dma_start3A_1104 = arith.constant 1 : i32
      %dma_start3A_1105 = arith.constant 1 : i32
      %dma_start3A_1106 = arith.constant 0 : i32
      %dma_start3A_1107 = arith.constant 0 : i32
      %dma_start3A_1108 = tpu.memref_slice %arg12[%dma_start3A_1104, %dma_start3A_1106, %dma_start3A_1107] : memref<7x72x64xf32, #tpu.memory_space<vmem>> -> memref<1x72x64xf32, #tpu.memory_space<vmem>>
      %dma_start3A_1109 = tpu.memref_squeeze %dma_start3A_1108 : memref<1x72x64xf32, #tpu.memory_space<vmem>> -> memref<72x64xf32, #tpu.memory_space<vmem>>
      %dma_start3A_1110 = arith.constant 0 : i32
      %dma_start3A_1111 = tpu.memref_slice %arg11[%add3A_1089, %dma_start3A_1110] : memref<70x72xi32, #tpu.memory_space<vmem>> -> memref<1x72xi32, #tpu.memory_space<vmem>>
      %dma_start3A_1112 = tpu.memref_squeeze %dma_start3A_1111 : memref<1x72xi32, #tpu.memory_space<vmem>> -> memref<72xi32, #tpu.memory_space<vmem>>
      %dma_start3A_1113 = arith.constant 0 : i32
      %dma_start3A_1114 = arith.constant 0 : i32
      %dma_start3A_1115 = tpu.memref_slice %arg15[%dma_start3A_1113, %dma_start3A_1114] : memref<10240x64xf32, #tpu.memory_space<vmem_shared>> -> memref<10240x64xf32, #tpu.memory_space<vmem_shared>>
      %dma_start3A_1116 = tpu.memref_slice %arg18[%dma_start3A_1105] : memref<7x!tpu.dma_semaphore, #tpu.memory_space<semaphore_mem>> -> memref<1x!tpu.dma_semaphore, #tpu.memory_space<semaphore_mem>>
      %dma_start3A_1117 = tpu.memref_squeeze %dma_start3A_1116 : memref<1x!tpu.dma_semaphore, #tpu.memory_space<semaphore_mem>> -> memref<!tpu.dma_semaphore, #tpu.memory_space<semaphore_mem>>
      tpu.enqueue_indirect_dma source(%dma_start3A_1109 : memref<72x64xf32, #tpu.memory_space<vmem>>) target(%dma_start3A_1115 : memref<10240x64xf32, #tpu.memory_space<vmem_shared>>) offsets(%dma_start3A_1112 : memref<72xi32, #tpu.memory_space<vmem>>) semaphore(%dma_start3A_1117 : memref<!tpu.dma_semaphore, #tpu.memory_space<semaphore_mem>>) {add = true}
      %add3A_1118 = arith.constant 2 : i32
      %add3A_1119 = arith.addi %mul3A_1057, %add3A_1118 : i32
      %dma_wait3A_1120 = arith.constant 2 : i32
      %dma_wait3A_1121 = arith.constant 2 : i32
      %dma_wait3A_1122 = arith.constant 0 : i32
      %dma_wait3A_1123 = arith.constant 0 : i32
      %dma_wait3A_1124 = tpu.memref_slice %arg12[%dma_wait3A_1120, %dma_wait3A_1122, %dma_wait3A_1123] : memref<7x72x64xf32, #tpu.memory_space<vmem>> -> memref<1x72x64xf32, #tpu.memory_space<vmem>>
      %dma_wait3A_1125 = tpu.memref_squeeze %dma_wait3A_1124 : memref<1x72x64xf32, #tpu.memory_space<vmem>> -> memref<72x64xf32, #tpu.memory_space<vmem>>
      %dma_wait3A_1126 = arith.constant 0 : i32
      %dma_wait3A_1127 = tpu.memref_slice %arg10[%add3A_1119, %dma_wait3A_1126] : memref<70x72xi32, #tpu.memory_space<vmem>> -> memref<1x72xi32, #tpu.memory_space<vmem>>
      %dma_wait3A_1128 = tpu.memref_squeeze %dma_wait3A_1127 : memref<1x72xi32, #tpu.memory_space<vmem>> -> memref<72xi32, #tpu.memory_space<vmem>>
      %dma_wait3A_1129 = arith.constant 0 : i32
      %dma_wait3A_1130 = arith.constant 0 : i32
      %dma_wait3A_1131 = tpu.memref_slice %arg14[%dma_wait3A_1129, %dma_wait3A_1130] : memref<10000x64xf32, #tpu.memory_space<vmem_shared>> -> memref<10000x64xf32, #tpu.memory_space<vmem_shared>>
      %dma_wait3A_1132 = tpu.memref_slice %arg17[%dma_wait3A_1121] : memref<7x!tpu.dma_semaphore, #tpu.memory_space<semaphore_mem>> -> memref<1x!tpu.dma_semaphore, #tpu.memory_space<semaphore_mem>>
      %dma_wait3A_1133 = tpu.memref_squeeze %dma_wait3A_1132 : memref<1x!tpu.dma_semaphore, #tpu.memory_space<semaphore_mem>> -> memref<!tpu.dma_semaphore, #tpu.memory_space<semaphore_mem>>
      tpu.wait_indirect_dma semaphore(%dma_wait3A_1133 : memref<!tpu.dma_semaphore, #tpu.memory_space<semaphore_mem>>) src(%dma_wait3A_1131 : memref<10000x64xf32, #tpu.memory_space<vmem_shared>>) dst(%dma_wait3A_1125 : memref<72x64xf32, #tpu.memory_space<vmem>>)
      %dma_start3A_1134 = arith.constant 2 : i32
      %dma_start3A_1135 = arith.constant 2 : i32
      %dma_start3A_1136 = arith.constant 0 : i32
      %dma_start3A_1137 = arith.constant 0 : i32
      %dma_start3A_1138 = tpu.memref_slice %arg12[%dma_start3A_1134, %dma_start3A_1136, %dma_start3A_1137] : memref<7x72x64xf32, #tpu.memory_space<vmem>> -> memref<1x72x64xf32, #tpu.memory_space<vmem>>
      %dma_start3A_1139 = tpu.memref_squeeze %dma_start3A_1138 : memref<1x72x64xf32, #tpu.memory_space<vmem>> -> memref<72x64xf32, #tpu.memory_space<vmem>>
      %dma_start3A_1140 = arith.constant 0 : i32
      %dma_start3A_1141 = tpu.memref_slice %arg11[%add3A_1119, %dma_start3A_1140] : memref<70x72xi32, #tpu.memory_space<vmem>> -> memref<1x72xi32, #tpu.memory_space<vmem>>
      %dma_start3A_1142 = tpu.memref_squeeze %dma_start3A_1141 : memref<1x72xi32, #tpu.memory_space<vmem>> -> memref<72xi32, #tpu.memory_space<vmem>>
      %dma_start3A_1143 = arith.constant 0 : i32
      %dma_start3A_1144 = arith.constant 0 : i32
      %dma_start3A_1145 = tpu.memref_slice %arg15[%dma_start3A_1143, %dma_start3A_1144] : memref<10240x64xf32, #tpu.memory_space<vmem_shared>> -> memref<10240x64xf32, #tpu.memory_space<vmem_shared>>
      %dma_start3A_1146 = tpu.memref_slice %arg18[%dma_start3A_1135] : memref<7x!tpu.dma_semaphore, #tpu.memory_space<semaphore_mem>> -> memref<1x!tpu.dma_semaphore, #tpu.memory_space<semaphore_mem>>
      %dma_start3A_1147 = tpu.memref_squeeze %dma_start3A_1146 : memref<1x!tpu.dma_semaphore, #tpu.memory_space<semaphore_mem>> -> memref<!tpu.dma_semaphore, #tpu.memory_space<semaphore_mem>>
      tpu.enqueue_indirect_dma source(%dma_start3A_1139 : memref<72x64xf32, #tpu.memory_space<vmem>>) target(%dma_start3A_1145 : memref<10240x64xf32, #tpu.memory_space<vmem_shared>>) offsets(%dma_start3A_1142 : memref<72xi32, #tpu.memory_space<vmem>>) semaphore(%dma_start3A_1147 : memref<!tpu.dma_semaphore, #tpu.memory_space<semaphore_mem>>) {add = true}
      %add3A_1148 = arith.constant 3 : i32
      %add3A_1149 = arith.addi %mul3A_1057, %add3A_1148 : i32
      %dma_wait3A_1150 = arith.constant 3 : i32
      %dma_wait3A_1151 = arith.constant 3 : i32
      %dma_wait3A_1152 = arith.constant 0 : i32
      %dma_wait3A_1153 = arith.constant 0 : i32
      %dma_wait3A_1154 = tpu.memref_slice %arg12[%dma_wait3A_1150, %dma_wait3A_1152, %dma_wait3A_1153] : memref<7x72x64xf32, #tpu.memory_space<vmem>> -> memref<1x72x64xf32, #tpu.memory_space<vmem>>
      %dma_wait3A_1155 = tpu.memref_squeeze %dma_wait3A_1154 : memref<1x72x64xf32, #tpu.memory_space<vmem>> -> memref<72x64xf32, #tpu.memory_space<vmem>>
      %dma_wait3A_1156 = arith.constant 0 : i32
      %dma_wait3A_1157 = tpu.memref_slice %arg10[%add3A_1149, %dma_wait3A_1156] : memref<70x72xi32, #tpu.memory_space<vmem>> -> memref<1x72xi32, #tpu.memory_space<vmem>>
      %dma_wait3A_1158 = tpu.memref_squeeze %dma_wait3A_1157 : memref<1x72xi32, #tpu.memory_space<vmem>> -> memref<72xi32, #tpu.memory_space<vmem>>
      %dma_wait3A_1159 = arith.constant 0 : i32
      %dma_wait3A_1160 = arith.constant 0 : i32
      %dma_wait3A_1161 = tpu.memref_slice %arg14[%dma_wait3A_1159, %dma_wait3A_1160] : memref<10000x64xf32, #tpu.memory_space<vmem_shared>> -> memref<10000x64xf32, #tpu.memory_space<vmem_shared>>
      %dma_wait3A_1162 = tpu.memref_slice %arg17[%dma_wait3A_1151] : memref<7x!tpu.dma_semaphore, #tpu.memory_space<semaphore_mem>> -> memref<1x!tpu.dma_semaphore, #tpu.memory_space<semaphore_mem>>
      %dma_wait3A_1163 = tpu.memref_squeeze %dma_wait3A_1162 : memref<1x!tpu.dma_semaphore, #tpu.memory_space<semaphore_mem>> -> memref<!tpu.dma_semaphore, #tpu.memory_space<semaphore_mem>>
      tpu.wait_indirect_dma semaphore(%dma_wait3A_1163 : memref<!tpu.dma_semaphore, #tpu.memory_space<semaphore_mem>>) src(%dma_wait3A_1161 : memref<10000x64xf32, #tpu.memory_space<vmem_shared>>) dst(%dma_wait3A_1155 : memref<72x64xf32, #tpu.memory_space<vmem>>)
      %dma_start3A_1164 = arith.constant 3 : i32
      %dma_start3A_1165 = arith.constant 3 : i32
      %dma_start3A_1166 = arith.constant 0 : i32
      %dma_start3A_1167 = arith.constant 0 : i32
      %dma_start3A_1168 = tpu.memref_slice %arg12[%dma_start3A_1164, %dma_start3A_1166, %dma_start3A_1167] : memref<7x72x64xf32, #tpu.memory_space<vmem>> -> memref<1x72x64xf32, #tpu.memory_space<vmem>>
      %dma_start3A_1169 = tpu.memref_squeeze %dma_start3A_1168 : memref<1x72x64xf32, #tpu.memory_space<vmem>> -> memref<72x64xf32, #tpu.memory_space<vmem>>
      %dma_start3A_1170 = arith.constant 0 : i32
      %dma_start3A_1171 = tpu.memref_slice %arg11[%add3A_1149, %dma_start3A_1170] : memref<70x72xi32, #tpu.memory_space<vmem>> -> memref<1x72xi32, #tpu.memory_space<vmem>>
      %dma_start3A_1172 = tpu.memref_squeeze %dma_start3A_1171 : memref<1x72xi32, #tpu.memory_space<vmem>> -> memref<72xi32, #tpu.memory_space<vmem>>
      %dma_start3A_1173 = arith.constant 0 : i32
      %dma_start3A_1174 = arith.constant 0 : i32
      %dma_start3A_1175 = tpu.memref_slice %arg15[%dma_start3A_1173, %dma_start3A_1174] : memref<10240x64xf32, #tpu.memory_space<vmem_shared>> -> memref<10240x64xf32, #tpu.memory_space<vmem_shared>>
      %dma_start3A_1176 = tpu.memref_slice %arg18[%dma_start3A_1165] : memref<7x!tpu.dma_semaphore, #tpu.memory_space<semaphore_mem>> -> memref<1x!tpu.dma_semaphore, #tpu.memory_space<semaphore_mem>>
      %dma_start3A_1177 = tpu.memref_squeeze %dma_start3A_1176 : memref<1x!tpu.dma_semaphore, #tpu.memory_space<semaphore_mem>> -> memref<!tpu.dma_semaphore, #tpu.memory_space<semaphore_mem>>
      tpu.enqueue_indirect_dma source(%dma_start3A_1169 : memref<72x64xf32, #tpu.memory_space<vmem>>) target(%dma_start3A_1175 : memref<10240x64xf32, #tpu.memory_space<vmem_shared>>) offsets(%dma_start3A_1172 : memref<72xi32, #tpu.memory_space<vmem>>) semaphore(%dma_start3A_1177 : memref<!tpu.dma_semaphore, #tpu.memory_space<semaphore_mem>>) {add = true}
      %add3A_1178 = arith.constant 4 : i32
      %add3A_1179 = arith.addi %mul3A_1057, %add3A_1178 : i32
      %dma_wait3A_1180 = arith.constant 4 : i32
      %dma_wait3A_1181 = arith.constant 4 : i32
      %dma_wait3A_1182 = arith.constant 0 : i32
      %dma_wait3A_1183 = arith.constant 0 : i32
      %dma_wait3A_1184 = tpu.memref_slice %arg12[%dma_wait3A_1180, %dma_wait3A_1182, %dma_wait3A_1183] : memref<7x72x64xf32, #tpu.memory_space<vmem>> -> memref<1x72x64xf32, #tpu.memory_space<vmem>>
      %dma_wait3A_1185 = tpu.memref_squeeze %dma_wait3A_1184 : memref<1x72x64xf32, #tpu.memory_space<vmem>> -> memref<72x64xf32, #tpu.memory_space<vmem>>
      %dma_wait3A_1186 = arith.constant 0 : i32
      %dma_wait3A_1187 = tpu.memref_slice %arg10[%add3A_1179, %dma_wait3A_1186] : memref<70x72xi32, #tpu.memory_space<vmem>> -> memref<1x72xi32, #tpu.memory_space<vmem>>
      %dma_wait3A_1188 = tpu.memref_squeeze %dma_wait3A_1187 : memref<1x72xi32, #tpu.memory_space<vmem>> -> memref<72xi32, #tpu.memory_space<vmem>>
      %dma_wait3A_1189 = arith.constant 0 : i32
      %dma_wait3A_1190 = arith.constant 0 : i32
      %dma_wait3A_1191 = tpu.memref_slice %arg14[%dma_wait3A_1189, %dma_wait3A_1190] : memref<10000x64xf32, #tpu.memory_space<vmem_shared>> -> memref<10000x64xf32, #tpu.memory_space<vmem_shared>>
      %dma_wait3A_1192 = tpu.memref_slice %arg17[%dma_wait3A_1181] : memref<7x!tpu.dma_semaphore, #tpu.memory_space<semaphore_mem>> -> memref<1x!tpu.dma_semaphore, #tpu.memory_space<semaphore_mem>>
      %dma_wait3A_1193 = tpu.memref_squeeze %dma_wait3A_1192 : memref<1x!tpu.dma_semaphore, #tpu.memory_space<semaphore_mem>> -> memref<!tpu.dma_semaphore, #tpu.memory_space<semaphore_mem>>
      tpu.wait_indirect_dma semaphore(%dma_wait3A_1193 : memref<!tpu.dma_semaphore, #tpu.memory_space<semaphore_mem>>) src(%dma_wait3A_1191 : memref<10000x64xf32, #tpu.memory_space<vmem_shared>>) dst(%dma_wait3A_1185 : memref<72x64xf32, #tpu.memory_space<vmem>>)
      %dma_start3A_1194 = arith.constant 4 : i32
      %dma_start3A_1195 = arith.constant 4 : i32
      %dma_start3A_1196 = arith.constant 0 : i32
      %dma_start3A_1197 = arith.constant 0 : i32
      %dma_start3A_1198 = tpu.memref_slice %arg12[%dma_start3A_1194, %dma_start3A_1196, %dma_start3A_1197] : memref<7x72x64xf32, #tpu.memory_space<vmem>> -> memref<1x72x64xf32, #tpu.memory_space<vmem>>
      %dma_start3A_1199 = tpu.memref_squeeze %dma_start3A_1198 : memref<1x72x64xf32, #tpu.memory_space<vmem>> -> memref<72x64xf32, #tpu.memory_space<vmem>>
      %dma_start3A_1200 = arith.constant 0 : i32
      %dma_start3A_1201 = tpu.memref_slice %arg11[%add3A_1179, %dma_start3A_1200] : memref<70x72xi32, #tpu.memory_space<vmem>> -> memref<1x72xi32, #tpu.memory_space<vmem>>
      %dma_start3A_1202 = tpu.memref_squeeze %dma_start3A_1201 : memref<1x72xi32, #tpu.memory_space<vmem>> -> memref<72xi32, #tpu.memory_space<vmem>>
      %dma_start3A_1203 = arith.constant 0 : i32
      %dma_start3A_1204 = arith.constant 0 : i32
      %dma_start3A_1205 = tpu.memref_slice %arg15[%dma_start3A_1203, %dma_start3A_1204] : memref<10240x64xf32, #tpu.memory_space<vmem_shared>> -> memref<10240x64xf32, #tpu.memory_space<vmem_shared>>
      %dma_start3A_1206 = tpu.memref_slice %arg18[%dma_start3A_1195] : memref<7x!tpu.dma_semaphore, #tpu.memory_space<semaphore_mem>> -> memref<1x!tpu.dma_semaphore, #tpu.memory_space<semaphore_mem>>
      %dma_start3A_1207 = tpu.memref_squeeze %dma_start3A_1206 : memref<1x!tpu.dma_semaphore, #tpu.memory_space<semaphore_mem>> -> memref<!tpu.dma_semaphore, #tpu.memory_space<semaphore_mem>>
      tpu.enqueue_indirect_dma source(%dma_start3A_1199 : memref<72x64xf32, #tpu.memory_space<vmem>>) target(%dma_start3A_1205 : memref<10240x64xf32, #tpu.memory_space<vmem_shared>>) offsets(%dma_start3A_1202 : memref<72xi32, #tpu.memory_space<vmem>>) semaphore(%dma_start3A_1207 : memref<!tpu.dma_semaphore, #tpu.memory_space<semaphore_mem>>) {add = true}
      %add3A_1208 = arith.constant 5 : i32
      %add3A_1209 = arith.addi %mul3A_1057, %add3A_1208 : i32
      %dma_wait3A_1210 = arith.constant 5 : i32
      %dma_wait3A_1211 = arith.constant 5 : i32
      %dma_wait3A_1212 = arith.constant 0 : i32
      %dma_wait3A_1213 = arith.constant 0 : i32
      %dma_wait3A_1214 = tpu.memref_slice %arg12[%dma_wait3A_1210, %dma_wait3A_1212, %dma_wait3A_1213] : memref<7x72x64xf32, #tpu.memory_space<vmem>> -> memref<1x72x64xf32, #tpu.memory_space<vmem>>
      %dma_wait3A_1215 = tpu.memref_squeeze %dma_wait3A_1214 : memref<1x72x64xf32, #tpu.memory_space<vmem>> -> memref<72x64xf32, #tpu.memory_space<vmem>>
      %dma_wait3A_1216 = arith.constant 0 : i32
      %dma_wait3A_1217 = tpu.memref_slice %arg10[%add3A_1209, %dma_wait3A_1216] : memref<70x72xi32, #tpu.memory_space<vmem>> -> memref<1x72xi32, #tpu.memory_space<vmem>>
      %dma_wait3A_1218 = tpu.memref_squeeze %dma_wait3A_1217 : memref<1x72xi32, #tpu.memory_space<vmem>> -> memref<72xi32, #tpu.memory_space<vmem>>
      %dma_wait3A_1219 = arith.constant 0 : i32
      %dma_wait3A_1220 = arith.constant 0 : i32
      %dma_wait3A_1221 = tpu.memref_slice %arg14[%dma_wait3A_1219, %dma_wait3A_1220] : memref<10000x64xf32, #tpu.memory_space<vmem_shared>> -> memref<10000x64xf32, #tpu.memory_space<vmem_shared>>
      %dma_wait3A_1222 = tpu.memref_slice %arg17[%dma_wait3A_1211] : memref<7x!tpu.dma_semaphore, #tpu.memory_space<semaphore_mem>> -> memref<1x!tpu.dma_semaphore, #tpu.memory_space<semaphore_mem>>
      %dma_wait3A_1223 = tpu.memref_squeeze %dma_wait3A_1222 : memref<1x!tpu.dma_semaphore, #tpu.memory_space<semaphore_mem>> -> memref<!tpu.dma_semaphore, #tpu.memory_space<semaphore_mem>>
      tpu.wait_indirect_dma semaphore(%dma_wait3A_1223 : memref<!tpu.dma_semaphore, #tpu.memory_space<semaphore_mem>>) src(%dma_wait3A_1221 : memref<10000x64xf32, #tpu.memory_space<vmem_shared>>) dst(%dma_wait3A_1215 : memref<72x64xf32, #tpu.memory_space<vmem>>)
      %dma_start3A_1224 = arith.constant 5 : i32
      %dma_start3A_1225 = arith.constant 5 : i32
      %dma_start3A_1226 = arith.constant 0 : i32
      %dma_start3A_1227 = arith.constant 0 : i32
      %dma_start3A_1228 = tpu.memref_slice %arg12[%dma_start3A_1224, %dma_start3A_1226, %dma_start3A_1227] : memref<7x72x64xf32, #tpu.memory_space<vmem>> -> memref<1x72x64xf32, #tpu.memory_space<vmem>>
      %dma_start3A_1229 = tpu.memref_squeeze %dma_start3A_1228 : memref<1x72x64xf32, #tpu.memory_space<vmem>> -> memref<72x64xf32, #tpu.memory_space<vmem>>
      %dma_start3A_1230 = arith.constant 0 : i32
      %dma_start3A_1231 = tpu.memref_slice %arg11[%add3A_1209, %dma_start3A_1230] : memref<70x72xi32, #tpu.memory_space<vmem>> -> memref<1x72xi32, #tpu.memory_space<vmem>>
      %dma_start3A_1232 = tpu.memref_squeeze %dma_start3A_1231 : memref<1x72xi32, #tpu.memory_space<vmem>> -> memref<72xi32, #tpu.memory_space<vmem>>
      %dma_start3A_1233 = arith.constant 0 : i32
      %dma_start3A_1234 = arith.constant 0 : i32
      %dma_start3A_1235 = tpu.memref_slice %arg15[%dma_start3A_1233, %dma_start3A_1234] : memref<10240x64xf32, #tpu.memory_space<vmem_shared>> -> memref<10240x64xf32, #tpu.memory_space<vmem_shared>>
      %dma_start3A_1236 = tpu.memref_slice %arg18[%dma_start3A_1225] : memref<7x!tpu.dma_semaphore, #tpu.memory_space<semaphore_mem>> -> memref<1x!tpu.dma_semaphore, #tpu.memory_space<semaphore_mem>>
      %dma_start3A_1237 = tpu.memref_squeeze %dma_start3A_1236 : memref<1x!tpu.dma_semaphore, #tpu.memory_space<semaphore_mem>> -> memref<!tpu.dma_semaphore, #tpu.memory_space<semaphore_mem>>
      tpu.enqueue_indirect_dma source(%dma_start3A_1229 : memref<72x64xf32, #tpu.memory_space<vmem>>) target(%dma_start3A_1235 : memref<10240x64xf32, #tpu.memory_space<vmem_shared>>) offsets(%dma_start3A_1232 : memref<72xi32, #tpu.memory_space<vmem>>) semaphore(%dma_start3A_1237 : memref<!tpu.dma_semaphore, #tpu.memory_space<semaphore_mem>>) {add = true}
      %add3A_1238 = arith.constant 6 : i32
      %add3A_1239 = arith.addi %mul3A_1057, %add3A_1238 : i32
      %dma_wait3A_1240 = arith.constant 6 : i32
      %dma_wait3A_1241 = arith.constant 6 : i32
      %dma_wait3A_1242 = arith.constant 0 : i32
      %dma_wait3A_1243 = arith.constant 0 : i32
      %dma_wait3A_1244 = tpu.memref_slice %arg12[%dma_wait3A_1240, %dma_wait3A_1242, %dma_wait3A_1243] : memref<7x72x64xf32, #tpu.memory_space<vmem>> -> memref<1x72x64xf32, #tpu.memory_space<vmem>>
      %dma_wait3A_1245 = tpu.memref_squeeze %dma_wait3A_1244 : memref<1x72x64xf32, #tpu.memory_space<vmem>> -> memref<72x64xf32, #tpu.memory_space<vmem>>
      %dma_wait3A_1246 = arith.constant 0 : i32
      %dma_wait3A_1247 = tpu.memref_slice %arg10[%add3A_1239, %dma_wait3A_1246] : memref<70x72xi32, #tpu.memory_space<vmem>> -> memref<1x72xi32, #tpu.memory_space<vmem>>
      %dma_wait3A_1248 = tpu.memref_squeeze %dma_wait3A_1247 : memref<1x72xi32, #tpu.memory_space<vmem>> -> memref<72xi32, #tpu.memory_space<vmem>>
      %dma_wait3A_1249 = arith.constant 0 : i32
      %dma_wait3A_1250 = arith.constant 0 : i32
      %dma_wait3A_1251 = tpu.memref_slice %arg14[%dma_wait3A_1249, %dma_wait3A_1250] : memref<10000x64xf32, #tpu.memory_space<vmem_shared>> -> memref<10000x64xf32, #tpu.memory_space<vmem_shared>>
      %dma_wait3A_1252 = tpu.memref_slice %arg17[%dma_wait3A_1241] : memref<7x!tpu.dma_semaphore, #tpu.memory_space<semaphore_mem>> -> memref<1x!tpu.dma_semaphore, #tpu.memory_space<semaphore_mem>>
      %dma_wait3A_1253 = tpu.memref_squeeze %dma_wait3A_1252 : memref<1x!tpu.dma_semaphore, #tpu.memory_space<semaphore_mem>> -> memref<!tpu.dma_semaphore, #tpu.memory_space<semaphore_mem>>
      tpu.wait_indirect_dma semaphore(%dma_wait3A_1253 : memref<!tpu.dma_semaphore, #tpu.memory_space<semaphore_mem>>) src(%dma_wait3A_1251 : memref<10000x64xf32, #tpu.memory_space<vmem_shared>>) dst(%dma_wait3A_1245 : memref<72x64xf32, #tpu.memory_space<vmem>>)
      %dma_start3A_1254 = arith.constant 6 : i32
      %dma_start3A_1255 = arith.constant 6 : i32
      %dma_start3A_1256 = arith.constant 0 : i32
      %dma_start3A_1257 = arith.constant 0 : i32
      %dma_start3A_1258 = tpu.memref_slice %arg12[%dma_start3A_1254, %dma_start3A_1256, %dma_start3A_1257] : memref<7x72x64xf32, #tpu.memory_space<vmem>> -> memref<1x72x64xf32, #tpu.memory_space<vmem>>
      %dma_start3A_1259 = tpu.memref_squeeze %dma_start3A_1258 : memref<1x72x64xf32, #tpu.memory_space<vmem>> -> memref<72x64xf32, #tpu.memory_space<vmem>>
      %dma_start3A_1260 = arith.constant 0 : i32
      %dma_start3A_1261 = tpu.memref_slice %arg11[%add3A_1239, %dma_start3A_1260] : memref<70x72xi32, #tpu.memory_space<vmem>> -> memref<1x72xi32, #tpu.memory_space<vmem>>
      %dma_start3A_1262 = tpu.memref_squeeze %dma_start3A_1261 : memref<1x72xi32, #tpu.memory_space<vmem>> -> memref<72xi32, #tpu.memory_space<vmem>>
      %dma_start3A_1263 = arith.constant 0 : i32
      %dma_start3A_1264 = arith.constant 0 : i32
      %dma_start3A_1265 = tpu.memref_slice %arg15[%dma_start3A_1263, %dma_start3A_1264] : memref<10240x64xf32, #tpu.memory_space<vmem_shared>> -> memref<10240x64xf32, #tpu.memory_space<vmem_shared>>
      %dma_start3A_1266 = tpu.memref_slice %arg18[%dma_start3A_1255] : memref<7x!tpu.dma_semaphore, #tpu.memory_space<semaphore_mem>> -> memref<1x!tpu.dma_semaphore, #tpu.memory_space<semaphore_mem>>
      %dma_start3A_1267 = tpu.memref_squeeze %dma_start3A_1266 : memref<1x!tpu.dma_semaphore, #tpu.memory_space<semaphore_mem>> -> memref<!tpu.dma_semaphore, #tpu.memory_space<semaphore_mem>>
      tpu.enqueue_indirect_dma source(%dma_start3A_1259 : memref<72x64xf32, #tpu.memory_space<vmem>>) target(%dma_start3A_1265 : memref<10240x64xf32, #tpu.memory_space<vmem_shared>>) offsets(%dma_start3A_1262 : memref<72xi32, #tpu.memory_space<vmem>>) semaphore(%dma_start3A_1267 : memref<!tpu.dma_semaphore, #tpu.memory_space<semaphore_mem>>) {add = true}
      %add3A_1268 = arith.constant 0 : i32
      %add3A_1269 = arith.addi %mul3A_1057, %add3A_1268 : i32
      %lt3A = arith.constant 9 : i32
      %lt3A_1270 = arith.cmpi slt, %scan3A_1055, %lt3A : i32
      %convert_element_type3A = arith.extui %lt3A_1270 : i1 to i32
      %cond3A = arith.constant 0 : i32
      %cond3A_1271 = arith.cmpi ne, %convert_element_type3A, %cond3A : i32
      scf.if %cond3A_1271 {
        %dma_wait3A_1314 = arith.constant 0 : i32
        %dma_wait3A_1315 = arith.constant 0 : i32
        %dma_wait3A_1316 = arith.constant 0 : i32
        %dma_wait3A_1317 = arith.constant 0 : i32
        %dma_wait3A_1318 = tpu.memref_slice %arg12[%dma_wait3A_1314, %dma_wait3A_1316, %dma_wait3A_1317] : memref<7x72x64xf32, #tpu.memory_space<vmem>> -> memref<1x72x64xf32, #tpu.memory_space<vmem>>
        %dma_wait3A_1319 = tpu.memref_squeeze %dma_wait3A_1318 : memref<1x72x64xf32, #tpu.memory_space<vmem>> -> memref<72x64xf32, #tpu.memory_space<vmem>>
        %dma_wait3A_1320 = arith.constant 0 : i32
        %dma_wait3A_1321 = tpu.memref_slice %arg11[%add3A_1269, %dma_wait3A_1320] : memref<70x72xi32, #tpu.memory_space<vmem>> -> memref<1x72xi32, #tpu.memory_space<vmem>>
        %dma_wait3A_1322 = tpu.memref_squeeze %dma_wait3A_1321 : memref<1x72xi32, #tpu.memory_space<vmem>> -> memref<72xi32, #tpu.memory_space<vmem>>
        %dma_wait3A_1323 = arith.constant 0 : i32
        %dma_wait3A_1324 = arith.constant 0 : i32
        %dma_wait3A_1325 = tpu.memref_slice %arg15[%dma_wait3A_1323, %dma_wait3A_1324] : memref<10240x64xf32, #tpu.memory_space<vmem_shared>> -> memref<10240x64xf32, #tpu.memory_space<vmem_shared>>
        %dma_wait3A_1326 = tpu.memref_slice %arg18[%dma_wait3A_1315] : memref<7x!tpu.dma_semaphore, #tpu.memory_space<semaphore_mem>> -> memref<1x!tpu.dma_semaphore, #tpu.memory_space<semaphore_mem>>
        %dma_wait3A_1327 = tpu.memref_squeeze %dma_wait3A_1326 : memref<1x!tpu.dma_semaphore, #tpu.memory_space<semaphore_mem>> -> memref<!tpu.dma_semaphore, #tpu.memory_space<semaphore_mem>>
        tpu.wait_indirect_dma semaphore(%dma_wait3A_1327 : memref<!tpu.dma_semaphore, #tpu.memory_space<semaphore_mem>>) src(%dma_wait3A_1319 : memref<72x64xf32, #tpu.memory_space<vmem>>) dst(%dma_wait3A_1325 : memref<10240x64xf32, #tpu.memory_space<vmem_shared>>)
        %add3A_1328 = arith.constant 7 : i32
        %add3A_1329 = arith.addi %add3A_1269, %add3A_1328 : i32
        %dma_start3A_1330 = arith.constant 0 : i32
        %dma_start3A_1331 = arith.constant 0 : i32
        %dma_start3A_1332 = arith.constant 0 : i32
        %dma_start3A_1333 = arith.constant 0 : i32
        %dma_start3A_1334 = tpu.memref_slice %arg12[%dma_start3A_1330, %dma_start3A_1332, %dma_start3A_1333] : memref<7x72x64xf32, #tpu.memory_space<vmem>> -> memref<1x72x64xf32, #tpu.memory_space<vmem>>
        %dma_start3A_1335 = tpu.memref_squeeze %dma_start3A_1334 : memref<1x72x64xf32, #tpu.memory_space<vmem>> -> memref<72x64xf32, #tpu.memory_space<vmem>>
        %dma_start3A_1336 = arith.constant 0 : i32
        %dma_start3A_1337 = tpu.memref_slice %arg10[%add3A_1329, %dma_start3A_1336] : memref<70x72xi32, #tpu.memory_space<vmem>> -> memref<1x72xi32, #tpu.memory_space<vmem>>
        %dma_start3A_1338 = tpu.memref_squeeze %dma_start3A_1337 : memref<1x72xi32, #tpu.memory_space<vmem>> -> memref<72xi32, #tpu.memory_space<vmem>>
        %dma_start3A_1339 = arith.constant 0 : i32
        %dma_start3A_1340 = arith.constant 0 : i32
        %dma_start3A_1341 = tpu.memref_slice %arg14[%dma_start3A_1339, %dma_start3A_1340] : memref<10000x64xf32, #tpu.memory_space<vmem_shared>> -> memref<10000x64xf32, #tpu.memory_space<vmem_shared>>
        %dma_start3A_1342 = tpu.memref_slice %arg17[%dma_start3A_1331] : memref<7x!tpu.dma_semaphore, #tpu.memory_space<semaphore_mem>> -> memref<1x!tpu.dma_semaphore, #tpu.memory_space<semaphore_mem>>
        %dma_start3A_1343 = tpu.memref_squeeze %dma_start3A_1342 : memref<1x!tpu.dma_semaphore, #tpu.memory_space<semaphore_mem>> -> memref<!tpu.dma_semaphore, #tpu.memory_space<semaphore_mem>>
        tpu.enqueue_indirect_dma source(%dma_start3A_1341 : memref<10000x64xf32, #tpu.memory_space<vmem_shared>>) target(%dma_start3A_1335 : memref<72x64xf32, #tpu.memory_space<vmem>>) offsets(%dma_start3A_1338 : memref<72xi32, #tpu.memory_space<vmem>>) semaphore(%dma_start3A_1343 : memref<!tpu.dma_semaphore, #tpu.memory_space<semaphore_mem>>)
      } else {
      }
      %add3A_1272 = arith.constant 1 : i32
      %add3A_1273 = arith.addi %mul3A_1057, %add3A_1272 : i32
      %lt3A_1274 = arith.constant 9 : i32
      %lt3A_1275 = arith.cmpi slt, %scan3A_1055, %lt3A_1274 : i32
      %convert_element_type3A_1276 = arith.extui %lt3A_1275 : i1 to i32
      %cond3A_1277 = arith.constant 0 : i32
      %cond3A_1278 = arith.cmpi ne, %convert_element_type3A_1276, %cond3A_1277 : i32
      scf.if %cond3A_1278 {
        %dma_wait3A_1314 = arith.constant 1 : i32
        %dma_wait3A_1315 = arith.constant 1 : i32
        %dma_wait3A_1316 = arith.constant 0 : i32
        %dma_wait3A_1317 = arith.constant 0 : i32
        %dma_wait3A_1318 = tpu.memref_slice %arg12[%dma_wait3A_1314, %dma_wait3A_1316, %dma_wait3A_1317] : memref<7x72x64xf32, #tpu.memory_space<vmem>> -> memref<1x72x64xf32, #tpu.memory_space<vmem>>
        %dma_wait3A_1319 = tpu.memref_squeeze %dma_wait3A_1318 : memref<1x72x64xf32, #tpu.memory_space<vmem>> -> memref<72x64xf32, #tpu.memory_space<vmem>>
        %dma_wait3A_1320 = arith.constant 0 : i32
        %dma_wait3A_1321 = tpu.memref_slice %arg11[%add3A_1273, %dma_wait3A_1320] : memref<70x72xi32, #tpu.memory_space<vmem>> -> memref<1x72xi32, #tpu.memory_space<vmem>>
        %dma_wait3A_1322 = tpu.memref_squeeze %dma_wait3A_1321 : memref<1x72xi32, #tpu.memory_space<vmem>> -> memref<72xi32, #tpu.memory_space<vmem>>
        %dma_wait3A_1323 = arith.constant 0 : i32
        %dma_wait3A_1324 = arith.constant 0 : i32
        %dma_wait3A_1325 = tpu.memref_slice %arg15[%dma_wait3A_1323, %dma_wait3A_1324] : memref<10240x64xf32, #tpu.memory_space<vmem_shared>> -> memref<10240x64xf32, #tpu.memory_space<vmem_shared>>
        %dma_wait3A_1326 = tpu.memref_slice %arg18[%dma_wait3A_1315] : memref<7x!tpu.dma_semaphore, #tpu.memory_space<semaphore_mem>> -> memref<1x!tpu.dma_semaphore, #tpu.memory_space<semaphore_mem>>
        %dma_wait3A_1327 = tpu.memref_squeeze %dma_wait3A_1326 : memref<1x!tpu.dma_semaphore, #tpu.memory_space<semaphore_mem>> -> memref<!tpu.dma_semaphore, #tpu.memory_space<semaphore_mem>>
        tpu.wait_indirect_dma semaphore(%dma_wait3A_1327 : memref<!tpu.dma_semaphore, #tpu.memory_space<semaphore_mem>>) src(%dma_wait3A_1319 : memref<72x64xf32, #tpu.memory_space<vmem>>) dst(%dma_wait3A_1325 : memref<10240x64xf32, #tpu.memory_space<vmem_shared>>)
        %add3A_1328 = arith.constant 7 : i32
        %add3A_1329 = arith.addi %add3A_1273, %add3A_1328 : i32
        %dma_start3A_1330 = arith.constant 1 : i32
        %dma_start3A_1331 = arith.constant 1 : i32
        %dma_start3A_1332 = arith.constant 0 : i32
        %dma_start3A_1333 = arith.constant 0 : i32
        %dma_start3A_1334 = tpu.memref_slice %arg12[%dma_start3A_1330, %dma_start3A_1332, %dma_start3A_1333] : memref<7x72x64xf32, #tpu.memory_space<vmem>> -> memref<1x72x64xf32, #tpu.memory_space<vmem>>
        %dma_start3A_1335 = tpu.memref_squeeze %dma_start3A_1334 : memref<1x72x64xf32, #tpu.memory_space<vmem>> -> memref<72x64xf32, #tpu.memory_space<vmem>>
        %dma_start3A_1336 = arith.constant 0 : i32
        %dma_start3A_1337 = tpu.memref_slice %arg10[%add3A_1329, %dma_start3A_1336] : memref<70x72xi32, #tpu.memory_space<vmem>> -> memref<1x72xi32, #tpu.memory_space<vmem>>
        %dma_start3A_1338 = tpu.memref_squeeze %dma_start3A_1337 : memref<1x72xi32, #tpu.memory_space<vmem>> -> memref<72xi32, #tpu.memory_space<vmem>>
        %dma_start3A_1339 = arith.constant 0 : i32
        %dma_start3A_1340 = arith.constant 0 : i32
        %dma_start3A_1341 = tpu.memref_slice %arg14[%dma_start3A_1339, %dma_start3A_1340] : memref<10000x64xf32, #tpu.memory_space<vmem_shared>> -> memref<10000x64xf32, #tpu.memory_space<vmem_shared>>
        %dma_start3A_1342 = tpu.memref_slice %arg17[%dma_start3A_1331] : memref<7x!tpu.dma_semaphore, #tpu.memory_space<semaphore_mem>> -> memref<1x!tpu.dma_semaphore, #tpu.memory_space<semaphore_mem>>
        %dma_start3A_1343 = tpu.memref_squeeze %dma_start3A_1342 : memref<1x!tpu.dma_semaphore, #tpu.memory_space<semaphore_mem>> -> memref<!tpu.dma_semaphore, #tpu.memory_space<semaphore_mem>>
        tpu.enqueue_indirect_dma source(%dma_start3A_1341 : memref<10000x64xf32, #tpu.memory_space<vmem_shared>>) target(%dma_start3A_1335 : memref<72x64xf32, #tpu.memory_space<vmem>>) offsets(%dma_start3A_1338 : memref<72xi32, #tpu.memory_space<vmem>>) semaphore(%dma_start3A_1343 : memref<!tpu.dma_semaphore, #tpu.memory_space<semaphore_mem>>)
      } else {
      }
      %add3A_1279 = arith.constant 2 : i32
      %add3A_1280 = arith.addi %mul3A_1057, %add3A_1279 : i32
      %lt3A_1281 = arith.constant 9 : i32
      %lt3A_1282 = arith.cmpi slt, %scan3A_1055, %lt3A_1281 : i32
      %convert_element_type3A_1283 = arith.extui %lt3A_1282 : i1 to i32
      %cond3A_1284 = arith.constant 0 : i32
      %cond3A_1285 = arith.cmpi ne, %convert_element_type3A_1283, %cond3A_1284 : i32
      scf.if %cond3A_1285 {
        %dma_wait3A_1314 = arith.constant 2 : i32
        %dma_wait3A_1315 = arith.constant 2 : i32
        %dma_wait3A_1316 = arith.constant 0 : i32
        %dma_wait3A_1317 = arith.constant 0 : i32
        %dma_wait3A_1318 = tpu.memref_slice %arg12[%dma_wait3A_1314, %dma_wait3A_1316, %dma_wait3A_1317] : memref<7x72x64xf32, #tpu.memory_space<vmem>> -> memref<1x72x64xf32, #tpu.memory_space<vmem>>
        %dma_wait3A_1319 = tpu.memref_squeeze %dma_wait3A_1318 : memref<1x72x64xf32, #tpu.memory_space<vmem>> -> memref<72x64xf32, #tpu.memory_space<vmem>>
        %dma_wait3A_1320 = arith.constant 0 : i32
        %dma_wait3A_1321 = tpu.memref_slice %arg11[%add3A_1280, %dma_wait3A_1320] : memref<70x72xi32, #tpu.memory_space<vmem>> -> memref<1x72xi32, #tpu.memory_space<vmem>>
        %dma_wait3A_1322 = tpu.memref_squeeze %dma_wait3A_1321 : memref<1x72xi32, #tpu.memory_space<vmem>> -> memref<72xi32, #tpu.memory_space<vmem>>
        %dma_wait3A_1323 = arith.constant 0 : i32
        %dma_wait3A_1324 = arith.constant 0 : i32
        %dma_wait3A_1325 = tpu.memref_slice %arg15[%dma_wait3A_1323, %dma_wait3A_1324] : memref<10240x64xf32, #tpu.memory_space<vmem_shared>> -> memref<10240x64xf32, #tpu.memory_space<vmem_shared>>
        %dma_wait3A_1326 = tpu.memref_slice %arg18[%dma_wait3A_1315] : memref<7x!tpu.dma_semaphore, #tpu.memory_space<semaphore_mem>> -> memref<1x!tpu.dma_semaphore, #tpu.memory_space<semaphore_mem>>
        %dma_wait3A_1327 = tpu.memref_squeeze %dma_wait3A_1326 : memref<1x!tpu.dma_semaphore, #tpu.memory_space<semaphore_mem>> -> memref<!tpu.dma_semaphore, #tpu.memory_space<semaphore_mem>>
        tpu.wait_indirect_dma semaphore(%dma_wait3A_1327 : memref<!tpu.dma_semaphore, #tpu.memory_space<semaphore_mem>>) src(%dma_wait3A_1319 : memref<72x64xf32, #tpu.memory_space<vmem>>) dst(%dma_wait3A_1325 : memref<10240x64xf32, #tpu.memory_space<vmem_shared>>)
        %add3A_1328 = arith.constant 7 : i32
        %add3A_1329 = arith.addi %add3A_1280, %add3A_1328 : i32
        %dma_start3A_1330 = arith.constant 2 : i32
        %dma_start3A_1331 = arith.constant 2 : i32
        %dma_start3A_1332 = arith.constant 0 : i32
        %dma_start3A_1333 = arith.constant 0 : i32
        %dma_start3A_1334 = tpu.memref_slice %arg12[%dma_start3A_1330, %dma_start3A_1332, %dma_start3A_1333] : memref<7x72x64xf32, #tpu.memory_space<vmem>> -> memref<1x72x64xf32, #tpu.memory_space<vmem>>
        %dma_start3A_1335 = tpu.memref_squeeze %dma_start3A_1334 : memref<1x72x64xf32, #tpu.memory_space<vmem>> -> memref<72x64xf32, #tpu.memory_space<vmem>>
        %dma_start3A_1336 = arith.constant 0 : i32
        %dma_start3A_1337 = tpu.memref_slice %arg10[%add3A_1329, %dma_start3A_1336] : memref<70x72xi32, #tpu.memory_space<vmem>> -> memref<1x72xi32, #tpu.memory_space<vmem>>
        %dma_start3A_1338 = tpu.memref_squeeze %dma_start3A_1337 : memref<1x72xi32, #tpu.memory_space<vmem>> -> memref<72xi32, #tpu.memory_space<vmem>>
        %dma_start3A_1339 = arith.constant 0 : i32
        %dma_start3A_1340 = arith.constant 0 : i32
        %dma_start3A_1341 = tpu.memref_slice %arg14[%dma_start3A_1339, %dma_start3A_1340] : memref<10000x64xf32, #tpu.memory_space<vmem_shared>> -> memref<10000x64xf32, #tpu.memory_space<vmem_shared>>
        %dma_start3A_1342 = tpu.memref_slice %arg17[%dma_start3A_1331] : memref<7x!tpu.dma_semaphore, #tpu.memory_space<semaphore_mem>> -> memref<1x!tpu.dma_semaphore, #tpu.memory_space<semaphore_mem>>
        %dma_start3A_1343 = tpu.memref_squeeze %dma_start3A_1342 : memref<1x!tpu.dma_semaphore, #tpu.memory_space<semaphore_mem>> -> memref<!tpu.dma_semaphore, #tpu.memory_space<semaphore_mem>>
        tpu.enqueue_indirect_dma source(%dma_start3A_1341 : memref<10000x64xf32, #tpu.memory_space<vmem_shared>>) target(%dma_start3A_1335 : memref<72x64xf32, #tpu.memory_space<vmem>>) offsets(%dma_start3A_1338 : memref<72xi32, #tpu.memory_space<vmem>>) semaphore(%dma_start3A_1343 : memref<!tpu.dma_semaphore, #tpu.memory_space<semaphore_mem>>)
      } else {
      }
      %add3A_1286 = arith.constant 3 : i32
      %add3A_1287 = arith.addi %mul3A_1057, %add3A_1286 : i32
      %lt3A_1288 = arith.constant 9 : i32
      %lt3A_1289 = arith.cmpi slt, %scan3A_1055, %lt3A_1288 : i32
      %convert_element_type3A_1290 = arith.extui %lt3A_1289 : i1 to i32
      %cond3A_1291 = arith.constant 0 : i32
      %cond3A_1292 = arith.cmpi ne, %convert_element_type3A_1290, %cond3A_1291 : i32
      scf.if %cond3A_1292 {
        %dma_wait3A_1314 = arith.constant 3 : i32
        %dma_wait3A_1315 = arith.constant 3 : i32
        %dma_wait3A_1316 = arith.constant 0 : i32
        %dma_wait3A_1317 = arith.constant 0 : i32
        %dma_wait3A_1318 = tpu.memref_slice %arg12[%dma_wait3A_1314, %dma_wait3A_1316, %dma_wait3A_1317] : memref<7x72x64xf32, #tpu.memory_space<vmem>> -> memref<1x72x64xf32, #tpu.memory_space<vmem>>
        %dma_wait3A_1319 = tpu.memref_squeeze %dma_wait3A_1318 : memref<1x72x64xf32, #tpu.memory_space<vmem>> -> memref<72x64xf32, #tpu.memory_space<vmem>>
        %dma_wait3A_1320 = arith.constant 0 : i32
        %dma_wait3A_1321 = tpu.memref_slice %arg11[%add3A_1287, %dma_wait3A_1320] : memref<70x72xi32, #tpu.memory_space<vmem>> -> memref<1x72xi32, #tpu.memory_space<vmem>>
        %dma_wait3A_1322 = tpu.memref_squeeze %dma_wait3A_1321 : memref<1x72xi32, #tpu.memory_space<vmem>> -> memref<72xi32, #tpu.memory_space<vmem>>
        %dma_wait3A_1323 = arith.constant 0 : i32
        %dma_wait3A_1324 = arith.constant 0 : i32
        %dma_wait3A_1325 = tpu.memref_slice %arg15[%dma_wait3A_1323, %dma_wait3A_1324] : memref<10240x64xf32, #tpu.memory_space<vmem_shared>> -> memref<10240x64xf32, #tpu.memory_space<vmem_shared>>
        %dma_wait3A_1326 = tpu.memref_slice %arg18[%dma_wait3A_1315] : memref<7x!tpu.dma_semaphore, #tpu.memory_space<semaphore_mem>> -> memref<1x!tpu.dma_semaphore, #tpu.memory_space<semaphore_mem>>
        %dma_wait3A_1327 = tpu.memref_squeeze %dma_wait3A_1326 : memref<1x!tpu.dma_semaphore, #tpu.memory_space<semaphore_mem>> -> memref<!tpu.dma_semaphore, #tpu.memory_space<semaphore_mem>>
        tpu.wait_indirect_dma semaphore(%dma_wait3A_1327 : memref<!tpu.dma_semaphore, #tpu.memory_space<semaphore_mem>>) src(%dma_wait3A_1319 : memref<72x64xf32, #tpu.memory_space<vmem>>) dst(%dma_wait3A_1325 : memref<10240x64xf32, #tpu.memory_space<vmem_shared>>)
        %add3A_1328 = arith.constant 7 : i32
        %add3A_1329 = arith.addi %add3A_1287, %add3A_1328 : i32
        %dma_start3A_1330 = arith.constant 3 : i32
        %dma_start3A_1331 = arith.constant 3 : i32
        %dma_start3A_1332 = arith.constant 0 : i32
        %dma_start3A_1333 = arith.constant 0 : i32
        %dma_start3A_1334 = tpu.memref_slice %arg12[%dma_start3A_1330, %dma_start3A_1332, %dma_start3A_1333] : memref<7x72x64xf32, #tpu.memory_space<vmem>> -> memref<1x72x64xf32, #tpu.memory_space<vmem>>
        %dma_start3A_1335 = tpu.memref_squeeze %dma_start3A_1334 : memref<1x72x64xf32, #tpu.memory_space<vmem>> -> memref<72x64xf32, #tpu.memory_space<vmem>>
        %dma_start3A_1336 = arith.constant 0 : i32
        %dma_start3A_1337 = tpu.memref_slice %arg10[%add3A_1329, %dma_start3A_1336] : memref<70x72xi32, #tpu.memory_space<vmem>> -> memref<1x72xi32, #tpu.memory_space<vmem>>
        %dma_start3A_1338 = tpu.memref_squeeze %dma_start3A_1337 : memref<1x72xi32, #tpu.memory_space<vmem>> -> memref<72xi32, #tpu.memory_space<vmem>>
        %dma_start3A_1339 = arith.constant 0 : i32
        %dma_start3A_1340 = arith.constant 0 : i32
        %dma_start3A_1341 = tpu.memref_slice %arg14[%dma_start3A_1339, %dma_start3A_1340] : memref<10000x64xf32, #tpu.memory_space<vmem_shared>> -> memref<10000x64xf32, #tpu.memory_space<vmem_shared>>
        %dma_start3A_1342 = tpu.memref_slice %arg17[%dma_start3A_1331] : memref<7x!tpu.dma_semaphore, #tpu.memory_space<semaphore_mem>> -> memref<1x!tpu.dma_semaphore, #tpu.memory_space<semaphore_mem>>
        %dma_start3A_1343 = tpu.memref_squeeze %dma_start3A_1342 : memref<1x!tpu.dma_semaphore, #tpu.memory_space<semaphore_mem>> -> memref<!tpu.dma_semaphore, #tpu.memory_space<semaphore_mem>>
        tpu.enqueue_indirect_dma source(%dma_start3A_1341 : memref<10000x64xf32, #tpu.memory_space<vmem_shared>>) target(%dma_start3A_1335 : memref<72x64xf32, #tpu.memory_space<vmem>>) offsets(%dma_start3A_1338 : memref<72xi32, #tpu.memory_space<vmem>>) semaphore(%dma_start3A_1343 : memref<!tpu.dma_semaphore, #tpu.memory_space<semaphore_mem>>)
      } else {
      }
      %add3A_1293 = arith.constant 4 : i32
      %add3A_1294 = arith.addi %mul3A_1057, %add3A_1293 : i32
      %lt3A_1295 = arith.constant 9 : i32
      %lt3A_1296 = arith.cmpi slt, %scan3A_1055, %lt3A_1295 : i32
      %convert_element_type3A_1297 = arith.extui %lt3A_1296 : i1 to i32
      %cond3A_1298 = arith.constant 0 : i32
      %cond3A_1299 = arith.cmpi ne, %convert_element_type3A_1297, %cond3A_1298 : i32
      scf.if %cond3A_1299 {
        %dma_wait3A_1314 = arith.constant 4 : i32
        %dma_wait3A_1315 = arith.constant 4 : i32
        %dma_wait3A_1316 = arith.constant 0 : i32
        %dma_wait3A_1317 = arith.constant 0 : i32
        %dma_wait3A_1318 = tpu.memref_slice %arg12[%dma_wait3A_1314, %dma_wait3A_1316, %dma_wait3A_1317] : memref<7x72x64xf32, #tpu.memory_space<vmem>> -> memref<1x72x64xf32, #tpu.memory_space<vmem>>
        %dma_wait3A_1319 = tpu.memref_squeeze %dma_wait3A_1318 : memref<1x72x64xf32, #tpu.memory_space<vmem>> -> memref<72x64xf32, #tpu.memory_space<vmem>>
        %dma_wait3A_1320 = arith.constant 0 : i32
        %dma_wait3A_1321 = tpu.memref_slice %arg11[%add3A_1294, %dma_wait3A_1320] : memref<70x72xi32, #tpu.memory_space<vmem>> -> memref<1x72xi32, #tpu.memory_space<vmem>>
        %dma_wait3A_1322 = tpu.memref_squeeze %dma_wait3A_1321 : memref<1x72xi32, #tpu.memory_space<vmem>> -> memref<72xi32, #tpu.memory_space<vmem>>
        %dma_wait3A_1323 = arith.constant 0 : i32
        %dma_wait3A_1324 = arith.constant 0 : i32
        %dma_wait3A_1325 = tpu.memref_slice %arg15[%dma_wait3A_1323, %dma_wait3A_1324] : memref<10240x64xf32, #tpu.memory_space<vmem_shared>> -> memref<10240x64xf32, #tpu.memory_space<vmem_shared>>
        %dma_wait3A_1326 = tpu.memref_slice %arg18[%dma_wait3A_1315] : memref<7x!tpu.dma_semaphore, #tpu.memory_space<semaphore_mem>> -> memref<1x!tpu.dma_semaphore, #tpu.memory_space<semaphore_mem>>
        %dma_wait3A_1327 = tpu.memref_squeeze %dma_wait3A_1326 : memref<1x!tpu.dma_semaphore, #tpu.memory_space<semaphore_mem>> -> memref<!tpu.dma_semaphore, #tpu.memory_space<semaphore_mem>>
        tpu.wait_indirect_dma semaphore(%dma_wait3A_1327 : memref<!tpu.dma_semaphore, #tpu.memory_space<semaphore_mem>>) src(%dma_wait3A_1319 : memref<72x64xf32, #tpu.memory_space<vmem>>) dst(%dma_wait3A_1325 : memref<10240x64xf32, #tpu.memory_space<vmem_shared>>)
        %add3A_1328 = arith.constant 7 : i32
        %add3A_1329 = arith.addi %add3A_1294, %add3A_1328 : i32
        %dma_start3A_1330 = arith.constant 4 : i32
        %dma_start3A_1331 = arith.constant 4 : i32
        %dma_start3A_1332 = arith.constant 0 : i32
        %dma_start3A_1333 = arith.constant 0 : i32
        %dma_start3A_1334 = tpu.memref_slice %arg12[%dma_start3A_1330, %dma_start3A_1332, %dma_start3A_1333] : memref<7x72x64xf32, #tpu.memory_space<vmem>> -> memref<1x72x64xf32, #tpu.memory_space<vmem>>
        %dma_start3A_1335 = tpu.memref_squeeze %dma_start3A_1334 : memref<1x72x64xf32, #tpu.memory_space<vmem>> -> memref<72x64xf32, #tpu.memory_space<vmem>>
        %dma_start3A_1336 = arith.constant 0 : i32
        %dma_start3A_1337 = tpu.memref_slice %arg10[%add3A_1329, %dma_start3A_1336] : memref<70x72xi32, #tpu.memory_space<vmem>> -> memref<1x72xi32, #tpu.memory_space<vmem>>
        %dma_start3A_1338 = tpu.memref_squeeze %dma_start3A_1337 : memref<1x72xi32, #tpu.memory_space<vmem>> -> memref<72xi32, #tpu.memory_space<vmem>>
        %dma_start3A_1339 = arith.constant 0 : i32
        %dma_start3A_1340 = arith.constant 0 : i32
        %dma_start3A_1341 = tpu.memref_slice %arg14[%dma_start3A_1339, %dma_start3A_1340] : memref<10000x64xf32, #tpu.memory_space<vmem_shared>> -> memref<10000x64xf32, #tpu.memory_space<vmem_shared>>
        %dma_start3A_1342 = tpu.memref_slice %arg17[%dma_start3A_1331] : memref<7x!tpu.dma_semaphore, #tpu.memory_space<semaphore_mem>> -> memref<1x!tpu.dma_semaphore, #tpu.memory_space<semaphore_mem>>
        %dma_start3A_1343 = tpu.memref_squeeze %dma_start3A_1342 : memref<1x!tpu.dma_semaphore, #tpu.memory_space<semaphore_mem>> -> memref<!tpu.dma_semaphore, #tpu.memory_space<semaphore_mem>>
        tpu.enqueue_indirect_dma source(%dma_start3A_1341 : memref<10000x64xf32, #tpu.memory_space<vmem_shared>>) target(%dma_start3A_1335 : memref<72x64xf32, #tpu.memory_space<vmem>>) offsets(%dma_start3A_1338 : memref<72xi32, #tpu.memory_space<vmem>>) semaphore(%dma_start3A_1343 : memref<!tpu.dma_semaphore, #tpu.memory_space<semaphore_mem>>)
      } else {
      }
      %add3A_1300 = arith.constant 5 : i32
      %add3A_1301 = arith.addi %mul3A_1057, %add3A_1300 : i32
      %lt3A_1302 = arith.constant 9 : i32
      %lt3A_1303 = arith.cmpi slt, %scan3A_1055, %lt3A_1302 : i32
      %convert_element_type3A_1304 = arith.extui %lt3A_1303 : i1 to i32
      %cond3A_1305 = arith.constant 0 : i32
      %cond3A_1306 = arith.cmpi ne, %convert_element_type3A_1304, %cond3A_1305 : i32
      scf.if %cond3A_1306 {
        %dma_wait3A_1314 = arith.constant 5 : i32
        %dma_wait3A_1315 = arith.constant 5 : i32
        %dma_wait3A_1316 = arith.constant 0 : i32
        %dma_wait3A_1317 = arith.constant 0 : i32
        %dma_wait3A_1318 = tpu.memref_slice %arg12[%dma_wait3A_1314, %dma_wait3A_1316, %dma_wait3A_1317] : memref<7x72x64xf32, #tpu.memory_space<vmem>> -> memref<1x72x64xf32, #tpu.memory_space<vmem>>
        %dma_wait3A_1319 = tpu.memref_squeeze %dma_wait3A_1318 : memref<1x72x64xf32, #tpu.memory_space<vmem>> -> memref<72x64xf32, #tpu.memory_space<vmem>>
        %dma_wait3A_1320 = arith.constant 0 : i32
        %dma_wait3A_1321 = tpu.memref_slice %arg11[%add3A_1301, %dma_wait3A_1320] : memref<70x72xi32, #tpu.memory_space<vmem>> -> memref<1x72xi32, #tpu.memory_space<vmem>>
        %dma_wait3A_1322 = tpu.memref_squeeze %dma_wait3A_1321 : memref<1x72xi32, #tpu.memory_space<vmem>> -> memref<72xi32, #tpu.memory_space<vmem>>
        %dma_wait3A_1323 = arith.constant 0 : i32
        %dma_wait3A_1324 = arith.constant 0 : i32
        %dma_wait3A_1325 = tpu.memref_slice %arg15[%dma_wait3A_1323, %dma_wait3A_1324] : memref<10240x64xf32, #tpu.memory_space<vmem_shared>> -> memref<10240x64xf32, #tpu.memory_space<vmem_shared>>
        %dma_wait3A_1326 = tpu.memref_slice %arg18[%dma_wait3A_1315] : memref<7x!tpu.dma_semaphore, #tpu.memory_space<semaphore_mem>> -> memref<1x!tpu.dma_semaphore, #tpu.memory_space<semaphore_mem>>
        %dma_wait3A_1327 = tpu.memref_squeeze %dma_wait3A_1326 : memref<1x!tpu.dma_semaphore, #tpu.memory_space<semaphore_mem>> -> memref<!tpu.dma_semaphore, #tpu.memory_space<semaphore_mem>>
        tpu.wait_indirect_dma semaphore(%dma_wait3A_1327 : memref<!tpu.dma_semaphore, #tpu.memory_space<semaphore_mem>>) src(%dma_wait3A_1319 : memref<72x64xf32, #tpu.memory_space<vmem>>) dst(%dma_wait3A_1325 : memref<10240x64xf32, #tpu.memory_space<vmem_shared>>)
        %add3A_1328 = arith.constant 7 : i32
        %add3A_1329 = arith.addi %add3A_1301, %add3A_1328 : i32
        %dma_start3A_1330 = arith.constant 5 : i32
        %dma_start3A_1331 = arith.constant 5 : i32
        %dma_start3A_1332 = arith.constant 0 : i32
        %dma_start3A_1333 = arith.constant 0 : i32
        %dma_start3A_1334 = tpu.memref_slice %arg12[%dma_start3A_1330, %dma_start3A_1332, %dma_start3A_1333] : memref<7x72x64xf32, #tpu.memory_space<vmem>> -> memref<1x72x64xf32, #tpu.memory_space<vmem>>
        %dma_start3A_1335 = tpu.memref_squeeze %dma_start3A_1334 : memref<1x72x64xf32, #tpu.memory_space<vmem>> -> memref<72x64xf32, #tpu.memory_space<vmem>>
        %dma_start3A_1336 = arith.constant 0 : i32
        %dma_start3A_1337 = tpu.memref_slice %arg10[%add3A_1329, %dma_start3A_1336] : memref<70x72xi32, #tpu.memory_space<vmem>> -> memref<1x72xi32, #tpu.memory_space<vmem>>
        %dma_start3A_1338 = tpu.memref_squeeze %dma_start3A_1337 : memref<1x72xi32, #tpu.memory_space<vmem>> -> memref<72xi32, #tpu.memory_space<vmem>>
        %dma_start3A_1339 = arith.constant 0 : i32
        %dma_start3A_1340 = arith.constant 0 : i32
        %dma_start3A_1341 = tpu.memref_slice %arg14[%dma_start3A_1339, %dma_start3A_1340] : memref<10000x64xf32, #tpu.memory_space<vmem_shared>> -> memref<10000x64xf32, #tpu.memory_space<vmem_shared>>
        %dma_start3A_1342 = tpu.memref_slice %arg17[%dma_start3A_1331] : memref<7x!tpu.dma_semaphore, #tpu.memory_space<semaphore_mem>> -> memref<1x!tpu.dma_semaphore, #tpu.memory_space<semaphore_mem>>
        %dma_start3A_1343 = tpu.memref_squeeze %dma_start3A_1342 : memref<1x!tpu.dma_semaphore, #tpu.memory_space<semaphore_mem>> -> memref<!tpu.dma_semaphore, #tpu.memory_space<semaphore_mem>>
        tpu.enqueue_indirect_dma source(%dma_start3A_1341 : memref<10000x64xf32, #tpu.memory_space<vmem_shared>>) target(%dma_start3A_1335 : memref<72x64xf32, #tpu.memory_space<vmem>>) offsets(%dma_start3A_1338 : memref<72xi32, #tpu.memory_space<vmem>>) semaphore(%dma_start3A_1343 : memref<!tpu.dma_semaphore, #tpu.memory_space<semaphore_mem>>)
      } else {
      }
      %add3A_1307 = arith.constant 6 : i32
      %add3A_1308 = arith.addi %mul3A_1057, %add3A_1307 : i32
      %lt3A_1309 = arith.constant 9 : i32
      %lt3A_1310 = arith.cmpi slt, %scan3A_1055, %lt3A_1309 : i32
      %convert_element_type3A_1311 = arith.extui %lt3A_1310 : i1 to i32
      %cond3A_1312 = arith.constant 0 : i32
      %cond3A_1313 = arith.cmpi ne, %convert_element_type3A_1311, %cond3A_1312 : i32
      scf.if %cond3A_1313 {
        %dma_wait3A_1314 = arith.constant 6 : i32
        %dma_wait3A_1315 = arith.constant 6 : i32
        %dma_wait3A_1316 = arith.constant 0 : i32
        %dma_wait3A_1317 = arith.constant 0 : i32
        %dma_wait3A_1318 = tpu.memref_slice %arg12[%dma_wait3A_1314, %dma_wait3A_1316, %dma_wait3A_1317] : memref<7x72x64xf32, #tpu.memory_space<vmem>> -> memref<1x72x64xf32, #tpu.memory_space<vmem>>
        %dma_wait3A_1319 = tpu.memref_squeeze %dma_wait3A_1318 : memref<1x72x64xf32, #tpu.memory_space<vmem>> -> memref<72x64xf32, #tpu.memory_space<vmem>>
        %dma_wait3A_1320 = arith.constant 0 : i32
        %dma_wait3A_1321 = tpu.memref_slice %arg11[%add3A_1308, %dma_wait3A_1320] : memref<70x72xi32, #tpu.memory_space<vmem>> -> memref<1x72xi32, #tpu.memory_space<vmem>>
        %dma_wait3A_1322 = tpu.memref_squeeze %dma_wait3A_1321 : memref<1x72xi32, #tpu.memory_space<vmem>> -> memref<72xi32, #tpu.memory_space<vmem>>
        %dma_wait3A_1323 = arith.constant 0 : i32
        %dma_wait3A_1324 = arith.constant 0 : i32
        %dma_wait3A_1325 = tpu.memref_slice %arg15[%dma_wait3A_1323, %dma_wait3A_1324] : memref<10240x64xf32, #tpu.memory_space<vmem_shared>> -> memref<10240x64xf32, #tpu.memory_space<vmem_shared>>
        %dma_wait3A_1326 = tpu.memref_slice %arg18[%dma_wait3A_1315] : memref<7x!tpu.dma_semaphore, #tpu.memory_space<semaphore_mem>> -> memref<1x!tpu.dma_semaphore, #tpu.memory_space<semaphore_mem>>
        %dma_wait3A_1327 = tpu.memref_squeeze %dma_wait3A_1326 : memref<1x!tpu.dma_semaphore, #tpu.memory_space<semaphore_mem>> -> memref<!tpu.dma_semaphore, #tpu.memory_space<semaphore_mem>>
        tpu.wait_indirect_dma semaphore(%dma_wait3A_1327 : memref<!tpu.dma_semaphore, #tpu.memory_space<semaphore_mem>>) src(%dma_wait3A_1319 : memref<72x64xf32, #tpu.memory_space<vmem>>) dst(%dma_wait3A_1325 : memref<10240x64xf32, #tpu.memory_space<vmem_shared>>)
        %add3A_1328 = arith.constant 7 : i32
        %add3A_1329 = arith.addi %add3A_1308, %add3A_1328 : i32
        %dma_start3A_1330 = arith.constant 6 : i32
        %dma_start3A_1331 = arith.constant 6 : i32
        %dma_start3A_1332 = arith.constant 0 : i32
        %dma_start3A_1333 = arith.constant 0 : i32
        %dma_start3A_1334 = tpu.memref_slice %arg12[%dma_start3A_1330, %dma_start3A_1332, %dma_start3A_1333] : memref<7x72x64xf32, #tpu.memory_space<vmem>> -> memref<1x72x64xf32, #tpu.memory_space<vmem>>
        %dma_start3A_1335 = tpu.memref_squeeze %dma_start3A_1334 : memref<1x72x64xf32, #tpu.memory_space<vmem>> -> memref<72x64xf32, #tpu.memory_space<vmem>>
        %dma_start3A_1336 = arith.constant 0 : i32
        %dma_start3A_1337 = tpu.memref_slice %arg10[%add3A_1329, %dma_start3A_1336] : memref<70x72xi32, #tpu.memory_space<vmem>> -> memref<1x72xi32, #tpu.memory_space<vmem>>
        %dma_start3A_1338 = tpu.memref_squeeze %dma_start3A_1337 : memref<1x72xi32, #tpu.memory_space<vmem>> -> memref<72xi32, #tpu.memory_space<vmem>>
        %dma_start3A_1339 = arith.constant 0 : i32
        %dma_start3A_1340 = arith.constant 0 : i32
        %dma_start3A_1341 = tpu.memref_slice %arg14[%dma_start3A_1339, %dma_start3A_1340] : memref<10000x64xf32, #tpu.memory_space<vmem_shared>> -> memref<10000x64xf32, #tpu.memory_space<vmem_shared>>
        %dma_start3A_1342 = tpu.memref_slice %arg17[%dma_start3A_1331] : memref<7x!tpu.dma_semaphore, #tpu.memory_space<semaphore_mem>> -> memref<1x!tpu.dma_semaphore, #tpu.memory_space<semaphore_mem>>
        %dma_start3A_1343 = tpu.memref_squeeze %dma_start3A_1342 : memref<1x!tpu.dma_semaphore, #tpu.memory_space<semaphore_mem>> -> memref<!tpu.dma_semaphore, #tpu.memory_space<semaphore_mem>>
        tpu.enqueue_indirect_dma source(%dma_start3A_1341 : memref<10000x64xf32, #tpu.memory_space<vmem_shared>>) target(%dma_start3A_1335 : memref<72x64xf32, #tpu.memory_space<vmem>>) offsets(%dma_start3A_1338 : memref<72xi32, #tpu.memory_space<vmem>>) semaphore(%dma_start3A_1343 : memref<!tpu.dma_semaphore, #tpu.memory_space<semaphore_mem>>)
      } else {
      }
    }
    %scan3A_943 = arith.constant 10 : i32
    %dma_wait3A_944 = arith.constant 0 : i32
    %dma_wait3A_945 = arith.constant 63 : i32
    %dma_wait3A_946 = arith.constant 0 : i32
    %dma_wait3A_947 = arith.constant 0 : i32
    %dma_wait3A_948 = arith.constant 0 : i32
    %dma_wait3A_949 = tpu.memref_slice %arg12[%dma_wait3A_944, %dma_wait3A_947, %dma_wait3A_948] : memref<7x72x64xf32, #tpu.memory_space<vmem>> -> memref<1x72x64xf32, #tpu.memory_space<vmem>>
    %dma_wait3A_950 = tpu.memref_squeeze %dma_wait3A_949 : memref<1x72x64xf32, #tpu.memory_space<vmem>> -> memref<72x64xf32, #tpu.memory_space<vmem>>
    %dma_wait3A_951 = arith.constant 0 : i32
    %dma_wait3A_952 = tpu.memref_slice %arg11[%dma_wait3A_945, %dma_wait3A_951] : memref<70x72xi32, #tpu.memory_space<vmem>> -> memref<1x72xi32, #tpu.memory_space<vmem>>
    %dma_wait3A_953 = tpu.memref_squeeze %dma_wait3A_952 : memref<1x72xi32, #tpu.memory_space<vmem>> -> memref<72xi32, #tpu.memory_space<vmem>>
    %dma_wait3A_954 = arith.constant 0 : i32
    %dma_wait3A_955 = arith.constant 0 : i32
    %dma_wait3A_956 = tpu.memref_slice %arg15[%dma_wait3A_954, %dma_wait3A_955] : memref<10240x64xf32, #tpu.memory_space<vmem_shared>> -> memref<10240x64xf32, #tpu.memory_space<vmem_shared>>
    %dma_wait3A_957 = tpu.memref_slice %arg18[%dma_wait3A_946] : memref<7x!tpu.dma_semaphore, #tpu.memory_space<semaphore_mem>> -> memref<1x!tpu.dma_semaphore, #tpu.memory_space<semaphore_mem>>
    %dma_wait3A_958 = tpu.memref_squeeze %dma_wait3A_957 : memref<1x!tpu.dma_semaphore, #tpu.memory_space<semaphore_mem>> -> memref<!tpu.dma_semaphore, #tpu.memory_space<semaphore_mem>>
    tpu.wait_indirect_dma semaphore(%dma_wait3A_958 : memref<!tpu.dma_semaphore, #tpu.memory_space<semaphore_mem>>) src(%dma_wait3A_950 : memref<72x64xf32, #tpu.memory_space<vmem>>) dst(%dma_wait3A_956 : memref<10240x64xf32, #tpu.memory_space<vmem_shared>>)
    %dma_wait3A_959 = arith.constant 1 : i32
    %dma_wait3A_960 = arith.constant 64 : i32
    %dma_wait3A_961 = arith.constant 1 : i32
    %dma_wait3A_962 = arith.constant 0 : i32
    %dma_wait3A_963 = arith.constant 0 : i32
    %dma_wait3A_964 = tpu.memref_slice %arg12[%dma_wait3A_959, %dma_wait3A_962, %dma_wait3A_963] : memref<7x72x64xf32, #tpu.memory_space<vmem>> -> memref<1x72x64xf32, #tpu.memory_space<vmem>>
    %dma_wait3A_965 = tpu.memref_squeeze %dma_wait3A_964 : memref<1x72x64xf32, #tpu.memory_space<vmem>> -> memref<72x64xf32, #tpu.memory_space<vmem>>
    %dma_wait3A_966 = arith.constant 0 : i32
    %dma_wait3A_967 = tpu.memref_slice %arg11[%dma_wait3A_960, %dma_wait3A_966] : memref<70x72xi32, #tpu.memory_space<vmem>> -> memref<1x72xi32, #tpu.memory_space<vmem>>
    %dma_wait3A_968 = tpu.memref_squeeze %dma_wait3A_967 : memref<1x72xi32, #tpu.memory_space<vmem>> -> memref<72xi32, #tpu.memory_space<vmem>>
    %dma_wait3A_969 = arith.constant 0 : i32
    %dma_wait3A_970 = arith.constant 0 : i32
    %dma_wait3A_971 = tpu.memref_slice %arg15[%dma_wait3A_969, %dma_wait3A_970] : memref<10240x64xf32, #tpu.memory_space<vmem_shared>> -> memref<10240x64xf32, #tpu.memory_space<vmem_shared>>
    %dma_wait3A_972 = tpu.memref_slice %arg18[%dma_wait3A_961] : memref<7x!tpu.dma_semaphore, #tpu.memory_space<semaphore_mem>> -> memref<1x!tpu.dma_semaphore, #tpu.memory_space<semaphore_mem>>
    %dma_wait3A_973 = tpu.memref_squeeze %dma_wait3A_972 : memref<1x!tpu.dma_semaphore, #tpu.memory_space<semaphore_mem>> -> memref<!tpu.dma_semaphore, #tpu.memory_space<semaphore_mem>>
    tpu.wait_indirect_dma semaphore(%dma_wait3A_973 : memref<!tpu.dma_semaphore, #tpu.memory_space<semaphore_mem>>) src(%dma_wait3A_965 : memref<72x64xf32, #tpu.memory_space<vmem>>) dst(%dma_wait3A_971 : memref<10240x64xf32, #tpu.memory_space<vmem_shared>>)
    %dma_wait3A_974 = arith.constant 2 : i32
    %dma_wait3A_975 = arith.constant 65 : i32
    %dma_wait3A_976 = arith.constant 2 : i32
    %dma_wait3A_977 = arith.constant 0 : i32
    %dma_wait3A_978 = arith.constant 0 : i32
    %dma_wait3A_979 = tpu.memref_slice %arg12[%dma_wait3A_974, %dma_wait3A_977, %dma_wait3A_978] : memref<7x72x64xf32, #tpu.memory_space<vmem>> -> memref<1x72x64xf32, #tpu.memory_space<vmem>>
    %dma_wait3A_980 = tpu.memref_squeeze %dma_wait3A_979 : memref<1x72x64xf32, #tpu.memory_space<vmem>> -> memref<72x64xf32, #tpu.memory_space<vmem>>
    %dma_wait3A_981 = arith.constant 0 : i32
    %dma_wait3A_982 = tpu.memref_slice %arg11[%dma_wait3A_975, %dma_wait3A_981] : memref<70x72xi32, #tpu.memory_space<vmem>> -> memref<1x72xi32, #tpu.memory_space<vmem>>
    %dma_wait3A_983 = tpu.memref_squeeze %dma_wait3A_982 : memref<1x72xi32, #tpu.memory_space<vmem>> -> memref<72xi32, #tpu.memory_space<vmem>>
    %dma_wait3A_984 = arith.constant 0 : i32
    %dma_wait3A_985 = arith.constant 0 : i32
    %dma_wait3A_986 = tpu.memref_slice %arg15[%dma_wait3A_984, %dma_wait3A_985] : memref<10240x64xf32, #tpu.memory_space<vmem_shared>> -> memref<10240x64xf32, #tpu.memory_space<vmem_shared>>
    %dma_wait3A_987 = tpu.memref_slice %arg18[%dma_wait3A_976] : memref<7x!tpu.dma_semaphore, #tpu.memory_space<semaphore_mem>> -> memref<1x!tpu.dma_semaphore, #tpu.memory_space<semaphore_mem>>
    %dma_wait3A_988 = tpu.memref_squeeze %dma_wait3A_987 : memref<1x!tpu.dma_semaphore, #tpu.memory_space<semaphore_mem>> -> memref<!tpu.dma_semaphore, #tpu.memory_space<semaphore_mem>>
    tpu.wait_indirect_dma semaphore(%dma_wait3A_988 : memref<!tpu.dma_semaphore, #tpu.memory_space<semaphore_mem>>) src(%dma_wait3A_980 : memref<72x64xf32, #tpu.memory_space<vmem>>) dst(%dma_wait3A_986 : memref<10240x64xf32, #tpu.memory_space<vmem_shared>>)
    %dma_wait3A_989 = arith.constant 3 : i32
    %dma_wait3A_990 = arith.constant 66 : i32
    %dma_wait3A_991 = arith.constant 3 : i32
    %dma_wait3A_992 = arith.constant 0 : i32
    %dma_wait3A_993 = arith.constant 0 : i32
    %dma_wait3A_994 = tpu.memref_slice %arg12[%dma_wait3A_989, %dma_wait3A_992, %dma_wait3A_993] : memref<7x72x64xf32, #tpu.memory_space<vmem>> -> memref<1x72x64xf32, #tpu.memory_space<vmem>>
    %dma_wait3A_995 = tpu.memref_squeeze %dma_wait3A_994 : memref<1x72x64xf32, #tpu.memory_space<vmem>> -> memref<72x64xf32, #tpu.memory_space<vmem>>
    %dma_wait3A_996 = arith.constant 0 : i32
    %dma_wait3A_997 = tpu.memref_slice %arg11[%dma_wait3A_990, %dma_wait3A_996] : memref<70x72xi32, #tpu.memory_space<vmem>> -> memref<1x72xi32, #tpu.memory_space<vmem>>
    %dma_wait3A_998 = tpu.memref_squeeze %dma_wait3A_997 : memref<1x72xi32, #tpu.memory_space<vmem>> -> memref<72xi32, #tpu.memory_space<vmem>>
    %dma_wait3A_999 = arith.constant 0 : i32
    %dma_wait3A_1000 = arith.constant 0 : i32
    %dma_wait3A_1001 = tpu.memref_slice %arg15[%dma_wait3A_999, %dma_wait3A_1000] : memref<10240x64xf32, #tpu.memory_space<vmem_shared>> -> memref<10240x64xf32, #tpu.memory_space<vmem_shared>>
    %dma_wait3A_1002 = tpu.memref_slice %arg18[%dma_wait3A_991] : memref<7x!tpu.dma_semaphore, #tpu.memory_space<semaphore_mem>> -> memref<1x!tpu.dma_semaphore, #tpu.memory_space<semaphore_mem>>
    %dma_wait3A_1003 = tpu.memref_squeeze %dma_wait3A_1002 : memref<1x!tpu.dma_semaphore, #tpu.memory_space<semaphore_mem>> -> memref<!tpu.dma_semaphore, #tpu.memory_space<semaphore_mem>>
    tpu.wait_indirect_dma semaphore(%dma_wait3A_1003 : memref<!tpu.dma_semaphore, #tpu.memory_space<semaphore_mem>>) src(%dma_wait3A_995 : memref<72x64xf32, #tpu.memory_space<vmem>>) dst(%dma_wait3A_1001 : memref<10240x64xf32, #tpu.memory_space<vmem_shared>>)
    %dma_wait3A_1004 = arith.constant 4 : i32
    %dma_wait3A_1005 = arith.constant 67 : i32
    %dma_wait3A_1006 = arith.constant 4 : i32
    %dma_wait3A_1007 = arith.constant 0 : i32
    %dma_wait3A_1008 = arith.constant 0 : i32
    %dma_wait3A_1009 = tpu.memref_slice %arg12[%dma_wait3A_1004, %dma_wait3A_1007, %dma_wait3A_1008] : memref<7x72x64xf32, #tpu.memory_space<vmem>> -> memref<1x72x64xf32, #tpu.memory_space<vmem>>
    %dma_wait3A_1010 = tpu.memref_squeeze %dma_wait3A_1009 : memref<1x72x64xf32, #tpu.memory_space<vmem>> -> memref<72x64xf32, #tpu.memory_space<vmem>>
    %dma_wait3A_1011 = arith.constant 0 : i32
    %dma_wait3A_1012 = tpu.memref_slice %arg11[%dma_wait3A_1005, %dma_wait3A_1011] : memref<70x72xi32, #tpu.memory_space<vmem>> -> memref<1x72xi32, #tpu.memory_space<vmem>>
    %dma_wait3A_1013 = tpu.memref_squeeze %dma_wait3A_1012 : memref<1x72xi32, #tpu.memory_space<vmem>> -> memref<72xi32, #tpu.memory_space<vmem>>
    %dma_wait3A_1014 = arith.constant 0 : i32
    %dma_wait3A_1015 = arith.constant 0 : i32
    %dma_wait3A_1016 = tpu.memref_slice %arg15[%dma_wait3A_1014, %dma_wait3A_1015] : memref<10240x64xf32, #tpu.memory_space<vmem_shared>> -> memref<10240x64xf32, #tpu.memory_space<vmem_shared>>
    %dma_wait3A_1017 = tpu.memref_slice %arg18[%dma_wait3A_1006] : memref<7x!tpu.dma_semaphore, #tpu.memory_space<semaphore_mem>> -> memref<1x!tpu.dma_semaphore, #tpu.memory_space<semaphore_mem>>
    %dma_wait3A_1018 = tpu.memref_squeeze %dma_wait3A_1017 : memref<1x!tpu.dma_semaphore, #tpu.memory_space<semaphore_mem>> -> memref<!tpu.dma_semaphore, #tpu.memory_space<semaphore_mem>>
    tpu.wait_indirect_dma semaphore(%dma_wait3A_1018 : memref<!tpu.dma_semaphore, #tpu.memory_space<semaphore_mem>>) src(%dma_wait3A_1010 : memref<72x64xf32, #tpu.memory_space<vmem>>) dst(%dma_wait3A_1016 : memref<10240x64xf32, #tpu.memory_space<vmem_shared>>)
    %dma_wait3A_1019 = arith.constant 5 : i32
    %dma_wait3A_1020 = arith.constant 68 : i32
    %dma_wait3A_1021 = arith.constant 5 : i32
    %dma_wait3A_1022 = arith.constant 0 : i32
    %dma_wait3A_1023 = arith.constant 0 : i32
    %dma_wait3A_1024 = tpu.memref_slice %arg12[%dma_wait3A_1019, %dma_wait3A_1022, %dma_wait3A_1023] : memref<7x72x64xf32, #tpu.memory_space<vmem>> -> memref<1x72x64xf32, #tpu.memory_space<vmem>>
    %dma_wait3A_1025 = tpu.memref_squeeze %dma_wait3A_1024 : memref<1x72x64xf32, #tpu.memory_space<vmem>> -> memref<72x64xf32, #tpu.memory_space<vmem>>
    %dma_wait3A_1026 = arith.constant 0 : i32
    %dma_wait3A_1027 = tpu.memref_slice %arg11[%dma_wait3A_1020, %dma_wait3A_1026] : memref<70x72xi32, #tpu.memory_space<vmem>> -> memref<1x72xi32, #tpu.memory_space<vmem>>
    %dma_wait3A_1028 = tpu.memref_squeeze %dma_wait3A_1027 : memref<1x72xi32, #tpu.memory_space<vmem>> -> memref<72xi32, #tpu.memory_space<vmem>>
    %dma_wait3A_1029 = arith.constant 0 : i32
    %dma_wait3A_1030 = arith.constant 0 : i32
    %dma_wait3A_1031 = tpu.memref_slice %arg15[%dma_wait3A_1029, %dma_wait3A_1030] : memref<10240x64xf32, #tpu.memory_space<vmem_shared>> -> memref<10240x64xf32, #tpu.memory_space<vmem_shared>>
    %dma_wait3A_1032 = tpu.memref_slice %arg18[%dma_wait3A_1021] : memref<7x!tpu.dma_semaphore, #tpu.memory_space<semaphore_mem>> -> memref<1x!tpu.dma_semaphore, #tpu.memory_space<semaphore_mem>>
    %dma_wait3A_1033 = tpu.memref_squeeze %dma_wait3A_1032 : memref<1x!tpu.dma_semaphore, #tpu.memory_space<semaphore_mem>> -> memref<!tpu.dma_semaphore, #tpu.memory_space<semaphore_mem>>
    tpu.wait_indirect_dma semaphore(%dma_wait3A_1033 : memref<!tpu.dma_semaphore, #tpu.memory_space<semaphore_mem>>) src(%dma_wait3A_1025 : memref<72x64xf32, #tpu.memory_space<vmem>>) dst(%dma_wait3A_1031 : memref<10240x64xf32, #tpu.memory_space<vmem_shared>>)
    %dma_wait3A_1034 = arith.constant 6 : i32
    %dma_wait3A_1035 = arith.constant 69 : i32
    %dma_wait3A_1036 = arith.constant 6 : i32
    %dma_wait3A_1037 = arith.constant 0 : i32
    %dma_wait3A_1038 = arith.constant 0 : i32
    %dma_wait3A_1039 = tpu.memref_slice %arg12[%dma_wait3A_1034, %dma_wait3A_1037, %dma_wait3A_1038] : memref<7x72x64xf32, #tpu.memory_space<vmem>> -> memref<1x72x64xf32, #tpu.memory_space<vmem>>
    %dma_wait3A_1040 = tpu.memref_squeeze %dma_wait3A_1039 : memref<1x72x64xf32, #tpu.memory_space<vmem>> -> memref<72x64xf32, #tpu.memory_space<vmem>>
    %dma_wait3A_1041 = arith.constant 0 : i32
    %dma_wait3A_1042 = tpu.memref_slice %arg11[%dma_wait3A_1035, %dma_wait3A_1041] : memref<70x72xi32, #tpu.memory_space<vmem>> -> memref<1x72xi32, #tpu.memory_space<vmem>>
    %dma_wait3A_1043 = tpu.memref_squeeze %dma_wait3A_1042 : memref<1x72xi32, #tpu.memory_space<vmem>> -> memref<72xi32, #tpu.memory_space<vmem>>
    %dma_wait3A_1044 = arith.constant 0 : i32
    %dma_wait3A_1045 = arith.constant 0 : i32
    %dma_wait3A_1046 = tpu.memref_slice %arg15[%dma_wait3A_1044, %dma_wait3A_1045] : memref<10240x64xf32, #tpu.memory_space<vmem_shared>> -> memref<10240x64xf32, #tpu.memory_space<vmem_shared>>
    %dma_wait3A_1047 = tpu.memref_slice %arg18[%dma_wait3A_1036] : memref<7x!tpu.dma_semaphore, #tpu.memory_space<semaphore_mem>> -> memref<1x!tpu.dma_semaphore, #tpu.memory_space<semaphore_mem>>
    %dma_wait3A_1048 = tpu.memref_squeeze %dma_wait3A_1047 : memref<1x!tpu.dma_semaphore, #tpu.memory_space<semaphore_mem>> -> memref<!tpu.dma_semaphore, #tpu.memory_space<semaphore_mem>>
    tpu.wait_indirect_dma semaphore(%dma_wait3A_1048 : memref<!tpu.dma_semaphore, #tpu.memory_space<semaphore_mem>>) src(%dma_wait3A_1040 : memref<72x64xf32, #tpu.memory_space<vmem>>) dst(%dma_wait3A_1046 : memref<10240x64xf32, #tpu.memory_space<vmem_shared>>)
    %barrier3A_1049 = arith.constant 0 : index
    tpu.barrier barrier_id(%barrier3A_1049)
    %mul3A_1050 = arith.constant 640 : i32
    %mul3A_1051 = arith.muli %arg1, %mul3A_1050 : i32
    %mul3A_1052 = arith.constant 640 : i32
    %mul3A_1053 = arith.muli %arg1, %mul3A_1052 : i32
    %run_scoped3A_1054 = arith.constant 1 : i32
    "tpu.region"() ({
      %run_scoped3A_1055 = tpu.sem_alloc : memref<!tpu.dma_semaphore, #tpu.memory_space<semaphore_mem>>
      %dma_start3A_1056 = arith.constant 0 : i32
      %dma_start3A_1057 = tpu.memref_slice %arg8[%run_scoped3A_1054, %add3A_829, %mul3A_1053, %dma_start3A_1056] : memref<2x4x10240x64xf32, #tpu.memory_space<hbm>> -> memref<1x1x640x64xf32, #tpu.memory_space<hbm>>
      %dma_start3A_1058 = tpu.memref_squeeze %dma_start3A_1057 : memref<1x1x640x64xf32, #tpu.memory_space<hbm>> -> memref<640x64xf32, #tpu.memory_space<hbm>>
      %dma_start3A_1059 = arith.constant 0 : i32
      %dma_start3A_1060 = tpu.memref_slice %arg15[%mul3A_1051, %dma_start3A_1059] : memref<10240x64xf32, #tpu.memory_space<vmem_shared>> -> memref<640x64xf32, #tpu.memory_space<vmem_shared>>
      tpu.enqueue_dma source(%dma_start3A_1060 : memref<640x64xf32, #tpu.memory_space<vmem_shared>>) target(%dma_start3A_1058 : memref<640x64xf32, #tpu.memory_space<hbm>>) target_semaphore(%run_scoped3A_1055 : memref<!tpu.dma_semaphore, #tpu.memory_space<semaphore_mem>>)
      %dma_wait3A_1061 = arith.constant 0 : i32
      %dma_wait3A_1062 = tpu.memref_slice %arg8[%run_scoped3A_1054, %add3A_829, %mul3A_1053, %dma_wait3A_1061] : memref<2x4x10240x64xf32, #tpu.memory_space<hbm>> -> memref<1x1x640x64xf32, #tpu.memory_space<hbm>>
      %dma_wait3A_1063 = tpu.memref_squeeze %dma_wait3A_1062 : memref<1x1x640x64xf32, #tpu.memory_space<hbm>> -> memref<640x64xf32, #tpu.memory_space<hbm>>
      %dma_wait3A_1064 = arith.constant 0 : i32
      %dma_wait3A_1065 = tpu.memref_slice %arg15[%mul3A_1051, %dma_wait3A_1064] : memref<10240x64xf32, #tpu.memory_space<vmem_shared>> -> memref<640x64xf32, #tpu.memory_space<vmem_shared>>
      tpu.wait_dma2 semaphore(%run_scoped3A_1055 : memref<!tpu.dma_semaphore, #tpu.memory_space<semaphore_mem>>) src(%dma_wait3A_1065 : memref<640x64xf32, #tpu.memory_space<vmem_shared>>) dst(%dma_wait3A_1063 : memref<640x64xf32, #tpu.memory_space<hbm>>)
      tpu.yield
    }) : () -> ()
    return
  }
}

module attributes {stable_mosaic.version = 14 : i64} {
  func.func @_tc_body(%arg0: i32, %arg1: memref<2x4x1280x64xf32, #tpu.memory_space<vmem>>, %arg2: memref<4x1280xf32, #tpu.memory_space<vmem>>, %arg3: memref<2x128x128xf32, #tpu.memory_space<vmem>>, %arg4: memref<4x2xf32, #tpu.memory_space<smem>>, %arg5: memref<1x128xf32, #tpu.memory_space<vmem>>, %arg6: memref<1280x128xf32, #tpu.memory_space<vmem>>) attributes {dimension_semantics = [#tpu.dimension_semantics<arbitrary>], iteration_bounds = array<i64: 8>, scalar_prefetch = 0 : i64, scratch_operands = 0 : i64, tpu.core_type = #tpu.core_type<tc>, window_params = [{transform_indices = @transform_0, window_bounds = array<i64: 2, 4, 1280, 64>}, {transform_indices = @transform_1, window_bounds = array<i64: 4, 1280>}, {pipeline_mode = #tpu.pipeline_mode<synchronous>, transform_indices = @transform_2, window_bounds = array<i64: 2, 128, 128>}, {transform_indices = @transform_3, window_bounds = array<i64: 4, 2>}, {pipeline_mode = #tpu.pipeline_mode<synchronous>, transform_indices = @transform_4, window_bounds = array<i64: 1, 128>}, {transform_indices = @transform_5, window_bounds = array<i64: 1280, 128>}]} {
    %broadcast_in_dim3A = arith.constant 0.000000e+00 : f32
    %broadcast_in_dim3A_0 = vector.broadcast %broadcast_in_dim3A : f32 to vector<1280x128xf32>
    %get3A = arith.constant 0 : index
    %get3A_1 = arith.constant 0 : index
    %get3A_2 = arith.constant 0 : index
    %get3A_3 = vector.load %arg3[%get3A, %get3A_1, %get3A_2] : memref<2x128x128xf32, #tpu.memory_space<vmem>>, vector<1x128x128xf32>
    %get3A_4 = vector.shape_cast %get3A_3 : vector<1x128x128xf32> to vector<128x128xf32>
    %get3A_5 = arith.constant 1 : index
    %get3A_6 = arith.constant 0 : index
    %get3A_7 = arith.constant 0 : index
    %get3A_8 = vector.load %arg3[%get3A_5, %get3A_6, %get3A_7] : memref<2x128x128xf32, #tpu.memory_space<vmem>>, vector<1x128x128xf32>
    %get3A_9 = vector.shape_cast %get3A_8 : vector<1x128x128xf32> to vector<128x128xf32>
    %get3A_10 = arith.constant 0 : index
    %get3A_11 = arith.constant 0 : index
    %get3A_12 = memref.load %arg4[%get3A_10, %get3A_11] : memref<4x2xf32, #tpu.memory_space<smem>>
    %mul3A = vector.broadcast %get3A_12 : f32 to vector<128x128xf32>
    %mul3A_13 = arith.mulf %mul3A, %get3A_4 : vector<128x128xf32>
    %get3A_14 = arith.constant 0 : index
    %get3A_15 = arith.constant 1 : index
    %get3A_16 = memref.load %arg4[%get3A_14, %get3A_15] : memref<4x2xf32, #tpu.memory_space<smem>>
    %mul3A_17 = vector.broadcast %get3A_16 : f32 to vector<128x128xf32>
    %mul3A_18 = arith.mulf %mul3A_17, %get3A_9 : vector<128x128xf32>
    %add3A = arith.addf %mul3A_13, %mul3A_18 : vector<128x128xf32>
    %get3A_19 = arith.constant 0 : index
    %get3A_20 = arith.constant 0 : index
    %get3A_21 = vector.load %arg2[%get3A_19, %get3A_20] : memref<4x1280xf32, #tpu.memory_space<vmem>>, vector<1x1280xf32>
    %get3A_22 = vector.shape_cast %get3A_21 : vector<1x1280xf32> to vector<1280xf32>
    %max3A = arith.constant 1.000000e+00 : f32
    %max3A_23 = vector.broadcast %max3A : f32 to vector<1280xf32>
    %max3A_24 = arith.maximumf %get3A_22, %max3A_23 : vector<1280xf32>
    %broadcast_in_dim3A_25 = vector.shape_cast %max3A_24 : vector<1280xf32> to vector<1280x1xf32>
    %get3A_26 = arith.constant 0 : index
    %get3A_27 = arith.constant 0 : index
    %get3A_28 = arith.constant 0 : index
    %get3A_29 = arith.constant 0 : index
    %get3A_30 = vector.load %arg1[%get3A_26, %get3A_27, %get3A_28, %get3A_29] : memref<2x4x1280x64xf32, #tpu.memory_space<vmem>>, vector<1x1x1280x64xf32>
    %get3A_31 = vector.shape_cast %get3A_30 : vector<1x1x1280x64xf32> to vector<1280x64xf32>
    %get3A_32 = arith.constant 1 : index
    %get3A_33 = arith.constant 0 : index
    %get3A_34 = arith.constant 0 : index
    %get3A_35 = arith.constant 0 : index
    %get3A_36 = vector.load %arg1[%get3A_32, %get3A_33, %get3A_34, %get3A_35] : memref<2x4x1280x64xf32, #tpu.memory_space<vmem>>, vector<1x1x1280x64xf32>
    %get3A_37 = vector.shape_cast %get3A_36 : vector<1x1x1280x64xf32> to vector<1280x64xf32>
    %concatenate3A = tpu.concatenate %get3A_31, %get3A_37 in 1 : vector<1280x64xf32>, vector<1280x64xf32> -> vector<1280x128xf32>
    %div3A = vector.broadcast %broadcast_in_dim3A_25 : vector<1280x1xf32> to vector<1280x128xf32>
    %div3A_38 = arith.divf %concatenate3A, %div3A : vector<1280x128xf32>
    %dot_general3A = arith.constant dense<0.000000e+00> : vector<1280x128xf32>
    %dot_general3A_39 = tpu.matmul %div3A_38, %add3A, %dot_general3A {dimension_numbers = #tpu.dot_dimension_numbers<[1], [0], [0], [1], [0, 0, 1, 1], [], []>, transpose_lhs_hint = false} : vector<1280x128xf32>, vector<128x128xf32>, vector<1280x128xf32> -> vector<1280x128xf32>
    %add3A_40 = arith.addf %broadcast_in_dim3A_0, %dot_general3A_39 : vector<1280x128xf32>
    %get3A_41 = arith.constant 1 : index
    %get3A_42 = arith.constant 0 : index
    %get3A_43 = memref.load %arg4[%get3A_41, %get3A_42] : memref<4x2xf32, #tpu.memory_space<smem>>
    %mul3A_44 = vector.broadcast %get3A_43 : f32 to vector<128x128xf32>
    %mul3A_45 = arith.mulf %mul3A_44, %get3A_4 : vector<128x128xf32>
    %get3A_46 = arith.constant 1 : index
    %get3A_47 = arith.constant 1 : index
    %get3A_48 = memref.load %arg4[%get3A_46, %get3A_47] : memref<4x2xf32, #tpu.memory_space<smem>>
    %mul3A_49 = vector.broadcast %get3A_48 : f32 to vector<128x128xf32>
    %mul3A_50 = arith.mulf %mul3A_49, %get3A_9 : vector<128x128xf32>
    %add3A_51 = arith.addf %mul3A_45, %mul3A_50 : vector<128x128xf32>
    %get3A_52 = arith.constant 1 : index
    %get3A_53 = arith.constant 0 : index
    %get3A_54 = vector.load %arg2[%get3A_52, %get3A_53] : memref<4x1280xf32, #tpu.memory_space<vmem>>, vector<1x1280xf32>
    %get3A_55 = vector.shape_cast %get3A_54 : vector<1x1280xf32> to vector<1280xf32>
    %max3A_56 = arith.constant 1.000000e+00 : f32
    %max3A_57 = vector.broadcast %max3A_56 : f32 to vector<1280xf32>
    %max3A_58 = arith.maximumf %get3A_55, %max3A_57 : vector<1280xf32>
    %broadcast_in_dim3A_59 = vector.shape_cast %max3A_58 : vector<1280xf32> to vector<1280x1xf32>
    %get3A_60 = arith.constant 0 : index
    %get3A_61 = arith.constant 1 : index
    %get3A_62 = arith.constant 0 : index
    %get3A_63 = arith.constant 0 : index
    %get3A_64 = vector.load %arg1[%get3A_60, %get3A_61, %get3A_62, %get3A_63] : memref<2x4x1280x64xf32, #tpu.memory_space<vmem>>, vector<1x1x1280x64xf32>
    %get3A_65 = vector.shape_cast %get3A_64 : vector<1x1x1280x64xf32> to vector<1280x64xf32>
    %get3A_66 = arith.constant 1 : index
    %get3A_67 = arith.constant 1 : index
    %get3A_68 = arith.constant 0 : index
    %get3A_69 = arith.constant 0 : index
    %get3A_70 = vector.load %arg1[%get3A_66, %get3A_67, %get3A_68, %get3A_69] : memref<2x4x1280x64xf32, #tpu.memory_space<vmem>>, vector<1x1x1280x64xf32>
    %get3A_71 = vector.shape_cast %get3A_70 : vector<1x1x1280x64xf32> to vector<1280x64xf32>
    %concatenate3A_72 = tpu.concatenate %get3A_65, %get3A_71 in 1 : vector<1280x64xf32>, vector<1280x64xf32> -> vector<1280x128xf32>
    %div3A_73 = vector.broadcast %broadcast_in_dim3A_59 : vector<1280x1xf32> to vector<1280x128xf32>
    %div3A_74 = arith.divf %concatenate3A_72, %div3A_73 : vector<1280x128xf32>
    %dot_general3A_75 = arith.constant dense<0.000000e+00> : vector<1280x128xf32>
    %dot_general3A_76 = tpu.matmul %div3A_74, %add3A_51, %dot_general3A_75 {dimension_numbers = #tpu.dot_dimension_numbers<[1], [0], [0], [1], [0, 0, 1, 1], [], []>, transpose_lhs_hint = false} : vector<1280x128xf32>, vector<128x128xf32>, vector<1280x128xf32> -> vector<1280x128xf32>
    %add3A_77 = arith.addf %add3A_40, %dot_general3A_76 : vector<1280x128xf32>
    %get3A_78 = arith.constant 2 : index
    %get3A_79 = arith.constant 0 : index
    %get3A_80 = memref.load %arg4[%get3A_78, %get3A_79] : memref<4x2xf32, #tpu.memory_space<smem>>
    %mul3A_81 = vector.broadcast %get3A_80 : f32 to vector<128x128xf32>
    %mul3A_82 = arith.mulf %mul3A_81, %get3A_4 : vector<128x128xf32>
    %get3A_83 = arith.constant 2 : index
    %get3A_84 = arith.constant 1 : index
    %get3A_85 = memref.load %arg4[%get3A_83, %get3A_84] : memref<4x2xf32, #tpu.memory_space<smem>>
    %mul3A_86 = vector.broadcast %get3A_85 : f32 to vector<128x128xf32>
    %mul3A_87 = arith.mulf %mul3A_86, %get3A_9 : vector<128x128xf32>
    %add3A_88 = arith.addf %mul3A_82, %mul3A_87 : vector<128x128xf32>
    %get3A_89 = arith.constant 2 : index
    %get3A_90 = arith.constant 0 : index
    %get3A_91 = vector.load %arg2[%get3A_89, %get3A_90] : memref<4x1280xf32, #tpu.memory_space<vmem>>, vector<1x1280xf32>
    %get3A_92 = vector.shape_cast %get3A_91 : vector<1x1280xf32> to vector<1280xf32>
    %max3A_93 = arith.constant 1.000000e+00 : f32
    %max3A_94 = vector.broadcast %max3A_93 : f32 to vector<1280xf32>
    %max3A_95 = arith.maximumf %get3A_92, %max3A_94 : vector<1280xf32>
    %broadcast_in_dim3A_96 = vector.shape_cast %max3A_95 : vector<1280xf32> to vector<1280x1xf32>
    %get3A_97 = arith.constant 0 : index
    %get3A_98 = arith.constant 2 : index
    %get3A_99 = arith.constant 0 : index
    %get3A_100 = arith.constant 0 : index
    %get3A_101 = vector.load %arg1[%get3A_97, %get3A_98, %get3A_99, %get3A_100] : memref<2x4x1280x64xf32, #tpu.memory_space<vmem>>, vector<1x1x1280x64xf32>
    %get3A_102 = vector.shape_cast %get3A_101 : vector<1x1x1280x64xf32> to vector<1280x64xf32>
    %get3A_103 = arith.constant 1 : index
    %get3A_104 = arith.constant 2 : index
    %get3A_105 = arith.constant 0 : index
    %get3A_106 = arith.constant 0 : index
    %get3A_107 = vector.load %arg1[%get3A_103, %get3A_104, %get3A_105, %get3A_106] : memref<2x4x1280x64xf32, #tpu.memory_space<vmem>>, vector<1x1x1280x64xf32>
    %get3A_108 = vector.shape_cast %get3A_107 : vector<1x1x1280x64xf32> to vector<1280x64xf32>
    %concatenate3A_109 = tpu.concatenate %get3A_102, %get3A_108 in 1 : vector<1280x64xf32>, vector<1280x64xf32> -> vector<1280x128xf32>
    %div3A_110 = vector.broadcast %broadcast_in_dim3A_96 : vector<1280x1xf32> to vector<1280x128xf32>
    %div3A_111 = arith.divf %concatenate3A_109, %div3A_110 : vector<1280x128xf32>
    %dot_general3A_112 = arith.constant dense<0.000000e+00> : vector<1280x128xf32>
    %dot_general3A_113 = tpu.matmul %div3A_111, %add3A_88, %dot_general3A_112 {dimension_numbers = #tpu.dot_dimension_numbers<[1], [0], [0], [1], [0, 0, 1, 1], [], []>, transpose_lhs_hint = false} : vector<1280x128xf32>, vector<128x128xf32>, vector<1280x128xf32> -> vector<1280x128xf32>
    %add3A_114 = arith.addf %add3A_77, %dot_general3A_113 : vector<1280x128xf32>
    %get3A_115 = arith.constant 3 : index
    %get3A_116 = arith.constant 0 : index
    %get3A_117 = memref.load %arg4[%get3A_115, %get3A_116] : memref<4x2xf32, #tpu.memory_space<smem>>
    %mul3A_118 = vector.broadcast %get3A_117 : f32 to vector<128x128xf32>
    %mul3A_119 = arith.mulf %mul3A_118, %get3A_4 : vector<128x128xf32>
    %get3A_120 = arith.constant 3 : index
    %get3A_121 = arith.constant 1 : index
    %get3A_122 = memref.load %arg4[%get3A_120, %get3A_121] : memref<4x2xf32, #tpu.memory_space<smem>>
    %mul3A_123 = vector.broadcast %get3A_122 : f32 to vector<128x128xf32>
    %mul3A_124 = arith.mulf %mul3A_123, %get3A_9 : vector<128x128xf32>
    %add3A_125 = arith.addf %mul3A_119, %mul3A_124 : vector<128x128xf32>
    %get3A_126 = arith.constant 3 : index
    %get3A_127 = arith.constant 0 : index
    %get3A_128 = vector.load %arg2[%get3A_126, %get3A_127] : memref<4x1280xf32, #tpu.memory_space<vmem>>, vector<1x1280xf32>
    %get3A_129 = vector.shape_cast %get3A_128 : vector<1x1280xf32> to vector<1280xf32>
    %max3A_130 = arith.constant 1.000000e+00 : f32
    %max3A_131 = vector.broadcast %max3A_130 : f32 to vector<1280xf32>
    %max3A_132 = arith.maximumf %get3A_129, %max3A_131 : vector<1280xf32>
    %broadcast_in_dim3A_133 = vector.shape_cast %max3A_132 : vector<1280xf32> to vector<1280x1xf32>
    %get3A_134 = arith.constant 0 : index
    %get3A_135 = arith.constant 3 : index
    %get3A_136 = arith.constant 0 : index
    %get3A_137 = arith.constant 0 : index
    %get3A_138 = vector.load %arg1[%get3A_134, %get3A_135, %get3A_136, %get3A_137] : memref<2x4x1280x64xf32, #tpu.memory_space<vmem>>, vector<1x1x1280x64xf32>
    %get3A_139 = vector.shape_cast %get3A_138 : vector<1x1x1280x64xf32> to vector<1280x64xf32>
    %get3A_140 = arith.constant 1 : index
    %get3A_141 = arith.constant 3 : index
    %get3A_142 = arith.constant 0 : index
    %get3A_143 = arith.constant 0 : index
    %get3A_144 = vector.load %arg1[%get3A_140, %get3A_141, %get3A_142, %get3A_143] : memref<2x4x1280x64xf32, #tpu.memory_space<vmem>>, vector<1x1x1280x64xf32>
    %get3A_145 = vector.shape_cast %get3A_144 : vector<1x1x1280x64xf32> to vector<1280x64xf32>
    %concatenate3A_146 = tpu.concatenate %get3A_139, %get3A_145 in 1 : vector<1280x64xf32>, vector<1280x64xf32> -> vector<1280x128xf32>
    %div3A_147 = vector.broadcast %broadcast_in_dim3A_133 : vector<1280x1xf32> to vector<1280x128xf32>
    %div3A_148 = arith.divf %concatenate3A_146, %div3A_147 : vector<1280x128xf32>
    %dot_general3A_149 = arith.constant dense<0.000000e+00> : vector<1280x128xf32>
    %dot_general3A_150 = tpu.matmul %div3A_148, %add3A_125, %dot_general3A_149 {dimension_numbers = #tpu.dot_dimension_numbers<[1], [0], [0], [1], [0, 0, 1, 1], [], []>, transpose_lhs_hint = false} : vector<1280x128xf32>, vector<128x128xf32>, vector<1280x128xf32> -> vector<1280x128xf32>
    %add3A_151 = arith.addf %add3A_114, %dot_general3A_150 : vector<1280x128xf32>
    %get3A_152 = arith.constant 0 : index
    %get3A_153 = arith.constant 0 : index
    %get3A_154 = vector.load %arg5[%get3A_152, %get3A_153] : memref<1x128xf32, #tpu.memory_space<vmem>>, vector<1x128xf32>
    %get3A_155 = vector.shape_cast %get3A_154 : vector<1x128xf32> to vector<128xf32>
    %broadcast_in_dim3A_156 = vector.shape_cast %get3A_155 : vector<128xf32> to vector<1x128xf32>
    %add3A_157 = vector.broadcast %broadcast_in_dim3A_156 : vector<1x128xf32> to vector<1280x128xf32>
    %add3A_158 = arith.addf %add3A_151, %add3A_157 : vector<1280x128xf32>
    %swap3A = arith.constant 0 : index
    %swap3A_159 = arith.constant 0 : index
    %swap3A_160 = vector.load %arg6[%swap3A, %swap3A_159] : memref<1280x128xf32, #tpu.memory_space<vmem>>, vector<1280x128xf32>
    tpu.vector_store %arg6[%swap3A, %swap3A_159], %add3A_158 {strides = array<i32>} : memref<1280x128xf32, #tpu.memory_space<vmem>>, vector<1280x128xf32>,
    return
  }
  func.func @transform_0(%arg0: i32) -> (i32, i32, i32, i32) {
    %c0_i32 = arith.constant 0 : i32
    %c0_i32_0 = arith.constant 0 : i32
    %c0_i32_1 = arith.constant 0 : i32
    %c0_i32_2 = arith.constant 0 : i32
    return %c0_i32, %c0_i32_0, %arg0, %c0_i32_1 : i32, i32, i32, i32
  }
  func.func @transform_1(%arg0: i32) -> (i32, i32) {
    %c0_i32 = arith.constant 0 : i32
    %c0_i32_0 = arith.constant 0 : i32
    return %c0_i32, %arg0 : i32, i32
  }
  func.func @transform_2(%arg0: i32) -> (i32, i32, i32) {
    %c0_i32 = arith.constant 0 : i32
    %c0_i32_0 = arith.constant 0 : i32
    %c0_i32_1 = arith.constant 0 : i32
    %c0_i32_2 = arith.constant 0 : i32
    return %c0_i32, %c0_i32_0, %c0_i32_1 : i32, i32, i32
  }
  func.func @transform_3(%arg0: i32) -> (i32, i32) {
    %c0_i32 = arith.constant 0 : i32
    %c0_i32_0 = arith.constant 0 : i32
    %c0_i32_1 = arith.constant 0 : i32
    return %c0_i32, %c0_i32_0 : i32, i32
  }
  func.func @transform_4(%arg0: i32) -> (i32, i32) {
    %c0_i32 = arith.constant 0 : i32
    %c0_i32_0 = arith.constant 0 : i32
    %c0_i32_1 = arith.constant 0 : i32
    return %c0_i32, %c0_i32_0 : i32, i32
  }
  func.func @transform_5(%arg0: i32) -> (i32, i32) {
    %c0_i32 = arith.constant 0 : i32
    %c0_i32_0 = arith.constant 0 : i32
    return %arg0, %c0_i32 : i32, i32
  }
}

</mosaic_0001>

<sc_bundles>
// kernel: kernel.4.cloned.1.call-start
scs
__scs_entry_jumppad:
0x0: {  	(pc) =	sbr.rel $0x88, $3  }
0x1: {  	(tag) =	ssettag $0x0;
	lr =	simm.s32 $0x1  }
0x2: {  	[smem:$0x3F9C] =	sst lr;
	_ =	strace $0xD0000000  }
0x3: {  	_ = 	snop  }
0x4: {  	_ = 	snop  }
0x5: {  	_ = 	snop  }
0x6: {  	_ = 	snop  }
0x7: {  	_ = 	snop  }
__scs_overlays_trampoline_lowered:
0x8: {  	[smem:$0x3FAB] =	sst s0  }
0x9: {  	[smem:$0x3FAC] =	sst s1  }
0xa: {  	[smem:$0x3FAD] =	sst s2  }
0xb: {  	[smem:$0x3FAE] =	sst s3  }
0xc: {  	[smem:$0x3FAF] =	sst s4  }
0xd: {  	[smem:$0x3FB0] =	sst s5  }
0xe: {  	[smem:$0x3FB1] =	sst s6  }
0xf: {  	[smem:$0x3FB2] =	sst s7  }
0x10: {  	[smem:$0x3FB3] =	sst s8  }
0x11: {  	[smem:$0x3FB4] =	sst s9;
	s0 =	simm.s32 @!p0 $0x0  }
0x12: {  	s1 =	sld [smem:$0x3F9A];
	s0 =	simm.s32 @p0 $0x1  }
0x13: {  	[smem:$0x3FB5] =	sst s0;
	s0 =	simm.s32 @!p1 $0x0  }
0x14: {  	s2 =	sld [smem:$0x3F99];
	s0 =	simm.s32 @p1 $0x1  }
0x15: {  	[smem:$0x3FB6] =	sst s0;
	s0 =	simm.s32 @!p2 $0x0  }
0x16: {  	s3 =	sld [smem:$0x3FDB];
	s0 =	simm.s32 @p2 $0x1  }
0x17: {  	s4 =	simm.s32 $0x1BF5;
	[smem:$0x3FB8] =	sst s0  }
0x18: {  	s0 =	sld [smem:$0x3F9B];
	_ =	swait.ge [sflag:s4], $0x0  }
0x19: {  	s7 =	sld [smem:$0x3F9C]  }
0x1a: {  	s8 =	sadd.s32 $0xFFFFE003, lr  }
0x1b: {  	s9 =	sadd.s32 $0xFFFFFEF7, lr;
	s5 =	simm.s32 $0xFFFFFFFF;
	p2 =	slt.u32 s8, $0xFFFFF086  }
0x1c: {  	p1 =	slt.u32 s9, $0xF7A;
	s5 =	simm.s32 @!p2 $0x0  }
0x1d: {  	s5 =	simm.s32 @p1 $0x1;
	p0 =	seq.s32 s7, s2  }
0x1e: {  	s7 =	smul.u32 @!p0 $0xF7A, s2;
	p2 =	seq.s32 @!p0 s5, $0x0  }
0x1f: {  	s9 =	smul.u32 $0xF7A, s1;
	s8 =	simm.s32 @!p0 $0x1BF5;
	p2 =	por !p2, p0  }
0x20: {  	[sflag:s8] =	ssyncset.s32 @!p0 $0xFFFFF086;
	s6 =	sadd.s32 @!p0 s3, s7;
	s7 =	simm.s32 @!p0 $0x108  }
0x21: {  	s3 =	sadd.s32 s3, s9;
	s6 =	sadd.s32 @!p0 $0x88, s6;
	s7 =	simm.s32 @p2 $0x1082  }
0x22: {  	[simem:s7], [sflag:s8] =	dma.local @!p0 [hbm:s6], $0xF7A  }
0x23: {  	s9 =	sor.u32 $0xD0000000, s2;
	s6 =	simm.s32 $0x108;
	_ =	swait.ge @!p0 [sflag:s8], $0x0  }
0x24: {  	s3 =	sadd.s32 $0x88, s3;
	s6 =	simm.s32 @!p1 $0x1082;
	[sflag:s4] =	ssyncset.s32 $0xFFFFF086  }
0x25: {  	[simem:s6], [sflag:s4] =	dma.local [hbm:s3], $0xF7A  }
0x26: {  	[smem:$0x3F9C] =	sst s1;
	(tag) =	ssettag s2;
	_ =	strace s9  }
0x27: {  	s1 =	sld [smem:$0x3FAC]  }
0x28: {  	s2 =	sld [smem:$0x3FAD]  }
0x29: {  	s4 =	sld [smem:$0x3FAF]  }
0x2a: {  	p0 =	seq.s32 s5, $0x0;
	s5 =	sld [smem:$0x3FB0]  }
0x2b: {  	s6 =	sld [smem:$0x3FB1]  }
0x2c: {  	s7 =	sld [smem:$0x3FB2]  }
0x2d: {  	s3 =	simm.s32 $0x108;
	s8 =	sld [smem:$0x3FB3]  }
0x2e: {  	s3 =	simm.s32 @!p0 $0x1082;
	s9 =	sld [smem:$0x3FB4]  }
0x2f: {  	lr =	sadd.s32 s0, s3;
	s0 =	sld [smem:$0x3FAB]  }
0x30: {  	s3 =	sld [smem:$0x3FAE]  }
0x31: {  	[smem:$0x3FB7] =	sst s10  }
0x32: {  	s10 =	sld [smem:$0x3FB5];
	_ =	sdelay $0x3  }
0x33: {  	p0 =	seq.s32 s10, $0x1;
	s10 =	sld [smem:$0x3FB7];
	_ =	sdelay $0x3  }
0x34: {  	[smem:$0x3FB7] =	sst s10  }
0x35: {  	s10 =	sld [smem:$0x3FB6];
	_ =	sdelay $0x3  }
0x36: {  	p1 =	seq.s32 s10, $0x1;
	s10 =	sld [smem:$0x3FB7];
	_ =	sdelay $0x3  }
0x37: {  	[smem:$0x3FB7] =	sst s10  }
0x38: {  	s10 =	sld [smem:$0x3FB8]  }
0x39: {  	_ = 	snop;
	(pc) =	sbr.ind lr, $3  }
0x3a: {  	_ = 	snop  }
0x3b: {  	_ = 	snop  }
0x3c: {  	p2 =	seq.s32 s10, $0x1;
	s10 =	sld [smem:$0x3FB7]  }
0x3d: {  	_ =	shalt  }
0x3e: {  	_ =	shalt  }
0x3f: {  	_ =	shalt  }
0x40: {  	_ =	shalt  }
0x41: {  	_ =	shalt  }
0x42: {  	_ =	shalt  }
0x43: {  	_ =	shalt  }
0x44: {  	_ =	shalt  }
0x45: {  	_ =	shalt  }
0x46: {  	_ =	shalt  }
0x47: {  	_ =	shalt  }
0x48: {  	_ =	shalt  }
0x49: {  	_ =	shalt  }
0x4a: {  	_ =	shalt  }
0x4b: {  	_ =	shalt  }
0x4c: {  	_ =	shalt  }
0x4d: {  	_ =	shalt  }
0x4e: {  	_ =	shalt  }
0x4f: {  	_ =	shalt  }
0x50: {  	_ =	shalt  }
0x51: {  	_ =	shalt  }
0x52: {  	_ =	shalt  }
0x53: {  	_ =	shalt  }
0x54: {  	_ =	shalt  }
0x55: {  	_ =	shalt  }
0x56: {  	_ =	shalt  }
0x57: {  	_ =	shalt  }
0x58: {  	_ =	shalt  }
0x59: {  	_ =	shalt  }
0x5a: {  	_ =	shalt  }
0x5b: {  	_ =	shalt  }
0x5c: {  	_ =	shalt  }
0x5d: {  	_ =	shalt  }
0x5e: {  	_ =	shalt  }
0x5f: {  	_ =	shalt  }
0x60: {  	_ =	shalt  }
0x61: {  	_ =	shalt  }
0x62: {  	_ =	shalt  }
0x63: {  	_ =	shalt  }
0x64: {  	_ =	shalt  }
0x65: {  	_ =	shalt  }
0x66: {  	_ =	shalt  }
0x67: {  	_ =	shalt  }
0x68: {  	_ =	shalt  }
0x69: {  	_ =	shalt  }
0x6a: {  	_ =	shalt  }
0x6b: {  	_ =	shalt  }
0x6c: {  	_ =	shalt  }
0x6d: {  	_ =	shalt  }
0x6e: {  	_ =	shalt  }
0x6f: {  	_ =	shalt  }
0x70: {  	_ =	shalt  }
0x71: {  	_ =	shalt  }
0x72: {  	_ =	shalt  }
0x73: {  	_ =	shalt  }
0x74: {  	_ =	shalt  }
0x75: {  	_ =	shalt  }
0x76: {  	_ =	shalt  }
0x77: {  	_ =	shalt  }
0x78: {  	_ =	shalt  }
0x79: {  	_ =	shalt  }
0x7a: {  	_ =	shalt  }
0x7b: {  	_ =	shalt  }
0x7c: {  	_ =	shalt  }
0x7d: {  	_ =	shalt  }
0x7e: {  	_ =	shalt  }
0x7f: {  	_ =	shalt  }
0x80: {  	_ =	shalt  }
0x81: {  	_ =	shalt  }
0x82: {  	_ =	shalt  }
0x83: {  	_ =	shalt  }
0x84: {  	_ =	shalt  }
0x85: {  	_ =	shalt  }
0x86: {  	_ =	shalt  }
0x87: {  	_ =	shalt  }
.Lfunc_end0:
.L_simem_size_0:
called_computation_lowered:
.L_overlay_start_0:
0x88: {  	s2 =	sld [smem:$0x3FD9]  }
0x89: {  	s3 =	sld [smem:$0x3FFE];
	_ =	sdelay $0x1  }
0x8a: {  	s1 =	srdreg.scid  }
0x8b: {  	s0 =	sand.u32 $0x1, s1  }
0x8c: {  	s17 =	sshll.u32 s0, $0xA;
	s2 =	sadd.s32 s3, s2  }
0x8d: {  	s2 =	sadd.s32 s2, s17  }
0x8e: {  	[smem:$0x3FC3] =	sst s2  }
0x8f: {  	_ = 	snop  }
0x90: {  	s2 =	sld [smem:$0x3FC9]  }
0x91: {  	s18 =	sld [smem:$0x3FD0];
	(tm) =	ssettm $0x1  }
0x92: {  	s4 =	sld [smem:$0x3FFB];
	_ =	sdelay $0x3  }
0x93: {  	_ =	strace s4  }
0x94: {  	s4 =	sld [smem:$0x3FFC];
	_ =	sdelay $0x3  }
0x95: {  	_ =	strace s4  }
0x96: {  	s4 =	sld [smem:$0x3FFD];
	_ =	sdelay $0x3  }
0x97: {  	_ =	strace s4  }
0x98: {  	_ =	strace $0x8FFFFFFF  }
0x99: {  	s19 =	sld [smem:$0x3FDB];
	_ =	sdelay $0x1  }
0x9a: {  	s5 =	simm.s32 $_scs_section_size  }
0x9b: {  	s6 =	simm.s32 $_size__tile_overlayer_lowered;
	s7 =	simm.s32 $_tile_overlayer_lowered  }
0x9c: {  	s22 =	simm.s32 $0x1BFF;
	s21 =	sshll.u32 s7, $0x1;
	s4 =	sadd.s32 s5, s19  }
0x9d: {  	s8 =	simm.s32 $0x0;
	s20 =	sshll.u32 s6, $0x1;
	s6 =	sadd.s32 s21, s4  }
0x9e: {  	[timem:s8], [sflag:s22] =	dma.local [hbm:s6], s20  }
0x9f: {  	_ =	swait.ge [sflag:s22], s20  }
0xa0: {  	s5 =	ssub.s32 $0x0, s20;
	[sflag:s22] =	ssyncset.done $0x0  }
0xa1: {  	[sflag:s22] =	ssyncadd.s32 s5;
	_ =	sdelay $0x1  }
0xa2: {  	s23 =	simm.s32 $0x1B8B  }
0xa3: {  	_ =	swait.ge [sflag:s23], $0x1  }
0xa4: {  	[sflag:s23] =	ssyncset.done $0x0  }
0xa5: {  	s25 =	simm.s32 $0x1B8E;
	s24 =	sld [smem:$0x3FFE];
	[sflag:s23] =	ssyncadd.s32 $0xFFFFFFFF  }
0xa6: {  	s26 =	simm.s32 $execute0_lowered;
	[smem:$0x3FD2] =	sst s25  }
0xa7: {  	s6 =	sshll.u32 s26, $0x1;
	_ =	strace $0x80000046;
	[dreg:$0x1] =	wrdreg $0xFFFFFFFF  }
0xa8: {  	s28 =	simm.s32 $_size_execute0_lowered;
	s4 =	sadd.s32 s4, s6;
	[dreg:$0x0] =	wrdreg $0x0  }
0xa9: {  	s6 =	sshll.u32 s28, $0x1;
	[dreg:$0x2] =	wrdreg s4  }
0xaa: {  	[dreg:$0x3] =	wrdreg s6  }
0xab: {  	[dreg:$0x4] =	wrdreg $0xC0  }
0xac: {  	_ =	task [dreg:s8], $0x5FFFF  }
0xad: {  	[dreg:$0x1] =	wrdreg $0xFFFFFFFF  }
0xae: {  	[dreg:$0x0] =	wrdreg $0x60  }
0xaf: {  	[dreg:$0x2] =	wrdreg s2  }
0xb0: {  	[dreg:$0x3] =	wrdreg s18  }
0xb1: {  	[dreg:$0x4] =	wrdreg s24  }
0xb2: {  	[dreg:$0x5] =	wrdreg $0xA5A80  }
0xb3: {  	[dreg:$0x6] =	wrdreg $0x141E80  }
0xb4: {  	[dreg:$0x7] =	wrdreg $0x1E1E80  }
0xb5: {  	[dreg:$0x8] =	wrdreg $0x9  }
0xb6: {  	_ =	task.clear_ibuf [dreg:s8], $0x9FFFF;
	_ =	strace $0x90000046  }
0xb7: {  	s29 =	simm.s32 $0x9;
	_ =	strace $0x80000048  }
0xb8: {  	_ =	swait.ge [sflag:s29], $0x1  }
0xb9: {  	[sflag:s29] =	ssyncadd.s32 $0xFFFFFFFF  }
0xba: {  	_ =	strace $0x90000048  }
0xbb: {  	_ =	sfence  }
0xbc: {  	s30 =	sld [smem:$0x0];
	_ =	sdelay $0x2  }
0xbd: {  	s31 =	sshll.u32 s1, $0xD;
	s1 =	sshrl.u32 s1, $0x2  }
0xbe: {  	s3 =	sand.u32 $0x4000, s31;
	s1 =	sadd.s32 s1, s30  }
0xbf: {  	s0 =	sor.u32 s3, s0;
	s1 =	sshll.u32 s1, $0x11  }
0xc0: {  	s0 =	sor.u32 s1, s0  }
0xc1: {  	s0 =	sadd.s32 $0x8F2B, s0  }
0xc2: {  	[sflag:s0] =	ssyncadd.remote.s32 $0x1  }
0xc3: {  	_ =	sfence.sel $0xFFFF  }
0xc4: {  	[dreg:$0x0] =	wrdreg $0xFFFFFFFF;
	(pc) =	sbr.abs _section_cstart, $3  }
0xc5: {  	[dreg:$0x1] =	wrdreg $0xFFFFFFFF  }
0xc6: {  	_ =	task.clear_ibuf [dreg:s8], $0x2FFFF;
	_ =	strace $0x9FFFFFFF  }
0xc7: {  	(tm) =	ssettm $0x7FFFFFFF  }
tec
execute0_lowered:
.L_overlay_start_1:
0x0: {  	(tag) =	ssettag $0x1  }
0x1: {  	s0 =	rddreg [dreg:$0x0]  }
0x2: {  	s4 =	rddreg [dreg:$0x1]  }
0x3: {  	s5 =	rddreg [dreg:$0x2]  }
0x4: {  	s1 =	rddreg [dreg:$0x3]  }
0x5: {  	s2 =	rddreg [dreg:$0x4]  }
0x6: {  	s3 =	rddreg [dreg:$0x5];
	s6 =	simm.s32 $0x0;
	s15 =	stileid.u32  }
0x7: {  	s19 =	srdreg.scid;
	s28 =	simm.s32 $0x1;
	s29 =	simm.s32 $0x8  }
0x8: {  	s31 =	simm.s32 $0xA;
	s30 =	simm.s32 $0xE;
	s8 =	smul.u32 $0x27100, s15  }
0x9: {  	[smem:$0x7FF] =	sst s6;
	s6 =	sadd.s32 $0x800, s5;
	s20 =	smul.u32 $0x2710, s15  }
0xa: {  	s7 =	sadd.s32 $0xA600, s5;
	s9 =	sadd.s32 $0xBA00, s5;
	s11 =	smul.u32 $0x280, s15  }
0xb: {  	s10 =	sadd.s32 $0xBC00, s5;
	s12 =	sadd.s32 $0xBE00, s5;
	s14 =	smul.u32 $0xA000, s15  }
0xc: {  	s5 =	sadd.s32 $0xABE00, s5;
	_ =	strace $0x80000047;
	[dreg:$0x7] =	wrdreg s7  }
0xd: {  	s22 =	smul.u32 $0x13B0, s15;
	[dreg:$0x8] =	wrdreg s9;
	s7 =	sand.u32 $0x1, s19  }
0xe: {  	s15 =	simm.s32 $0x2;
	[dreg:$0x9] =	wrdreg s10;
	s21 =	ssub.s32 $0x2, s7  }
0xf: {  	s8 =	sshrl.u32 s8, $0x2;
	s23 =	smul.u32 $0x27600, s7;
	s16 =	sshllo.u32 s7, $0x1  }
0x10: {  	s25 =	sadd.s32 s14, s2;
	s26 =	sadd.s32 s11, s3;
	s3 =	smul.u32 $0x140000, s7  }
0x11: {  	s17 =	sadd.s32 s0, s20;
	s7 =	smul.u32 $0x5000, s7;
	[dreg:$0xc] =	wrdreg s25  }
0x12: {  	s13 =	sshrl.u32 s21, $0x1;
	s24 =	smul.u32 $0x13B00, s16;
	[dreg:$0xd] =	wrdreg s26  }
0x13: {  	s8 =	sadd.s32 s8, s1;
	s19 =	smul.u32 $0xA0000, s16;
	[dreg:$0xb] =	wrdreg s17  }
0x14: {  	s10 =	ssub.s32 s21, s13;
	[dreg:$0xa] =	wrdreg s8;
	s18 =	sadd.s32 s22, s23  }
0x15: {  	s8 =	sadd.s32 s14, s3;
	s7 =	sadd.s32 s11, s7;
	s21 =	smul.u32 $0x2800, s16  }
0x16: {  	s16 =	simm.s32 $0x5D60;
	s0 =	sadd.s32 s22, s24;
	s9 =	sshrl.u32 s18, $0x3  }
0x17: {  	s13 =	sadd.s32 s14, s19;
	s8 =	sshrl.u32 s8, $0x3;
	s7 =	sshrl.u32 s7, $0x3  }
0x18: {  	s24 =	sadd.s32 $0x8, s17;
	s26 =	smax.u32 s10, $0x1;
	s19 =	simm.s32 $0x3  }
0x19: {  	s14 =	simm.s32 $0x7;
	s18 =	simm.s32 $0x9;
	s10 =	simm.s32 $0x0  }
0x1a: {  	s20 =	sadd.s32 s4, s9;
	s9 =	sadd.s32 s6, s9;
	s8 =	sadd.s32 s12, s8  }
0x1b: {  	s0 =	sshrl.u32 s0, $0x3;
	s7 =	sadd.s32 s5, s7;
	[dreg:$0x16] =	wrdreg s24  }
0x1c: {  	s22 =	sadd.s32 s11, s21;
	s23 =	sshrl.u32 s13, $0x3;
	[dreg:$0x19] =	wrdreg s26  }
0x1d: {  	s11 =	simm.s32 $0x4B60;
	s21 =	simm.s32 $0x6F60;
	[dreg:$0xe] =	wrdreg s20  }
0x1e: {  	s24 =	simm.s32 $0x9360;
	s13 =	simm.s32 $0x6;
	[dreg:$0xf] =	wrdreg s9  }
0x1f: {  	s26 =	simm.s32 $0xF;
	[dreg:$0x11] =	wrdreg s7;
	s4 =	sadd.s32 s4, s0  }
0x20: {  	s0 =	sadd.s32 s6, s0;
	[dreg:$0x10] =	wrdreg s8;
	s25 =	sadd.s32 $0x50000, s8  }
0x21: {  	s20 =	simm.s32 $0x16;
	s8 =	simm.s32 $0x3960;
	[dreg:$0x12] =	wrdreg s4  }
0x22: {  	s7 =	simm.s32 $0x5;
	s6 =	simm.s32 $0xD;
	[dreg:$0x13] =	wrdreg s0  }
0x23: {  	s4 =	sshrl.u32 s22, $0x3;
	s0 =	sadd.s32 s12, s23;
	[dreg:$0x17] =	wrdreg s25  }
0x24: {  	s25 =	simm.s32 $0xA560;
	s23 =	simm.s32 $0x8160;
	s12 =	simm.s32 $0xB  }
0x25: {  	s22 =	simm.s32 $0xC;
	s4 =	sadd.s32 s5, s4;
	[dreg:$0x14] =	wrdreg s0  }
0x26: {  	s0 =	sadd.s32 $0x50000, s0;
	s5 =	simm.s32 $0x4;
	[dreg:$0x15] =	wrdreg s4  }
0x27: {  	[dreg:$0x18] =	wrdreg s0;
	s0 =	simm.s32 $0x48;
	s4 =	simm.s32 $0x2760  }
.LBB2_1:
0x28: {  	s17 =	simm.s32 $0x0;
	s9 =	rddreg [dreg:$0x9];
	s3 =	stileid.u32  }
0x29: {  	[tilespmem:s25], [sflag:$0x16] =	stream.linear.gather [hbm4b:s9+s17], $0x48, $0x38;
	[tilespmem:$0x1E468] =	vst v63  }
0x2a: {  	s9 =	sshll.u32 s3, $0x6  }
0x2b: {  	[dreg:$0x1a] =	wrdreg s10;
	s3 =	sor.u32 $0x1C16, s9  }
0x2c: {  	_ =	swait.ge [sflag:s20], $0x48;
	[dreg:$0x1b] =	wrdreg s3  }
0x2d: {  	s10 =	rddreg [dreg:$0xa]  }
0x2e: {  	s9 =	sshrl.u32 s10, $0x3;
	s3 =	rddreg [dreg:$0x1b]  }
0x2f: {  	[dreg:$0x1d] =	wrdreg s9  }
0x30: {  	[sflag:s20] =	ssyncset.done $0x0;
	s9 =	rddreg [dreg:$0xb]  }
0x31: {  	[sflag:s20] =	ssyncadd.s32 $0xFFFFFFB8;
	s10 =	simm.s32 $0x10;
	s17 =	rddreg [dreg:$0x1d]  }
0x32: {  	[spmem:s17@s29], [sflag:s3] =	dma.strided [hbm:s9@s10], $0x1388, s28, $0x8   }
0x33: {  	s3 =	rddreg [dreg:$0x5];
	_ =	swait.ge [sflag:s20], $0x1388  }
0x34: {  	s17 =	rddreg [dreg:$0xc]  }
0x35: {  	s9 =	rddreg [dreg:$0x7]  }
0x36: {  	[sflag:s20] =	ssyncset.done $0x0;
	s10 =	sshrl.u32 s17, $0x3;
	s17 =	rddreg [dreg:$0x1b]  }
0x37: {  	[sflag:s20] =	ssyncadd.s32 $0xFFFFEC78;
	[dreg:$0x1c] =	wrdreg s10  }
0x38: {  	[spmem:s10], [sflag:s17] =	dma.local [hbm:s9], $0x1400  }
0x39: {  	_ =	swait.ge [sflag:s20], $0x1400  }
0x3a: {  	s10 =	rddreg [dreg:$0xd]  }
0x3b: {  	[sflag:s20] =	ssyncset.done $0x0;
	s9 =	rddreg [dreg:$0x8];
	s10 =	sshrl.u32 s10, $0x3  }
0x3c: {  	[sflag:s20] =	ssyncadd.s32 $0xFFFFEC00;
	[dreg:$0x1e] =	wrdreg s10  }
0x3d: {  	[spmem:s10], [sflag:s17] =	dma.local [hbm:s9], $0x50  }
0x3e: {  	_ =	swait.ge [sflag:s20], $0x50  }
0x3f: {  	[sflag:s20] =	ssyncset.done $0x0  }
0x40: {  	s17 =	simm.s32 $0x0;
	s10 =	rddreg [dreg:$0xe];
	[sflag:s20] =	ssyncadd.s32 $0xFFFFFFB0  }
0x41: {  	[tilespmem:s17], [sflag:$0x16] =	stream.linear.gather [hbm4b:s10+s17], $0x13B0, $0x38;
	[tilespmem:$0x1E468] =	vst v63  }
0x42: {  	_ =	swait.ge [sflag:s20], $0x13B0  }
0x43: {  	[sflag:s20] =	ssyncset.done $0x0  }
0x44: {  	s10 =	simm.s32 $0x13B0;
	s9 =	rddreg [dreg:$0xf];
	[sflag:s20] =	ssyncadd.s32 $0xFFFFEC50  }
0x45: {  	[tilespmem:s10], [sflag:$0x16] =	stream.linear.gather [hbm4b:s9+s17], $0x13B0, $0x38;
	[tilespmem:$0x1E468] =	vst v63  }
0x46: {  	_ =	swait.ge [sflag:s20], $0x13B0  }
0x47: {  	[sflag:s20] =	ssyncset.done $0x0  }
0x48: {  	[sflag:s20] =	ssyncadd.s32 $0xFFFFEC50  }
0x49: {  	s10 =	simm.s32 $0x0;
	[bflag:$0x0] =	sbarrier.arrive $0xFFFF  }
0x4a: {  	[tilespmem:s4], [sflag:$0x1] =	stream.indirect.gather [spmem:s1], $0x40, s10, s0, $0xb8;
	[tilespmem:$0x1E468] =	vst v63  }
0x4b: {  	_ = 	snop  }
0x4c: {  	[tilespmem:s8], [sflag:$0x2] =	stream.indirect.gather [spmem:s1], $0x40, s0, s0, $0xb8;
	[tilespmem:$0x1E468] =	vst v63  }
0x4d: {  	s17 =	simm.s32 $0x90  }
0x4e: {  	[tilespmem:s11], [sflag:$0x3] =	stream.indirect.gather [spmem:s1], $0x40, s17, s0, $0xb8;
	[tilespmem:$0x1E468] =	vst v63  }
0x4f: {  	s20 =	simm.s32 $0xD8  }
0x50: {  	[tilespmem:s16], [sflag:$0x4] =	stream.indirect.gather [spmem:s1], $0x40, s20, s0, $0xb8;
	[tilespmem:$0x1E468] =	vst v63  }
0x51: {  	s10 =	simm.s32 $0x120  }
0x52: {  	[tilespmem:s21], [sflag:$0x5] =	stream.indirect.gather [spmem:s1], $0x40, s10, s0, $0xb8;
	[tilespmem:$0x1E468] =	vst v63  }
0x53: {  	s17 =	simm.s32 $0x168  }
0x54: {  	[tilespmem:s23], [sflag:$0x6] =	stream.indirect.gather [spmem:s1], $0x40, s17, s0, $0xb8;
	[tilespmem:$0x1E468] =	vst v63  }
0x55: {  	s9 =	simm.s32 $0x0;
	s20 =	simm.s32 $0x1B0;
	s17 =	simm.s32 $0x15  }
0x56: {  	[tilespmem:s24], [sflag:$0x7] =	stream.indirect.gather [spmem:s1], $0x40, s20, s0, $0xb8;
	[tilespmem:$0x1E468] =	vst v63  }
.LBB2_2:
0x57: {  	_ =	swait.ge [sflag:s28], $0x1200  }
0x58: {  	s20 =	sshra.s32 s9, $0x2;
	[sflag:s28] =	ssyncset.done $0x0  }
0x59: {  	s10 =	sadd.s32 $0x13B0, s20;
	[sflag:s28] =	ssyncadd.s32 $0xFFFFEE00  }
0x5a: {  	[spmem:s2] =	stream.indirect.scatter.add.f32 [tilespmem:s4], [sflag:$0x8], $0x40, s10, s0, $0xb8;
	[tilespmem:$0x1E468] =	vst v63  }
0x5b: {  	_ = 	snop  }
0x5c: {  	[spmem:s3] =	stream.indirect.scatter.add.f32 [tilespmem:s25], [sflag:$0xF], $0x1, s10, s0, $0xb8;
	[tilespmem:$0x1E468] =	vst v63  }
0x5d: {  	_ =	swait.ge [sflag:s15], $0x1200  }
0x5e: {  	[sflag:s15] =	ssyncset.done $0x0  }
0x5f: {  	s10 =	sadd.s32 $0x13F8, s20;
	[sflag:s15] =	ssyncadd.s32 $0xFFFFEE00  }
0x60: {  	[spmem:s2] =	stream.indirect.scatter.add.f32 [tilespmem:s8], [sflag:$0x9], $0x40, s10, s0, $0xb8;
	[tilespmem:$0x1E468] =	vst v63  }
0x61: {  	_ = 	snop  }
0x62: {  	[spmem:s3] =	stream.indirect.scatter.add.f32 [tilespmem:s25], [sflag:$0x10], $0x1, s10, s0, $0xb8;
	[tilespmem:$0x1E468] =	vst v63  }
0x63: {  	_ =	swait.ge [sflag:s19], $0x1200  }
0x64: {  	[sflag:s19] =	ssyncset.done $0x0  }
0x65: {  	s10 =	sadd.s32 $0x1440, s20;
	[sflag:s19] =	ssyncadd.s32 $0xFFFFEE00  }
0x66: {  	[spmem:s2] =	stream.indirect.scatter.add.f32 [tilespmem:s11], [sflag:$0xA], $0x40, s10, s0, $0xb8;
	[tilespmem:$0x1E468] =	vst v63  }
0x67: {  	_ = 	snop  }
0x68: {  	[spmem:s3] =	stream.indirect.scatter.add.f32 [tilespmem:s25], [sflag:$0x11], $0x1, s10, s0, $0xb8;
	[tilespmem:$0x1E468] =	vst v63  }
0x69: {  	_ =	swait.ge [sflag:s5], $0x1200  }
0x6a: {  	[sflag:s5] =	ssyncset.done $0x0  }
0x6b: {  	s10 =	sadd.s32 $0x1488, s20;
	[sflag:s5] =	ssyncadd.s32 $0xFFFFEE00  }
0x6c: {  	[spmem:s2] =	stream.indirect.scatter.add.f32 [tilespmem:s16], [sflag:$0xB], $0x40, s10, s0, $0xb8;
	[tilespmem:$0x1E468] =	vst v63  }
0x6d: {  	_ = 	snop  }
0x6e: {  	[spmem:s3] =	stream.indirect.scatter.add.f32 [tilespmem:s25], [sflag:$0x12], $0x1, s10, s0, $0xb8;
	[tilespmem:$0x1E468] =	vst v63  }
0x6f: {  	_ =	swait.ge [sflag:s7], $0x1200  }
0x70: {  	[sflag:s7] =	ssyncset.done $0x0  }
0x71: {  	s10 =	sadd.s32 $0x14D0, s20;
	[sflag:s7] =	ssyncadd.s32 $0xFFFFEE00  }
0x72: {  	[spmem:s2] =	stream.indirect.scatter.add.f32 [tilespmem:s21], [sflag:$0xC], $0x40, s10, s0, $0xb8;
	[tilespmem:$0x1E468] =	vst v63  }
0x73: {  	_ = 	snop  }
0x74: {  	[spmem:s3] =	stream.indirect.scatter.add.f32 [tilespmem:s25], [sflag:$0x13], $0x1, s10, s0, $0xb8;
	[tilespmem:$0x1E468] =	vst v63  }
0x75: {  	_ =	swait.ge [sflag:s13], $0x1200  }
0x76: {  	[sflag:s13] =	ssyncset.done $0x0  }
0x77: {  	s10 =	sadd.s32 $0x1518, s20;
	[sflag:s13] =	ssyncadd.s32 $0xFFFFEE00  }
0x78: {  	[spmem:s2] =	stream.indirect.scatter.add.f32 [tilespmem:s23], [sflag:$0xD], $0x40, s10, s0, $0xb8;
	[tilespmem:$0x1E468] =	vst v63  }
0x79: {  	_ = 	snop  }
0x7a: {  	[spmem:s3] =	stream.indirect.scatter.add.f32 [tilespmem:s25], [sflag:$0x14], $0x1, s10, s0, $0xb8;
	[tilespmem:$0x1E468] =	vst v63  }
0x7b: {  	_ =	swait.ge [sflag:s14], $0x1200  }
0x7c: {  	[sflag:s14] =	ssyncset.done $0x0  }
0x7d: {  	s10 =	sadd.s32 $0x1560, s20;
	[sflag:s14] =	ssyncadd.s32 $0xFFFFEE00  }
0x7e: {  	[spmem:s2] =	stream.indirect.scatter.add.f32 [tilespmem:s24], [sflag:$0xE], $0x40, s10, s0, $0xb8;
	[tilespmem:$0x1E468] =	vst v63  }
0x7f: {  	_ = 	snop  }
0x80: {  	[spmem:s3] =	stream.indirect.scatter.add.f32 [tilespmem:s25], [sflag:$0x15], $0x1, s10, s0, $0xb8;
	[tilespmem:$0x1E468] =	vst v63  }
0x81: {  	p0 =	seq.s32 s9, $0x46E0;
	_ =	swait.ge [sflag:s29], $0x1200  }
.Ltmp0:
0x82: {  	[sflag:s29] =	ssyncset.done $0x0;
	(pc) =	sbr.rel @p0 .LBB2_4-.Ltmp0, $4  }
0x83: {  	[sflag:s29] =	ssyncadd.s32 $0xFFFFEE00  }
0x84: {  	_ =	swait.ge [sflag:s26], $0x48  }
0x85: {  	[sflag:s26] =	ssyncset.done $0x0  }
0x86: {  	[sflag:s26] =	ssyncadd.s32 $0xFFFFFFB8  }
0x87: {  	s10 =	sadd.s32 $0x1F8, s20  }
0x88: {  	[tilespmem:s4], [sflag:$0x1] =	stream.indirect.gather [spmem:s1], $0x40, s10, s0, $0xb8;
	[tilespmem:$0x1E468] =	vst v63  }
0x89: {  	_ =	swait.ge [sflag:s18], $0x1200  }
0x8a: {  	[sflag:s18] =	ssyncset.done $0x0  }
0x8b: {  	s10 =	simm.s32 $0x10;
	[sflag:s18] =	ssyncadd.s32 $0xFFFFEE00  }
0x8c: {  	_ =	swait.ge [sflag:s10], $0x48  }
0x8d: {  	[sflag:s10] =	ssyncset.done $0x0  }
0x8e: {  	[sflag:s10] =	ssyncadd.s32 $0xFFFFFFB8;
	s10 =	sadd.s32 $0x240, s20  }
0x8f: {  	[tilespmem:s8], [sflag:$0x2] =	stream.indirect.gather [spmem:s1], $0x40, s10, s0, $0xb8;
	[tilespmem:$0x1E468] =	vst v63  }
0x90: {  	_ =	swait.ge [sflag:s31], $0x1200  }
0x91: {  	[sflag:s31] =	ssyncset.done $0x0  }
0x92: {  	s10 =	simm.s32 $0x11;
	[sflag:s31] =	ssyncadd.s32 $0xFFFFEE00  }
0x93: {  	_ =	swait.ge [sflag:s10], $0x48  }
0x94: {  	[sflag:s10] =	ssyncset.done $0x0  }
0x95: {  	[sflag:s10] =	ssyncadd.s32 $0xFFFFFFB8;
	s10 =	sadd.s32 $0x288, s20  }
0x96: {  	[tilespmem:s11], [sflag:$0x3] =	stream.indirect.gather [spmem:s1], $0x40, s10, s0, $0xb8;
	[tilespmem:$0x1E468] =	vst v63  }
0x97: {  	_ =	swait.ge [sflag:s12], $0x1200  }
0x98: {  	[sflag:s12] =	ssyncset.done $0x0  }
0x99: {  	s10 =	simm.s32 $0x12;
	[sflag:s12] =	ssyncadd.s32 $0xFFFFEE00  }
0x9a: {  	_ =	swait.ge [sflag:s10], $0x48  }
0x9b: {  	[sflag:s10] =	ssyncset.done $0x0  }
0x9c: {  	[sflag:s10] =	ssyncadd.s32 $0xFFFFFFB8;
	s10 =	sadd.s32 $0x2D0, s20  }
0x9d: {  	[tilespmem:s16], [sflag:$0x4] =	stream.indirect.gather [spmem:s1], $0x40, s10, s0, $0xb8;
	[tilespmem:$0x1E468] =	vst v63  }
0x9e: {  	_ =	swait.ge [sflag:s22], $0x1200  }
0x9f: {  	[sflag:s22] =	ssyncset.done $0x0  }
0xa0: {  	s10 =	simm.s32 $0x13;
	[sflag:s22] =	ssyncadd.s32 $0xFFFFEE00  }
0xa1: {  	_ =	swait.ge [sflag:s10], $0x48  }
0xa2: {  	[sflag:s10] =	ssyncset.done $0x0  }
0xa3: {  	[sflag:s10] =	ssyncadd.s32 $0xFFFFFFB8;
	s10 =	sadd.s32 $0x318, s20  }
0xa4: {  	[tilespmem:s21], [sflag:$0x5] =	stream.indirect.gather [spmem:s1], $0x40, s10, s0, $0xb8;
	[tilespmem:$0x1E468] =	vst v63  }
0xa5: {  	_ =	swait.ge [sflag:s6], $0x1200  }
0xa6: {  	[sflag:s6] =	ssyncset.done $0x0  }
0xa7: {  	s10 =	simm.s32 $0x14;
	[sflag:s6] =	ssyncadd.s32 $0xFFFFEE00  }
0xa8: {  	_ =	swait.ge [sflag:s10], $0x48  }
0xa9: {  	[sflag:s10] =	ssyncset.done $0x0  }
0xaa: {  	[sflag:s10] =	ssyncadd.s32 $0xFFFFFFB8;
	s10 =	sadd.s32 $0x360, s20  }
0xab: {  	[tilespmem:s23], [sflag:$0x6] =	stream.indirect.gather [spmem:s1], $0x40, s10, s0, $0xb8;
	[tilespmem:$0x1E468] =	vst v63  }
0xac: {  	_ =	swait.ge [sflag:s30], $0x1200  }
0xad: {  	[sflag:s30] =	ssyncset.done $0x0  }
.Ltmp1:
0xae: {  	[sflag:s30] =	ssyncadd.s32 $0xFFFFEE00;
	(pc) =	sbr.rel .LBB2_2-.Ltmp1, $4  }
0xaf: {  	_ =	swait.ge [sflag:s17], $0x48  }
0xb0: {  	[sflag:s17] =	ssyncset.done $0x0  }
0xb1: {  	s9 =	sadd.s32 $0x7E0, s9;
	s20 =	sadd.s32 $0x3A8, s20;
	[sflag:s17] =	ssyncadd.s32 $0xFFFFFFB8  }
0xb2: {  	[tilespmem:s24], [sflag:$0x7] =	stream.indirect.gather [spmem:s1], $0x40, s20, s0, $0xb8;
	[tilespmem:$0x1E468] =	vst v63  }
.LBB2_4:
0xb3: {  	_ =	swait.ge [sflag:s18], $0x1200  }
0xb4: {  	[sflag:s18] =	ssyncset.done $0x0  }
0xb5: {  	s9 =	simm.s32 $0x10;
	[sflag:s18] =	ssyncadd.s32 $0xFFFFEE00  }
0xb6: {  	_ =	swait.ge [sflag:s9], $0x48  }
0xb7: {  	[sflag:s9] =	ssyncset.done $0x0  }
0xb8: {  	[sflag:s9] =	ssyncadd.s32 $0xFFFFFFB8  }
0xb9: {  	_ =	swait.ge [sflag:s31], $0x1200  }
0xba: {  	[sflag:s31] =	ssyncset.done $0x0  }
0xbb: {  	s10 =	simm.s32 $0x11;
	[sflag:s31] =	ssyncadd.s32 $0xFFFFEE00  }
0xbc: {  	_ =	swait.ge [sflag:s10], $0x48  }
0xbd: {  	[sflag:s10] =	ssyncset.done $0x0  }
0xbe: {  	[sflag:s10] =	ssyncadd.s32 $0xFFFFFFB8  }
0xbf: {  	_ =	swait.ge [sflag:s12], $0x1200  }
0xc0: {  	[sflag:s12] =	ssyncset.done $0x0  }
0xc1: {  	s20 =	simm.s32 $0x12;
	[sflag:s12] =	ssyncadd.s32 $0xFFFFEE00  }
0xc2: {  	_ =	swait.ge [sflag:s20], $0x48  }
0xc3: {  	[sflag:s20] =	ssyncset.done $0x0  }
0xc4: {  	[sflag:s20] =	ssyncadd.s32 $0xFFFFFFB8  }
0xc5: {  	_ =	swait.ge [sflag:s22], $0x1200  }
0xc6: {  	[sflag:s22] =	ssyncset.done $0x0  }
0xc7: {  	s26 =	simm.s32 $0x13;
	[sflag:s22] =	ssyncadd.s32 $0xFFFFEE00  }
0xc8: {  	_ =	swait.ge [sflag:s26], $0x48  }
0xc9: {  	[sflag:s26] =	ssyncset.done $0x0  }
0xca: {  	[sflag:s26] =	ssyncadd.s32 $0xFFFFFFB8  }
0xcb: {  	_ =	swait.ge [sflag:s6], $0x1200  }
0xcc: {  	[sflag:s6] =	ssyncset.done $0x0  }
0xcd: {  	s10 =	simm.s32 $0x14;
	[sflag:s6] =	ssyncadd.s32 $0xFFFFEE00  }
0xce: {  	_ =	swait.ge [sflag:s10], $0x48  }
0xcf: {  	[sflag:s10] =	ssyncset.done $0x0  }
0xd0: {  	[sflag:s10] =	ssyncadd.s32 $0xFFFFFFB8  }
0xd1: {  	_ =	swait.ge [sflag:s30], $0x1200  }
0xd2: {  	[sflag:s30] =	ssyncset.done $0x0  }
0xd3: {  	[sflag:s30] =	ssyncadd.s32 $0xFFFFEE00  }
0xd4: {  	_ =	swait.ge [sflag:s17], $0x48  }
0xd5: {  	[sflag:s17] =	ssyncset.done $0x0  }
0xd6: {  	[sflag:s17] =	ssyncadd.s32 $0xFFFFFFB8  }
0xd7: {  	[bflag:$0x0] =	sbarrier.arrive $0xFFFF  }
0xd8: {  	s20 =	rddreg [dreg:$0x10]  }
0xd9: {  	s26 =	rddreg [dreg:$0x1b]  }
0xda: {  	s10 =	rddreg [dreg:$0x1c]  }
0xdb: {  	[hbm:s20], [sflag:s26] =	dma.local [spmem:s10], $0x1400  }
0xdc: {  	s20 =	simm.s32 $0x16  }
0xdd: {  	_ =	swait.ge [sflag:s20], $0x1400  }
0xde: {  	[sflag:s20] =	ssyncset.done $0x0;
	s9 =	rddreg [dreg:$0x11]  }
0xdf: {  	s10 =	rddreg [dreg:$0x1e];
	[sflag:s20] =	ssyncadd.s32 $0xFFFFEC00  }
0xe0: {  	[hbm:s9], [sflag:s26] =	dma.local [spmem:s10], $0x50  }
0xe1: {  	_ =	swait.ge [sflag:s20], $0x50  }
0xe2: {  	[sflag:s20] =	ssyncset.done $0x0;
	s9 =	rddreg [dreg:$0x7]  }
0xe3: {  	s10 =	rddreg [dreg:$0x1c];
	[sflag:s20] =	ssyncadd.s32 $0xFFFFFFB0  }
0xe4: {  	[spmem:s10], [sflag:s26] =	dma.local [hbm:s9], $0x1400  }
0xe5: {  	_ =	swait.ge [sflag:s20], $0x1400  }
0xe6: {  	[sflag:s20] =	ssyncset.done $0x0;
	s9 =	rddreg [dreg:$0x8]  }
0xe7: {  	s10 =	rddreg [dreg:$0x1e];
	[sflag:s20] =	ssyncadd.s32 $0xFFFFEC00  }
0xe8: {  	[spmem:s10], [sflag:s26] =	dma.local [hbm:s9], $0x50  }
0xe9: {  	_ =	swait.ge [sflag:s20], $0x50  }
0xea: {  	[sflag:s20] =	ssyncset.done $0x0  }
0xeb: {  	s9 =	simm.s32 $0x0;
	s26 =	rddreg [dreg:$0x12];
	[sflag:s20] =	ssyncadd.s32 $0xFFFFFFB0  }
0xec: {  	[tilespmem:s9], [sflag:$0x16] =	stream.linear.gather [hbm4b:s26+s9], $0x13B0, $0x38;
	[tilespmem:$0x1E468] =	vst v63  }
0xed: {  	_ =	swait.ge [sflag:s20], $0x13B0  }
0xee: {  	[sflag:s20] =	ssyncset.done $0x0  }
0xef: {  	s26 =	simm.s32 $0x13B0;
	s10 =	rddreg [dreg:$0x13];
	[sflag:s20] =	ssyncadd.s32 $0xFFFFEC50  }
0xf0: {  	[tilespmem:s26], [sflag:$0x16] =	stream.linear.gather [hbm4b:s10+s9], $0x13B0, $0x38;
	[tilespmem:$0x1E468] =	vst v63  }
0xf1: {  	_ =	swait.ge [sflag:s20], $0x13B0  }
0xf2: {  	[sflag:s20] =	ssyncset.done $0x0  }
0xf3: {  	[sflag:s20] =	ssyncadd.s32 $0xFFFFEC50  }
0xf4: {  	[bflag:$0x0] =	sbarrier.arrive $0xFFFF  }
0xf5: {  	[tilespmem:s4], [sflag:$0x1] =	stream.indirect.gather [spmem:s1], $0x40, s9, s0, $0xb8;
	[tilespmem:$0x1E468] =	vst v63  }
0xf6: {  	_ = 	snop  }
0xf7: {  	[tilespmem:s8], [sflag:$0x2] =	stream.indirect.gather [spmem:s1], $0x40, s0, s0, $0xb8;
	[tilespmem:$0x1E468] =	vst v63  }
0xf8: {  	s20 =	simm.s32 $0x90  }
0xf9: {  	[tilespmem:s11], [sflag:$0x3] =	stream.indirect.gather [spmem:s1], $0x40, s20, s0, $0xb8;
	[tilespmem:$0x1E468] =	vst v63  }
0xfa: {  	s20 =	simm.s32 $0xD8  }
0xfb: {  	[tilespmem:s16], [sflag:$0x4] =	stream.indirect.gather [spmem:s1], $0x40, s20, s0, $0xb8;
	[tilespmem:$0x1E468] =	vst v63  }
0xfc: {  	s20 =	simm.s32 $0x120  }
0xfd: {  	[tilespmem:s21], [sflag:$0x5] =	stream.indirect.gather [spmem:s1], $0x40, s20, s0, $0xb8;
	[tilespmem:$0x1E468] =	vst v63  }
0xfe: {  	s20 =	simm.s32 $0x168  }
0xff: {  	[tilespmem:s23], [sflag:$0x6] =	stream.indirect.gather [spmem:s1], $0x40, s20, s0, $0xb8;
	[tilespmem:$0x1E468] =	vst v63  }
0x100: {  	s26 =	simm.s32 $0xF;
	s20 =	simm.s32 $0x1B0  }
0x101: {  	[tilespmem:s24], [sflag:$0x7] =	stream.indirect.gather [spmem:s1], $0x40, s20, s0, $0xb8;
	[tilespmem:$0x1E468] =	vst v63  }
.LBB2_5:
0x102: {  	_ =	swait.ge [sflag:s28], $0x1200  }
0x103: {  	s20 =	sshra.s32 s9, $0x2;
	[sflag:s28] =	ssyncset.done $0x0  }
0x104: {  	s10 =	sadd.s32 $0x13B0, s20;
	[sflag:s28] =	ssyncadd.s32 $0xFFFFEE00  }
0x105: {  	[spmem:s2] =	stream.indirect.scatter.add.f32 [tilespmem:s4], [sflag:$0x8], $0x40, s10, s0, $0xb8;
	[tilespmem:$0x1E468] =	vst v63  }
0x106: {  	_ = 	snop  }
0x107: {  	[spmem:s3] =	stream.indirect.scatter.add.f32 [tilespmem:s25], [sflag:$0xF], $0x1, s10, s0, $0xb8;
	[tilespmem:$0x1E468] =	vst v63  }
0x108: {  	_ =	swait.ge [sflag:s15], $0x1200  }
0x109: {  	[sflag:s15] =	ssyncset.done $0x0  }
0x10a: {  	s10 =	sadd.s32 $0x13F8, s20;
	[sflag:s15] =	ssyncadd.s32 $0xFFFFEE00  }
0x10b: {  	[spmem:s2] =	stream.indirect.scatter.add.f32 [tilespmem:s8], [sflag:$0x9], $0x40, s10, s0, $0xb8;
	[tilespmem:$0x1E468] =	vst v63  }
0x10c: {  	_ = 	snop  }
0x10d: {  	[spmem:s3] =	stream.indirect.scatter.add.f32 [tilespmem:s25], [sflag:$0x10], $0x1, s10, s0, $0xb8;
	[tilespmem:$0x1E468] =	vst v63  }
0x10e: {  	_ =	swait.ge [sflag:s19], $0x1200  }
0x10f: {  	[sflag:s19] =	ssyncset.done $0x0  }
0x110: {  	s10 =	sadd.s32 $0x1440, s20;
	[sflag:s19] =	ssyncadd.s32 $0xFFFFEE00  }
0x111: {  	[spmem:s2] =	stream.indirect.scatter.add.f32 [tilespmem:s11], [sflag:$0xA], $0x40, s10, s0, $0xb8;
	[tilespmem:$0x1E468] =	vst v63  }
0x112: {  	_ = 	snop  }
0x113: {  	[spmem:s3] =	stream.indirect.scatter.add.f32 [tilespmem:s25], [sflag:$0x11], $0x1, s10, s0, $0xb8;
	[tilespmem:$0x1E468] =	vst v63  }
0x114: {  	_ =	swait.ge [sflag:s5], $0x1200  }
0x115: {  	[sflag:s5] =	ssyncset.done $0x0  }
0x116: {  	s10 =	sadd.s32 $0x1488, s20;
	[sflag:s5] =	ssyncadd.s32 $0xFFFFEE00  }
0x117: {  	[spmem:s2] =	stream.indirect.scatter.add.f32 [tilespmem:s16], [sflag:$0xB], $0x40, s10, s0, $0xb8;
	[tilespmem:$0x1E468] =	vst v63  }
0x118: {  	_ = 	snop  }
0x119: {  	[spmem:s3] =	stream.indirect.scatter.add.f32 [tilespmem:s25], [sflag:$0x12], $0x1, s10, s0, $0xb8;
	[tilespmem:$0x1E468] =	vst v63  }
0x11a: {  	_ =	swait.ge [sflag:s7], $0x1200  }
0x11b: {  	[sflag:s7] =	ssyncset.done $0x0  }
0x11c: {  	s10 =	sadd.s32 $0x14D0, s20;
	[sflag:s7] =	ssyncadd.s32 $0xFFFFEE00  }
0x11d: {  	[spmem:s2] =	stream.indirect.scatter.add.f32 [tilespmem:s21], [sflag:$0xC], $0x40, s10, s0, $0xb8;
	[tilespmem:$0x1E468] =	vst v63  }
0x11e: {  	_ = 	snop  }
0x11f: {  	[spmem:s3] =	stream.indirect.scatter.add.f32 [tilespmem:s25], [sflag:$0x13], $0x1, s10, s0, $0xb8;
	[tilespmem:$0x1E468] =	vst v63  }
0x120: {  	_ =	swait.ge [sflag:s13], $0x1200  }
0x121: {  	[sflag:s13] =	ssyncset.done $0x0  }
0x122: {  	s10 =	sadd.s32 $0x1518, s20;
	[sflag:s13] =	ssyncadd.s32 $0xFFFFEE00  }
0x123: {  	[spmem:s2] =	stream.indirect.scatter.add.f32 [tilespmem:s23], [sflag:$0xD], $0x40, s10, s0, $0xb8;
	[tilespmem:$0x1E468] =	vst v63  }
0x124: {  	_ = 	snop  }
0x125: {  	[spmem:s3] =	stream.indirect.scatter.add.f32 [tilespmem:s25], [sflag:$0x14], $0x1, s10, s0, $0xb8;
	[tilespmem:$0x1E468] =	vst v63  }
0x126: {  	_ =	swait.ge [sflag:s14], $0x1200  }
0x127: {  	[sflag:s14] =	ssyncset.done $0x0  }
0x128: {  	s10 =	sadd.s32 $0x1560, s20;
	[sflag:s14] =	ssyncadd.s32 $0xFFFFEE00  }
0x129: {  	[spmem:s2] =	stream.indirect.scatter.add.f32 [tilespmem:s24], [sflag:$0xE], $0x40, s10, s0, $0xb8;
	[tilespmem:$0x1E468] =	vst v63  }
0x12a: {  	_ = 	snop  }
0x12b: {  	[spmem:s3] =	stream.indirect.scatter.add.f32 [tilespmem:s25], [sflag:$0x15], $0x1, s10, s0, $0xb8;
	[tilespmem:$0x1E468] =	vst v63  }
0x12c: {  	p0 =	seq.s32 s9, $0x46E0;
	_ =	swait.ge [sflag:s29], $0x1200  }
.Ltmp2:
0x12d: {  	[sflag:s29] =	ssyncset.done $0x0;
	(pc) =	sbr.rel @p0 .LBB2_7-.Ltmp2, $4  }
0x12e: {  	[sflag:s29] =	ssyncadd.s32 $0xFFFFEE00  }
0x12f: {  	_ =	swait.ge [sflag:s26], $0x48  }
0x130: {  	[sflag:s26] =	ssyncset.done $0x0  }
0x131: {  	[sflag:s26] =	ssyncadd.s32 $0xFFFFFFB8  }
0x132: {  	s10 =	sadd.s32 $0x1F8, s20  }
0x133: {  	[tilespmem:s4], [sflag:$0x1] =	stream.indirect.gather [spmem:s1], $0x40, s10, s0, $0xb8;
	[tilespmem:$0x1E468] =	vst v63  }
0x134: {  	_ =	swait.ge [sflag:s18], $0x1200  }
0x135: {  	[sflag:s18] =	ssyncset.done $0x0  }
0x136: {  	s10 =	simm.s32 $0x10;
	[sflag:s18] =	ssyncadd.s32 $0xFFFFEE00  }
0x137: {  	_ =	swait.ge [sflag:s10], $0x48  }
0x138: {  	[sflag:s10] =	ssyncset.done $0x0  }
0x139: {  	[sflag:s10] =	ssyncadd.s32 $0xFFFFFFB8;
	s10 =	sadd.s32 $0x240, s20  }
0x13a: {  	[tilespmem:s8], [sflag:$0x2] =	stream.indirect.gather [spmem:s1], $0x40, s10, s0, $0xb8;
	[tilespmem:$0x1E468] =	vst v63  }
0x13b: {  	_ =	swait.ge [sflag:s31], $0x1200  }
0x13c: {  	[sflag:s31] =	ssyncset.done $0x0  }
0x13d: {  	s10 =	simm.s32 $0x11;
	[sflag:s31] =	ssyncadd.s32 $0xFFFFEE00  }
0x13e: {  	_ =	swait.ge [sflag:s10], $0x48  }
0x13f: {  	[sflag:s10] =	ssyncset.done $0x0  }
0x140: {  	[sflag:s10] =	ssyncadd.s32 $0xFFFFFFB8;
	s10 =	sadd.s32 $0x288, s20  }
0x141: {  	[tilespmem:s11], [sflag:$0x3] =	stream.indirect.gather [spmem:s1], $0x40, s10, s0, $0xb8;
	[tilespmem:$0x1E468] =	vst v63  }
0x142: {  	_ =	swait.ge [sflag:s12], $0x1200  }
0x143: {  	[sflag:s12] =	ssyncset.done $0x0  }
0x144: {  	s10 =	simm.s32 $0x12;
	[sflag:s12] =	ssyncadd.s32 $0xFFFFEE00  }
0x145: {  	_ =	swait.ge [sflag:s10], $0x48  }
0x146: {  	[sflag:s10] =	ssyncset.done $0x0  }
0x147: {  	[sflag:s10] =	ssyncadd.s32 $0xFFFFFFB8;
	s10 =	sadd.s32 $0x2D0, s20  }
0x148: {  	[tilespmem:s16], [sflag:$0x4] =	stream.indirect.gather [spmem:s1], $0x40, s10, s0, $0xb8;
	[tilespmem:$0x1E468] =	vst v63  }
0x149: {  	_ =	swait.ge [sflag:s22], $0x1200  }
0x14a: {  	[sflag:s22] =	ssyncset.done $0x0  }
0x14b: {  	s10 =	simm.s32 $0x13;
	[sflag:s22] =	ssyncadd.s32 $0xFFFFEE00  }
0x14c: {  	_ =	swait.ge [sflag:s10], $0x48  }
0x14d: {  	[sflag:s10] =	ssyncset.done $0x0  }
0x14e: {  	[sflag:s10] =	ssyncadd.s32 $0xFFFFFFB8;
	s10 =	sadd.s32 $0x318, s20  }
0x14f: {  	[tilespmem:s21], [sflag:$0x5] =	stream.indirect.gather [spmem:s1], $0x40, s10, s0, $0xb8;
	[tilespmem:$0x1E468] =	vst v63  }
0x150: {  	_ =	swait.ge [sflag:s6], $0x1200  }
0x151: {  	[sflag:s6] =	ssyncset.done $0x0  }
0x152: {  	s10 =	simm.s32 $0x14;
	[sflag:s6] =	ssyncadd.s32 $0xFFFFEE00  }
0x153: {  	_ =	swait.ge [sflag:s10], $0x48  }
0x154: {  	[sflag:s10] =	ssyncset.done $0x0  }
0x155: {  	[sflag:s10] =	ssyncadd.s32 $0xFFFFFFB8;
	s10 =	sadd.s32 $0x360, s20  }
0x156: {  	[tilespmem:s23], [sflag:$0x6] =	stream.indirect.gather [spmem:s1], $0x40, s10, s0, $0xb8;
	[tilespmem:$0x1E468] =	vst v63  }
0x157: {  	_ =	swait.ge [sflag:s30], $0x1200  }
0x158: {  	[sflag:s30] =	ssyncset.done $0x0  }
.Ltmp3:
0x159: {  	[sflag:s30] =	ssyncadd.s32 $0xFFFFEE00;
	(pc) =	sbr.rel .LBB2_5-.Ltmp3, $4  }
0x15a: {  	_ =	swait.ge [sflag:s17], $0x48  }
0x15b: {  	[sflag:s17] =	ssyncset.done $0x0  }
0x15c: {  	s9 =	sadd.s32 $0x7E0, s9;
	s20 =	sadd.s32 $0x3A8, s20;
	[sflag:s17] =	ssyncadd.s32 $0xFFFFFFB8  }
0x15d: {  	[tilespmem:s24], [sflag:$0x7] =	stream.indirect.gather [spmem:s1], $0x40, s20, s0, $0xb8;
	[tilespmem:$0x1E468] =	vst v63  }
.LBB2_7:
0x15e: {  	_ =	swait.ge [sflag:s18], $0x1200  }
0x15f: {  	[sflag:s18] =	ssyncset.done $0x0  }
0x160: {  	s9 =	simm.s32 $0x10;
	[sflag:s18] =	ssyncadd.s32 $0xFFFFEE00  }
0x161: {  	_ =	swait.ge [sflag:s9], $0x48  }
0x162: {  	[sflag:s9] =	ssyncset.done $0x0  }
0x163: {  	[sflag:s9] =	ssyncadd.s32 $0xFFFFFFB8  }
0x164: {  	_ =	swait.ge [sflag:s31], $0x1200  }
0x165: {  	[sflag:s31] =	ssyncset.done $0x0  }
0x166: {  	s20 =	simm.s32 $0x11;
	[sflag:s31] =	ssyncadd.s32 $0xFFFFEE00  }
0x167: {  	_ =	swait.ge [sflag:s20], $0x48  }
0x168: {  	[sflag:s20] =	ssyncset.done $0x0  }
0x169: {  	[sflag:s20] =	ssyncadd.s32 $0xFFFFFFB8  }
0x16a: {  	_ =	swait.ge [sflag:s12], $0x1200  }
0x16b: {  	[sflag:s12] =	ssyncset.done $0x0  }
0x16c: {  	s26 =	simm.s32 $0x12;
	[sflag:s12] =	ssyncadd.s32 $0xFFFFEE00  }
0x16d: {  	_ =	swait.ge [sflag:s26], $0x48  }
0x16e: {  	[sflag:s26] =	ssyncset.done $0x0  }
0x16f: {  	[sflag:s26] =	ssyncadd.s32 $0xFFFFFFB8  }
0x170: {  	_ =	swait.ge [sflag:s22], $0x1200  }
0x171: {  	[sflag:s22] =	ssyncset.done $0x0  }
0x172: {  	s3 =	simm.s32 $0x13;
	[sflag:s22] =	ssyncadd.s32 $0xFFFFEE00  }
0x173: {  	_ =	swait.ge [sflag:s3], $0x48  }
0x174: {  	[sflag:s3] =	ssyncset.done $0x0  }
0x175: {  	[sflag:s3] =	ssyncadd.s32 $0xFFFFFFB8  }
0x176: {  	_ =	swait.ge [sflag:s6], $0x1200  }
0x177: {  	[sflag:s6] =	ssyncset.done $0x0  }
0x178: {  	s10 =	simm.s32 $0x14;
	[sflag:s6] =	ssyncadd.s32 $0xFFFFEE00  }
0x179: {  	_ =	swait.ge [sflag:s10], $0x48  }
0x17a: {  	[sflag:s10] =	ssyncset.done $0x0  }
0x17b: {  	[sflag:s10] =	ssyncadd.s32 $0xFFFFFFB8  }
0x17c: {  	_ =	swait.ge [sflag:s30], $0x1200  }
0x17d: {  	[sflag:s30] =	ssyncset.done $0x0  }
0x17e: {  	[sflag:s30] =	ssyncadd.s32 $0xFFFFEE00  }
0x17f: {  	_ =	swait.ge [sflag:s17], $0x48  }
0x180: {  	[sflag:s17] =	ssyncset.done $0x0  }
0x181: {  	[sflag:s17] =	ssyncadd.s32 $0xFFFFFFB8  }
0x182: {  	[bflag:$0x0] =	sbarrier.arrive $0xFFFF  }
0x183: {  	s20 =	rddreg [dreg:$0x14]  }
0x184: {  	s17 =	rddreg [dreg:$0x1b]  }
0x185: {  	s10 =	rddreg [dreg:$0x1c]  }
0x186: {  	[hbm:s20], [sflag:s17] =	dma.local [spmem:s10], $0x1400  }
0x187: {  	s20 =	simm.s32 $0x16  }
0x188: {  	_ =	swait.ge [sflag:s20], $0x1400  }
0x189: {  	[sflag:s20] =	ssyncset.done $0x0;
	s26 =	rddreg [dreg:$0x15]  }
0x18a: {  	s3 =	rddreg [dreg:$0x1e];
	[sflag:s20] =	ssyncadd.s32 $0xFFFFEC00  }
0x18b: {  	[hbm:s26], [sflag:s17] =	dma.local [spmem:s3], $0x50  }
0x18c: {  	_ =	swait.ge [sflag:s20], $0x50  }
0x18d: {  	[sflag:s20] =	ssyncset.done $0x0;
	s10 =	rddreg [dreg:$0x16]  }
0x18e: {  	s26 =	simm.s32 $0x10;
	s3 =	rddreg [dreg:$0x1d];
	[sflag:s20] =	ssyncadd.s32 $0xFFFFFFB0  }
0x18f: {  	[spmem:s3@s29], [sflag:s17] =	dma.strided [hbm:s10@s26], $0x1388, s28, $0x8   }
0x190: {  	_ =	swait.ge [sflag:s20], $0x1388  }
0x191: {  	[sflag:s20] =	ssyncset.done $0x0;
	s26 =	rddreg [dreg:$0x7]  }
0x192: {  	s3 =	rddreg [dreg:$0x1c];
	[sflag:s20] =	ssyncadd.s32 $0xFFFFEC78  }
0x193: {  	[spmem:s3], [sflag:s17] =	dma.local [hbm:s26], $0x1400  }
0x194: {  	_ =	swait.ge [sflag:s20], $0x1400  }
0x195: {  	[sflag:s20] =	ssyncset.done $0x0  }
0x196: {  	s9 =	simm.s32 $0x0;
	s17 =	rddreg [dreg:$0xe];
	[sflag:s20] =	ssyncadd.s32 $0xFFFFEC00  }
0x197: {  	[tilespmem:s9], [sflag:$0x16] =	stream.linear.gather [hbm4b:s17+s9], $0x13B0, $0x38;
	[tilespmem:$0x1E468] =	vst v63  }
0x198: {  	_ =	swait.ge [sflag:s20], $0x13B0  }
0x199: {  	[sflag:s20] =	ssyncset.done $0x0  }
0x19a: {  	s3 =	simm.s32 $0x13B0;
	s26 =	rddreg [dreg:$0xf];
	[sflag:s20] =	ssyncadd.s32 $0xFFFFEC50  }
0x19b: {  	[tilespmem:s3], [sflag:$0x16] =	stream.linear.gather [hbm4b:s26+s9], $0x13B0, $0x38;
	[tilespmem:$0x1E468] =	vst v63  }
0x19c: {  	_ =	swait.ge [sflag:s20], $0x13B0  }
0x19d: {  	[sflag:s20] =	ssyncset.done $0x0  }
0x19e: {  	[sflag:s20] =	ssyncadd.s32 $0xFFFFEC50  }
0x19f: {  	[bflag:$0x0] =	sbarrier.arrive $0xFFFF  }
0x1a0: {  	[tilespmem:s4], [sflag:$0x1] =	stream.indirect.gather [spmem:s1], $0x40, s9, s0, $0xb8;
	[tilespmem:$0x1E468] =	vst v63  }
0x1a1: {  	_ = 	snop  }
0x1a2: {  	[tilespmem:s8], [sflag:$0x2] =	stream.indirect.gather [spmem:s1], $0x40, s0, s0, $0xb8;
	[tilespmem:$0x1E468] =	vst v63  }
0x1a3: {  	s17 =	simm.s32 $0x90  }
0x1a4: {  	[tilespmem:s11], [sflag:$0x3] =	stream.indirect.gather [spmem:s1], $0x40, s17, s0, $0xb8;
	[tilespmem:$0x1E468] =	vst v63  }
0x1a5: {  	s20 =	simm.s32 $0xD8  }
0x1a6: {  	[tilespmem:s16], [sflag:$0x4] =	stream.indirect.gather [spmem:s1], $0x40, s20, s0, $0xb8;
	[tilespmem:$0x1E468] =	vst v63  }
0x1a7: {  	s26 =	simm.s32 $0x120  }
0x1a8: {  	[tilespmem:s21], [sflag:$0x5] =	stream.indirect.gather [spmem:s1], $0x40, s26, s0, $0xb8;
	[tilespmem:$0x1E468] =	vst v63  }
0x1a9: {  	s3 =	simm.s32 $0x168  }
0x1aa: {  	[tilespmem:s23], [sflag:$0x6] =	stream.indirect.gather [spmem:s1], $0x40, s3, s0, $0xb8;
	[tilespmem:$0x1E468] =	vst v63  }
0x1ab: {  	s10 =	simm.s32 $0x1B0  }
0x1ac: {  	[tilespmem:s24], [sflag:$0x7] =	stream.indirect.gather [spmem:s1], $0x40, s10, s0, $0xb8;
	[tilespmem:$0x1E468] =	vst v63  }
0x1ad: {  	_ =	swait.ge [sflag:s28], $0x1200  }
0x1ae: {  	[sflag:s28] =	ssyncset.done $0x0  }
0x1af: {  	s17 =	simm.s32 $0x13B0;
	[sflag:s28] =	ssyncadd.s32 $0xFFFFEE00  }
0x1b0: {  	[spmem:s2] =	stream.indirect.scatter.add.f32 [tilespmem:s4], [sflag:$0x8], $0x40, s17, s0, $0xb8;
	[tilespmem:$0x1E468] =	vst v63  }
0x1b1: {  	_ =	swait.ge [sflag:s15], $0x1200  }
0x1b2: {  	[sflag:s15] =	ssyncset.done $0x0  }
0x1b3: {  	s20 =	simm.s32 $0x13F8;
	[sflag:s15] =	ssyncadd.s32 $0xFFFFEE00  }
0x1b4: {  	[spmem:s2] =	stream.indirect.scatter.add.f32 [tilespmem:s8], [sflag:$0x9], $0x40, s20, s0, $0xb8;
	[tilespmem:$0x1E468] =	vst v63  }
0x1b5: {  	_ =	swait.ge [sflag:s19], $0x1200  }
0x1b6: {  	[sflag:s19] =	ssyncset.done $0x0  }
0x1b7: {  	s26 =	simm.s32 $0x1440;
	[sflag:s19] =	ssyncadd.s32 $0xFFFFEE00  }
0x1b8: {  	[spmem:s2] =	stream.indirect.scatter.add.f32 [tilespmem:s11], [sflag:$0xA], $0x40, s26, s0, $0xb8;
	[tilespmem:$0x1E468] =	vst v63  }
0x1b9: {  	_ =	swait.ge [sflag:s5], $0x1200  }
0x1ba: {  	[sflag:s5] =	ssyncset.done $0x0  }
0x1bb: {  	s3 =	simm.s32 $0x1488;
	[sflag:s5] =	ssyncadd.s32 $0xFFFFEE00  }
0x1bc: {  	[spmem:s2] =	stream.indirect.scatter.add.f32 [tilespmem:s16], [sflag:$0xB], $0x40, s3, s0, $0xb8;
	[tilespmem:$0x1E468] =	vst v63  }
0x1bd: {  	_ =	swait.ge [sflag:s7], $0x1200  }
0x1be: {  	[sflag:s7] =	ssyncset.done $0x0  }
0x1bf: {  	s10 =	simm.s32 $0x14D0;
	[sflag:s7] =	ssyncadd.s32 $0xFFFFEE00  }
0x1c0: {  	[spmem:s2] =	stream.indirect.scatter.add.f32 [tilespmem:s21], [sflag:$0xC], $0x40, s10, s0, $0xb8;
	[tilespmem:$0x1E468] =	vst v63  }
0x1c1: {  	_ =	swait.ge [sflag:s13], $0x1200  }
0x1c2: {  	[sflag:s13] =	ssyncset.done $0x0  }
0x1c3: {  	s17 =	simm.s32 $0x1518;
	[sflag:s13] =	ssyncadd.s32 $0xFFFFEE00  }
0x1c4: {  	[spmem:s2] =	stream.indirect.scatter.add.f32 [tilespmem:s23], [sflag:$0xD], $0x40, s17, s0, $0xb8;
	[tilespmem:$0x1E468] =	vst v63  }
0x1c5: {  	_ =	swait.ge [sflag:s14], $0x1200  }
0x1c6: {  	[sflag:s14] =	ssyncset.done $0x0  }
0x1c7: {  	s20 =	simm.s32 $0x1560;
	[sflag:s14] =	ssyncadd.s32 $0xFFFFEE00  }
0x1c8: {  	[spmem:s2] =	stream.indirect.scatter.add.f32 [tilespmem:s24], [sflag:$0xE], $0x40, s20, s0, $0xb8;
	[tilespmem:$0x1E468] =	vst v63  }
0x1c9: {  	_ =	swait.ge [sflag:s29], $0x1200  }
0x1ca: {  	[sflag:s29] =	ssyncset.done $0x0  }
0x1cb: {  	s26 =	simm.s32 $0x1F8;
	[sflag:s29] =	ssyncadd.s32 $0xFFFFEE00  }
0x1cc: {  	[tilespmem:s4], [sflag:$0x1] =	stream.indirect.gather [spmem:s1], $0x40, s26, s0, $0xb8;
	[tilespmem:$0x1E468] =	vst v63  }
0x1cd: {  	_ =	swait.ge [sflag:s18], $0x1200  }
0x1ce: {  	[sflag:s18] =	ssyncset.done $0x0  }
0x1cf: {  	s3 =	simm.s32 $0x240;
	[sflag:s18] =	ssyncadd.s32 $0xFFFFEE00  }
0x1d0: {  	[tilespmem:s8], [sflag:$0x2] =	stream.indirect.gather [spmem:s1], $0x40, s3, s0, $0xb8;
	[tilespmem:$0x1E468] =	vst v63  }
0x1d1: {  	_ =	swait.ge [sflag:s31], $0x1200  }
0x1d2: {  	[sflag:s31] =	ssyncset.done $0x0  }
0x1d3: {  	s10 =	simm.s32 $0x288;
	[sflag:s31] =	ssyncadd.s32 $0xFFFFEE00  }
0x1d4: {  	[tilespmem:s11], [sflag:$0x3] =	stream.indirect.gather [spmem:s1], $0x40, s10, s0, $0xb8;
	[tilespmem:$0x1E468] =	vst v63  }
0x1d5: {  	_ =	swait.ge [sflag:s12], $0x1200  }
0x1d6: {  	[sflag:s12] =	ssyncset.done $0x0  }
0x1d7: {  	s17 =	simm.s32 $0x2D0;
	[sflag:s12] =	ssyncadd.s32 $0xFFFFEE00  }
0x1d8: {  	[tilespmem:s16], [sflag:$0x4] =	stream.indirect.gather [spmem:s1], $0x40, s17, s0, $0xb8;
	[tilespmem:$0x1E468] =	vst v63  }
0x1d9: {  	_ =	swait.ge [sflag:s22], $0x1200  }
0x1da: {  	[sflag:s22] =	ssyncset.done $0x0  }
0x1db: {  	s20 =	simm.s32 $0x318;
	[sflag:s22] =	ssyncadd.s32 $0xFFFFEE00  }
0x1dc: {  	[tilespmem:s21], [sflag:$0x5] =	stream.indirect.gather [spmem:s1], $0x40, s20, s0, $0xb8;
	[tilespmem:$0x1E468] =	vst v63  }
0x1dd: {  	_ =	swait.ge [sflag:s6], $0x1200  }
0x1de: {  	[sflag:s6] =	ssyncset.done $0x0  }
0x1df: {  	s26 =	simm.s32 $0x360;
	[sflag:s6] =	ssyncadd.s32 $0xFFFFEE00  }
0x1e0: {  	[tilespmem:s23], [sflag:$0x6] =	stream.indirect.gather [spmem:s1], $0x40, s26, s0, $0xb8;
	[tilespmem:$0x1E468] =	vst v63  }
0x1e1: {  	_ =	swait.ge [sflag:s30], $0x1200  }
0x1e2: {  	[sflag:s30] =	ssyncset.done $0x0  }
0x1e3: {  	s9 =	simm.s32 $0x7E0;
	s20 =	simm.s32 $0x3A8;
	[sflag:s30] =	ssyncadd.s32 $0xFFFFEE00  }
.LBB2_8:
0x1e4: {  	[tilespmem:s24], [sflag:$0x7] =	stream.indirect.gather [spmem:s1], $0x40, s20, s0, $0xb8;
	[tilespmem:$0x1E468] =	vst v63  }
0x1e5: {  	s10 =	smov.u32 s9  }
0x1e6: {  	p0 =	sne.s32 s9, $0x3F00;
	s9 =	sadd.s32 $0x7E0, s9;
	_ =	swait.ge [sflag:s28], $0x1200  }
0x1e7: {  	s20 =	sshra.s32 s10, $0x2;
	[sflag:s28] =	ssyncset.done $0x0  }
0x1e8: {  	s10 =	sadd.s32 $0x13B0, s20;
	[sflag:s28] =	ssyncadd.s32 $0xFFFFEE00  }
0x1e9: {  	[spmem:s2] =	stream.indirect.scatter.add.f32 [tilespmem:s4], [sflag:$0x8], $0x40, s10, s0, $0xb8;
	[tilespmem:$0x1E468] =	vst v63  }
0x1ea: {  	_ =	swait.ge [sflag:s15], $0x1200  }
0x1eb: {  	[sflag:s15] =	ssyncset.done $0x0  }
0x1ec: {  	s10 =	sadd.s32 $0x13F8, s20;
	[sflag:s15] =	ssyncadd.s32 $0xFFFFEE00  }
0x1ed: {  	[spmem:s2] =	stream.indirect.scatter.add.f32 [tilespmem:s8], [sflag:$0x9], $0x40, s10, s0, $0xb8;
	[tilespmem:$0x1E468] =	vst v63  }
0x1ee: {  	_ =	swait.ge [sflag:s19], $0x1200  }
0x1ef: {  	[sflag:s19] =	ssyncset.done $0x0  }
0x1f0: {  	s10 =	sadd.s32 $0x1440, s20;
	[sflag:s19] =	ssyncadd.s32 $0xFFFFEE00  }
0x1f1: {  	[spmem:s2] =	stream.indirect.scatter.add.f32 [tilespmem:s11], [sflag:$0xA], $0x40, s10, s0, $0xb8;
	[tilespmem:$0x1E468] =	vst v63  }
0x1f2: {  	_ =	swait.ge [sflag:s5], $0x1200  }
0x1f3: {  	[sflag:s5] =	ssyncset.done $0x0  }
0x1f4: {  	s10 =	sadd.s32 $0x1488, s20;
	[sflag:s5] =	ssyncadd.s32 $0xFFFFEE00  }
0x1f5: {  	[spmem:s2] =	stream.indirect.scatter.add.f32 [tilespmem:s16], [sflag:$0xB], $0x40, s10, s0, $0xb8;
	[tilespmem:$0x1E468] =	vst v63  }
0x1f6: {  	_ =	swait.ge [sflag:s7], $0x1200  }
0x1f7: {  	[sflag:s7] =	ssyncset.done $0x0  }
0x1f8: {  	s10 =	sadd.s32 $0x14D0, s20;
	[sflag:s7] =	ssyncadd.s32 $0xFFFFEE00  }
0x1f9: {  	[spmem:s2] =	stream.indirect.scatter.add.f32 [tilespmem:s21], [sflag:$0xC], $0x40, s10, s0, $0xb8;
	[tilespmem:$0x1E468] =	vst v63  }
0x1fa: {  	_ =	swait.ge [sflag:s13], $0x1200  }
0x1fb: {  	[sflag:s13] =	ssyncset.done $0x0  }
0x1fc: {  	s10 =	sadd.s32 $0x1518, s20;
	[sflag:s13] =	ssyncadd.s32 $0xFFFFEE00  }
0x1fd: {  	[spmem:s2] =	stream.indirect.scatter.add.f32 [tilespmem:s23], [sflag:$0xD], $0x40, s10, s0, $0xb8;
	[tilespmem:$0x1E468] =	vst v63  }
0x1fe: {  	_ =	swait.ge [sflag:s14], $0x1200  }
0x1ff: {  	[sflag:s14] =	ssyncset.done $0x0  }
0x200: {  	s10 =	sadd.s32 $0x1560, s20;
	[sflag:s14] =	ssyncadd.s32 $0xFFFFEE00  }
0x201: {  	[spmem:s2] =	stream.indirect.scatter.add.f32 [tilespmem:s24], [sflag:$0xE], $0x40, s10, s0, $0xb8;
	[tilespmem:$0x1E468] =	vst v63  }
0x202: {  	_ =	swait.ge [sflag:s29], $0x1200  }
0x203: {  	[sflag:s29] =	ssyncset.done $0x0  }
0x204: {  	s10 =	sadd.s32 $0x1F8, s20;
	[sflag:s29] =	ssyncadd.s32 $0xFFFFEE00  }
0x205: {  	[tilespmem:s4], [sflag:$0x1] =	stream.indirect.gather [spmem:s1], $0x40, s10, s0, $0xb8;
	[tilespmem:$0x1E468] =	vst v63  }
0x206: {  	_ =	swait.ge [sflag:s18], $0x1200  }
0x207: {  	[sflag:s18] =	ssyncset.done $0x0  }
0x208: {  	s10 =	sadd.s32 $0x240, s20;
	[sflag:s18] =	ssyncadd.s32 $0xFFFFEE00  }
0x209: {  	[tilespmem:s8], [sflag:$0x2] =	stream.indirect.gather [spmem:s1], $0x40, s10, s0, $0xb8;
	[tilespmem:$0x1E468] =	vst v63  }
0x20a: {  	_ =	swait.ge [sflag:s31], $0x1200  }
0x20b: {  	[sflag:s31] =	ssyncset.done $0x0  }
0x20c: {  	s10 =	sadd.s32 $0x288, s20;
	[sflag:s31] =	ssyncadd.s32 $0xFFFFEE00  }
0x20d: {  	[tilespmem:s11], [sflag:$0x3] =	stream.indirect.gather [spmem:s1], $0x40, s10, s0, $0xb8;
	[tilespmem:$0x1E468] =	vst v63  }
0x20e: {  	_ =	swait.ge [sflag:s12], $0x1200  }
0x20f: {  	[sflag:s12] =	ssyncset.done $0x0  }
0x210: {  	s10 =	sadd.s32 $0x2D0, s20;
	[sflag:s12] =	ssyncadd.s32 $0xFFFFEE00  }
0x211: {  	[tilespmem:s16], [sflag:$0x4] =	stream.indirect.gather [spmem:s1], $0x40, s10, s0, $0xb8;
	[tilespmem:$0x1E468] =	vst v63  }
0x212: {  	_ =	swait.ge [sflag:s22], $0x1200  }
0x213: {  	[sflag:s22] =	ssyncset.done $0x0  }
0x214: {  	s10 =	sadd.s32 $0x318, s20;
	[sflag:s22] =	ssyncadd.s32 $0xFFFFEE00  }
0x215: {  	[tilespmem:s21], [sflag:$0x5] =	stream.indirect.gather [spmem:s1], $0x40, s10, s0, $0xb8;
	[tilespmem:$0x1E468] =	vst v63  }
0x216: {  	_ =	swait.ge [sflag:s6], $0x1200  }
0x217: {  	[sflag:s6] =	ssyncset.done $0x0  }
.Ltmp4:
0x218: {  	s10 =	sadd.s32 $0x360, s20;
	[sflag:s6] =	ssyncadd.s32 $0xFFFFEE00;
	(pc) =	sbr.rel @p0 .LBB2_8-.Ltmp4, $4  }
0x219: {  	[tilespmem:s23], [sflag:$0x6] =	stream.indirect.gather [spmem:s1], $0x40, s10, s0, $0xb8;
	[tilespmem:$0x1E468] =	vst v63  }
0x21a: {  	_ =	swait.ge [sflag:s30], $0x1200  }
0x21b: {  	[sflag:s30] =	ssyncset.done $0x0  }
0x21c: {  	s20 =	sadd.s32 $0x3A8, s20;
	[sflag:s30] =	ssyncadd.s32 $0xFFFFEE00  }
0x21d: {  	[tilespmem:s24], [sflag:$0x7] =	stream.indirect.gather [spmem:s1], $0x40, s20, s0, $0xb8;
	[tilespmem:$0x1E468] =	vst v63  }
0x21e: {  	_ =	swait.ge [sflag:s28], $0x1200  }
0x21f: {  	[sflag:s28] =	ssyncset.done $0x0  }
0x220: {  	s9 =	simm.s32 $0x2568;
	[sflag:s28] =	ssyncadd.s32 $0xFFFFEE00  }
0x221: {  	[spmem:s2] =	stream.indirect.scatter.add.f32 [tilespmem:s4], [sflag:$0x8], $0x40, s9, s0, $0xb8;
	[tilespmem:$0x1E468] =	vst v63  }
0x222: {  	_ =	swait.ge [sflag:s15], $0x1200  }
0x223: {  	[sflag:s15] =	ssyncset.done $0x0  }
0x224: {  	s20 =	simm.s32 $0x25B0;
	[sflag:s15] =	ssyncadd.s32 $0xFFFFEE00  }
0x225: {  	[spmem:s2] =	stream.indirect.scatter.add.f32 [tilespmem:s8], [sflag:$0x9], $0x40, s20, s0, $0xb8;
	[tilespmem:$0x1E468] =	vst v63  }
0x226: {  	_ =	swait.ge [sflag:s19], $0x1200  }
0x227: {  	[sflag:s19] =	ssyncset.done $0x0  }
0x228: {  	s26 =	simm.s32 $0x25F8;
	[sflag:s19] =	ssyncadd.s32 $0xFFFFEE00  }
0x229: {  	[spmem:s2] =	stream.indirect.scatter.add.f32 [tilespmem:s11], [sflag:$0xA], $0x40, s26, s0, $0xb8;
	[tilespmem:$0x1E468] =	vst v63  }
0x22a: {  	_ =	swait.ge [sflag:s5], $0x1200  }
0x22b: {  	[sflag:s5] =	ssyncset.done $0x0  }
0x22c: {  	s3 =	simm.s32 $0x2640;
	[sflag:s5] =	ssyncadd.s32 $0xFFFFEE00  }
0x22d: {  	[spmem:s2] =	stream.indirect.scatter.add.f32 [tilespmem:s16], [sflag:$0xB], $0x40, s3, s0, $0xb8;
	[tilespmem:$0x1E468] =	vst v63  }
0x22e: {  	_ =	swait.ge [sflag:s7], $0x1200  }
0x22f: {  	[sflag:s7] =	ssyncset.done $0x0  }
0x230: {  	s10 =	simm.s32 $0x2688;
	[sflag:s7] =	ssyncadd.s32 $0xFFFFEE00  }
0x231: {  	[spmem:s2] =	stream.indirect.scatter.add.f32 [tilespmem:s21], [sflag:$0xC], $0x40, s10, s0, $0xb8;
	[tilespmem:$0x1E468] =	vst v63  }
0x232: {  	_ =	swait.ge [sflag:s13], $0x1200  }
0x233: {  	[sflag:s13] =	ssyncset.done $0x0  }
0x234: {  	s17 =	simm.s32 $0x26D0;
	[sflag:s13] =	ssyncadd.s32 $0xFFFFEE00  }
0x235: {  	[spmem:s2] =	stream.indirect.scatter.add.f32 [tilespmem:s23], [sflag:$0xD], $0x40, s17, s0, $0xb8;
	[tilespmem:$0x1E468] =	vst v63  }
0x236: {  	_ =	swait.ge [sflag:s14], $0x1200  }
0x237: {  	[sflag:s14] =	ssyncset.done $0x0  }
0x238: {  	s20 =	simm.s32 $0x2718;
	[sflag:s14] =	ssyncadd.s32 $0xFFFFEE00  }
0x239: {  	[spmem:s2] =	stream.indirect.scatter.add.f32 [tilespmem:s24], [sflag:$0xE], $0x40, s20, s0, $0xb8;
	[tilespmem:$0x1E468] =	vst v63  }
0x23a: {  	_ =	swait.ge [sflag:s29], $0x1200  }
0x23b: {  	[sflag:s29] =	ssyncset.done $0x0  }
0x23c: {  	[sflag:s29] =	ssyncadd.s32 $0xFFFFEE00  }
0x23d: {  	_ =	swait.ge [sflag:s18], $0x1200  }
0x23e: {  	[sflag:s18] =	ssyncset.done $0x0  }
0x23f: {  	[sflag:s18] =	ssyncadd.s32 $0xFFFFEE00  }
0x240: {  	_ =	swait.ge [sflag:s31], $0x1200  }
0x241: {  	[sflag:s31] =	ssyncset.done $0x0  }
0x242: {  	[sflag:s31] =	ssyncadd.s32 $0xFFFFEE00  }
0x243: {  	_ =	swait.ge [sflag:s12], $0x1200  }
0x244: {  	[sflag:s12] =	ssyncset.done $0x0  }
0x245: {  	[sflag:s12] =	ssyncadd.s32 $0xFFFFEE00  }
0x246: {  	_ =	swait.ge [sflag:s22], $0x1200  }
0x247: {  	[sflag:s22] =	ssyncset.done $0x0  }
0x248: {  	[sflag:s22] =	ssyncadd.s32 $0xFFFFEE00  }
0x249: {  	_ =	swait.ge [sflag:s6], $0x1200  }
0x24a: {  	[sflag:s6] =	ssyncset.done $0x0  }
0x24b: {  	[sflag:s6] =	ssyncadd.s32 $0xFFFFEE00  }
0x24c: {  	_ =	swait.ge [sflag:s30], $0x1200  }
0x24d: {  	[sflag:s30] =	ssyncset.done $0x0  }
0x24e: {  	[sflag:s30] =	ssyncadd.s32 $0xFFFFEE00  }
0x24f: {  	[bflag:$0x0] =	sbarrier.arrive $0xFFFF  }
0x250: {  	s26 =	rddreg [dreg:$0x17]  }
0x251: {  	s10 =	rddreg [dreg:$0x1b]  }
0x252: {  	s20 =	simm.s32 $0x16;
	s17 =	rddreg [dreg:$0x1c]  }
0x253: {  	[hbm:s26], [sflag:s10] =	dma.local [spmem:s17], $0x1400  }
0x254: {  	_ =	swait.ge [sflag:s20], $0x1400  }
0x255: {  	[sflag:s20] =	ssyncset.done $0x0  }
0x256: {  	s3 =	rddreg [dreg:$0x7];
	[sflag:s20] =	ssyncadd.s32 $0xFFFFEC00  }
0x257: {  	[spmem:s17], [sflag:s10] =	dma.local [hbm:s3], $0x1400  }
0x258: {  	_ =	swait.ge [sflag:s20], $0x1400  }
0x259: {  	[sflag:s20] =	ssyncset.done $0x0  }
0x25a: {  	s17 =	simm.s32 $0x0;
	s26 =	rddreg [dreg:$0x12];
	[sflag:s20] =	ssyncadd.s32 $0xFFFFEC00  }
0x25b: {  	[tilespmem:s17], [sflag:$0x16] =	stream.linear.gather [hbm4b:s26+s17], $0x13B0, $0x38;
	[tilespmem:$0x1E468] =	vst v63  }
0x25c: {  	_ =	swait.ge [sflag:s20], $0x13B0  }
0x25d: {  	[sflag:s20] =	ssyncset.done $0x0  }
0x25e: {  	s26 =	simm.s32 $0x13B0;
	s3 =	rddreg [dreg:$0x13];
	[sflag:s20] =	ssyncadd.s32 $0xFFFFEC50  }
0x25f: {  	[tilespmem:s26], [sflag:$0x16] =	stream.linear.gather [hbm4b:s3+s17], $0x13B0, $0x38;
	[tilespmem:$0x1E468] =	vst v63  }
0x260: {  	_ =	swait.ge [sflag:s20], $0x13B0  }
0x261: {  	[sflag:s20] =	ssyncset.done $0x0  }
0x262: {  	[sflag:s20] =	ssyncadd.s32 $0xFFFFEC50  }
0x263: {  	[bflag:$0x0] =	sbarrier.arrive $0xFFFF  }
0x264: {  	[tilespmem:s4], [sflag:$0x1] =	stream.indirect.gather [spmem:s1], $0x40, s17, s0, $0xb8;
	[tilespmem:$0x1E468] =	vst v63  }
0x265: {  	_ = 	snop  }
0x266: {  	[tilespmem:s8], [sflag:$0x2] =	stream.indirect.gather [spmem:s1], $0x40, s0, s0, $0xb8;
	[tilespmem:$0x1E468] =	vst v63  }
0x267: {  	s17 =	simm.s32 $0x90  }
0x268: {  	[tilespmem:s11], [sflag:$0x3] =	stream.indirect.gather [spmem:s1], $0x40, s17, s0, $0xb8;
	[tilespmem:$0x1E468] =	vst v63  }
0x269: {  	s20 =	simm.s32 $0xD8  }
0x26a: {  	[tilespmem:s16], [sflag:$0x4] =	stream.indirect.gather [spmem:s1], $0x40, s20, s0, $0xb8;
	[tilespmem:$0x1E468] =	vst v63  }
0x26b: {  	s26 =	simm.s32 $0x120  }
0x26c: {  	[tilespmem:s21], [sflag:$0x5] =	stream.indirect.gather [spmem:s1], $0x40, s26, s0, $0xb8;
	[tilespmem:$0x1E468] =	vst v63  }
0x26d: {  	s3 =	simm.s32 $0x168  }
0x26e: {  	[tilespmem:s23], [sflag:$0x6] =	stream.indirect.gather [spmem:s1], $0x40, s3, s0, $0xb8;
	[tilespmem:$0x1E468] =	vst v63  }
0x26f: {  	s10 =	simm.s32 $0x1B0  }
0x270: {  	[tilespmem:s24], [sflag:$0x7] =	stream.indirect.gather [spmem:s1], $0x40, s10, s0, $0xb8;
	[tilespmem:$0x1E468] =	vst v63  }
0x271: {  	_ =	swait.ge [sflag:s28], $0x1200  }
0x272: {  	[sflag:s28] =	ssyncset.done $0x0  }
0x273: {  	s17 =	simm.s32 $0x13B0;
	[sflag:s28] =	ssyncadd.s32 $0xFFFFEE00  }
0x274: {  	[spmem:s2] =	stream.indirect.scatter.add.f32 [tilespmem:s4], [sflag:$0x8], $0x40, s17, s0, $0xb8;
	[tilespmem:$0x1E468] =	vst v63  }
0x275: {  	_ =	swait.ge [sflag:s15], $0x1200  }
0x276: {  	[sflag:s15] =	ssyncset.done $0x0  }
0x277: {  	s20 =	simm.s32 $0x13F8;
	[sflag:s15] =	ssyncadd.s32 $0xFFFFEE00  }
0x278: {  	[spmem:s2] =	stream.indirect.scatter.add.f32 [tilespmem:s8], [sflag:$0x9], $0x40, s20, s0, $0xb8;
	[tilespmem:$0x1E468] =	vst v63  }
0x279: {  	_ =	swait.ge [sflag:s19], $0x1200  }
0x27a: {  	[sflag:s19] =	ssyncset.done $0x0  }
0x27b: {  	s26 =	simm.s32 $0x1440;
	[sflag:s19] =	ssyncadd.s32 $0xFFFFEE00  }
0x27c: {  	[spmem:s2] =	stream.indirect.scatter.add.f32 [tilespmem:s11], [sflag:$0xA], $0x40, s26, s0, $0xb8;
	[tilespmem:$0x1E468] =	vst v63  }
0x27d: {  	_ =	swait.ge [sflag:s5], $0x1200  }
0x27e: {  	[sflag:s5] =	ssyncset.done $0x0  }
0x27f: {  	s3 =	simm.s32 $0x1488;
	[sflag:s5] =	ssyncadd.s32 $0xFFFFEE00  }
0x280: {  	[spmem:s2] =	stream.indirect.scatter.add.f32 [tilespmem:s16], [sflag:$0xB], $0x40, s3, s0, $0xb8;
	[tilespmem:$0x1E468] =	vst v63  }
0x281: {  	_ =	swait.ge [sflag:s7], $0x1200  }
0x282: {  	[sflag:s7] =	ssyncset.done $0x0  }
0x283: {  	s10 =	simm.s32 $0x14D0;
	[sflag:s7] =	ssyncadd.s32 $0xFFFFEE00  }
0x284: {  	[spmem:s2] =	stream.indirect.scatter.add.f32 [tilespmem:s21], [sflag:$0xC], $0x40, s10, s0, $0xb8;
	[tilespmem:$0x1E468] =	vst v63  }
0x285: {  	_ =	swait.ge [sflag:s13], $0x1200  }
0x286: {  	[sflag:s13] =	ssyncset.done $0x0  }
0x287: {  	s17 =	simm.s32 $0x1518;
	[sflag:s13] =	ssyncadd.s32 $0xFFFFEE00  }
0x288: {  	[spmem:s2] =	stream.indirect.scatter.add.f32 [tilespmem:s23], [sflag:$0xD], $0x40, s17, s0, $0xb8;
	[tilespmem:$0x1E468] =	vst v63  }
0x289: {  	_ =	swait.ge [sflag:s14], $0x1200  }
0x28a: {  	[sflag:s14] =	ssyncset.done $0x0  }
0x28b: {  	s20 =	simm.s32 $0x1560;
	[sflag:s14] =	ssyncadd.s32 $0xFFFFEE00  }
0x28c: {  	[spmem:s2] =	stream.indirect.scatter.add.f32 [tilespmem:s24], [sflag:$0xE], $0x40, s20, s0, $0xb8;
	[tilespmem:$0x1E468] =	vst v63  }
0x28d: {  	_ =	swait.ge [sflag:s29], $0x1200  }
0x28e: {  	[sflag:s29] =	ssyncset.done $0x0  }
0x28f: {  	s26 =	simm.s32 $0x1F8;
	[sflag:s29] =	ssyncadd.s32 $0xFFFFEE00  }
0x290: {  	[tilespmem:s4], [sflag:$0x1] =	stream.indirect.gather [spmem:s1], $0x40, s26, s0, $0xb8;
	[tilespmem:$0x1E468] =	vst v63  }
0x291: {  	_ =	swait.ge [sflag:s18], $0x1200  }
0x292: {  	[sflag:s18] =	ssyncset.done $0x0  }
0x293: {  	s3 =	simm.s32 $0x240;
	[sflag:s18] =	ssyncadd.s32 $0xFFFFEE00  }
0x294: {  	[tilespmem:s8], [sflag:$0x2] =	stream.indirect.gather [spmem:s1], $0x40, s3, s0, $0xb8;
	[tilespmem:$0x1E468] =	vst v63  }
0x295: {  	_ =	swait.ge [sflag:s31], $0x1200  }
0x296: {  	[sflag:s31] =	ssyncset.done $0x0  }
0x297: {  	s10 =	simm.s32 $0x288;
	[sflag:s31] =	ssyncadd.s32 $0xFFFFEE00  }
0x298: {  	[tilespmem:s11], [sflag:$0x3] =	stream.indirect.gather [spmem:s1], $0x40, s10, s0, $0xb8;
	[tilespmem:$0x1E468] =	vst v63  }
0x299: {  	_ =	swait.ge [sflag:s12], $0x1200  }
0x29a: {  	[sflag:s12] =	ssyncset.done $0x0  }
0x29b: {  	s17 =	simm.s32 $0x2D0;
	[sflag:s12] =	ssyncadd.s32 $0xFFFFEE00  }
0x29c: {  	[tilespmem:s16], [sflag:$0x4] =	stream.indirect.gather [spmem:s1], $0x40, s17, s0, $0xb8;
	[tilespmem:$0x1E468] =	vst v63  }
0x29d: {  	_ =	swait.ge [sflag:s22], $0x1200  }
0x29e: {  	[sflag:s22] =	ssyncset.done $0x0  }
0x29f: {  	s20 =	simm.s32 $0x318;
	[sflag:s22] =	ssyncadd.s32 $0xFFFFEE00  }
0x2a0: {  	[tilespmem:s21], [sflag:$0x5] =	stream.indirect.gather [spmem:s1], $0x40, s20, s0, $0xb8;
	[tilespmem:$0x1E468] =	vst v63  }
0x2a1: {  	_ =	swait.ge [sflag:s6], $0x1200  }
0x2a2: {  	[sflag:s6] =	ssyncset.done $0x0  }
0x2a3: {  	s26 =	simm.s32 $0x360;
	[sflag:s6] =	ssyncadd.s32 $0xFFFFEE00  }
0x2a4: {  	[tilespmem:s23], [sflag:$0x6] =	stream.indirect.gather [spmem:s1], $0x40, s26, s0, $0xb8;
	[tilespmem:$0x1E468] =	vst v63  }
0x2a5: {  	_ =	swait.ge [sflag:s30], $0x1200  }
0x2a6: {  	[sflag:s30] =	ssyncset.done $0x0  }
0x2a7: {  	s9 =	simm.s32 $0x7E0;
	s20 =	simm.s32 $0x3A8;
	[sflag:s30] =	ssyncadd.s32 $0xFFFFEE00  }
.LBB2_10:
0x2a8: {  	[tilespmem:s24], [sflag:$0x7] =	stream.indirect.gather [spmem:s1], $0x40, s20, s0, $0xb8;
	[tilespmem:$0x1E468] =	vst v63  }
0x2a9: {  	s10 =	smov.u32 s9  }
0x2aa: {  	p0 =	sne.s32 s9, $0x3F00;
	s9 =	sadd.s32 $0x7E0, s9;
	_ =	swait.ge [sflag:s28], $0x1200  }
0x2ab: {  	s20 =	sshra.s32 s10, $0x2;
	[sflag:s28] =	ssyncset.done $0x0  }
0x2ac: {  	s10 =	sadd.s32 $0x13B0, s20;
	[sflag:s28] =	ssyncadd.s32 $0xFFFFEE00  }
0x2ad: {  	[spmem:s2] =	stream.indirect.scatter.add.f32 [tilespmem:s4], [sflag:$0x8], $0x40, s10, s0, $0xb8;
	[tilespmem:$0x1E468] =	vst v63  }
0x2ae: {  	_ =	swait.ge [sflag:s15], $0x1200  }
0x2af: {  	[sflag:s15] =	ssyncset.done $0x0  }
0x2b0: {  	s10 =	sadd.s32 $0x13F8, s20;
	[sflag:s15] =	ssyncadd.s32 $0xFFFFEE00  }
0x2b1: {  	[spmem:s2] =	stream.indirect.scatter.add.f32 [tilespmem:s8], [sflag:$0x9], $0x40, s10, s0, $0xb8;
	[tilespmem:$0x1E468] =	vst v63  }
0x2b2: {  	_ =	swait.ge [sflag:s19], $0x1200  }
0x2b3: {  	[sflag:s19] =	ssyncset.done $0x0  }
0x2b4: {  	s10 =	sadd.s32 $0x1440, s20;
	[sflag:s19] =	ssyncadd.s32 $0xFFFFEE00  }
0x2b5: {  	[spmem:s2] =	stream.indirect.scatter.add.f32 [tilespmem:s11], [sflag:$0xA], $0x40, s10, s0, $0xb8;
	[tilespmem:$0x1E468] =	vst v63  }
0x2b6: {  	_ =	swait.ge [sflag:s5], $0x1200  }
0x2b7: {  	[sflag:s5] =	ssyncset.done $0x0  }
0x2b8: {  	s10 =	sadd.s32 $0x1488, s20;
	[sflag:s5] =	ssyncadd.s32 $0xFFFFEE00  }
0x2b9: {  	[spmem:s2] =	stream.indirect.scatter.add.f32 [tilespmem:s16], [sflag:$0xB], $0x40, s10, s0, $0xb8;
	[tilespmem:$0x1E468] =	vst v63  }
0x2ba: {  	_ =	swait.ge [sflag:s7], $0x1200  }
0x2bb: {  	[sflag:s7] =	ssyncset.done $0x0  }
0x2bc: {  	s10 =	sadd.s32 $0x14D0, s20;
	[sflag:s7] =	ssyncadd.s32 $0xFFFFEE00  }
0x2bd: {  	[spmem:s2] =	stream.indirect.scatter.add.f32 [tilespmem:s21], [sflag:$0xC], $0x40, s10, s0, $0xb8;
	[tilespmem:$0x1E468] =	vst v63  }
0x2be: {  	_ =	swait.ge [sflag:s13], $0x1200  }
0x2bf: {  	[sflag:s13] =	ssyncset.done $0x0  }
0x2c0: {  	s10 =	sadd.s32 $0x1518, s20;
	[sflag:s13] =	ssyncadd.s32 $0xFFFFEE00  }
0x2c1: {  	[spmem:s2] =	stream.indirect.scatter.add.f32 [tilespmem:s23], [sflag:$0xD], $0x40, s10, s0, $0xb8;
	[tilespmem:$0x1E468] =	vst v63  }
0x2c2: {  	_ =	swait.ge [sflag:s14], $0x1200  }
0x2c3: {  	[sflag:s14] =	ssyncset.done $0x0  }
0x2c4: {  	s10 =	sadd.s32 $0x1560, s20;
	[sflag:s14] =	ssyncadd.s32 $0xFFFFEE00  }
0x2c5: {  	[spmem:s2] =	stream.indirect.scatter.add.f32 [tilespmem:s24], [sflag:$0xE], $0x40, s10, s0, $0xb8;
	[tilespmem:$0x1E468] =	vst v63  }
0x2c6: {  	_ =	swait.ge [sflag:s29], $0x1200  }
0x2c7: {  	[sflag:s29] =	ssyncset.done $0x0  }
0x2c8: {  	s10 =	sadd.s32 $0x1F8, s20;
	[sflag:s29] =	ssyncadd.s32 $0xFFFFEE00  }
0x2c9: {  	[tilespmem:s4], [sflag:$0x1] =	stream.indirect.gather [spmem:s1], $0x40, s10, s0, $0xb8;
	[tilespmem:$0x1E468] =	vst v63  }
0x2ca: {  	_ =	swait.ge [sflag:s18], $0x1200  }
0x2cb: {  	[sflag:s18] =	ssyncset.done $0x0  }
0x2cc: {  	s10 =	sadd.s32 $0x240, s20;
	[sflag:s18] =	ssyncadd.s32 $0xFFFFEE00  }
0x2cd: {  	[tilespmem:s8], [sflag:$0x2] =	stream.indirect.gather [spmem:s1], $0x40, s10, s0, $0xb8;
	[tilespmem:$0x1E468] =	vst v63  }
0x2ce: {  	_ =	swait.ge [sflag:s31], $0x1200  }
0x2cf: {  	[sflag:s31] =	ssyncset.done $0x0  }
0x2d0: {  	s10 =	sadd.s32 $0x288, s20;
	[sflag:s31] =	ssyncadd.s32 $0xFFFFEE00  }
0x2d1: {  	[tilespmem:s11], [sflag:$0x3] =	stream.indirect.gather [spmem:s1], $0x40, s10, s0, $0xb8;
	[tilespmem:$0x1E468] =	vst v63  }
0x2d2: {  	_ =	swait.ge [sflag:s12], $0x1200  }
0x2d3: {  	[sflag:s12] =	ssyncset.done $0x0  }
0x2d4: {  	s10 =	sadd.s32 $0x2D0, s20;
	[sflag:s12] =	ssyncadd.s32 $0xFFFFEE00  }
0x2d5: {  	[tilespmem:s16], [sflag:$0x4] =	stream.indirect.gather [spmem:s1], $0x40, s10, s0, $0xb8;
	[tilespmem:$0x1E468] =	vst v63  }
0x2d6: {  	_ =	swait.ge [sflag:s22], $0x1200  }
0x2d7: {  	[sflag:s22] =	ssyncset.done $0x0  }
0x2d8: {  	s10 =	sadd.s32 $0x318, s20;
	[sflag:s22] =	ssyncadd.s32 $0xFFFFEE00  }
0x2d9: {  	[tilespmem:s21], [sflag:$0x5] =	stream.indirect.gather [spmem:s1], $0x40, s10, s0, $0xb8;
	[tilespmem:$0x1E468] =	vst v63  }
0x2da: {  	_ =	swait.ge [sflag:s6], $0x1200  }
0x2db: {  	[sflag:s6] =	ssyncset.done $0x0  }
.Ltmp5:
0x2dc: {  	s10 =	sadd.s32 $0x360, s20;
	[sflag:s6] =	ssyncadd.s32 $0xFFFFEE00;
	(pc) =	sbr.rel @p0 .LBB2_10-.Ltmp5, $4  }
0x2dd: {  	[tilespmem:s23], [sflag:$0x6] =	stream.indirect.gather [spmem:s1], $0x40, s10, s0, $0xb8;
	[tilespmem:$0x1E468] =	vst v63  }
0x2de: {  	_ =	swait.ge [sflag:s30], $0x1200  }
0x2df: {  	[sflag:s30] =	ssyncset.done $0x0  }
0x2e0: {  	s20 =	sadd.s32 $0x3A8, s20;
	[sflag:s30] =	ssyncadd.s32 $0xFFFFEE00  }
0x2e1: {  	[tilespmem:s24], [sflag:$0x7] =	stream.indirect.gather [spmem:s1], $0x40, s20, s0, $0xb8;
	[tilespmem:$0x1E468] =	vst v63  }
0x2e2: {  	_ =	swait.ge [sflag:s28], $0x1200  }
0x2e3: {  	[sflag:s28] =	ssyncset.done $0x0  }
0x2e4: {  	s9 =	simm.s32 $0x2568;
	[sflag:s28] =	ssyncadd.s32 $0xFFFFEE00  }
0x2e5: {  	[spmem:s2] =	stream.indirect.scatter.add.f32 [tilespmem:s4], [sflag:$0x8], $0x40, s9, s0, $0xb8;
	[tilespmem:$0x1E468] =	vst v63  }
0x2e6: {  	_ =	swait.ge [sflag:s15], $0x1200  }
0x2e7: {  	[sflag:s15] =	ssyncset.done $0x0  }
0x2e8: {  	s26 =	simm.s32 $0x25B0;
	[sflag:s15] =	ssyncadd.s32 $0xFFFFEE00  }
0x2e9: {  	[spmem:s2] =	stream.indirect.scatter.add.f32 [tilespmem:s8], [sflag:$0x9], $0x40, s26, s0, $0xb8;
	[tilespmem:$0x1E468] =	vst v63  }
0x2ea: {  	_ =	swait.ge [sflag:s19], $0x1200  }
0x2eb: {  	[sflag:s19] =	ssyncset.done $0x0  }
0x2ec: {  	s3 =	simm.s32 $0x25F8;
	[sflag:s19] =	ssyncadd.s32 $0xFFFFEE00  }
0x2ed: {  	[spmem:s2] =	stream.indirect.scatter.add.f32 [tilespmem:s11], [sflag:$0xA], $0x40, s3, s0, $0xb8;
	[tilespmem:$0x1E468] =	vst v63  }
0x2ee: {  	_ =	swait.ge [sflag:s5], $0x1200  }
0x2ef: {  	[sflag:s5] =	ssyncset.done $0x0  }
0x2f0: {  	s10 =	simm.s32 $0x2640;
	[sflag:s5] =	ssyncadd.s32 $0xFFFFEE00  }
0x2f1: {  	[spmem:s2] =	stream.indirect.scatter.add.f32 [tilespmem:s16], [sflag:$0xB], $0x40, s10, s0, $0xb8;
	[tilespmem:$0x1E468] =	vst v63  }
0x2f2: {  	_ =	swait.ge [sflag:s7], $0x1200  }
0x2f3: {  	[sflag:s7] =	ssyncset.done $0x0  }
0x2f4: {  	s17 =	simm.s32 $0x2688;
	[sflag:s7] =	ssyncadd.s32 $0xFFFFEE00  }
0x2f5: {  	[spmem:s2] =	stream.indirect.scatter.add.f32 [tilespmem:s21], [sflag:$0xC], $0x40, s17, s0, $0xb8;
	[tilespmem:$0x1E468] =	vst v63  }
0x2f6: {  	_ =	swait.ge [sflag:s13], $0x1200  }
0x2f7: {  	[sflag:s13] =	ssyncset.done $0x0  }
0x2f8: {  	s20 =	simm.s32 $0x26D0;
	[sflag:s13] =	ssyncadd.s32 $0xFFFFEE00  }
0x2f9: {  	[spmem:s2] =	stream.indirect.scatter.add.f32 [tilespmem:s23], [sflag:$0xD], $0x40, s20, s0, $0xb8;
	[tilespmem:$0x1E468] =	vst v63  }
0x2fa: {  	_ =	swait.ge [sflag:s14], $0x1200  }
0x2fb: {  	[sflag:s14] =	ssyncset.done $0x0  }
0x2fc: {  	s26 =	simm.s32 $0x2718;
	[sflag:s14] =	ssyncadd.s32 $0xFFFFEE00  }
0x2fd: {  	[spmem:s2] =	stream.indirect.scatter.add.f32 [tilespmem:s24], [sflag:$0xE], $0x40, s26, s0, $0xb8;
	[tilespmem:$0x1E468] =	vst v63  }
0x2fe: {  	_ =	swait.ge [sflag:s29], $0x1200  }
0x2ff: {  	[sflag:s29] =	ssyncset.done $0x0  }
0x300: {  	[sflag:s29] =	ssyncadd.s32 $0xFFFFEE00  }
0x301: {  	_ =	swait.ge [sflag:s18], $0x1200  }
0x302: {  	[sflag:s18] =	ssyncset.done $0x0  }
0x303: {  	[sflag:s18] =	ssyncadd.s32 $0xFFFFEE00  }
0x304: {  	_ =	swait.ge [sflag:s31], $0x1200  }
0x305: {  	[sflag:s31] =	ssyncset.done $0x0  }
0x306: {  	[sflag:s31] =	ssyncadd.s32 $0xFFFFEE00  }
0x307: {  	_ =	swait.ge [sflag:s12], $0x1200  }
0x308: {  	[sflag:s12] =	ssyncset.done $0x0  }
0x309: {  	[sflag:s12] =	ssyncadd.s32 $0xFFFFEE00  }
0x30a: {  	_ =	swait.ge [sflag:s22], $0x1200  }
0x30b: {  	[sflag:s22] =	ssyncset.done $0x0  }
0x30c: {  	[sflag:s22] =	ssyncadd.s32 $0xFFFFEE00  }
0x30d: {  	_ =	swait.ge [sflag:s6], $0x1200  }
0x30e: {  	[sflag:s6] =	ssyncset.done $0x0  }
0x30f: {  	[sflag:s6] =	ssyncadd.s32 $0xFFFFEE00  }
0x310: {  	_ =	swait.ge [sflag:s30], $0x1200  }
0x311: {  	[sflag:s30] =	ssyncset.done $0x0  }
0x312: {  	[sflag:s30] =	ssyncadd.s32 $0xFFFFEE00  }
0x313: {  	[bflag:$0x0] =	sbarrier.arrive $0xFFFF  }
0x314: {  	s3 =	rddreg [dreg:$0x18]  }
0x315: {  	s10 =	rddreg [dreg:$0x1b]  }
0x316: {  	s20 =	simm.s32 $0x16;
	s17 =	rddreg [dreg:$0x1c]  }
0x317: {  	[hbm:s3], [sflag:s10] =	dma.local [spmem:s17], $0x1400  }
0x318: {  	_ =	swait.ge [sflag:s20], $0x1400  }
0x319: {  	s17 =	rddreg [dreg:$0x1a]  }
0x31a: {  	s26 =	rddreg [dreg:$0x19];
	s10 =	sadd.s32 $0x1, s17  }
0x31b: {  	p0 =	sne.s32 s10, s26  }
.Ltmp6:
0x31c: {  	_ = 	snop;
	(pc) =	sbr.rel @p0 .LBB2_1-.Ltmp6, $3  }
0x31d: {  	_ =	sdelay $0x1  }
0x31e: {  	[sflag:s20] =	ssyncset.done $0x0  }
0x31f: {  	[sflag:s20] =	ssyncadd.s32 $0xFFFFEC00;
	s26 =	simm.s32 $0xF  }
0x320: {  	_ =	sfence.sel $0x180000  }
0x321: {  	[bflag:$0x0] =	sbarrier.arrive $0xFFFF  }
0x322: {  	_ =	strace $0x90000047  }
0x323: {  	s0 =	stileid.u32;
	[bflag:$0x2] =	sbarrier.arrive $0xFFFF  }
0x324: {  	p0 =	sne.s32 s0, $0x0;
	s0 =	rddreg [dreg:$0x6]  }
0x325: {  	s0 =	sadd.s32 @!p0 $0x100000, s0  }
0x326: {  	[sflag:s0] =	ssyncadd.tile.s32 @!p0 $0x1;
	_ =	shalt  }
.Lfunc_end2:
_tile_overlayer_lowered:
.L_overlay_start_2:
0x327: {  	(tag) =	ssettag $0x2  }
0x328: {  	s0 =	rddreg [dreg:$0x0];
	s2 =	stileid.u32  }
0x329: {  	s1 =	rddreg [dreg:$0x1];
	p0 =	sne.s32 s2, $0x0  }
0x32a: {  	s3 =	rddreg [dreg:$0x2];
	[bflag:$0x3] =	sbarrier.arrive $0xFFFF;
	s2 =	simm.s32 @!p0 $0x1C16  }
0x32b: {  	[timem:s3], [sflag:s2] =	dma.local @!p0 [hbm:s0], s1  }
0x32c: {  	s0 =	simm.s32 @!p0 $0x16  }
0x32d: {  	_ =	swait.ge @!p0 [sflag:s0], s1  }
0x32e: {  	s1 =	ssub.s32 @!p0 $0x0, s1;
	[sflag:s0] =	ssyncset.done @!p0 $0x0  }
0x32f: {  	[sflag:s0] =	ssyncadd.s32 @!p0 s1  }
0x330: {  	[bflag:$0x3] =	sbarrier.arrive $0xFFFF  }
0x331: {  	_ =	shalt  }

</sc_bundles>
